<compile_context>
chip_gen: v7x
topology: tpu7x:2x2x1
jax: 0.10.2.dev20260603
libtpu: 0.0.44.dev20260713+nightly
codegen_flags: <defaults>
</compile_context>

<pallas_src>
import functools
import numpy as np
import jax
import jax.numpy as jnp
from jax import lax
from jax.experimental import pallas as pl
from jax.experimental.pallas import tpu as pltpu
from jax.experimental.pallas import tpu_sc as plsc

B = 16384
D_IN = 69
D_OUT = 27
NC = 2
NS = 16
NW = NC * NS
RW = B // NW
SUB = 128
L = 16
NCHUNK = SUB // L

_TP = float(np.float32(0.6366197723675814))
_BIG = float(np.float32(12582912.0))
_C1 = float(np.float32(np.round(np.pi / 2 * 2048.0) / 2048.0))
_C2 = float(np.float32(np.pi / 2 - np.float64(np.float32(np.round(np.pi / 2 * 2048.0) / 2048.0))))
_S1 = float(np.float32(-1.6666654611e-1))
_S2 = float(np.float32(8.3321608736e-3))
_S3 = float(np.float32(-1.9515295891e-4))
_CC1 = float(np.float32(4.166664568298827e-2))
_CC2 = float(np.float32(-1.388731625493765e-3))
_CC3 = float(np.float32(2.443315711809948e-5))


def _sincos(x):
    t = x * _TP
    n = (t + _BIG) - _BIG
    r = (x - n * _C1) - n * _C2
    ni = n.astype(jnp.int32)
    z = r * r
    s = r + r * z * (_S1 + z * (_S2 + z * _S3))
    c = 1.0 + z * (-0.5 + z * (_CC1 + z * (_CC2 + z * _CC3)))
    k = lax.bitwise_and(ni, 3)
    swap = lax.bitwise_and(k, 1) == 1
    sv = jnp.where(swap, c, s)
    cv = jnp.where(swap, s, c)
    sv = jnp.where(lax.bitwise_and(k, 2) == 2, -sv, sv)
    cv = jnp.where(lax.bitwise_and(k + 1, 2) == 2, -cv, cv)
    return sv, cv


def _mixer_body(obs_hbm, out_hbm, obs_a, obs_b, res_a, res_b,
                sia, sib, soa, sob):
    cid = lax.axis_index("c")
    sid = lax.axis_index("s")
    wid = sid * NC + cid
    iota = lax.iota(jnp.int32, L)

    NBLK = RW // SUB
    obs_bufs = [obs_a, obs_b]
    res_bufs = [res_a, res_b]
    sin = [sia, sib]
    sout = [soa, sob]

    def start_in(blk):
        base = (wid * RW + blk * SUB) * D_IN
        return pltpu.async_copy(
            obs_hbm.at[pl.ds(base, SUB * D_IN)],
            obs_bufs[blk % 2], sin[blk % 2])

    def start_out(blk):
        base = (wid * RW + blk * SUB) * D_OUT
        return pltpu.async_copy(
            res_bufs[blk % 2],
            out_hbm.at[pl.ds(base, SUB * D_OUT)], sout[blk % 2])

    in_h = {0: start_in(0), 1: start_in(1)}
    out_h = {}
    for blk in range(NBLK):
        obs_v = obs_bufs[blk % 2]
        out_v = res_bufs[blk % 2]
        in_h[blk].wait()
        if blk >= 2:
            out_h[blk - 2].wait()

        @plsc.parallel_loop(0, NCHUNK, unroll=2)
        def body(i, obs_v=obs_v, out_v=out_v):
            rows = i * L + iota
            rb_in = rows * D_IN
            rb_out = rows * D_OUT

            def col(c):
                return plsc.load_gather(obs_v, [rb_in + c])

            def putc(cvec, x):
                plsc.store_scatter(out_v, [rb_out + cvec], x)

            px, py, pz, c2 = [], [], [], []
            for k in range(7):
                x = col(13 + 7 * k)
                y = col(14 + 7 * k)
                z = col(15 + 7 * k)
                px.append(x)
                py.append(y)
                pz.append(z)
                c2.append(x * x + y * y + z * z)
            rk = [jnp.full((L,), 6 - j, jnp.int32) for j in range(7)]
            for j in range(7):
                for k in range(j + 1, 7):
                    b = (c2[j] <= c2[k]).astype(jnp.int32)
                    rk[k] = rk[k] + b
                    rk[j] = rk[j] - b

            sa, ca = _sincos(col(3))
            sb, cb = _sincos(col(4))
            sc, cc = _sincos(col(5))
            r00 = cb * ca
            r01 = -cb * sa
            r02 = sb
            scsb = sc * sb
            ccsb = cc * sb
            r10 = cc * sa + scsb * ca
            r11 = cc * ca - scsb * sa
            r12 = -sc * cb
            r20 = sc * sa - ccsb * ca
            r21 = sc * ca + ccsb * sa
            r22 = cc * cb
            pos_x = col(0)
            pos_y = col(1)
            pos_z = col(2)

            def matvec(x, y, z):
                wx = pos_x - (r00 * x + r10 * y + r20 * z)
                wy = pos_y - (r01 * x + r11 * y + r21 * z)
                wz = pos_z - (r02 * x + r12 * y + r22 * z)
                return wx, wy, wz

            putc(0, pos_x)
            putc(1, pos_y)
            putc(2, pos_z)
            for k in range(7):
                wx, wy, wz = matvec(px[k], py[k], pz[k])
                cbase = 3 + 3 * rk[k]
                putc(cbase, wx)
                putc(cbase + 1, wy)
                putc(cbase + 2, wz)
            wx, wy, wz = matvec(col(62), col(63), col(64))
            putc(24, wx)
            putc(25, wy)
            putc(26, wz)

        out_h[blk] = start_out(blk)
        if blk + 2 < NBLK:
            in_h[blk + 2] = start_in(blk + 2)

    out_h[NBLK - 2].wait()
    out_h[NBLK - 1].wait()


@jax.jit
def kernel(obs):
    mesh = plsc.VectorSubcoreMesh(core_axis_name="c", subcore_axis_name="s")
    f = functools.partial(
        pl.kernel,
        mesh=mesh,
        out_type=jax.ShapeDtypeStruct((B * D_OUT,), jnp.float32),
        scratch_types=[
            pltpu.VMEM((SUB * D_IN,), jnp.float32),
            pltpu.VMEM((SUB * D_IN,), jnp.float32),
            pltpu.VMEM((SUB * D_OUT,), jnp.float32),
            pltpu.VMEM((SUB * D_OUT,), jnp.float32),
            pltpu.SemaphoreType.DMA,
            pltpu.SemaphoreType.DMA,
            pltpu.SemaphoreType.DMA,
            pltpu.SemaphoreType.DMA,
        ],
        compiler_params=pltpu.CompilerParams(needs_layout_passes=False),
    )(_mixer_body)
    return f(obs.reshape(-1)).reshape(B, D_OUT)

# --- scband reference (transcript-rebuilt; emitter-appended) ---
"""Pipeline reference for scband-order-mixer-21105469292841 (READ-ONLY COPY).

The authoritative reference and input builder live on the scoring server;
editing this copy changes nothing except your own understanding.
"""

import jax, jax.numpy as jnp
import numpy as np

B = 16384
PROPRIO = 13
TEAM_SHAPE = 7
OPPO_SHAPE = 7
NUM_PLAYERS = 8
NUM_TEAM = NUM_PLAYERS - 1
NUM_OPPO = 1
OBS_DIM = PROPRIO + NUM_TEAM * TEAM_SHAPE + NUM_OPPO * OPPO_SHAPE


def _euler_zyx_matrix(ang):
    # scipy R.from_euler('zyx', ang): extrinsic rotations, first about z, then y, then x
    # => R = Rx(c) @ Ry(b) @ Rz(a)
    a = ang[:, 0]; b = ang[:, 1]; c = ang[:, 2]
    ca, sa = jnp.cos(a), jnp.sin(a)
    cb, sb = jnp.cos(b), jnp.sin(b)
    cc, sc = jnp.cos(c), jnp.sin(c)
    z = jnp.zeros_like(a); o = jnp.ones_like(a)
    Rz = jnp.stack([jnp.stack([ca, -sa, z], -1), jnp.stack([sa, ca, z], -1), jnp.stack([z, z, o], -1)], -2)
    Ry = jnp.stack([jnp.stack([cb, z, sb], -1), jnp.stack([z, o, z], -1), jnp.stack([-sb, z, cb], -1)], -2)
    Rx = jnp.stack([jnp.stack([o, z, z], -1), jnp.stack([z, cc, -sc], -1), jnp.stack([z, sc, cc], -1)], -2)
    return jnp.einsum('bij,bjk,bkl->bil', Rx, Ry, Rz)


def _forward(obs):
    n = obs.shape[0]
    positions_p = obs[:, 0:3]
    Rm = _euler_zyx_matrix(obs[:, 3:6])
    Rinv = jnp.transpose(Rm, (0, 2, 1))  # inverse rotation
    teams = obs[:, PROPRIO:PROPRIO + NUM_TEAM * TEAM_SHAPE].reshape(n, NUM_TEAM, TEAM_SHAPE)
    team_codes = jnp.linalg.norm(teams[:, :, 0:3], axis=-1)
    oppo_start = PROPRIO + NUM_TEAM * TEAM_SHAPE
    oppo = obs[:, oppo_start:oppo_start + NUM_OPPO * OPPO_SHAPE].reshape(n, NUM_OPPO, OPPO_SHAPE)
    oppo_codes = jnp.linalg.norm(oppo[:, :, 0:3], axis=-1)
    team_index = jnp.argsort(team_codes, axis=-1)
    oppo_index = jnp.argsort(oppo_codes, axis=-1)
    proprio_index = jnp.broadcast_to(jnp.arange(PROPRIO)[None, :], (n, PROPRIO))
    team_gather = (PROPRIO + TEAM_SHAPE * team_index[:, :, None] + jnp.arange(TEAM_SHAPE)[None, None, :]).reshape(n, NUM_TEAM * TEAM_SHAPE)
    oppo_gather = (oppo_start + OPPO_SHAPE * oppo_index[:, :, None] + jnp.arange(OPPO_SHAPE)[None, None, :]).reshape(n, NUM_OPPO * OPPO_SHAPE)
    sort_index = jnp.concatenate([proprio_index, team_gather, oppo_gather], axis=-1)
    obs_out = jnp.take_along_axis(obs, sort_index, axis=1)
    pos_wf = [positions_p]
    for i in range(NUM_PLAYERS):
        po = obs_out[:, PROPRIO + i * TEAM_SHAPE:PROPRIO + i * TEAM_SHAPE + 3]
        pos_wf.append(positions_p - jnp.einsum('bij,bj->bi', Rinv, po))
    return jnp.concatenate(pos_wf, axis=-1)


def setup_inputs(seed: int = 0):
    key = jax.random.key(seed)
    obs = jax.random.normal(key, (B, OBS_DIM), dtype=jnp.float32)
    return {"obs": obs}


def reference(obs):
    return _forward(obs)

if __name__ == "__main__":
    import jax
    _d = setup_inputs()
    print(jax.jit(kernel)(*tuple(_d.values())))

</pallas_src>

<mosaic_0001>
#map = affine_map<(d0, d1) -> (0)>
module attributes {stable_mosaic.version = 14 : i64} {
  func.func @_mixer_body(%arg0: i32, %arg1: i32, %arg2: memref<1130496xf32, #tpu.memory_space<hbm>>, %arg3: memref<442368xf32, #tpu.memory_space<hbm>>, %arg4: memref<8832xf32, #tpu.memory_space<vmem>>, %arg5: memref<8832xf32, #tpu.memory_space<vmem>>, %arg6: memref<3456xf32, #tpu.memory_space<vmem>>, %arg7: memref<3456xf32, #tpu.memory_space<vmem>>, %arg8: memref<!tpu.dma_semaphore, #tpu.memory_space<semaphore_mem>>, %arg9: memref<!tpu.dma_semaphore, #tpu.memory_space<semaphore_mem>>, %arg10: memref<!tpu.dma_semaphore, #tpu.memory_space<semaphore_mem>>, %arg11: memref<!tpu.dma_semaphore, #tpu.memory_space<semaphore_mem>>) attributes {dimension_semantics = [#tpu.dimension_semantics<core_parallel>, #tpu.dimension_semantics<subcore_parallel>], iteration_bounds = array<i64: 2, 16>, scalar_prefetch = 0 : i64, scratch_operands = 8 : i64, tpu.core_type = #tpu.core_type<sc_vector_subcore>, window_params = [{transform_indices = #map}, {transform_indices = #map}]} {
    %mul3A = arith.constant 2 : i32
    %mul3A_0 = arith.muli %arg1, %mul3A : i32
    %add3A = arith.addi %mul3A_0, %arg0 : i32
    %iota3A = tpu.iota {dimensions = array<i32: 0>} : vector<16xi32>
    %mul3A_1 = arith.constant 512 : i32
    %mul3A_2 = arith.muli %add3A, %mul3A_1 : i32
    %add3A_3 = arith.constant 0 : i32
    %add3A_4 = arith.addi %mul3A_2, %add3A_3 : i32
    %mul3A_5 = arith.constant 69 : i32
    %mul3A_6 = arith.muli %add3A_4, %mul3A_5 : i32
    %dma_start3A = tpu.memref_slice %arg2[%mul3A_6] : memref<1130496xf32, #tpu.memory_space<hbm>> -> memref<8832xf32, #tpu.memory_space<hbm>>
    %dma_start3A_7 = tpu.memref_slice %arg2[%mul3A_6] : memref<1130496xf32, #tpu.memory_space<hbm>> -> memref<8832xf32, #tpu.memory_space<hbm>>
    tpu.enqueue_dma source(%dma_start3A_7 : memref<8832xf32, #tpu.memory_space<hbm>>) target(%arg4 : memref<8832xf32, #tpu.memory_space<vmem>>) target_semaphore(%arg8 : memref<!tpu.dma_semaphore, #tpu.memory_space<semaphore_mem>>)
    %mul3A_8 = arith.constant 512 : i32
    %mul3A_9 = arith.muli %add3A, %mul3A_8 : i32
    %add3A_10 = arith.constant 128 : i32
    %add3A_11 = arith.addi %mul3A_9, %add3A_10 : i32
    %mul3A_12 = arith.constant 69 : i32
    %mul3A_13 = arith.muli %add3A_11, %mul3A_12 : i32
    %dma_start3A_14 = tpu.memref_slice %arg2[%mul3A_13] : memref<1130496xf32, #tpu.memory_space<hbm>> -> memref<8832xf32, #tpu.memory_space<hbm>>
    %dma_start3A_15 = tpu.memref_slice %arg2[%mul3A_13] : memref<1130496xf32, #tpu.memory_space<hbm>> -> memref<8832xf32, #tpu.memory_space<hbm>>
    tpu.enqueue_dma source(%dma_start3A_15 : memref<8832xf32, #tpu.memory_space<hbm>>) target(%arg5 : memref<8832xf32, #tpu.memory_space<vmem>>) target_semaphore(%arg9 : memref<!tpu.dma_semaphore, #tpu.memory_space<semaphore_mem>>)
    %dma_wait3A = tpu.memref_slice %arg2[%mul3A_6] : memref<1130496xf32, #tpu.memory_space<hbm>> -> memref<8832xf32, #tpu.memory_space<hbm>>
    %dma_wait3A_16 = tpu.memref_slice %arg2[%mul3A_6] : memref<1130496xf32, #tpu.memory_space<hbm>> -> memref<8832xf32, #tpu.memory_space<hbm>>
    tpu.wait_dma2 semaphore(%arg8 : memref<!tpu.dma_semaphore, #tpu.memory_space<semaphore_mem>>) src(%dma_wait3A_16 : memref<8832xf32, #tpu.memory_space<hbm>>) dst(%arg4 : memref<8832xf32, #tpu.memory_space<vmem>>)
    %parallel_loop3A = arith.constant 0 : i32
    %parallel_loop3A_17 = arith.constant 8 : i32
    %parallel_loop3A_18 = arith.constant 1 : i32
    scf.for %parallel_loop3A_90 = %parallel_loop3A to %parallel_loop3A_17 step %parallel_loop3A_18  : i32 {
      %parallel_loop3A_91 = arith.constant 16 : i32
      %parallel_loop3A_92 = arith.muli %parallel_loop3A_90, %parallel_loop3A_91 : i32
      %parallel_loop3A_93 = vector.broadcast %parallel_loop3A_92 : i32 to vector<16xi32>
      %parallel_loop3A_94 = arith.addi %parallel_loop3A_93, %iota3A : vector<16xi32>
      %parallel_loop3A_95 = arith.constant 69 : i32
      %parallel_loop3A_96 = vector.broadcast %parallel_loop3A_95 : i32 to vector<16xi32>
      %parallel_loop3A_97 = arith.muli %parallel_loop3A_94, %parallel_loop3A_96 : vector<16xi32>
      %parallel_loop3A_98 = arith.constant 27 : i32
      %parallel_loop3A_99 = vector.broadcast %parallel_loop3A_98 : i32 to vector<16xi32>
      %parallel_loop3A_100 = arith.muli %parallel_loop3A_94, %parallel_loop3A_99 : vector<16xi32>
      %parallel_loop3A_101 = arith.constant 13 : i32
      %parallel_loop3A_102 = vector.broadcast %parallel_loop3A_101 : i32 to vector<16xi32>
      %parallel_loop3A_103 = arith.addi %parallel_loop3A_97, %parallel_loop3A_102 : vector<16xi32>
      %parallel_loop3A_104 = tpu.vector_load_idx %arg4[%parallel_loop3A_103] : memref<8832xf32, #tpu.memory_space<vmem>>[vector<16xi32>], vector<16xf32>,
      %parallel_loop3A_105 = arith.constant 14 : i32
      %parallel_loop3A_106 = vector.broadcast %parallel_loop3A_105 : i32 to vector<16xi32>
      %parallel_loop3A_107 = arith.addi %parallel_loop3A_97, %parallel_loop3A_106 : vector<16xi32>
      %parallel_loop3A_108 = tpu.vector_load_idx %arg4[%parallel_loop3A_107] : memref<8832xf32, #tpu.memory_space<vmem>>[vector<16xi32>], vector<16xf32>,
      %parallel_loop3A_109 = arith.constant 15 : i32
      %parallel_loop3A_110 = vector.broadcast %parallel_loop3A_109 : i32 to vector<16xi32>
      %parallel_loop3A_111 = arith.addi %parallel_loop3A_97, %parallel_loop3A_110 : vector<16xi32>
      %parallel_loop3A_112 = tpu.vector_load_idx %arg4[%parallel_loop3A_111] : memref<8832xf32, #tpu.memory_space<vmem>>[vector<16xi32>], vector<16xf32>,
      %parallel_loop3A_113 = arith.mulf %parallel_loop3A_104, %parallel_loop3A_104 : vector<16xf32>
      %parallel_loop3A_114 = arith.mulf %parallel_loop3A_108, %parallel_loop3A_108 : vector<16xf32>
      %parallel_loop3A_115 = arith.addf %parallel_loop3A_113, %parallel_loop3A_114 : vector<16xf32>
      %parallel_loop3A_116 = arith.mulf %parallel_loop3A_112, %parallel_loop3A_112 : vector<16xf32>
      %parallel_loop3A_117 = arith.addf %parallel_loop3A_115, %parallel_loop3A_116 : vector<16xf32>
      %parallel_loop3A_118 = arith.constant 20 : i32
      %parallel_loop3A_119 = vector.broadcast %parallel_loop3A_118 : i32 to vector<16xi32>
      %parallel_loop3A_120 = arith.addi %parallel_loop3A_97, %parallel_loop3A_119 : vector<16xi32>
      %parallel_loop3A_121 = tpu.vector_load_idx %arg4[%parallel_loop3A_120] : memref<8832xf32, #tpu.memory_space<vmem>>[vector<16xi32>], vector<16xf32>,
      %parallel_loop3A_122 = arith.constant 21 : i32
      %parallel_loop3A_123 = vector.broadcast %parallel_loop3A_122 : i32 to vector<16xi32>
      %parallel_loop3A_124 = arith.addi %parallel_loop3A_97, %parallel_loop3A_123 : vector<16xi32>
      %parallel_loop3A_125 = tpu.vector_load_idx %arg4[%parallel_loop3A_124] : memref<8832xf32, #tpu.memory_space<vmem>>[vector<16xi32>], vector<16xf32>,
      %parallel_loop3A_126 = arith.constant 22 : i32
      %parallel_loop3A_127 = vector.broadcast %parallel_loop3A_126 : i32 to vector<16xi32>
      %parallel_loop3A_128 = arith.addi %parallel_loop3A_97, %parallel_loop3A_127 : vector<16xi32>
      %parallel_loop3A_129 = tpu.vector_load_idx %arg4[%parallel_loop3A_128] : memref<8832xf32, #tpu.memory_space<vmem>>[vector<16xi32>], vector<16xf32>,
      %parallel_loop3A_130 = arith.mulf %parallel_loop3A_121, %parallel_loop3A_121 : vector<16xf32>
      %parallel_loop3A_131 = arith.mulf %parallel_loop3A_125, %parallel_loop3A_125 : vector<16xf32>
      %parallel_loop3A_132 = arith.addf %parallel_loop3A_130, %parallel_loop3A_131 : vector<16xf32>
      %parallel_loop3A_133 = arith.mulf %parallel_loop3A_129, %parallel_loop3A_129 : vector<16xf32>
      %parallel_loop3A_134 = arith.addf %parallel_loop3A_132, %parallel_loop3A_133 : vector<16xf32>
      %parallel_loop3A_135 = arith.constant 27 : i32
      %parallel_loop3A_136 = vector.broadcast %parallel_loop3A_135 : i32 to vector<16xi32>
      %parallel_loop3A_137 = arith.addi %parallel_loop3A_97, %parallel_loop3A_136 : vector<16xi32>
      %parallel_loop3A_138 = tpu.vector_load_idx %arg4[%parallel_loop3A_137] : memref<8832xf32, #tpu.memory_space<vmem>>[vector<16xi32>], vector<16xf32>,
      %parallel_loop3A_139 = arith.constant 28 : i32
      %parallel_loop3A_140 = vector.broadcast %parallel_loop3A_139 : i32 to vector<16xi32>
      %parallel_loop3A_141 = arith.addi %parallel_loop3A_97, %parallel_loop3A_140 : vector<16xi32>
      %parallel_loop3A_142 = tpu.vector_load_idx %arg4[%parallel_loop3A_141] : memref<8832xf32, #tpu.memory_space<vmem>>[vector<16xi32>], vector<16xf32>,
      %parallel_loop3A_143 = arith.constant 29 : i32
      %parallel_loop3A_144 = vector.broadcast %parallel_loop3A_143 : i32 to vector<16xi32>
      %parallel_loop3A_145 = arith.addi %parallel_loop3A_97, %parallel_loop3A_144 : vector<16xi32>
      %parallel_loop3A_146 = tpu.vector_load_idx %arg4[%parallel_loop3A_145] : memref<8832xf32, #tpu.memory_space<vmem>>[vector<16xi32>], vector<16xf32>,
      %parallel_loop3A_147 = arith.mulf %parallel_loop3A_138, %parallel_loop3A_138 : vector<16xf32>
      %parallel_loop3A_148 = arith.mulf %parallel_loop3A_142, %parallel_loop3A_142 : vector<16xf32>
      %parallel_loop3A_149 = arith.addf %parallel_loop3A_147, %parallel_loop3A_148 : vector<16xf32>
      %parallel_loop3A_150 = arith.mulf %parallel_loop3A_146, %parallel_loop3A_146 : vector<16xf32>
      %parallel_loop3A_151 = arith.addf %parallel_loop3A_149, %parallel_loop3A_150 : vector<16xf32>
      %parallel_loop3A_152 = arith.constant 34 : i32
      %parallel_loop3A_153 = vector.broadcast %parallel_loop3A_152 : i32 to vector<16xi32>
      %parallel_loop3A_154 = arith.addi %parallel_loop3A_97, %parallel_loop3A_153 : vector<16xi32>
      %parallel_loop3A_155 = tpu.vector_load_idx %arg4[%parallel_loop3A_154] : memref<8832xf32, #tpu.memory_space<vmem>>[vector<16xi32>], vector<16xf32>,
      %parallel_loop3A_156 = arith.constant 35 : i32
      %parallel_loop3A_157 = vector.broadcast %parallel_loop3A_156 : i32 to vector<16xi32>
      %parallel_loop3A_158 = arith.addi %parallel_loop3A_97, %parallel_loop3A_157 : vector<16xi32>
      %parallel_loop3A_159 = tpu.vector_load_idx %arg4[%parallel_loop3A_158] : memref<8832xf32, #tpu.memory_space<vmem>>[vector<16xi32>], vector<16xf32>,
      %parallel_loop3A_160 = arith.constant 36 : i32
      %parallel_loop3A_161 = vector.broadcast %parallel_loop3A_160 : i32 to vector<16xi32>
      %parallel_loop3A_162 = arith.addi %parallel_loop3A_97, %parallel_loop3A_161 : vector<16xi32>
      %parallel_loop3A_163 = tpu.vector_load_idx %arg4[%parallel_loop3A_162] : memref<8832xf32, #tpu.memory_space<vmem>>[vector<16xi32>], vector<16xf32>,
      %parallel_loop3A_164 = arith.mulf %parallel_loop3A_155, %parallel_loop3A_155 : vector<16xf32>
      %parallel_loop3A_165 = arith.mulf %parallel_loop3A_159, %parallel_loop3A_159 : vector<16xf32>
      %parallel_loop3A_166 = arith.addf %parallel_loop3A_164, %parallel_loop3A_165 : vector<16xf32>
      %parallel_loop3A_167 = arith.mulf %parallel_loop3A_163, %parallel_loop3A_163 : vector<16xf32>
      %parallel_loop3A_168 = arith.addf %parallel_loop3A_166, %parallel_loop3A_167 : vector<16xf32>
      %parallel_loop3A_169 = arith.constant 41 : i32
      %parallel_loop3A_170 = vector.broadcast %parallel_loop3A_169 : i32 to vector<16xi32>
      %parallel_loop3A_171 = arith.addi %parallel_loop3A_97, %parallel_loop3A_170 : vector<16xi32>
      %parallel_loop3A_172 = tpu.vector_load_idx %arg4[%parallel_loop3A_171] : memref<8832xf32, #tpu.memory_space<vmem>>[vector<16xi32>], vector<16xf32>,
      %parallel_loop3A_173 = arith.constant 42 : i32
      %parallel_loop3A_174 = vector.broadcast %parallel_loop3A_173 : i32 to vector<16xi32>
      %parallel_loop3A_175 = arith.addi %parallel_loop3A_97, %parallel_loop3A_174 : vector<16xi32>
      %parallel_loop3A_176 = tpu.vector_load_idx %arg4[%parallel_loop3A_175] : memref<8832xf32, #tpu.memory_space<vmem>>[vector<16xi32>], vector<16xf32>,
      %parallel_loop3A_177 = arith.constant 43 : i32
      %parallel_loop3A_178 = vector.broadcast %parallel_loop3A_177 : i32 to vector<16xi32>
      %parallel_loop3A_179 = arith.addi %parallel_loop3A_97, %parallel_loop3A_178 : vector<16xi32>
      %parallel_loop3A_180 = tpu.vector_load_idx %arg4[%parallel_loop3A_179] : memref<8832xf32, #tpu.memory_space<vmem>>[vector<16xi32>], vector<16xf32>,
      %parallel_loop3A_181 = arith.mulf %parallel_loop3A_172, %parallel_loop3A_172 : vector<16xf32>
      %parallel_loop3A_182 = arith.mulf %parallel_loop3A_176, %parallel_loop3A_176 : vector<16xf32>
      %parallel_loop3A_183 = arith.addf %parallel_loop3A_181, %parallel_loop3A_182 : vector<16xf32>
      %parallel_loop3A_184 = arith.mulf %parallel_loop3A_180, %parallel_loop3A_180 : vector<16xf32>
      %parallel_loop3A_185 = arith.addf %parallel_loop3A_183, %parallel_loop3A_184 : vector<16xf32>
      %parallel_loop3A_186 = arith.constant 48 : i32
      %parallel_loop3A_187 = vector.broadcast %parallel_loop3A_186 : i32 to vector<16xi32>
      %parallel_loop3A_188 = arith.addi %parallel_loop3A_97, %parallel_loop3A_187 : vector<16xi32>
      %parallel_loop3A_189 = tpu.vector_load_idx %arg4[%parallel_loop3A_188] : memref<8832xf32, #tpu.memory_space<vmem>>[vector<16xi32>], vector<16xf32>,
      %parallel_loop3A_190 = arith.constant 49 : i32
      %parallel_loop3A_191 = vector.broadcast %parallel_loop3A_190 : i32 to vector<16xi32>
      %parallel_loop3A_192 = arith.addi %parallel_loop3A_97, %parallel_loop3A_191 : vector<16xi32>
      %parallel_loop3A_193 = tpu.vector_load_idx %arg4[%parallel_loop3A_192] : memref<8832xf32, #tpu.memory_space<vmem>>[vector<16xi32>], vector<16xf32>,
      %parallel_loop3A_194 = arith.constant 50 : i32
      %parallel_loop3A_195 = vector.broadcast %parallel_loop3A_194 : i32 to vector<16xi32>
      %parallel_loop3A_196 = arith.addi %parallel_loop3A_97, %parallel_loop3A_195 : vector<16xi32>
      %parallel_loop3A_197 = tpu.vector_load_idx %arg4[%parallel_loop3A_196] : memref<8832xf32, #tpu.memory_space<vmem>>[vector<16xi32>], vector<16xf32>,
      %parallel_loop3A_198 = arith.mulf %parallel_loop3A_189, %parallel_loop3A_189 : vector<16xf32>
      %parallel_loop3A_199 = arith.mulf %parallel_loop3A_193, %parallel_loop3A_193 : vector<16xf32>
      %parallel_loop3A_200 = arith.addf %parallel_loop3A_198, %parallel_loop3A_199 : vector<16xf32>
      %parallel_loop3A_201 = arith.mulf %parallel_loop3A_197, %parallel_loop3A_197 : vector<16xf32>
      %parallel_loop3A_202 = arith.addf %parallel_loop3A_200, %parallel_loop3A_201 : vector<16xf32>
      %parallel_loop3A_203 = arith.constant 55 : i32
      %parallel_loop3A_204 = vector.broadcast %parallel_loop3A_203 : i32 to vector<16xi32>
      %parallel_loop3A_205 = arith.addi %parallel_loop3A_97, %parallel_loop3A_204 : vector<16xi32>
      %parallel_loop3A_206 = tpu.vector_load_idx %arg4[%parallel_loop3A_205] : memref<8832xf32, #tpu.memory_space<vmem>>[vector<16xi32>], vector<16xf32>,
      %parallel_loop3A_207 = arith.constant 56 : i32
      %parallel_loop3A_208 = vector.broadcast %parallel_loop3A_207 : i32 to vector<16xi32>
      %parallel_loop3A_209 = arith.addi %parallel_loop3A_97, %parallel_loop3A_208 : vector<16xi32>
      %parallel_loop3A_210 = tpu.vector_load_idx %arg4[%parallel_loop3A_209] : memref<8832xf32, #tpu.memory_space<vmem>>[vector<16xi32>], vector<16xf32>,
      %parallel_loop3A_211 = arith.constant 57 : i32
      %parallel_loop3A_212 = vector.broadcast %parallel_loop3A_211 : i32 to vector<16xi32>
      %parallel_loop3A_213 = arith.addi %parallel_loop3A_97, %parallel_loop3A_212 : vector<16xi32>
      %parallel_loop3A_214 = tpu.vector_load_idx %arg4[%parallel_loop3A_213] : memref<8832xf32, #tpu.memory_space<vmem>>[vector<16xi32>], vector<16xf32>,
      %parallel_loop3A_215 = arith.mulf %parallel_loop3A_206, %parallel_loop3A_206 : vector<16xf32>
      %parallel_loop3A_216 = arith.mulf %parallel_loop3A_210, %parallel_loop3A_210 : vector<16xf32>
      %parallel_loop3A_217 = arith.addf %parallel_loop3A_215, %parallel_loop3A_216 : vector<16xf32>
      %parallel_loop3A_218 = arith.mulf %parallel_loop3A_214, %parallel_loop3A_214 : vector<16xf32>
      %parallel_loop3A_219 = arith.addf %parallel_loop3A_217, %parallel_loop3A_218 : vector<16xf32>
      %parallel_loop3A_220 = arith.constant 6 : i32
      %parallel_loop3A_221 = vector.broadcast %parallel_loop3A_220 : i32 to vector<16xi32>
      %parallel_loop3A_222 = arith.constant 5 : i32
      %parallel_loop3A_223 = vector.broadcast %parallel_loop3A_222 : i32 to vector<16xi32>
      %parallel_loop3A_224 = arith.constant 4 : i32
      %parallel_loop3A_225 = vector.broadcast %parallel_loop3A_224 : i32 to vector<16xi32>
      %parallel_loop3A_226 = arith.constant 3 : i32
      %parallel_loop3A_227 = vector.broadcast %parallel_loop3A_226 : i32 to vector<16xi32>
      %parallel_loop3A_228 = arith.constant 2 : i32
      %parallel_loop3A_229 = vector.broadcast %parallel_loop3A_228 : i32 to vector<16xi32>
      %parallel_loop3A_230 = arith.constant 1 : i32
      %parallel_loop3A_231 = vector.broadcast %parallel_loop3A_230 : i32 to vector<16xi32>
      %parallel_loop3A_232 = arith.constant 0 : i32
      %parallel_loop3A_233 = vector.broadcast %parallel_loop3A_232 : i32 to vector<16xi32>
      %parallel_loop3A_234 = arith.cmpf ole, %parallel_loop3A_117, %parallel_loop3A_134 : vector<16xf32>
      %parallel_loop3A_235 = arith.extui %parallel_loop3A_234 : vector<16xi1> to vector<16xi32>
      %parallel_loop3A_236 = arith.addi %parallel_loop3A_223, %parallel_loop3A_235 : vector<16xi32>
      %parallel_loop3A_237 = arith.subi %parallel_loop3A_221, %parallel_loop3A_235 : vector<16xi32>
      %parallel_loop3A_238 = arith.cmpf ole, %parallel_loop3A_117, %parallel_loop3A_151 : vector<16xf32>
      %parallel_loop3A_239 = arith.extui %parallel_loop3A_238 : vector<16xi1> to vector<16xi32>
      %parallel_loop3A_240 = arith.addi %parallel_loop3A_225, %parallel_loop3A_239 : vector<16xi32>
      %parallel_loop3A_241 = arith.subi %parallel_loop3A_237, %parallel_loop3A_239 : vector<16xi32>
      %parallel_loop3A_242 = arith.cmpf ole, %parallel_loop3A_117, %parallel_loop3A_168 : vector<16xf32>
      %parallel_loop3A_243 = arith.extui %parallel_loop3A_242 : vector<16xi1> to vector<16xi32>
      %parallel_loop3A_244 = arith.addi %parallel_loop3A_227, %parallel_loop3A_243 : vector<16xi32>
      %parallel_loop3A_245 = arith.subi %parallel_loop3A_241, %parallel_loop3A_243 : vector<16xi32>
      %parallel_loop3A_246 = arith.cmpf ole, %parallel_loop3A_117, %parallel_loop3A_185 : vector<16xf32>
      %parallel_loop3A_247 = arith.extui %parallel_loop3A_246 : vector<16xi1> to vector<16xi32>
      %parallel_loop3A_248 = arith.addi %parallel_loop3A_229, %parallel_loop3A_247 : vector<16xi32>
      %parallel_loop3A_249 = arith.subi %parallel_loop3A_245, %parallel_loop3A_247 : vector<16xi32>
      %parallel_loop3A_250 = arith.cmpf ole, %parallel_loop3A_117, %parallel_loop3A_202 : vector<16xf32>
      %parallel_loop3A_251 = arith.extui %parallel_loop3A_250 : vector<16xi1> to vector<16xi32>
      %parallel_loop3A_252 = arith.addi %parallel_loop3A_231, %parallel_loop3A_251 : vector<16xi32>
      %parallel_loop3A_253 = arith.subi %parallel_loop3A_249, %parallel_loop3A_251 : vector<16xi32>
      %parallel_loop3A_254 = arith.cmpf ole, %parallel_loop3A_117, %parallel_loop3A_219 : vector<16xf32>
      %parallel_loop3A_255 = arith.extui %parallel_loop3A_254 : vector<16xi1> to vector<16xi32>
      %parallel_loop3A_256 = arith.addi %parallel_loop3A_233, %parallel_loop3A_255 : vector<16xi32>
      %parallel_loop3A_257 = arith.subi %parallel_loop3A_253, %parallel_loop3A_255 : vector<16xi32>
      %parallel_loop3A_258 = arith.cmpf ole, %parallel_loop3A_134, %parallel_loop3A_151 : vector<16xf32>
      %parallel_loop3A_259 = arith.extui %parallel_loop3A_258 : vector<16xi1> to vector<16xi32>
      %parallel_loop3A_260 = arith.addi %parallel_loop3A_240, %parallel_loop3A_259 : vector<16xi32>
      %parallel_loop3A_261 = arith.subi %parallel_loop3A_236, %parallel_loop3A_259 : vector<16xi32>
      %parallel_loop3A_262 = arith.cmpf ole, %parallel_loop3A_134, %parallel_loop3A_168 : vector<16xf32>
      %parallel_loop3A_263 = arith.extui %parallel_loop3A_262 : vector<16xi1> to vector<16xi32>
      %parallel_loop3A_264 = arith.addi %parallel_loop3A_244, %parallel_loop3A_263 : vector<16xi32>
      %parallel_loop3A_265 = arith.subi %parallel_loop3A_261, %parallel_loop3A_263 : vector<16xi32>
      %parallel_loop3A_266 = arith.cmpf ole, %parallel_loop3A_134, %parallel_loop3A_185 : vector<16xf32>
      %parallel_loop3A_267 = arith.extui %parallel_loop3A_266 : vector<16xi1> to vector<16xi32>
      %parallel_loop3A_268 = arith.addi %parallel_loop3A_248, %parallel_loop3A_267 : vector<16xi32>
      %parallel_loop3A_269 = arith.subi %parallel_loop3A_265, %parallel_loop3A_267 : vector<16xi32>
      %parallel_loop3A_270 = arith.cmpf ole, %parallel_loop3A_134, %parallel_loop3A_202 : vector<16xf32>
      %parallel_loop3A_271 = arith.extui %parallel_loop3A_270 : vector<16xi1> to vector<16xi32>
      %parallel_loop3A_272 = arith.addi %parallel_loop3A_252, %parallel_loop3A_271 : vector<16xi32>
      %parallel_loop3A_273 = arith.subi %parallel_loop3A_269, %parallel_loop3A_271 : vector<16xi32>
      %parallel_loop3A_274 = arith.cmpf ole, %parallel_loop3A_134, %parallel_loop3A_219 : vector<16xf32>
      %parallel_loop3A_275 = arith.extui %parallel_loop3A_274 : vector<16xi1> to vector<16xi32>
      %parallel_loop3A_276 = arith.addi %parallel_loop3A_256, %parallel_loop3A_275 : vector<16xi32>
      %parallel_loop3A_277 = arith.subi %parallel_loop3A_273, %parallel_loop3A_275 : vector<16xi32>
      %parallel_loop3A_278 = arith.cmpf ole, %parallel_loop3A_151, %parallel_loop3A_168 : vector<16xf32>
      %parallel_loop3A_279 = arith.extui %parallel_loop3A_278 : vector<16xi1> to vector<16xi32>
      %parallel_loop3A_280 = arith.addi %parallel_loop3A_264, %parallel_loop3A_279 : vector<16xi32>
      %parallel_loop3A_281 = arith.subi %parallel_loop3A_260, %parallel_loop3A_279 : vector<16xi32>
      %parallel_loop3A_282 = arith.cmpf ole, %parallel_loop3A_151, %parallel_loop3A_185 : vector<16xf32>
      %parallel_loop3A_283 = arith.extui %parallel_loop3A_282 : vector<16xi1> to vector<16xi32>
      %parallel_loop3A_284 = arith.addi %parallel_loop3A_268, %parallel_loop3A_283 : vector<16xi32>
      %parallel_loop3A_285 = arith.subi %parallel_loop3A_281, %parallel_loop3A_283 : vector<16xi32>
      %parallel_loop3A_286 = arith.cmpf ole, %parallel_loop3A_151, %parallel_loop3A_202 : vector<16xf32>
      %parallel_loop3A_287 = arith.extui %parallel_loop3A_286 : vector<16xi1> to vector<16xi32>
      %parallel_loop3A_288 = arith.addi %parallel_loop3A_272, %parallel_loop3A_287 : vector<16xi32>
      %parallel_loop3A_289 = arith.subi %parallel_loop3A_285, %parallel_loop3A_287 : vector<16xi32>
      %parallel_loop3A_290 = arith.cmpf ole, %parallel_loop3A_151, %parallel_loop3A_219 : vector<16xf32>
      %parallel_loop3A_291 = arith.extui %parallel_loop3A_290 : vector<16xi1> to vector<16xi32>
      %parallel_loop3A_292 = arith.addi %parallel_loop3A_276, %parallel_loop3A_291 : vector<16xi32>
      %parallel_loop3A_293 = arith.subi %parallel_loop3A_289, %parallel_loop3A_291 : vector<16xi32>
      %parallel_loop3A_294 = arith.cmpf ole, %parallel_loop3A_168, %parallel_loop3A_185 : vector<16xf32>
      %parallel_loop3A_295 = arith.extui %parallel_loop3A_294 : vector<16xi1> to vector<16xi32>
      %parallel_loop3A_296 = arith.addi %parallel_loop3A_284, %parallel_loop3A_295 : vector<16xi32>
      %parallel_loop3A_297 = arith.subi %parallel_loop3A_280, %parallel_loop3A_295 : vector<16xi32>
      %parallel_loop3A_298 = arith.cmpf ole, %parallel_loop3A_168, %parallel_loop3A_202 : vector<16xf32>
      %parallel_loop3A_299 = arith.extui %parallel_loop3A_298 : vector<16xi1> to vector<16xi32>
      %parallel_loop3A_300 = arith.addi %parallel_loop3A_288, %parallel_loop3A_299 : vector<16xi32>
      %parallel_loop3A_301 = arith.subi %parallel_loop3A_297, %parallel_loop3A_299 : vector<16xi32>
      %parallel_loop3A_302 = arith.cmpf ole, %parallel_loop3A_168, %parallel_loop3A_219 : vector<16xf32>
      %parallel_loop3A_303 = arith.extui %parallel_loop3A_302 : vector<16xi1> to vector<16xi32>
      %parallel_loop3A_304 = arith.addi %parallel_loop3A_292, %parallel_loop3A_303 : vector<16xi32>
      %parallel_loop3A_305 = arith.subi %parallel_loop3A_301, %parallel_loop3A_303 : vector<16xi32>
      %parallel_loop3A_306 = arith.cmpf ole, %parallel_loop3A_185, %parallel_loop3A_202 : vector<16xf32>
      %parallel_loop3A_307 = arith.extui %parallel_loop3A_306 : vector<16xi1> to vector<16xi32>
      %parallel_loop3A_308 = arith.addi %parallel_loop3A_300, %parallel_loop3A_307 : vector<16xi32>
      %parallel_loop3A_309 = arith.subi %parallel_loop3A_296, %parallel_loop3A_307 : vector<16xi32>
      %parallel_loop3A_310 = arith.cmpf ole, %parallel_loop3A_185, %parallel_loop3A_219 : vector<16xf32>
      %parallel_loop3A_311 = arith.extui %parallel_loop3A_310 : vector<16xi1> to vector<16xi32>
      %parallel_loop3A_312 = arith.addi %parallel_loop3A_304, %parallel_loop3A_311 : vector<16xi32>
      %parallel_loop3A_313 = arith.subi %parallel_loop3A_309, %parallel_loop3A_311 : vector<16xi32>
      %parallel_loop3A_314 = arith.cmpf ole, %parallel_loop3A_202, %parallel_loop3A_219 : vector<16xf32>
      %parallel_loop3A_315 = arith.extui %parallel_loop3A_314 : vector<16xi1> to vector<16xi32>
      %parallel_loop3A_316 = arith.addi %parallel_loop3A_312, %parallel_loop3A_315 : vector<16xi32>
      %parallel_loop3A_317 = arith.subi %parallel_loop3A_308, %parallel_loop3A_315 : vector<16xi32>
      %parallel_loop3A_318 = arith.constant 3 : i32
      %parallel_loop3A_319 = vector.broadcast %parallel_loop3A_318 : i32 to vector<16xi32>
      %parallel_loop3A_320 = arith.addi %parallel_loop3A_97, %parallel_loop3A_319 : vector<16xi32>
      %parallel_loop3A_321 = tpu.vector_load_idx %arg4[%parallel_loop3A_320] : memref<8832xf32, #tpu.memory_space<vmem>>[vector<16xi32>], vector<16xf32>,
      %parallel_loop3A_322 = arith.constant 0.636619746 : f32
      %parallel_loop3A_323 = vector.broadcast %parallel_loop3A_322 : f32 to vector<16xf32>
      %parallel_loop3A_324 = arith.mulf %parallel_loop3A_321, %parallel_loop3A_323 : vector<16xf32>
      %parallel_loop3A_325 = arith.constant 0x4B400000 : f32
      %parallel_loop3A_326 = vector.broadcast %parallel_loop3A_325 : f32 to vector<16xf32>
      %parallel_loop3A_327 = arith.addf %parallel_loop3A_324, %parallel_loop3A_326 : vector<16xf32>
      %parallel_loop3A_328 = arith.constant 0x4B400000 : f32
      %parallel_loop3A_329 = vector.broadcast %parallel_loop3A_328 : f32 to vector<16xf32>
      %parallel_loop3A_330 = arith.subf %parallel_loop3A_327, %parallel_loop3A_329 : vector<16xf32>
      %parallel_loop3A_331 = arith.constant 1.57080078 : f32
      %parallel_loop3A_332 = vector.broadcast %parallel_loop3A_331 : f32 to vector<16xf32>
      %parallel_loop3A_333 = arith.mulf %parallel_loop3A_330, %parallel_loop3A_332 : vector<16xf32>
      %parallel_loop3A_334 = arith.subf %parallel_loop3A_321, %parallel_loop3A_333 : vector<16xf32>
      %parallel_loop3A_335 = arith.constant -4.45445494E-6 : f32
      %parallel_loop3A_336 = vector.broadcast %parallel_loop3A_335 : f32 to vector<16xf32>
      %parallel_loop3A_337 = arith.mulf %parallel_loop3A_330, %parallel_loop3A_336 : vector<16xf32>
      %parallel_loop3A_338 = arith.subf %parallel_loop3A_334, %parallel_loop3A_337 : vector<16xf32>
      %parallel_loop3A_339 = arith.fptosi %parallel_loop3A_330 : vector<16xf32> to vector<16xi32>
      %parallel_loop3A_340 = arith.mulf %parallel_loop3A_338, %parallel_loop3A_338 : vector<16xf32>
      %parallel_loop3A_341 = arith.mulf %parallel_loop3A_338, %parallel_loop3A_340 : vector<16xf32>
      %parallel_loop3A_342 = arith.constant -1.95152956E-4 : f32
      %parallel_loop3A_343 = vector.broadcast %parallel_loop3A_342 : f32 to vector<16xf32>
      %parallel_loop3A_344 = arith.mulf %parallel_loop3A_340, %parallel_loop3A_343 : vector<16xf32>
      %parallel_loop3A_345 = arith.constant 0.00833216123 : f32
      %parallel_loop3A_346 = vector.broadcast %parallel_loop3A_345 : f32 to vector<16xf32>
      %parallel_loop3A_347 = arith.addf %parallel_loop3A_346, %parallel_loop3A_344 : vector<16xf32>
      %parallel_loop3A_348 = arith.mulf %parallel_loop3A_340, %parallel_loop3A_347 : vector<16xf32>
      %parallel_loop3A_349 = arith.constant -0.166666552 : f32
      %parallel_loop3A_350 = vector.broadcast %parallel_loop3A_349 : f32 to vector<16xf32>
      %parallel_loop3A_351 = arith.addf %parallel_loop3A_350, %parallel_loop3A_348 : vector<16xf32>
      %parallel_loop3A_352 = arith.mulf %parallel_loop3A_341, %parallel_loop3A_351 : vector<16xf32>
      %parallel_loop3A_353 = arith.addf %parallel_loop3A_338, %parallel_loop3A_352 : vector<16xf32>
      %parallel_loop3A_354 = arith.constant 2.44331568E-5 : f32
      %parallel_loop3A_355 = vector.broadcast %parallel_loop3A_354 : f32 to vector<16xf32>
      %parallel_loop3A_356 = arith.mulf %parallel_loop3A_340, %parallel_loop3A_355 : vector<16xf32>
      %parallel_loop3A_357 = arith.constant -0.00138873165 : f32
      %parallel_loop3A_358 = vector.broadcast %parallel_loop3A_357 : f32 to vector<16xf32>
      %parallel_loop3A_359 = arith.addf %parallel_loop3A_358, %parallel_loop3A_356 : vector<16xf32>
      %parallel_loop3A_360 = arith.mulf %parallel_loop3A_340, %parallel_loop3A_359 : vector<16xf32>
      %parallel_loop3A_361 = arith.constant 0.0416666456 : f32
      %parallel_loop3A_362 = vector.broadcast %parallel_loop3A_361 : f32 to vector<16xf32>
      %parallel_loop3A_363 = arith.addf %parallel_loop3A_362, %parallel_loop3A_360 : vector<16xf32>
      %parallel_loop3A_364 = arith.mulf %parallel_loop3A_340, %parallel_loop3A_363 : vector<16xf32>
      %parallel_loop3A_365 = arith.constant -5.000000e-01 : f32
      %parallel_loop3A_366 = vector.broadcast %parallel_loop3A_365 : f32 to vector<16xf32>
      %parallel_loop3A_367 = arith.addf %parallel_loop3A_366, %parallel_loop3A_364 : vector<16xf32>
      %parallel_loop3A_368 = arith.mulf %parallel_loop3A_340, %parallel_loop3A_367 : vector<16xf32>
      %parallel_loop3A_369 = arith.constant 1.000000e+00 : f32
      %parallel_loop3A_370 = vector.broadcast %parallel_loop3A_369 : f32 to vector<16xf32>
      %parallel_loop3A_371 = arith.addf %parallel_loop3A_370, %parallel_loop3A_368 : vector<16xf32>
      %parallel_loop3A_372 = arith.constant 3 : i32
      %parallel_loop3A_373 = vector.broadcast %parallel_loop3A_372 : i32 to vector<16xi32>
      %parallel_loop3A_374 = arith.andi %parallel_loop3A_339, %parallel_loop3A_373 : vector<16xi32>
      %parallel_loop3A_375 = arith.constant 1 : i32
      %parallel_loop3A_376 = vector.broadcast %parallel_loop3A_375 : i32 to vector<16xi32>
      %parallel_loop3A_377 = arith.andi %parallel_loop3A_374, %parallel_loop3A_376 : vector<16xi32>
      %parallel_loop3A_378 = arith.constant 1 : i32
      %parallel_loop3A_379 = vector.broadcast %parallel_loop3A_378 : i32 to vector<16xi32>
      %parallel_loop3A_380 = arith.cmpi eq, %parallel_loop3A_377, %parallel_loop3A_379 : vector<16xi32>
      %parallel_loop3A_381 = arith.select %parallel_loop3A_380, %parallel_loop3A_371, %parallel_loop3A_353 : vector<16xi1>, vector<16xf32>
      %parallel_loop3A_382 = arith.select %parallel_loop3A_380, %parallel_loop3A_353, %parallel_loop3A_371 : vector<16xi1>, vector<16xf32>
      %parallel_loop3A_383 = arith.constant 2 : i32
      %parallel_loop3A_384 = vector.broadcast %parallel_loop3A_383 : i32 to vector<16xi32>
      %parallel_loop3A_385 = arith.andi %parallel_loop3A_374, %parallel_loop3A_384 : vector<16xi32>
      %parallel_loop3A_386 = arith.constant 2 : i32
      %parallel_loop3A_387 = vector.broadcast %parallel_loop3A_386 : i32 to vector<16xi32>
      %parallel_loop3A_388 = arith.cmpi eq, %parallel_loop3A_385, %parallel_loop3A_387 : vector<16xi32>
      %parallel_loop3A_389 = arith.constant 0.000000e+00 : f32
      %parallel_loop3A_390 = vector.broadcast %parallel_loop3A_389 : f32 to vector<16xf32>
      %parallel_loop3A_391 = arith.subf %parallel_loop3A_390, %parallel_loop3A_381 : vector<16xf32>
      %parallel_loop3A_392 = arith.select %parallel_loop3A_388, %parallel_loop3A_391, %parallel_loop3A_381 : vector<16xi1>, vector<16xf32>
      %parallel_loop3A_393 = arith.constant 1 : i32
      %parallel_loop3A_394 = vector.broadcast %parallel_loop3A_393 : i32 to vector<16xi32>
      %parallel_loop3A_395 = arith.addi %parallel_loop3A_374, %parallel_loop3A_394 : vector<16xi32>
      %parallel_loop3A_396 = arith.constant 2 : i32
      %parallel_loop3A_397 = vector.broadcast %parallel_loop3A_396 : i32 to vector<16xi32>
      %parallel_loop3A_398 = arith.andi %parallel_loop3A_395, %parallel_loop3A_397 : vector<16xi32>
      %parallel_loop3A_399 = arith.constant 2 : i32
      %parallel_loop3A_400 = vector.broadcast %parallel_loop3A_399 : i32 to vector<16xi32>
      %parallel_loop3A_401 = arith.cmpi eq, %parallel_loop3A_398, %parallel_loop3A_400 : vector<16xi32>
      %parallel_loop3A_402 = arith.constant 0.000000e+00 : f32
      %parallel_loop3A_403 = vector.broadcast %parallel_loop3A_402 : f32 to vector<16xf32>
      %parallel_loop3A_404 = arith.subf %parallel_loop3A_403, %parallel_loop3A_382 : vector<16xf32>
      %parallel_loop3A_405 = arith.select %parallel_loop3A_401, %parallel_loop3A_404, %parallel_loop3A_382 : vector<16xi1>, vector<16xf32>
      %parallel_loop3A_406 = arith.constant 4 : i32
      %parallel_loop3A_407 = vector.broadcast %parallel_loop3A_406 : i32 to vector<16xi32>
      %parallel_loop3A_408 = arith.addi %parallel_loop3A_97, %parallel_loop3A_407 : vector<16xi32>
      %parallel_loop3A_409 = tpu.vector_load_idx %arg4[%parallel_loop3A_408] : memref<8832xf32, #tpu.memory_space<vmem>>[vector<16xi32>], vector<16xf32>,
      %parallel_loop3A_410 = arith.constant 0.636619746 : f32
      %parallel_loop3A_411 = vector.broadcast %parallel_loop3A_410 : f32 to vector<16xf32>
      %parallel_loop3A_412 = arith.mulf %parallel_loop3A_409, %parallel_loop3A_411 : vector<16xf32>
      %parallel_loop3A_413 = arith.constant 0x4B400000 : f32
      %parallel_loop3A_414 = vector.broadcast %parallel_loop3A_413 : f32 to vector<16xf32>
      %parallel_loop3A_415 = arith.addf %parallel_loop3A_412, %parallel_loop3A_414 : vector<16xf32>
      %parallel_loop3A_416 = arith.constant 0x4B400000 : f32
      %parallel_loop3A_417 = vector.broadcast %parallel_loop3A_416 : f32 to vector<16xf32>
      %parallel_loop3A_418 = arith.subf %parallel_loop3A_415, %parallel_loop3A_417 : vector<16xf32>
      %parallel_loop3A_419 = arith.constant 1.57080078 : f32
      %parallel_loop3A_420 = vector.broadcast %parallel_loop3A_419 : f32 to vector<16xf32>
      %parallel_loop3A_421 = arith.mulf %parallel_loop3A_418, %parallel_loop3A_420 : vector<16xf32>
      %parallel_loop3A_422 = arith.subf %parallel_loop3A_409, %parallel_loop3A_421 : vector<16xf32>
      %parallel_loop3A_423 = arith.constant -4.45445494E-6 : f32
      %parallel_loop3A_424 = vector.broadcast %parallel_loop3A_423 : f32 to vector<16xf32>
      %parallel_loop3A_425 = arith.mulf %parallel_loop3A_418, %parallel_loop3A_424 : vector<16xf32>
      %parallel_loop3A_426 = arith.subf %parallel_loop3A_422, %parallel_loop3A_425 : vector<16xf32>
      %parallel_loop3A_427 = arith.fptosi %parallel_loop3A_418 : vector<16xf32> to vector<16xi32>
      %parallel_loop3A_428 = arith.mulf %parallel_loop3A_426, %parallel_loop3A_426 : vector<16xf32>
      %parallel_loop3A_429 = arith.mulf %parallel_loop3A_426, %parallel_loop3A_428 : vector<16xf32>
      %parallel_loop3A_430 = arith.constant -1.95152956E-4 : f32
      %parallel_loop3A_431 = vector.broadcast %parallel_loop3A_430 : f32 to vector<16xf32>
      %parallel_loop3A_432 = arith.mulf %parallel_loop3A_428, %parallel_loop3A_431 : vector<16xf32>
      %parallel_loop3A_433 = arith.constant 0.00833216123 : f32
      %parallel_loop3A_434 = vector.broadcast %parallel_loop3A_433 : f32 to vector<16xf32>
      %parallel_loop3A_435 = arith.addf %parallel_loop3A_434, %parallel_loop3A_432 : vector<16xf32>
      %parallel_loop3A_436 = arith.mulf %parallel_loop3A_428, %parallel_loop3A_435 : vector<16xf32>
      %parallel_loop3A_437 = arith.constant -0.166666552 : f32
      %parallel_loop3A_438 = vector.broadcast %parallel_loop3A_437 : f32 to vector<16xf32>
      %parallel_loop3A_439 = arith.addf %parallel_loop3A_438, %parallel_loop3A_436 : vector<16xf32>
      %parallel_loop3A_440 = arith.mulf %parallel_loop3A_429, %parallel_loop3A_439 : vector<16xf32>
      %parallel_loop3A_441 = arith.addf %parallel_loop3A_426, %parallel_loop3A_440 : vector<16xf32>
      %parallel_loop3A_442 = arith.constant 2.44331568E-5 : f32
      %parallel_loop3A_443 = vector.broadcast %parallel_loop3A_442 : f32 to vector<16xf32>
      %parallel_loop3A_444 = arith.mulf %parallel_loop3A_428, %parallel_loop3A_443 : vector<16xf32>
      %parallel_loop3A_445 = arith.constant -0.00138873165 : f32
      %parallel_loop3A_446 = vector.broadcast %parallel_loop3A_445 : f32 to vector<16xf32>
      %parallel_loop3A_447 = arith.addf %parallel_loop3A_446, %parallel_loop3A_444 : vector<16xf32>
      %parallel_loop3A_448 = arith.mulf %parallel_loop3A_428, %parallel_loop3A_447 : vector<16xf32>
      %parallel_loop3A_449 = arith.constant 0.0416666456 : f32
      %parallel_loop3A_450 = vector.broadcast %parallel_loop3A_449 : f32 to vector<16xf32>
      %parallel_loop3A_451 = arith.addf %parallel_loop3A_450, %parallel_loop3A_448 : vector<16xf32>
      %parallel_loop3A_452 = arith.mulf %parallel_loop3A_428, %parallel_loop3A_451 : vector<16xf32>
      %parallel_loop3A_453 = arith.constant -5.000000e-01 : f32
      %parallel_loop3A_454 = vector.broadcast %parallel_loop3A_453 : f32 to vector<16xf32>
      %parallel_loop3A_455 = arith.addf %parallel_loop3A_454, %parallel_loop3A_452 : vector<16xf32>
      %parallel_loop3A_456 = arith.mulf %parallel_loop3A_428, %parallel_loop3A_455 : vector<16xf32>
      %parallel_loop3A_457 = arith.constant 1.000000e+00 : f32
      %parallel_loop3A_458 = vector.broadcast %parallel_loop3A_457 : f32 to vector<16xf32>
      %parallel_loop3A_459 = arith.addf %parallel_loop3A_458, %parallel_loop3A_456 : vector<16xf32>
      %parallel_loop3A_460 = arith.constant 3 : i32
      %parallel_loop3A_461 = vector.broadcast %parallel_loop3A_460 : i32 to vector<16xi32>
      %parallel_loop3A_462 = arith.andi %parallel_loop3A_427, %parallel_loop3A_461 : vector<16xi32>
      %parallel_loop3A_463 = arith.constant 1 : i32
      %parallel_loop3A_464 = vector.broadcast %parallel_loop3A_463 : i32 to vector<16xi32>
      %parallel_loop3A_465 = arith.andi %parallel_loop3A_462, %parallel_loop3A_464 : vector<16xi32>
      %parallel_loop3A_466 = arith.constant 1 : i32
      %parallel_loop3A_467 = vector.broadcast %parallel_loop3A_466 : i32 to vector<16xi32>
      %parallel_loop3A_468 = arith.cmpi eq, %parallel_loop3A_465, %parallel_loop3A_467 : vector<16xi32>
      %parallel_loop3A_469 = arith.select %parallel_loop3A_468, %parallel_loop3A_459, %parallel_loop3A_441 : vector<16xi1>, vector<16xf32>
      %parallel_loop3A_470 = arith.select %parallel_loop3A_468, %parallel_loop3A_441, %parallel_loop3A_459 : vector<16xi1>, vector<16xf32>
      %parallel_loop3A_471 = arith.constant 2 : i32
      %parallel_loop3A_472 = vector.broadcast %parallel_loop3A_471 : i32 to vector<16xi32>
      %parallel_loop3A_473 = arith.andi %parallel_loop3A_462, %parallel_loop3A_472 : vector<16xi32>
      %parallel_loop3A_474 = arith.constant 2 : i32
      %parallel_loop3A_475 = vector.broadcast %parallel_loop3A_474 : i32 to vector<16xi32>
      %parallel_loop3A_476 = arith.cmpi eq, %parallel_loop3A_473, %parallel_loop3A_475 : vector<16xi32>
      %parallel_loop3A_477 = arith.constant 0.000000e+00 : f32
      %parallel_loop3A_478 = vector.broadcast %parallel_loop3A_477 : f32 to vector<16xf32>
      %parallel_loop3A_479 = arith.subf %parallel_loop3A_478, %parallel_loop3A_469 : vector<16xf32>
      %parallel_loop3A_480 = arith.select %parallel_loop3A_476, %parallel_loop3A_479, %parallel_loop3A_469 : vector<16xi1>, vector<16xf32>
      %parallel_loop3A_481 = arith.constant 1 : i32
      %parallel_loop3A_482 = vector.broadcast %parallel_loop3A_481 : i32 to vector<16xi32>
      %parallel_loop3A_483 = arith.addi %parallel_loop3A_462, %parallel_loop3A_482 : vector<16xi32>
      %parallel_loop3A_484 = arith.constant 2 : i32
      %parallel_loop3A_485 = vector.broadcast %parallel_loop3A_484 : i32 to vector<16xi32>
      %parallel_loop3A_486 = arith.andi %parallel_loop3A_483, %parallel_loop3A_485 : vector<16xi32>
      %parallel_loop3A_487 = arith.constant 2 : i32
      %parallel_loop3A_488 = vector.broadcast %parallel_loop3A_487 : i32 to vector<16xi32>
      %parallel_loop3A_489 = arith.cmpi eq, %parallel_loop3A_486, %parallel_loop3A_488 : vector<16xi32>
      %parallel_loop3A_490 = arith.constant 0.000000e+00 : f32
      %parallel_loop3A_491 = vector.broadcast %parallel_loop3A_490 : f32 to vector<16xf32>
      %parallel_loop3A_492 = arith.subf %parallel_loop3A_491, %parallel_loop3A_470 : vector<16xf32>
      %parallel_loop3A_493 = arith.select %parallel_loop3A_489, %parallel_loop3A_492, %parallel_loop3A_470 : vector<16xi1>, vector<16xf32>
      %parallel_loop3A_494 = arith.constant 5 : i32
      %parallel_loop3A_495 = vector.broadcast %parallel_loop3A_494 : i32 to vector<16xi32>
      %parallel_loop3A_496 = arith.addi %parallel_loop3A_97, %parallel_loop3A_495 : vector<16xi32>
      %parallel_loop3A_497 = tpu.vector_load_idx %arg4[%parallel_loop3A_496] : memref<8832xf32, #tpu.memory_space<vmem>>[vector<16xi32>], vector<16xf32>,
      %parallel_loop3A_498 = arith.constant 0.636619746 : f32
      %parallel_loop3A_499 = vector.broadcast %parallel_loop3A_498 : f32 to vector<16xf32>
      %parallel_loop3A_500 = arith.mulf %parallel_loop3A_497, %parallel_loop3A_499 : vector<16xf32>
      %parallel_loop3A_501 = arith.constant 0x4B400000 : f32
      %parallel_loop3A_502 = vector.broadcast %parallel_loop3A_501 : f32 to vector<16xf32>
      %parallel_loop3A_503 = arith.addf %parallel_loop3A_500, %parallel_loop3A_502 : vector<16xf32>
      %parallel_loop3A_504 = arith.constant 0x4B400000 : f32
      %parallel_loop3A_505 = vector.broadcast %parallel_loop3A_504 : f32 to vector<16xf32>
      %parallel_loop3A_506 = arith.subf %parallel_loop3A_503, %parallel_loop3A_505 : vector<16xf32>
      %parallel_loop3A_507 = arith.constant 1.57080078 : f32
      %parallel_loop3A_508 = vector.broadcast %parallel_loop3A_507 : f32 to vector<16xf32>
      %parallel_loop3A_509 = arith.mulf %parallel_loop3A_506, %parallel_loop3A_508 : vector<16xf32>
      %parallel_loop3A_510 = arith.subf %parallel_loop3A_497, %parallel_loop3A_509 : vector<16xf32>
      %parallel_loop3A_511 = arith.constant -4.45445494E-6 : f32
      %parallel_loop3A_512 = vector.broadcast %parallel_loop3A_511 : f32 to vector<16xf32>
      %parallel_loop3A_513 = arith.mulf %parallel_loop3A_506, %parallel_loop3A_512 : vector<16xf32>
      %parallel_loop3A_514 = arith.subf %parallel_loop3A_510, %parallel_loop3A_513 : vector<16xf32>
      %parallel_loop3A_515 = arith.fptosi %parallel_loop3A_506 : vector<16xf32> to vector<16xi32>
      %parallel_loop3A_516 = arith.mulf %parallel_loop3A_514, %parallel_loop3A_514 : vector<16xf32>
      %parallel_loop3A_517 = arith.mulf %parallel_loop3A_514, %parallel_loop3A_516 : vector<16xf32>
      %parallel_loop3A_518 = arith.constant -1.95152956E-4 : f32
      %parallel_loop3A_519 = vector.broadcast %parallel_loop3A_518 : f32 to vector<16xf32>
      %parallel_loop3A_520 = arith.mulf %parallel_loop3A_516, %parallel_loop3A_519 : vector<16xf32>
      %parallel_loop3A_521 = arith.constant 0.00833216123 : f32
      %parallel_loop3A_522 = vector.broadcast %parallel_loop3A_521 : f32 to vector<16xf32>
      %parallel_loop3A_523 = arith.addf %parallel_loop3A_522, %parallel_loop3A_520 : vector<16xf32>
      %parallel_loop3A_524 = arith.mulf %parallel_loop3A_516, %parallel_loop3A_523 : vector<16xf32>
      %parallel_loop3A_525 = arith.constant -0.166666552 : f32
      %parallel_loop3A_526 = vector.broadcast %parallel_loop3A_525 : f32 to vector<16xf32>
      %parallel_loop3A_527 = arith.addf %parallel_loop3A_526, %parallel_loop3A_524 : vector<16xf32>
      %parallel_loop3A_528 = arith.mulf %parallel_loop3A_517, %parallel_loop3A_527 : vector<16xf32>
      %parallel_loop3A_529 = arith.addf %parallel_loop3A_514, %parallel_loop3A_528 : vector<16xf32>
      %parallel_loop3A_530 = arith.constant 2.44331568E-5 : f32
      %parallel_loop3A_531 = vector.broadcast %parallel_loop3A_530 : f32 to vector<16xf32>
      %parallel_loop3A_532 = arith.mulf %parallel_loop3A_516, %parallel_loop3A_531 : vector<16xf32>
      %parallel_loop3A_533 = arith.constant -0.00138873165 : f32
      %parallel_loop3A_534 = vector.broadcast %parallel_loop3A_533 : f32 to vector<16xf32>
      %parallel_loop3A_535 = arith.addf %parallel_loop3A_534, %parallel_loop3A_532 : vector<16xf32>
      %parallel_loop3A_536 = arith.mulf %parallel_loop3A_516, %parallel_loop3A_535 : vector<16xf32>
      %parallel_loop3A_537 = arith.constant 0.0416666456 : f32
      %parallel_loop3A_538 = vector.broadcast %parallel_loop3A_537 : f32 to vector<16xf32>
      %parallel_loop3A_539 = arith.addf %parallel_loop3A_538, %parallel_loop3A_536 : vector<16xf32>
      %parallel_loop3A_540 = arith.mulf %parallel_loop3A_516, %parallel_loop3A_539 : vector<16xf32>
      %parallel_loop3A_541 = arith.constant -5.000000e-01 : f32
      %parallel_loop3A_542 = vector.broadcast %parallel_loop3A_541 : f32 to vector<16xf32>
      %parallel_loop3A_543 = arith.addf %parallel_loop3A_542, %parallel_loop3A_540 : vector<16xf32>
      %parallel_loop3A_544 = arith.mulf %parallel_loop3A_516, %parallel_loop3A_543 : vector<16xf32>
      %parallel_loop3A_545 = arith.constant 1.000000e+00 : f32
      %parallel_loop3A_546 = vector.broadcast %parallel_loop3A_545 : f32 to vector<16xf32>
      %parallel_loop3A_547 = arith.addf %parallel_loop3A_546, %parallel_loop3A_544 : vector<16xf32>
      %parallel_loop3A_548 = arith.constant 3 : i32
      %parallel_loop3A_549 = vector.broadcast %parallel_loop3A_548 : i32 to vector<16xi32>
      %parallel_loop3A_550 = arith.andi %parallel_loop3A_515, %parallel_loop3A_549 : vector<16xi32>
      %parallel_loop3A_551 = arith.constant 1 : i32
      %parallel_loop3A_552 = vector.broadcast %parallel_loop3A_551 : i32 to vector<16xi32>
      %parallel_loop3A_553 = arith.andi %parallel_loop3A_550, %parallel_loop3A_552 : vector<16xi32>
      %parallel_loop3A_554 = arith.constant 1 : i32
      %parallel_loop3A_555 = vector.broadcast %parallel_loop3A_554 : i32 to vector<16xi32>
      %parallel_loop3A_556 = arith.cmpi eq, %parallel_loop3A_553, %parallel_loop3A_555 : vector<16xi32>
      %parallel_loop3A_557 = arith.select %parallel_loop3A_556, %parallel_loop3A_547, %parallel_loop3A_529 : vector<16xi1>, vector<16xf32>
      %parallel_loop3A_558 = arith.select %parallel_loop3A_556, %parallel_loop3A_529, %parallel_loop3A_547 : vector<16xi1>, vector<16xf32>
      %parallel_loop3A_559 = arith.constant 2 : i32
      %parallel_loop3A_560 = vector.broadcast %parallel_loop3A_559 : i32 to vector<16xi32>
      %parallel_loop3A_561 = arith.andi %parallel_loop3A_550, %parallel_loop3A_560 : vector<16xi32>
      %parallel_loop3A_562 = arith.constant 2 : i32
      %parallel_loop3A_563 = vector.broadcast %parallel_loop3A_562 : i32 to vector<16xi32>
      %parallel_loop3A_564 = arith.cmpi eq, %parallel_loop3A_561, %parallel_loop3A_563 : vector<16xi32>
      %parallel_loop3A_565 = arith.constant 0.000000e+00 : f32
      %parallel_loop3A_566 = vector.broadcast %parallel_loop3A_565 : f32 to vector<16xf32>
      %parallel_loop3A_567 = arith.subf %parallel_loop3A_566, %parallel_loop3A_557 : vector<16xf32>
      %parallel_loop3A_568 = arith.select %parallel_loop3A_564, %parallel_loop3A_567, %parallel_loop3A_557 : vector<16xi1>, vector<16xf32>
      %parallel_loop3A_569 = arith.constant 1 : i32
      %parallel_loop3A_570 = vector.broadcast %parallel_loop3A_569 : i32 to vector<16xi32>
      %parallel_loop3A_571 = arith.addi %parallel_loop3A_550, %parallel_loop3A_570 : vector<16xi32>
      %parallel_loop3A_572 = arith.constant 2 : i32
      %parallel_loop3A_573 = vector.broadcast %parallel_loop3A_572 : i32 to vector<16xi32>
      %parallel_loop3A_574 = arith.andi %parallel_loop3A_571, %parallel_loop3A_573 : vector<16xi32>
      %parallel_loop3A_575 = arith.constant 2 : i32
      %parallel_loop3A_576 = vector.broadcast %parallel_loop3A_575 : i32 to vector<16xi32>
      %parallel_loop3A_577 = arith.cmpi eq, %parallel_loop3A_574, %parallel_loop3A_576 : vector<16xi32>
      %parallel_loop3A_578 = arith.constant 0.000000e+00 : f32
      %parallel_loop3A_579 = vector.broadcast %parallel_loop3A_578 : f32 to vector<16xf32>
      %parallel_loop3A_580 = arith.subf %parallel_loop3A_579, %parallel_loop3A_558 : vector<16xf32>
      %parallel_loop3A_581 = arith.select %parallel_loop3A_577, %parallel_loop3A_580, %parallel_loop3A_558 : vector<16xi1>, vector<16xf32>
      %parallel_loop3A_582 = arith.mulf %parallel_loop3A_493, %parallel_loop3A_405 : vector<16xf32>
      %parallel_loop3A_583 = arith.constant 0.000000e+00 : f32
      %parallel_loop3A_584 = vector.broadcast %parallel_loop3A_583 : f32 to vector<16xf32>
      %parallel_loop3A_585 = arith.subf %parallel_loop3A_584, %parallel_loop3A_493 : vector<16xf32>
      %parallel_loop3A_586 = arith.mulf %parallel_loop3A_585, %parallel_loop3A_392 : vector<16xf32>
      %parallel_loop3A_587 = arith.mulf %parallel_loop3A_568, %parallel_loop3A_480 : vector<16xf32>
      %parallel_loop3A_588 = arith.mulf %parallel_loop3A_581, %parallel_loop3A_480 : vector<16xf32>
      %parallel_loop3A_589 = arith.mulf %parallel_loop3A_581, %parallel_loop3A_392 : vector<16xf32>
      %parallel_loop3A_590 = arith.mulf %parallel_loop3A_587, %parallel_loop3A_405 : vector<16xf32>
      %parallel_loop3A_591 = arith.addf %parallel_loop3A_589, %parallel_loop3A_590 : vector<16xf32>
      %parallel_loop3A_592 = arith.mulf %parallel_loop3A_581, %parallel_loop3A_405 : vector<16xf32>
      %parallel_loop3A_593 = arith.mulf %parallel_loop3A_587, %parallel_loop3A_392 : vector<16xf32>
      %parallel_loop3A_594 = arith.subf %parallel_loop3A_592, %parallel_loop3A_593 : vector<16xf32>
      %parallel_loop3A_595 = arith.constant 0.000000e+00 : f32
      %parallel_loop3A_596 = vector.broadcast %parallel_loop3A_595 : f32 to vector<16xf32>
      %parallel_loop3A_597 = arith.subf %parallel_loop3A_596, %parallel_loop3A_568 : vector<16xf32>
      %parallel_loop3A_598 = arith.mulf %parallel_loop3A_597, %parallel_loop3A_493 : vector<16xf32>
      %parallel_loop3A_599 = arith.mulf %parallel_loop3A_568, %parallel_loop3A_392 : vector<16xf32>
      %parallel_loop3A_600 = arith.mulf %parallel_loop3A_588, %parallel_loop3A_405 : vector<16xf32>
      %parallel_loop3A_601 = arith.subf %parallel_loop3A_599, %parallel_loop3A_600 : vector<16xf32>
      %parallel_loop3A_602 = arith.mulf %parallel_loop3A_568, %parallel_loop3A_405 : vector<16xf32>
      %parallel_loop3A_603 = arith.mulf %parallel_loop3A_588, %parallel_loop3A_392 : vector<16xf32>
      %parallel_loop3A_604 = arith.addf %parallel_loop3A_602, %parallel_loop3A_603 : vector<16xf32>
      %parallel_loop3A_605 = arith.mulf %parallel_loop3A_581, %parallel_loop3A_493 : vector<16xf32>
      %parallel_loop3A_606 = arith.constant 0 : i32
      %parallel_loop3A_607 = vector.broadcast %parallel_loop3A_606 : i32 to vector<16xi32>
      %parallel_loop3A_608 = arith.addi %parallel_loop3A_97, %parallel_loop3A_607 : vector<16xi32>
      %parallel_loop3A_609 = tpu.vector_load_idx %arg4[%parallel_loop3A_608] : memref<8832xf32, #tpu.memory_space<vmem>>[vector<16xi32>], vector<16xf32>,
      %parallel_loop3A_610 = arith.constant 1 : i32
      %parallel_loop3A_611 = vector.broadcast %parallel_loop3A_610 : i32 to vector<16xi32>
      %parallel_loop3A_612 = arith.addi %parallel_loop3A_97, %parallel_loop3A_611 : vector<16xi32>
      %parallel_loop3A_613 = tpu.vector_load_idx %arg4[%parallel_loop3A_612] : memref<8832xf32, #tpu.memory_space<vmem>>[vector<16xi32>], vector<16xf32>,
      %parallel_loop3A_614 = arith.constant 2 : i32
      %parallel_loop3A_615 = vector.broadcast %parallel_loop3A_614 : i32 to vector<16xi32>
      %parallel_loop3A_616 = arith.addi %parallel_loop3A_97, %parallel_loop3A_615 : vector<16xi32>
      %parallel_loop3A_617 = tpu.vector_load_idx %arg4[%parallel_loop3A_616] : memref<8832xf32, #tpu.memory_space<vmem>>[vector<16xi32>], vector<16xf32>,
      %parallel_loop3A_618 = arith.constant 0 : i32
      %parallel_loop3A_619 = vector.broadcast %parallel_loop3A_618 : i32 to vector<16xi32>
      %parallel_loop3A_620 = arith.addi %parallel_loop3A_100, %parallel_loop3A_619 : vector<16xi32>
      tpu.vector_store_idx %arg6[%parallel_loop3A_620], %parallel_loop3A_609 : memref<3456xf32, #tpu.memory_space<vmem>>[vector<16xi32>], vector<16xf32>,
      %parallel_loop3A_621 = arith.constant 1 : i32
      %parallel_loop3A_622 = vector.broadcast %parallel_loop3A_621 : i32 to vector<16xi32>
      %parallel_loop3A_623 = arith.addi %parallel_loop3A_100, %parallel_loop3A_622 : vector<16xi32>
      tpu.vector_store_idx %arg6[%parallel_loop3A_623], %parallel_loop3A_613 : memref<3456xf32, #tpu.memory_space<vmem>>[vector<16xi32>], vector<16xf32>,
      %parallel_loop3A_624 = arith.constant 2 : i32
      %parallel_loop3A_625 = vector.broadcast %parallel_loop3A_624 : i32 to vector<16xi32>
      %parallel_loop3A_626 = arith.addi %parallel_loop3A_100, %parallel_loop3A_625 : vector<16xi32>
      tpu.vector_store_idx %arg6[%parallel_loop3A_626], %parallel_loop3A_617 : memref<3456xf32, #tpu.memory_space<vmem>>[vector<16xi32>], vector<16xf32>,
      %parallel_loop3A_627 = arith.mulf %parallel_loop3A_582, %parallel_loop3A_104 : vector<16xf32>
      %parallel_loop3A_628 = arith.mulf %parallel_loop3A_591, %parallel_loop3A_108 : vector<16xf32>
      %parallel_loop3A_629 = arith.addf %parallel_loop3A_627, %parallel_loop3A_628 : vector<16xf32>
      %parallel_loop3A_630 = arith.mulf %parallel_loop3A_601, %parallel_loop3A_112 : vector<16xf32>
      %parallel_loop3A_631 = arith.addf %parallel_loop3A_629, %parallel_loop3A_630 : vector<16xf32>
      %parallel_loop3A_632 = arith.subf %parallel_loop3A_609, %parallel_loop3A_631 : vector<16xf32>
      %parallel_loop3A_633 = arith.mulf %parallel_loop3A_586, %parallel_loop3A_104 : vector<16xf32>
      %parallel_loop3A_634 = arith.mulf %parallel_loop3A_594, %parallel_loop3A_108 : vector<16xf32>
      %parallel_loop3A_635 = arith.addf %parallel_loop3A_633, %parallel_loop3A_634 : vector<16xf32>
      %parallel_loop3A_636 = arith.mulf %parallel_loop3A_604, %parallel_loop3A_112 : vector<16xf32>
      %parallel_loop3A_637 = arith.addf %parallel_loop3A_635, %parallel_loop3A_636 : vector<16xf32>
      %parallel_loop3A_638 = arith.subf %parallel_loop3A_613, %parallel_loop3A_637 : vector<16xf32>
      %parallel_loop3A_639 = arith.mulf %parallel_loop3A_480, %parallel_loop3A_104 : vector<16xf32>
      %parallel_loop3A_640 = arith.mulf %parallel_loop3A_598, %parallel_loop3A_108 : vector<16xf32>
      %parallel_loop3A_641 = arith.addf %parallel_loop3A_639, %parallel_loop3A_640 : vector<16xf32>
      %parallel_loop3A_642 = arith.mulf %parallel_loop3A_605, %parallel_loop3A_112 : vector<16xf32>
      %parallel_loop3A_643 = arith.addf %parallel_loop3A_641, %parallel_loop3A_642 : vector<16xf32>
      %parallel_loop3A_644 = arith.subf %parallel_loop3A_617, %parallel_loop3A_643 : vector<16xf32>
      %parallel_loop3A_645 = arith.constant 3 : i32
      %parallel_loop3A_646 = vector.broadcast %parallel_loop3A_645 : i32 to vector<16xi32>
      %parallel_loop3A_647 = arith.muli %parallel_loop3A_646, %parallel_loop3A_257 : vector<16xi32>
      %parallel_loop3A_648 = arith.constant 3 : i32
      %parallel_loop3A_649 = vector.broadcast %parallel_loop3A_648 : i32 to vector<16xi32>
      %parallel_loop3A_650 = arith.addi %parallel_loop3A_649, %parallel_loop3A_647 : vector<16xi32>
      %parallel_loop3A_651 = arith.addi %parallel_loop3A_100, %parallel_loop3A_650 : vector<16xi32>
      tpu.vector_store_idx %arg6[%parallel_loop3A_651], %parallel_loop3A_632 : memref<3456xf32, #tpu.memory_space<vmem>>[vector<16xi32>], vector<16xf32>,
      %parallel_loop3A_652 = arith.constant 1 : i32
      %parallel_loop3A_653 = vector.broadcast %parallel_loop3A_652 : i32 to vector<16xi32>
      %parallel_loop3A_654 = arith.addi %parallel_loop3A_650, %parallel_loop3A_653 : vector<16xi32>
      %parallel_loop3A_655 = arith.addi %parallel_loop3A_100, %parallel_loop3A_654 : vector<16xi32>
      tpu.vector_store_idx %arg6[%parallel_loop3A_655], %parallel_loop3A_638 : memref<3456xf32, #tpu.memory_space<vmem>>[vector<16xi32>], vector<16xf32>,
      %parallel_loop3A_656 = arith.constant 2 : i32
      %parallel_loop3A_657 = vector.broadcast %parallel_loop3A_656 : i32 to vector<16xi32>
      %parallel_loop3A_658 = arith.addi %parallel_loop3A_650, %parallel_loop3A_657 : vector<16xi32>
      %parallel_loop3A_659 = arith.addi %parallel_loop3A_100, %parallel_loop3A_658 : vector<16xi32>
      tpu.vector_store_idx %arg6[%parallel_loop3A_659], %parallel_loop3A_644 : memref<3456xf32, #tpu.memory_space<vmem>>[vector<16xi32>], vector<16xf32>,
      %parallel_loop3A_660 = arith.mulf %parallel_loop3A_582, %parallel_loop3A_121 : vector<16xf32>
      %parallel_loop3A_661 = arith.mulf %parallel_loop3A_591, %parallel_loop3A_125 : vector<16xf32>
      %parallel_loop3A_662 = arith.addf %parallel_loop3A_660, %parallel_loop3A_661 : vector<16xf32>
      %parallel_loop3A_663 = arith.mulf %parallel_loop3A_601, %parallel_loop3A_129 : vector<16xf32>
      %parallel_loop3A_664 = arith.addf %parallel_loop3A_662, %parallel_loop3A_663 : vector<16xf32>
      %parallel_loop3A_665 = arith.subf %parallel_loop3A_609, %parallel_loop3A_664 : vector<16xf32>
      %parallel_loop3A_666 = arith.mulf %parallel_loop3A_586, %parallel_loop3A_121 : vector<16xf32>
      %parallel_loop3A_667 = arith.mulf %parallel_loop3A_594, %parallel_loop3A_125 : vector<16xf32>
      %parallel_loop3A_668 = arith.addf %parallel_loop3A_666, %parallel_loop3A_667 : vector<16xf32>
      %parallel_loop3A_669 = arith.mulf %parallel_loop3A_604, %parallel_loop3A_129 : vector<16xf32>
      %parallel_loop3A_670 = arith.addf %parallel_loop3A_668, %parallel_loop3A_669 : vector<16xf32>
      %parallel_loop3A_671 = arith.subf %parallel_loop3A_613, %parallel_loop3A_670 : vector<16xf32>
      %parallel_loop3A_672 = arith.mulf %parallel_loop3A_480, %parallel_loop3A_121 : vector<16xf32>
      %parallel_loop3A_673 = arith.mulf %parallel_loop3A_598, %parallel_loop3A_125 : vector<16xf32>
      %parallel_loop3A_674 = arith.addf %parallel_loop3A_672, %parallel_loop3A_673 : vector<16xf32>
      %parallel_loop3A_675 = arith.mulf %parallel_loop3A_605, %parallel_loop3A_129 : vector<16xf32>
      %parallel_loop3A_676 = arith.addf %parallel_loop3A_674, %parallel_loop3A_675 : vector<16xf32>
      %parallel_loop3A_677 = arith.subf %parallel_loop3A_617, %parallel_loop3A_676 : vector<16xf32>
      %parallel_loop3A_678 = arith.constant 3 : i32
      %parallel_loop3A_679 = vector.broadcast %parallel_loop3A_678 : i32 to vector<16xi32>
      %parallel_loop3A_680 = arith.muli %parallel_loop3A_679, %parallel_loop3A_277 : vector<16xi32>
      %parallel_loop3A_681 = arith.constant 3 : i32
      %parallel_loop3A_682 = vector.broadcast %parallel_loop3A_681 : i32 to vector<16xi32>
      %parallel_loop3A_683 = arith.addi %parallel_loop3A_682, %parallel_loop3A_680 : vector<16xi32>
      %parallel_loop3A_684 = arith.addi %parallel_loop3A_100, %parallel_loop3A_683 : vector<16xi32>
      tpu.vector_store_idx %arg6[%parallel_loop3A_684], %parallel_loop3A_665 : memref<3456xf32, #tpu.memory_space<vmem>>[vector<16xi32>], vector<16xf32>,
      %parallel_loop3A_685 = arith.constant 1 : i32
      %parallel_loop3A_686 = vector.broadcast %parallel_loop3A_685 : i32 to vector<16xi32>
      %parallel_loop3A_687 = arith.addi %parallel_loop3A_683, %parallel_loop3A_686 : vector<16xi32>
      %parallel_loop3A_688 = arith.addi %parallel_loop3A_100, %parallel_loop3A_687 : vector<16xi32>
      tpu.vector_store_idx %arg6[%parallel_loop3A_688], %parallel_loop3A_671 : memref<3456xf32, #tpu.memory_space<vmem>>[vector<16xi32>], vector<16xf32>,
      %parallel_loop3A_689 = arith.constant 2 : i32
      %parallel_loop3A_690 = vector.broadcast %parallel_loop3A_689 : i32 to vector<16xi32>
      %parallel_loop3A_691 = arith.addi %parallel_loop3A_683, %parallel_loop3A_690 : vector<16xi32>
      %parallel_loop3A_692 = arith.addi %parallel_loop3A_100, %parallel_loop3A_691 : vector<16xi32>
      tpu.vector_store_idx %arg6[%parallel_loop3A_692], %parallel_loop3A_677 : memref<3456xf32, #tpu.memory_space<vmem>>[vector<16xi32>], vector<16xf32>,
      %parallel_loop3A_693 = arith.mulf %parallel_loop3A_582, %parallel_loop3A_138 : vector<16xf32>
      %parallel_loop3A_694 = arith.mulf %parallel_loop3A_591, %parallel_loop3A_142 : vector<16xf32>
      %parallel_loop3A_695 = arith.addf %parallel_loop3A_693, %parallel_loop3A_694 : vector<16xf32>
      %parallel_loop3A_696 = arith.mulf %parallel_loop3A_601, %parallel_loop3A_146 : vector<16xf32>
      %parallel_loop3A_697 = arith.addf %parallel_loop3A_695, %parallel_loop3A_696 : vector<16xf32>
      %parallel_loop3A_698 = arith.subf %parallel_loop3A_609, %parallel_loop3A_697 : vector<16xf32>
      %parallel_loop3A_699 = arith.mulf %parallel_loop3A_586, %parallel_loop3A_138 : vector<16xf32>
      %parallel_loop3A_700 = arith.mulf %parallel_loop3A_594, %parallel_loop3A_142 : vector<16xf32>
      %parallel_loop3A_701 = arith.addf %parallel_loop3A_699, %parallel_loop3A_700 : vector<16xf32>
      %parallel_loop3A_702 = arith.mulf %parallel_loop3A_604, %parallel_loop3A_146 : vector<16xf32>
      %parallel_loop3A_703 = arith.addf %parallel_loop3A_701, %parallel_loop3A_702 : vector<16xf32>
      %parallel_loop3A_704 = arith.subf %parallel_loop3A_613, %parallel_loop3A_703 : vector<16xf32>
      %parallel_loop3A_705 = arith.mulf %parallel_loop3A_480, %parallel_loop3A_138 : vector<16xf32>
      %parallel_loop3A_706 = arith.mulf %parallel_loop3A_598, %parallel_loop3A_142 : vector<16xf32>
      %parallel_loop3A_707 = arith.addf %parallel_loop3A_705, %parallel_loop3A_706 : vector<16xf32>
      %parallel_loop3A_708 = arith.mulf %parallel_loop3A_605, %parallel_loop3A_146 : vector<16xf32>
      %parallel_loop3A_709 = arith.addf %parallel_loop3A_707, %parallel_loop3A_708 : vector<16xf32>
      %parallel_loop3A_710 = arith.subf %parallel_loop3A_617, %parallel_loop3A_709 : vector<16xf32>
      %parallel_loop3A_711 = arith.constant 3 : i32
      %parallel_loop3A_712 = vector.broadcast %parallel_loop3A_711 : i32 to vector<16xi32>
      %parallel_loop3A_713 = arith.muli %parallel_loop3A_712, %parallel_loop3A_293 : vector<16xi32>
      %parallel_loop3A_714 = arith.constant 3 : i32
      %parallel_loop3A_715 = vector.broadcast %parallel_loop3A_714 : i32 to vector<16xi32>
      %parallel_loop3A_716 = arith.addi %parallel_loop3A_715, %parallel_loop3A_713 : vector<16xi32>
      %parallel_loop3A_717 = arith.addi %parallel_loop3A_100, %parallel_loop3A_716 : vector<16xi32>
      tpu.vector_store_idx %arg6[%parallel_loop3A_717], %parallel_loop3A_698 : memref<3456xf32, #tpu.memory_space<vmem>>[vector<16xi32>], vector<16xf32>,
      %parallel_loop3A_718 = arith.constant 1 : i32
      %parallel_loop3A_719 = vector.broadcast %parallel_loop3A_718 : i32 to vector<16xi32>
      %parallel_loop3A_720 = arith.addi %parallel_loop3A_716, %parallel_loop3A_719 : vector<16xi32>
      %parallel_loop3A_721 = arith.addi %parallel_loop3A_100, %parallel_loop3A_720 : vector<16xi32>
      tpu.vector_store_idx %arg6[%parallel_loop3A_721], %parallel_loop3A_704 : memref<3456xf32, #tpu.memory_space<vmem>>[vector<16xi32>], vector<16xf32>,
      %parallel_loop3A_722 = arith.constant 2 : i32
      %parallel_loop3A_723 = vector.broadcast %parallel_loop3A_722 : i32 to vector<16xi32>
      %parallel_loop3A_724 = arith.addi %parallel_loop3A_716, %parallel_loop3A_723 : vector<16xi32>
      %parallel_loop3A_725 = arith.addi %parallel_loop3A_100, %parallel_loop3A_724 : vector<16xi32>
      tpu.vector_store_idx %arg6[%parallel_loop3A_725], %parallel_loop3A_710 : memref<3456xf32, #tpu.memory_space<vmem>>[vector<16xi32>], vector<16xf32>,
      %parallel_loop3A_726 = arith.mulf %parallel_loop3A_582, %parallel_loop3A_155 : vector<16xf32>
      %parallel_loop3A_727 = arith.mulf %parallel_loop3A_591, %parallel_loop3A_159 : vector<16xf32>
      %parallel_loop3A_728 = arith.addf %parallel_loop3A_726, %parallel_loop3A_727 : vector<16xf32>
      %parallel_loop3A_729 = arith.mulf %parallel_loop3A_601, %parallel_loop3A_163 : vector<16xf32>
      %parallel_loop3A_730 = arith.addf %parallel_loop3A_728, %parallel_loop3A_729 : vector<16xf32>
      %parallel_loop3A_731 = arith.subf %parallel_loop3A_609, %parallel_loop3A_730 : vector<16xf32>
      %parallel_loop3A_732 = arith.mulf %parallel_loop3A_586, %parallel_loop3A_155 : vector<16xf32>
      %parallel_loop3A_733 = arith.mulf %parallel_loop3A_594, %parallel_loop3A_159 : vector<16xf32>
      %parallel_loop3A_734 = arith.addf %parallel_loop3A_732, %parallel_loop3A_733 : vector<16xf32>
      %parallel_loop3A_735 = arith.mulf %parallel_loop3A_604, %parallel_loop3A_163 : vector<16xf32>
      %parallel_loop3A_736 = arith.addf %parallel_loop3A_734, %parallel_loop3A_735 : vector<16xf32>
      %parallel_loop3A_737 = arith.subf %parallel_loop3A_613, %parallel_loop3A_736 : vector<16xf32>
      %parallel_loop3A_738 = arith.mulf %parallel_loop3A_480, %parallel_loop3A_155 : vector<16xf32>
      %parallel_loop3A_739 = arith.mulf %parallel_loop3A_598, %parallel_loop3A_159 : vector<16xf32>
      %parallel_loop3A_740 = arith.addf %parallel_loop3A_738, %parallel_loop3A_739 : vector<16xf32>
      %parallel_loop3A_741 = arith.mulf %parallel_loop3A_605, %parallel_loop3A_163 : vector<16xf32>
      %parallel_loop3A_742 = arith.addf %parallel_loop3A_740, %parallel_loop3A_741 : vector<16xf32>
      %parallel_loop3A_743 = arith.subf %parallel_loop3A_617, %parallel_loop3A_742 : vector<16xf32>
      %parallel_loop3A_744 = arith.constant 3 : i32
      %parallel_loop3A_745 = vector.broadcast %parallel_loop3A_744 : i32 to vector<16xi32>
      %parallel_loop3A_746 = arith.muli %parallel_loop3A_745, %parallel_loop3A_305 : vector<16xi32>
      %parallel_loop3A_747 = arith.constant 3 : i32
      %parallel_loop3A_748 = vector.broadcast %parallel_loop3A_747 : i32 to vector<16xi32>
      %parallel_loop3A_749 = arith.addi %parallel_loop3A_748, %parallel_loop3A_746 : vector<16xi32>
      %parallel_loop3A_750 = arith.addi %parallel_loop3A_100, %parallel_loop3A_749 : vector<16xi32>
      tpu.vector_store_idx %arg6[%parallel_loop3A_750], %parallel_loop3A_731 : memref<3456xf32, #tpu.memory_space<vmem>>[vector<16xi32>], vector<16xf32>,
      %parallel_loop3A_751 = arith.constant 1 : i32
      %parallel_loop3A_752 = vector.broadcast %parallel_loop3A_751 : i32 to vector<16xi32>
      %parallel_loop3A_753 = arith.addi %parallel_loop3A_749, %parallel_loop3A_752 : vector<16xi32>
      %parallel_loop3A_754 = arith.addi %parallel_loop3A_100, %parallel_loop3A_753 : vector<16xi32>
      tpu.vector_store_idx %arg6[%parallel_loop3A_754], %parallel_loop3A_737 : memref<3456xf32, #tpu.memory_space<vmem>>[vector<16xi32>], vector<16xf32>,
      %parallel_loop3A_755 = arith.constant 2 : i32
      %parallel_loop3A_756 = vector.broadcast %parallel_loop3A_755 : i32 to vector<16xi32>
      %parallel_loop3A_757 = arith.addi %parallel_loop3A_749, %parallel_loop3A_756 : vector<16xi32>
      %parallel_loop3A_758 = arith.addi %parallel_loop3A_100, %parallel_loop3A_757 : vector<16xi32>
      tpu.vector_store_idx %arg6[%parallel_loop3A_758], %parallel_loop3A_743 : memref<3456xf32, #tpu.memory_space<vmem>>[vector<16xi32>], vector<16xf32>,
      %parallel_loop3A_759 = arith.mulf %parallel_loop3A_582, %parallel_loop3A_172 : vector<16xf32>
      %parallel_loop3A_760 = arith.mulf %parallel_loop3A_591, %parallel_loop3A_176 : vector<16xf32>
      %parallel_loop3A_761 = arith.addf %parallel_loop3A_759, %parallel_loop3A_760 : vector<16xf32>
      %parallel_loop3A_762 = arith.mulf %parallel_loop3A_601, %parallel_loop3A_180 : vector<16xf32>
      %parallel_loop3A_763 = arith.addf %parallel_loop3A_761, %parallel_loop3A_762 : vector<16xf32>
      %parallel_loop3A_764 = arith.subf %parallel_loop3A_609, %parallel_loop3A_763 : vector<16xf32>
      %parallel_loop3A_765 = arith.mulf %parallel_loop3A_586, %parallel_loop3A_172 : vector<16xf32>
      %parallel_loop3A_766 = arith.mulf %parallel_loop3A_594, %parallel_loop3A_176 : vector<16xf32>
      %parallel_loop3A_767 = arith.addf %parallel_loop3A_765, %parallel_loop3A_766 : vector<16xf32>
      %parallel_loop3A_768 = arith.mulf %parallel_loop3A_604, %parallel_loop3A_180 : vector<16xf32>
      %parallel_loop3A_769 = arith.addf %parallel_loop3A_767, %parallel_loop3A_768 : vector<16xf32>
      %parallel_loop3A_770 = arith.subf %parallel_loop3A_613, %parallel_loop3A_769 : vector<16xf32>
      %parallel_loop3A_771 = arith.mulf %parallel_loop3A_480, %parallel_loop3A_172 : vector<16xf32>
      %parallel_loop3A_772 = arith.mulf %parallel_loop3A_598, %parallel_loop3A_176 : vector<16xf32>
      %parallel_loop3A_773 = arith.addf %parallel_loop3A_771, %parallel_loop3A_772 : vector<16xf32>
      %parallel_loop3A_774 = arith.mulf %parallel_loop3A_605, %parallel_loop3A_180 : vector<16xf32>
      %parallel_loop3A_775 = arith.addf %parallel_loop3A_773, %parallel_loop3A_774 : vector<16xf32>
      %parallel_loop3A_776 = arith.subf %parallel_loop3A_617, %parallel_loop3A_775 : vector<16xf32>
      %parallel_loop3A_777 = arith.constant 3 : i32
      %parallel_loop3A_778 = vector.broadcast %parallel_loop3A_777 : i32 to vector<16xi32>
      %parallel_loop3A_779 = arith.muli %parallel_loop3A_778, %parallel_loop3A_313 : vector<16xi32>
      %parallel_loop3A_780 = arith.constant 3 : i32
      %parallel_loop3A_781 = vector.broadcast %parallel_loop3A_780 : i32 to vector<16xi32>
      %parallel_loop3A_782 = arith.addi %parallel_loop3A_781, %parallel_loop3A_779 : vector<16xi32>
      %parallel_loop3A_783 = arith.addi %parallel_loop3A_100, %parallel_loop3A_782 : vector<16xi32>
      tpu.vector_store_idx %arg6[%parallel_loop3A_783], %parallel_loop3A_764 : memref<3456xf32, #tpu.memory_space<vmem>>[vector<16xi32>], vector<16xf32>,
      %parallel_loop3A_784 = arith.constant 1 : i32
      %parallel_loop3A_785 = vector.broadcast %parallel_loop3A_784 : i32 to vector<16xi32>
      %parallel_loop3A_786 = arith.addi %parallel_loop3A_782, %parallel_loop3A_785 : vector<16xi32>
      %parallel_loop3A_787 = arith.addi %parallel_loop3A_100, %parallel_loop3A_786 : vector<16xi32>
      tpu.vector_store_idx %arg6[%parallel_loop3A_787], %parallel_loop3A_770 : memref<3456xf32, #tpu.memory_space<vmem>>[vector<16xi32>], vector<16xf32>,
      %parallel_loop3A_788 = arith.constant 2 : i32
      %parallel_loop3A_789 = vector.broadcast %parallel_loop3A_788 : i32 to vector<16xi32>
      %parallel_loop3A_790 = arith.addi %parallel_loop3A_782, %parallel_loop3A_789 : vector<16xi32>
      %parallel_loop3A_791 = arith.addi %parallel_loop3A_100, %parallel_loop3A_790 : vector<16xi32>
      tpu.vector_store_idx %arg6[%parallel_loop3A_791], %parallel_loop3A_776 : memref<3456xf32, #tpu.memory_space<vmem>>[vector<16xi32>], vector<16xf32>,
      %parallel_loop3A_792 = arith.mulf %parallel_loop3A_582, %parallel_loop3A_189 : vector<16xf32>
      %parallel_loop3A_793 = arith.mulf %parallel_loop3A_591, %parallel_loop3A_193 : vector<16xf32>
      %parallel_loop3A_794 = arith.addf %parallel_loop3A_792, %parallel_loop3A_793 : vector<16xf32>
      %parallel_loop3A_795 = arith.mulf %parallel_loop3A_601, %parallel_loop3A_197 : vector<16xf32>
      %parallel_loop3A_796 = arith.addf %parallel_loop3A_794, %parallel_loop3A_795 : vector<16xf32>
      %parallel_loop3A_797 = arith.subf %parallel_loop3A_609, %parallel_loop3A_796 : vector<16xf32>
      %parallel_loop3A_798 = arith.mulf %parallel_loop3A_586, %parallel_loop3A_189 : vector<16xf32>
      %parallel_loop3A_799 = arith.mulf %parallel_loop3A_594, %parallel_loop3A_193 : vector<16xf32>
      %parallel_loop3A_800 = arith.addf %parallel_loop3A_798, %parallel_loop3A_799 : vector<16xf32>
      %parallel_loop3A_801 = arith.mulf %parallel_loop3A_604, %parallel_loop3A_197 : vector<16xf32>
      %parallel_loop3A_802 = arith.addf %parallel_loop3A_800, %parallel_loop3A_801 : vector<16xf32>
      %parallel_loop3A_803 = arith.subf %parallel_loop3A_613, %parallel_loop3A_802 : vector<16xf32>
      %parallel_loop3A_804 = arith.mulf %parallel_loop3A_480, %parallel_loop3A_189 : vector<16xf32>
      %parallel_loop3A_805 = arith.mulf %parallel_loop3A_598, %parallel_loop3A_193 : vector<16xf32>
      %parallel_loop3A_806 = arith.addf %parallel_loop3A_804, %parallel_loop3A_805 : vector<16xf32>
      %parallel_loop3A_807 = arith.mulf %parallel_loop3A_605, %parallel_loop3A_197 : vector<16xf32>
      %parallel_loop3A_808 = arith.addf %parallel_loop3A_806, %parallel_loop3A_807 : vector<16xf32>
      %parallel_loop3A_809 = arith.subf %parallel_loop3A_617, %parallel_loop3A_808 : vector<16xf32>
      %parallel_loop3A_810 = arith.constant 3 : i32
      %parallel_loop3A_811 = vector.broadcast %parallel_loop3A_810 : i32 to vector<16xi32>
      %parallel_loop3A_812 = arith.muli %parallel_loop3A_811, %parallel_loop3A_317 : vector<16xi32>
      %parallel_loop3A_813 = arith.constant 3 : i32
      %parallel_loop3A_814 = vector.broadcast %parallel_loop3A_813 : i32 to vector<16xi32>
      %parallel_loop3A_815 = arith.addi %parallel_loop3A_814, %parallel_loop3A_812 : vector<16xi32>
      %parallel_loop3A_816 = arith.addi %parallel_loop3A_100, %parallel_loop3A_815 : vector<16xi32>
      tpu.vector_store_idx %arg6[%parallel_loop3A_816], %parallel_loop3A_797 : memref<3456xf32, #tpu.memory_space<vmem>>[vector<16xi32>], vector<16xf32>,
      %parallel_loop3A_817 = arith.constant 1 : i32
      %parallel_loop3A_818 = vector.broadcast %parallel_loop3A_817 : i32 to vector<16xi32>
      %parallel_loop3A_819 = arith.addi %parallel_loop3A_815, %parallel_loop3A_818 : vector<16xi32>
      %parallel_loop3A_820 = arith.addi %parallel_loop3A_100, %parallel_loop3A_819 : vector<16xi32>
      tpu.vector_store_idx %arg6[%parallel_loop3A_820], %parallel_loop3A_803 : memref<3456xf32, #tpu.memory_space<vmem>>[vector<16xi32>], vector<16xf32>,
      %parallel_loop3A_821 = arith.constant 2 : i32
      %parallel_loop3A_822 = vector.broadcast %parallel_loop3A_821 : i32 to vector<16xi32>
      %parallel_loop3A_823 = arith.addi %parallel_loop3A_815, %parallel_loop3A_822 : vector<16xi32>
      %parallel_loop3A_824 = arith.addi %parallel_loop3A_100, %parallel_loop3A_823 : vector<16xi32>
      tpu.vector_store_idx %arg6[%parallel_loop3A_824], %parallel_loop3A_809 : memref<3456xf32, #tpu.memory_space<vmem>>[vector<16xi32>], vector<16xf32>,
      %parallel_loop3A_825 = arith.mulf %parallel_loop3A_582, %parallel_loop3A_206 : vector<16xf32>
      %parallel_loop3A_826 = arith.mulf %parallel_loop3A_591, %parallel_loop3A_210 : vector<16xf32>
      %parallel_loop3A_827 = arith.addf %parallel_loop3A_825, %parallel_loop3A_826 : vector<16xf32>
      %parallel_loop3A_828 = arith.mulf %parallel_loop3A_601, %parallel_loop3A_214 : vector<16xf32>
      %parallel_loop3A_829 = arith.addf %parallel_loop3A_827, %parallel_loop3A_828 : vector<16xf32>
      %parallel_loop3A_830 = arith.subf %parallel_loop3A_609, %parallel_loop3A_829 : vector<16xf32>
      %parallel_loop3A_831 = arith.mulf %parallel_loop3A_586, %parallel_loop3A_206 : vector<16xf32>
      %parallel_loop3A_832 = arith.mulf %parallel_loop3A_594, %parallel_loop3A_210 : vector<16xf32>
      %parallel_loop3A_833 = arith.addf %parallel_loop3A_831, %parallel_loop3A_832 : vector<16xf32>
      %parallel_loop3A_834 = arith.mulf %parallel_loop3A_604, %parallel_loop3A_214 : vector<16xf32>
      %parallel_loop3A_835 = arith.addf %parallel_loop3A_833, %parallel_loop3A_834 : vector<16xf32>
      %parallel_loop3A_836 = arith.subf %parallel_loop3A_613, %parallel_loop3A_835 : vector<16xf32>
      %parallel_loop3A_837 = arith.mulf %parallel_loop3A_480, %parallel_loop3A_206 : vector<16xf32>
      %parallel_loop3A_838 = arith.mulf %parallel_loop3A_598, %parallel_loop3A_210 : vector<16xf32>
      %parallel_loop3A_839 = arith.addf %parallel_loop3A_837, %parallel_loop3A_838 : vector<16xf32>
      %parallel_loop3A_840 = arith.mulf %parallel_loop3A_605, %parallel_loop3A_214 : vector<16xf32>
      %parallel_loop3A_841 = arith.addf %parallel_loop3A_839, %parallel_loop3A_840 : vector<16xf32>
      %parallel_loop3A_842 = arith.subf %parallel_loop3A_617, %parallel_loop3A_841 : vector<16xf32>
      %parallel_loop3A_843 = arith.constant 3 : i32
      %parallel_loop3A_844 = vector.broadcast %parallel_loop3A_843 : i32 to vector<16xi32>
      %parallel_loop3A_845 = arith.muli %parallel_loop3A_844, %parallel_loop3A_316 : vector<16xi32>
      %parallel_loop3A_846 = arith.constant 3 : i32
      %parallel_loop3A_847 = vector.broadcast %parallel_loop3A_846 : i32 to vector<16xi32>
      %parallel_loop3A_848 = arith.addi %parallel_loop3A_847, %parallel_loop3A_845 : vector<16xi32>
      %parallel_loop3A_849 = arith.addi %parallel_loop3A_100, %parallel_loop3A_848 : vector<16xi32>
      tpu.vector_store_idx %arg6[%parallel_loop3A_849], %parallel_loop3A_830 : memref<3456xf32, #tpu.memory_space<vmem>>[vector<16xi32>], vector<16xf32>,
      %parallel_loop3A_850 = arith.constant 1 : i32
      %parallel_loop3A_851 = vector.broadcast %parallel_loop3A_850 : i32 to vector<16xi32>
      %parallel_loop3A_852 = arith.addi %parallel_loop3A_848, %parallel_loop3A_851 : vector<16xi32>
      %parallel_loop3A_853 = arith.addi %parallel_loop3A_100, %parallel_loop3A_852 : vector<16xi32>
      tpu.vector_store_idx %arg6[%parallel_loop3A_853], %parallel_loop3A_836 : memref<3456xf32, #tpu.memory_space<vmem>>[vector<16xi32>], vector<16xf32>,
      %parallel_loop3A_854 = arith.constant 2 : i32
      %parallel_loop3A_855 = vector.broadcast %parallel_loop3A_854 : i32 to vector<16xi32>
      %parallel_loop3A_856 = arith.addi %parallel_loop3A_848, %parallel_loop3A_855 : vector<16xi32>
      %parallel_loop3A_857 = arith.addi %parallel_loop3A_100, %parallel_loop3A_856 : vector<16xi32>
      tpu.vector_store_idx %arg6[%parallel_loop3A_857], %parallel_loop3A_842 : memref<3456xf32, #tpu.memory_space<vmem>>[vector<16xi32>], vector<16xf32>,
      %parallel_loop3A_858 = arith.constant 62 : i32
      %parallel_loop3A_859 = vector.broadcast %parallel_loop3A_858 : i32 to vector<16xi32>
      %parallel_loop3A_860 = arith.addi %parallel_loop3A_97, %parallel_loop3A_859 : vector<16xi32>
      %parallel_loop3A_861 = tpu.vector_load_idx %arg4[%parallel_loop3A_860] : memref<8832xf32, #tpu.memory_space<vmem>>[vector<16xi32>], vector<16xf32>,
      %parallel_loop3A_862 = arith.constant 63 : i32
      %parallel_loop3A_863 = vector.broadcast %parallel_loop3A_862 : i32 to vector<16xi32>
      %parallel_loop3A_864 = arith.addi %parallel_loop3A_97, %parallel_loop3A_863 : vector<16xi32>
      %parallel_loop3A_865 = tpu.vector_load_idx %arg4[%parallel_loop3A_864] : memref<8832xf32, #tpu.memory_space<vmem>>[vector<16xi32>], vector<16xf32>,
      %parallel_loop3A_866 = arith.constant 64 : i32
      %parallel_loop3A_867 = vector.broadcast %parallel_loop3A_866 : i32 to vector<16xi32>
      %parallel_loop3A_868 = arith.addi %parallel_loop3A_97, %parallel_loop3A_867 : vector<16xi32>
      %parallel_loop3A_869 = tpu.vector_load_idx %arg4[%parallel_loop3A_868] : memref<8832xf32, #tpu.memory_space<vmem>>[vector<16xi32>], vector<16xf32>,
      %parallel_loop3A_870 = arith.mulf %parallel_loop3A_582, %parallel_loop3A_861 : vector<16xf32>
      %parallel_loop3A_871 = arith.mulf %parallel_loop3A_591, %parallel_loop3A_865 : vector<16xf32>
      %parallel_loop3A_872 = arith.addf %parallel_loop3A_870, %parallel_loop3A_871 : vector<16xf32>
      %parallel_loop3A_873 = arith.mulf %parallel_loop3A_601, %parallel_loop3A_869 : vector<16xf32>
      %parallel_loop3A_874 = arith.addf %parallel_loop3A_872, %parallel_loop3A_873 : vector<16xf32>
      %parallel_loop3A_875 = arith.subf %parallel_loop3A_609, %parallel_loop3A_874 : vector<16xf32>
      %parallel_loop3A_876 = arith.mulf %parallel_loop3A_586, %parallel_loop3A_861 : vector<16xf32>
      %parallel_loop3A_877 = arith.mulf %parallel_loop3A_594, %parallel_loop3A_865 : vector<16xf32>
      %parallel_loop3A_878 = arith.addf %parallel_loop3A_876, %parallel_loop3A_877 : vector<16xf32>
      %parallel_loop3A_879 = arith.mulf %parallel_loop3A_604, %parallel_loop3A_869 : vector<16xf32>
      %parallel_loop3A_880 = arith.addf %parallel_loop3A_878, %parallel_loop3A_879 : vector<16xf32>
      %parallel_loop3A_881 = arith.subf %parallel_loop3A_613, %parallel_loop3A_880 : vector<16xf32>
      %parallel_loop3A_882 = arith.mulf %parallel_loop3A_480, %parallel_loop3A_861 : vector<16xf32>
      %parallel_loop3A_883 = arith.mulf %parallel_loop3A_598, %parallel_loop3A_865 : vector<16xf32>
      %parallel_loop3A_884 = arith.addf %parallel_loop3A_882, %parallel_loop3A_883 : vector<16xf32>
      %parallel_loop3A_885 = arith.mulf %parallel_loop3A_605, %parallel_loop3A_869 : vector<16xf32>
      %parallel_loop3A_886 = arith.addf %parallel_loop3A_884, %parallel_loop3A_885 : vector<16xf32>
      %parallel_loop3A_887 = arith.subf %parallel_loop3A_617, %parallel_loop3A_886 : vector<16xf32>
      %parallel_loop3A_888 = arith.constant 24 : i32
      %parallel_loop3A_889 = vector.broadcast %parallel_loop3A_888 : i32 to vector<16xi32>
      %parallel_loop3A_890 = arith.addi %parallel_loop3A_100, %parallel_loop3A_889 : vector<16xi32>
      tpu.vector_store_idx %arg6[%parallel_loop3A_890], %parallel_loop3A_875 : memref<3456xf32, #tpu.memory_space<vmem>>[vector<16xi32>], vector<16xf32>,
      %parallel_loop3A_891 = arith.constant 25 : i32
      %parallel_loop3A_892 = vector.broadcast %parallel_loop3A_891 : i32 to vector<16xi32>
      %parallel_loop3A_893 = arith.addi %parallel_loop3A_100, %parallel_loop3A_892 : vector<16xi32>
      tpu.vector_store_idx %arg6[%parallel_loop3A_893], %parallel_loop3A_881 : memref<3456xf32, #tpu.memory_space<vmem>>[vector<16xi32>], vector<16xf32>,
      %parallel_loop3A_894 = arith.constant 26 : i32
      %parallel_loop3A_895 = vector.broadcast %parallel_loop3A_894 : i32 to vector<16xi32>
      %parallel_loop3A_896 = arith.addi %parallel_loop3A_100, %parallel_loop3A_895 : vector<16xi32>
      tpu.vector_store_idx %arg6[%parallel_loop3A_896], %parallel_loop3A_887 : memref<3456xf32, #tpu.memory_space<vmem>>[vector<16xi32>], vector<16xf32>,
    } {sc.loop_unroll_factor = 2 : i64, sc.parallel_access}
    %mul3A_19 = arith.constant 512 : i32
    %mul3A_20 = arith.muli %add3A, %mul3A_19 : i32
    %add3A_21 = arith.constant 0 : i32
    %add3A_22 = arith.addi %mul3A_20, %add3A_21 : i32
    %mul3A_23 = arith.constant 27 : i32
    %mul3A_24 = arith.muli %add3A_22, %mul3A_23 : i32
    %dma_start3A_25 = tpu.memref_slice %arg3[%mul3A_24] : memref<442368xf32, #tpu.memory_space<hbm>> -> memref<3456xf32, #tpu.memory_space<hbm>>
    %dma_start3A_26 = tpu.memref_slice %arg3[%mul3A_24] : memref<442368xf32, #tpu.memory_space<hbm>> -> memref<3456xf32, #tpu.memory_space<hbm>>
    tpu.enqueue_dma source(%arg6 : memref<3456xf32, #tpu.memory_space<vmem>>) target(%dma_start3A_26 : memref<3456xf32, #tpu.memory_space<hbm>>) target_semaphore(%arg10 : memref<!tpu.dma_semaphore, #tpu.memory_space<semaphore_mem>>)
    %mul3A_27 = arith.constant 512 : i32
    %mul3A_28 = arith.muli %add3A, %mul3A_27 : i32
    %add3A_29 = arith.constant 256 : i32
    %add3A_30 = arith.addi %mul3A_28, %add3A_29 : i32
    %mul3A_31 = arith.constant 69 : i32
    %mul3A_32 = arith.muli %add3A_30, %mul3A_31 : i32
    %dma_start3A_33 = tpu.memref_slice %arg2[%mul3A_32] : memref<1130496xf32, #tpu.memory_space<hbm>> -> memref<8832xf32, #tpu.memory_space<hbm>>
    %dma_start3A_34 = tpu.memref_slice %arg2[%mul3A_32] : memref<1130496xf32, #tpu.memory_space<hbm>> -> memref<8832xf32, #tpu.memory_space<hbm>>
    tpu.enqueue_dma source(%dma_start3A_34 : memref<8832xf32, #tpu.memory_space<hbm>>) target(%arg4 : memref<8832xf32, #tpu.memory_space<vmem>>) target_semaphore(%arg8 : memref<!tpu.dma_semaphore, #tpu.memory_space<semaphore_mem>>)
    %dma_wait3A_35 = tpu.memref_slice %arg2[%mul3A_13] : memref<1130496xf32, #tpu.memory_space<hbm>> -> memref<8832xf32, #tpu.memory_space<hbm>>
    %dma_wait3A_36 = tpu.memref_slice %arg2[%mul3A_13] : memref<1130496xf32, #tpu.memory_space<hbm>> -> memref<8832xf32, #tpu.memory_space<hbm>>
    tpu.wait_dma2 semaphore(%arg9 : memref<!tpu.dma_semaphore, #tpu.memory_space<semaphore_mem>>) src(%dma_wait3A_36 : memref<8832xf32, #tpu.memory_space<hbm>>) dst(%arg5 : memref<8832xf32, #tpu.memory_space<vmem>>)
    %parallel_loop3A_37 = arith.constant 0 : i32
    %parallel_loop3A_38 = arith.constant 8 : i32
    %parallel_loop3A_39 = arith.constant 1 : i32
    scf.for %parallel_loop3A_90 = %parallel_loop3A_37 to %parallel_loop3A_38 step %parallel_loop3A_39  : i32 {
      %parallel_loop3A_91 = arith.constant 16 : i32
      %parallel_loop3A_92 = arith.muli %parallel_loop3A_90, %parallel_loop3A_91 : i32
      %parallel_loop3A_93 = vector.broadcast %parallel_loop3A_92 : i32 to vector<16xi32>
      %parallel_loop3A_94 = arith.addi %parallel_loop3A_93, %iota3A : vector<16xi32>
      %parallel_loop3A_95 = arith.constant 69 : i32
      %parallel_loop3A_96 = vector.broadcast %parallel_loop3A_95 : i32 to vector<16xi32>
      %parallel_loop3A_97 = arith.muli %parallel_loop3A_94, %parallel_loop3A_96 : vector<16xi32>
      %parallel_loop3A_98 = arith.constant 27 : i32
      %parallel_loop3A_99 = vector.broadcast %parallel_loop3A_98 : i32 to vector<16xi32>
      %parallel_loop3A_100 = arith.muli %parallel_loop3A_94, %parallel_loop3A_99 : vector<16xi32>
      %parallel_loop3A_101 = arith.constant 13 : i32
      %parallel_loop3A_102 = vector.broadcast %parallel_loop3A_101 : i32 to vector<16xi32>
      %parallel_loop3A_103 = arith.addi %parallel_loop3A_97, %parallel_loop3A_102 : vector<16xi32>
      %parallel_loop3A_104 = tpu.vector_load_idx %arg5[%parallel_loop3A_103] : memref<8832xf32, #tpu.memory_space<vmem>>[vector<16xi32>], vector<16xf32>,
      %parallel_loop3A_105 = arith.constant 14 : i32
      %parallel_loop3A_106 = vector.broadcast %parallel_loop3A_105 : i32 to vector<16xi32>
      %parallel_loop3A_107 = arith.addi %parallel_loop3A_97, %parallel_loop3A_106 : vector<16xi32>
      %parallel_loop3A_108 = tpu.vector_load_idx %arg5[%parallel_loop3A_107] : memref<8832xf32, #tpu.memory_space<vmem>>[vector<16xi32>], vector<16xf32>,
      %parallel_loop3A_109 = arith.constant 15 : i32
      %parallel_loop3A_110 = vector.broadcast %parallel_loop3A_109 : i32 to vector<16xi32>
      %parallel_loop3A_111 = arith.addi %parallel_loop3A_97, %parallel_loop3A_110 : vector<16xi32>
      %parallel_loop3A_112 = tpu.vector_load_idx %arg5[%parallel_loop3A_111] : memref<8832xf32, #tpu.memory_space<vmem>>[vector<16xi32>], vector<16xf32>,
      %parallel_loop3A_113 = arith.mulf %parallel_loop3A_104, %parallel_loop3A_104 : vector<16xf32>
      %parallel_loop3A_114 = arith.mulf %parallel_loop3A_108, %parallel_loop3A_108 : vector<16xf32>
      %parallel_loop3A_115 = arith.addf %parallel_loop3A_113, %parallel_loop3A_114 : vector<16xf32>
      %parallel_loop3A_116 = arith.mulf %parallel_loop3A_112, %parallel_loop3A_112 : vector<16xf32>
      %parallel_loop3A_117 = arith.addf %parallel_loop3A_115, %parallel_loop3A_116 : vector<16xf32>
      %parallel_loop3A_118 = arith.constant 20 : i32
      %parallel_loop3A_119 = vector.broadcast %parallel_loop3A_118 : i32 to vector<16xi32>
      %parallel_loop3A_120 = arith.addi %parallel_loop3A_97, %parallel_loop3A_119 : vector<16xi32>
      %parallel_loop3A_121 = tpu.vector_load_idx %arg5[%parallel_loop3A_120] : memref<8832xf32, #tpu.memory_space<vmem>>[vector<16xi32>], vector<16xf32>,
      %parallel_loop3A_122 = arith.constant 21 : i32
      %parallel_loop3A_123 = vector.broadcast %parallel_loop3A_122 : i32 to vector<16xi32>
      %parallel_loop3A_124 = arith.addi %parallel_loop3A_97, %parallel_loop3A_123 : vector<16xi32>
      %parallel_loop3A_125 = tpu.vector_load_idx %arg5[%parallel_loop3A_124] : memref<8832xf32, #tpu.memory_space<vmem>>[vector<16xi32>], vector<16xf32>,
      %parallel_loop3A_126 = arith.constant 22 : i32
      %parallel_loop3A_127 = vector.broadcast %parallel_loop3A_126 : i32 to vector<16xi32>
      %parallel_loop3A_128 = arith.addi %parallel_loop3A_97, %parallel_loop3A_127 : vector<16xi32>
      %parallel_loop3A_129 = tpu.vector_load_idx %arg5[%parallel_loop3A_128] : memref<8832xf32, #tpu.memory_space<vmem>>[vector<16xi32>], vector<16xf32>,
      %parallel_loop3A_130 = arith.mulf %parallel_loop3A_121, %parallel_loop3A_121 : vector<16xf32>
      %parallel_loop3A_131 = arith.mulf %parallel_loop3A_125, %parallel_loop3A_125 : vector<16xf32>
      %parallel_loop3A_132 = arith.addf %parallel_loop3A_130, %parallel_loop3A_131 : vector<16xf32>
      %parallel_loop3A_133 = arith.mulf %parallel_loop3A_129, %parallel_loop3A_129 : vector<16xf32>
      %parallel_loop3A_134 = arith.addf %parallel_loop3A_132, %parallel_loop3A_133 : vector<16xf32>
      %parallel_loop3A_135 = arith.constant 27 : i32
      %parallel_loop3A_136 = vector.broadcast %parallel_loop3A_135 : i32 to vector<16xi32>
      %parallel_loop3A_137 = arith.addi %parallel_loop3A_97, %parallel_loop3A_136 : vector<16xi32>
      %parallel_loop3A_138 = tpu.vector_load_idx %arg5[%parallel_loop3A_137] : memref<8832xf32, #tpu.memory_space<vmem>>[vector<16xi32>], vector<16xf32>,
      %parallel_loop3A_139 = arith.constant 28 : i32
      %parallel_loop3A_140 = vector.broadcast %parallel_loop3A_139 : i32 to vector<16xi32>
      %parallel_loop3A_141 = arith.addi %parallel_loop3A_97, %parallel_loop3A_140 : vector<16xi32>
      %parallel_loop3A_142 = tpu.vector_load_idx %arg5[%parallel_loop3A_141] : memref<8832xf32, #tpu.memory_space<vmem>>[vector<16xi32>], vector<16xf32>,
      %parallel_loop3A_143 = arith.constant 29 : i32
      %parallel_loop3A_144 = vector.broadcast %parallel_loop3A_143 : i32 to vector<16xi32>
      %parallel_loop3A_145 = arith.addi %parallel_loop3A_97, %parallel_loop3A_144 : vector<16xi32>
      %parallel_loop3A_146 = tpu.vector_load_idx %arg5[%parallel_loop3A_145] : memref<8832xf32, #tpu.memory_space<vmem>>[vector<16xi32>], vector<16xf32>,
      %parallel_loop3A_147 = arith.mulf %parallel_loop3A_138, %parallel_loop3A_138 : vector<16xf32>
      %parallel_loop3A_148 = arith.mulf %parallel_loop3A_142, %parallel_loop3A_142 : vector<16xf32>
      %parallel_loop3A_149 = arith.addf %parallel_loop3A_147, %parallel_loop3A_148 : vector<16xf32>
      %parallel_loop3A_150 = arith.mulf %parallel_loop3A_146, %parallel_loop3A_146 : vector<16xf32>
      %parallel_loop3A_151 = arith.addf %parallel_loop3A_149, %parallel_loop3A_150 : vector<16xf32>
      %parallel_loop3A_152 = arith.constant 34 : i32
      %parallel_loop3A_153 = vector.broadcast %parallel_loop3A_152 : i32 to vector<16xi32>
      %parallel_loop3A_154 = arith.addi %parallel_loop3A_97, %parallel_loop3A_153 : vector<16xi32>
      %parallel_loop3A_155 = tpu.vector_load_idx %arg5[%parallel_loop3A_154] : memref<8832xf32, #tpu.memory_space<vmem>>[vector<16xi32>], vector<16xf32>,
      %parallel_loop3A_156 = arith.constant 35 : i32
      %parallel_loop3A_157 = vector.broadcast %parallel_loop3A_156 : i32 to vector<16xi32>
      %parallel_loop3A_158 = arith.addi %parallel_loop3A_97, %parallel_loop3A_157 : vector<16xi32>
      %parallel_loop3A_159 = tpu.vector_load_idx %arg5[%parallel_loop3A_158] : memref<8832xf32, #tpu.memory_space<vmem>>[vector<16xi32>], vector<16xf32>,
      %parallel_loop3A_160 = arith.constant 36 : i32
      %parallel_loop3A_161 = vector.broadcast %parallel_loop3A_160 : i32 to vector<16xi32>
      %parallel_loop3A_162 = arith.addi %parallel_loop3A_97, %parallel_loop3A_161 : vector<16xi32>
      %parallel_loop3A_163 = tpu.vector_load_idx %arg5[%parallel_loop3A_162] : memref<8832xf32, #tpu.memory_space<vmem>>[vector<16xi32>], vector<16xf32>,
      %parallel_loop3A_164 = arith.mulf %parallel_loop3A_155, %parallel_loop3A_155 : vector<16xf32>
      %parallel_loop3A_165 = arith.mulf %parallel_loop3A_159, %parallel_loop3A_159 : vector<16xf32>
      %parallel_loop3A_166 = arith.addf %parallel_loop3A_164, %parallel_loop3A_165 : vector<16xf32>
      %parallel_loop3A_167 = arith.mulf %parallel_loop3A_163, %parallel_loop3A_163 : vector<16xf32>
      %parallel_loop3A_168 = arith.addf %parallel_loop3A_166, %parallel_loop3A_167 : vector<16xf32>
      %parallel_loop3A_169 = arith.constant 41 : i32
      %parallel_loop3A_170 = vector.broadcast %parallel_loop3A_169 : i32 to vector<16xi32>
      %parallel_loop3A_171 = arith.addi %parallel_loop3A_97, %parallel_loop3A_170 : vector<16xi32>
      %parallel_loop3A_172 = tpu.vector_load_idx %arg5[%parallel_loop3A_171] : memref<8832xf32, #tpu.memory_space<vmem>>[vector<16xi32>], vector<16xf32>,
      %parallel_loop3A_173 = arith.constant 42 : i32
      %parallel_loop3A_174 = vector.broadcast %parallel_loop3A_173 : i32 to vector<16xi32>
      %parallel_loop3A_175 = arith.addi %parallel_loop3A_97, %parallel_loop3A_174 : vector<16xi32>
      %parallel_loop3A_176 = tpu.vector_load_idx %arg5[%parallel_loop3A_175] : memref<8832xf32, #tpu.memory_space<vmem>>[vector<16xi32>], vector<16xf32>,
      %parallel_loop3A_177 = arith.constant 43 : i32
      %parallel_loop3A_178 = vector.broadcast %parallel_loop3A_177 : i32 to vector<16xi32>
      %parallel_loop3A_179 = arith.addi %parallel_loop3A_97, %parallel_loop3A_178 : vector<16xi32>
      %parallel_loop3A_180 = tpu.vector_load_idx %arg5[%parallel_loop3A_179] : memref<8832xf32, #tpu.memory_space<vmem>>[vector<16xi32>], vector<16xf32>,
      %parallel_loop3A_181 = arith.mulf %parallel_loop3A_172, %parallel_loop3A_172 : vector<16xf32>
      %parallel_loop3A_182 = arith.mulf %parallel_loop3A_176, %parallel_loop3A_176 : vector<16xf32>
      %parallel_loop3A_183 = arith.addf %parallel_loop3A_181, %parallel_loop3A_182 : vector<16xf32>
      %parallel_loop3A_184 = arith.mulf %parallel_loop3A_180, %parallel_loop3A_180 : vector<16xf32>
      %parallel_loop3A_185 = arith.addf %parallel_loop3A_183, %parallel_loop3A_184 : vector<16xf32>
      %parallel_loop3A_186 = arith.constant 48 : i32
      %parallel_loop3A_187 = vector.broadcast %parallel_loop3A_186 : i32 to vector<16xi32>
      %parallel_loop3A_188 = arith.addi %parallel_loop3A_97, %parallel_loop3A_187 : vector<16xi32>
      %parallel_loop3A_189 = tpu.vector_load_idx %arg5[%parallel_loop3A_188] : memref<8832xf32, #tpu.memory_space<vmem>>[vector<16xi32>], vector<16xf32>,
      %parallel_loop3A_190 = arith.constant 49 : i32
      %parallel_loop3A_191 = vector.broadcast %parallel_loop3A_190 : i32 to vector<16xi32>
      %parallel_loop3A_192 = arith.addi %parallel_loop3A_97, %parallel_loop3A_191 : vector<16xi32>
      %parallel_loop3A_193 = tpu.vector_load_idx %arg5[%parallel_loop3A_192] : memref<8832xf32, #tpu.memory_space<vmem>>[vector<16xi32>], vector<16xf32>,
      %parallel_loop3A_194 = arith.constant 50 : i32
      %parallel_loop3A_195 = vector.broadcast %parallel_loop3A_194 : i32 to vector<16xi32>
      %parallel_loop3A_196 = arith.addi %parallel_loop3A_97, %parallel_loop3A_195 : vector<16xi32>
      %parallel_loop3A_197 = tpu.vector_load_idx %arg5[%parallel_loop3A_196] : memref<8832xf32, #tpu.memory_space<vmem>>[vector<16xi32>], vector<16xf32>,
      %parallel_loop3A_198 = arith.mulf %parallel_loop3A_189, %parallel_loop3A_189 : vector<16xf32>
      %parallel_loop3A_199 = arith.mulf %parallel_loop3A_193, %parallel_loop3A_193 : vector<16xf32>
      %parallel_loop3A_200 = arith.addf %parallel_loop3A_198, %parallel_loop3A_199 : vector<16xf32>
      %parallel_loop3A_201 = arith.mulf %parallel_loop3A_197, %parallel_loop3A_197 : vector<16xf32>
      %parallel_loop3A_202 = arith.addf %parallel_loop3A_200, %parallel_loop3A_201 : vector<16xf32>
      %parallel_loop3A_203 = arith.constant 55 : i32
      %parallel_loop3A_204 = vector.broadcast %parallel_loop3A_203 : i32 to vector<16xi32>
      %parallel_loop3A_205 = arith.addi %parallel_loop3A_97, %parallel_loop3A_204 : vector<16xi32>
      %parallel_loop3A_206 = tpu.vector_load_idx %arg5[%parallel_loop3A_205] : memref<8832xf32, #tpu.memory_space<vmem>>[vector<16xi32>], vector<16xf32>,
      %parallel_loop3A_207 = arith.constant 56 : i32
      %parallel_loop3A_208 = vector.broadcast %parallel_loop3A_207 : i32 to vector<16xi32>
      %parallel_loop3A_209 = arith.addi %parallel_loop3A_97, %parallel_loop3A_208 : vector<16xi32>
      %parallel_loop3A_210 = tpu.vector_load_idx %arg5[%parallel_loop3A_209] : memref<8832xf32, #tpu.memory_space<vmem>>[vector<16xi32>], vector<16xf32>,
      %parallel_loop3A_211 = arith.constant 57 : i32
      %parallel_loop3A_212 = vector.broadcast %parallel_loop3A_211 : i32 to vector<16xi32>
      %parallel_loop3A_213 = arith.addi %parallel_loop3A_97, %parallel_loop3A_212 : vector<16xi32>
      %parallel_loop3A_214 = tpu.vector_load_idx %arg5[%parallel_loop3A_213] : memref<8832xf32, #tpu.memory_space<vmem>>[vector<16xi32>], vector<16xf32>,
      %parallel_loop3A_215 = arith.mulf %parallel_loop3A_206, %parallel_loop3A_206 : vector<16xf32>
      %parallel_loop3A_216 = arith.mulf %parallel_loop3A_210, %parallel_loop3A_210 : vector<16xf32>
      %parallel_loop3A_217 = arith.addf %parallel_loop3A_215, %parallel_loop3A_216 : vector<16xf32>
      %parallel_loop3A_218 = arith.mulf %parallel_loop3A_214, %parallel_loop3A_214 : vector<16xf32>
      %parallel_loop3A_219 = arith.addf %parallel_loop3A_217, %parallel_loop3A_218 : vector<16xf32>
      %parallel_loop3A_220 = arith.constant 6 : i32
      %parallel_loop3A_221 = vector.broadcast %parallel_loop3A_220 : i32 to vector<16xi32>
      %parallel_loop3A_222 = arith.constant 5 : i32
      %parallel_loop3A_223 = vector.broadcast %parallel_loop3A_222 : i32 to vector<16xi32>
      %parallel_loop3A_224 = arith.constant 4 : i32
      %parallel_loop3A_225 = vector.broadcast %parallel_loop3A_224 : i32 to vector<16xi32>
      %parallel_loop3A_226 = arith.constant 3 : i32
      %parallel_loop3A_227 = vector.broadcast %parallel_loop3A_226 : i32 to vector<16xi32>
      %parallel_loop3A_228 = arith.constant 2 : i32
      %parallel_loop3A_229 = vector.broadcast %parallel_loop3A_228 : i32 to vector<16xi32>
      %parallel_loop3A_230 = arith.constant 1 : i32
      %parallel_loop3A_231 = vector.broadcast %parallel_loop3A_230 : i32 to vector<16xi32>
      %parallel_loop3A_232 = arith.constant 0 : i32
      %parallel_loop3A_233 = vector.broadcast %parallel_loop3A_232 : i32 to vector<16xi32>
      %parallel_loop3A_234 = arith.cmpf ole, %parallel_loop3A_117, %parallel_loop3A_134 : vector<16xf32>
      %parallel_loop3A_235 = arith.extui %parallel_loop3A_234 : vector<16xi1> to vector<16xi32>
      %parallel_loop3A_236 = arith.addi %parallel_loop3A_223, %parallel_loop3A_235 : vector<16xi32>
      %parallel_loop3A_237 = arith.subi %parallel_loop3A_221, %parallel_loop3A_235 : vector<16xi32>
      %parallel_loop3A_238 = arith.cmpf ole, %parallel_loop3A_117, %parallel_loop3A_151 : vector<16xf32>
      %parallel_loop3A_239 = arith.extui %parallel_loop3A_238 : vector<16xi1> to vector<16xi32>
      %parallel_loop3A_240 = arith.addi %parallel_loop3A_225, %parallel_loop3A_239 : vector<16xi32>
      %parallel_loop3A_241 = arith.subi %parallel_loop3A_237, %parallel_loop3A_239 : vector<16xi32>
      %parallel_loop3A_242 = arith.cmpf ole, %parallel_loop3A_117, %parallel_loop3A_168 : vector<16xf32>
      %parallel_loop3A_243 = arith.extui %parallel_loop3A_242 : vector<16xi1> to vector<16xi32>
      %parallel_loop3A_244 = arith.addi %parallel_loop3A_227, %parallel_loop3A_243 : vector<16xi32>
      %parallel_loop3A_245 = arith.subi %parallel_loop3A_241, %parallel_loop3A_243 : vector<16xi32>
      %parallel_loop3A_246 = arith.cmpf ole, %parallel_loop3A_117, %parallel_loop3A_185 : vector<16xf32>
      %parallel_loop3A_247 = arith.extui %parallel_loop3A_246 : vector<16xi1> to vector<16xi32>
      %parallel_loop3A_248 = arith.addi %parallel_loop3A_229, %parallel_loop3A_247 : vector<16xi32>
      %parallel_loop3A_249 = arith.subi %parallel_loop3A_245, %parallel_loop3A_247 : vector<16xi32>
      %parallel_loop3A_250 = arith.cmpf ole, %parallel_loop3A_117, %parallel_loop3A_202 : vector<16xf32>
      %parallel_loop3A_251 = arith.extui %parallel_loop3A_250 : vector<16xi1> to vector<16xi32>
      %parallel_loop3A_252 = arith.addi %parallel_loop3A_231, %parallel_loop3A_251 : vector<16xi32>
      %parallel_loop3A_253 = arith.subi %parallel_loop3A_249, %parallel_loop3A_251 : vector<16xi32>
      %parallel_loop3A_254 = arith.cmpf ole, %parallel_loop3A_117, %parallel_loop3A_219 : vector<16xf32>
      %parallel_loop3A_255 = arith.extui %parallel_loop3A_254 : vector<16xi1> to vector<16xi32>
      %parallel_loop3A_256 = arith.addi %parallel_loop3A_233, %parallel_loop3A_255 : vector<16xi32>
      %parallel_loop3A_257 = arith.subi %parallel_loop3A_253, %parallel_loop3A_255 : vector<16xi32>
      %parallel_loop3A_258 = arith.cmpf ole, %parallel_loop3A_134, %parallel_loop3A_151 : vector<16xf32>
      %parallel_loop3A_259 = arith.extui %parallel_loop3A_258 : vector<16xi1> to vector<16xi32>
      %parallel_loop3A_260 = arith.addi %parallel_loop3A_240, %parallel_loop3A_259 : vector<16xi32>
      %parallel_loop3A_261 = arith.subi %parallel_loop3A_236, %parallel_loop3A_259 : vector<16xi32>
      %parallel_loop3A_262 = arith.cmpf ole, %parallel_loop3A_134, %parallel_loop3A_168 : vector<16xf32>
      %parallel_loop3A_263 = arith.extui %parallel_loop3A_262 : vector<16xi1> to vector<16xi32>
      %parallel_loop3A_264 = arith.addi %parallel_loop3A_244, %parallel_loop3A_263 : vector<16xi32>
      %parallel_loop3A_265 = arith.subi %parallel_loop3A_261, %parallel_loop3A_263 : vector<16xi32>
      %parallel_loop3A_266 = arith.cmpf ole, %parallel_loop3A_134, %parallel_loop3A_185 : vector<16xf32>
      %parallel_loop3A_267 = arith.extui %parallel_loop3A_266 : vector<16xi1> to vector<16xi32>
      %parallel_loop3A_268 = arith.addi %parallel_loop3A_248, %parallel_loop3A_267 : vector<16xi32>
      %parallel_loop3A_269 = arith.subi %parallel_loop3A_265, %parallel_loop3A_267 : vector<16xi32>
      %parallel_loop3A_270 = arith.cmpf ole, %parallel_loop3A_134, %parallel_loop3A_202 : vector<16xf32>
      %parallel_loop3A_271 = arith.extui %parallel_loop3A_270 : vector<16xi1> to vector<16xi32>
      %parallel_loop3A_272 = arith.addi %parallel_loop3A_252, %parallel_loop3A_271 : vector<16xi32>
      %parallel_loop3A_273 = arith.subi %parallel_loop3A_269, %parallel_loop3A_271 : vector<16xi32>
      %parallel_loop3A_274 = arith.cmpf ole, %parallel_loop3A_134, %parallel_loop3A_219 : vector<16xf32>
      %parallel_loop3A_275 = arith.extui %parallel_loop3A_274 : vector<16xi1> to vector<16xi32>
      %parallel_loop3A_276 = arith.addi %parallel_loop3A_256, %parallel_loop3A_275 : vector<16xi32>
      %parallel_loop3A_277 = arith.subi %parallel_loop3A_273, %parallel_loop3A_275 : vector<16xi32>
      %parallel_loop3A_278 = arith.cmpf ole, %parallel_loop3A_151, %parallel_loop3A_168 : vector<16xf32>
      %parallel_loop3A_279 = arith.extui %parallel_loop3A_278 : vector<16xi1> to vector<16xi32>
      %parallel_loop3A_280 = arith.addi %parallel_loop3A_264, %parallel_loop3A_279 : vector<16xi32>
      %parallel_loop3A_281 = arith.subi %parallel_loop3A_260, %parallel_loop3A_279 : vector<16xi32>
      %parallel_loop3A_282 = arith.cmpf ole, %parallel_loop3A_151, %parallel_loop3A_185 : vector<16xf32>
      %parallel_loop3A_283 = arith.extui %parallel_loop3A_282 : vector<16xi1> to vector<16xi32>
      %parallel_loop3A_284 = arith.addi %parallel_loop3A_268, %parallel_loop3A_283 : vector<16xi32>
      %parallel_loop3A_285 = arith.subi %parallel_loop3A_281, %parallel_loop3A_283 : vector<16xi32>
      %parallel_loop3A_286 = arith.cmpf ole, %parallel_loop3A_151, %parallel_loop3A_202 : vector<16xf32>
      %parallel_loop3A_287 = arith.extui %parallel_loop3A_286 : vector<16xi1> to vector<16xi32>
      %parallel_loop3A_288 = arith.addi %parallel_loop3A_272, %parallel_loop3A_287 : vector<16xi32>
      %parallel_loop3A_289 = arith.subi %parallel_loop3A_285, %parallel_loop3A_287 : vector<16xi32>
      %parallel_loop3A_290 = arith.cmpf ole, %parallel_loop3A_151, %parallel_loop3A_219 : vector<16xf32>
      %parallel_loop3A_291 = arith.extui %parallel_loop3A_290 : vector<16xi1> to vector<16xi32>
      %parallel_loop3A_292 = arith.addi %parallel_loop3A_276, %parallel_loop3A_291 : vector<16xi32>
      %parallel_loop3A_293 = arith.subi %parallel_loop3A_289, %parallel_loop3A_291 : vector<16xi32>
      %parallel_loop3A_294 = arith.cmpf ole, %parallel_loop3A_168, %parallel_loop3A_185 : vector<16xf32>
      %parallel_loop3A_295 = arith.extui %parallel_loop3A_294 : vector<16xi1> to vector<16xi32>
      %parallel_loop3A_296 = arith.addi %parallel_loop3A_284, %parallel_loop3A_295 : vector<16xi32>
      %parallel_loop3A_297 = arith.subi %parallel_loop3A_280, %parallel_loop3A_295 : vector<16xi32>
      %parallel_loop3A_298 = arith.cmpf ole, %parallel_loop3A_168, %parallel_loop3A_202 : vector<16xf32>
      %parallel_loop3A_299 = arith.extui %parallel_loop3A_298 : vector<16xi1> to vector<16xi32>
      %parallel_loop3A_300 = arith.addi %parallel_loop3A_288, %parallel_loop3A_299 : vector<16xi32>
      %parallel_loop3A_301 = arith.subi %parallel_loop3A_297, %parallel_loop3A_299 : vector<16xi32>
      %parallel_loop3A_302 = arith.cmpf ole, %parallel_loop3A_168, %parallel_loop3A_219 : vector<16xf32>
      %parallel_loop3A_303 = arith.extui %parallel_loop3A_302 : vector<16xi1> to vector<16xi32>
      %parallel_loop3A_304 = arith.addi %parallel_loop3A_292, %parallel_loop3A_303 : vector<16xi32>
      %parallel_loop3A_305 = arith.subi %parallel_loop3A_301, %parallel_loop3A_303 : vector<16xi32>
      %parallel_loop3A_306 = arith.cmpf ole, %parallel_loop3A_185, %parallel_loop3A_202 : vector<16xf32>
      %parallel_loop3A_307 = arith.extui %parallel_loop3A_306 : vector<16xi1> to vector<16xi32>
      %parallel_loop3A_308 = arith.addi %parallel_loop3A_300, %parallel_loop3A_307 : vector<16xi32>
      %parallel_loop3A_309 = arith.subi %parallel_loop3A_296, %parallel_loop3A_307 : vector<16xi32>
      %parallel_loop3A_310 = arith.cmpf ole, %parallel_loop3A_185, %parallel_loop3A_219 : vector<16xf32>
      %parallel_loop3A_311 = arith.extui %parallel_loop3A_310 : vector<16xi1> to vector<16xi32>
      %parallel_loop3A_312 = arith.addi %parallel_loop3A_304, %parallel_loop3A_311 : vector<16xi32>
      %parallel_loop3A_313 = arith.subi %parallel_loop3A_309, %parallel_loop3A_311 : vector<16xi32>
      %parallel_loop3A_314 = arith.cmpf ole, %parallel_loop3A_202, %parallel_loop3A_219 : vector<16xf32>
      %parallel_loop3A_315 = arith.extui %parallel_loop3A_314 : vector<16xi1> to vector<16xi32>
      %parallel_loop3A_316 = arith.addi %parallel_loop3A_312, %parallel_loop3A_315 : vector<16xi32>
      %parallel_loop3A_317 = arith.subi %parallel_loop3A_308, %parallel_loop3A_315 : vector<16xi32>
      %parallel_loop3A_318 = arith.constant 3 : i32
      %parallel_loop3A_319 = vector.broadcast %parallel_loop3A_318 : i32 to vector<16xi32>
      %parallel_loop3A_320 = arith.addi %parallel_loop3A_97, %parallel_loop3A_319 : vector<16xi32>
      %parallel_loop3A_321 = tpu.vector_load_idx %arg5[%parallel_loop3A_320] : memref<8832xf32, #tpu.memory_space<vmem>>[vector<16xi32>], vector<16xf32>,
      %parallel_loop3A_322 = arith.constant 0.636619746 : f32
      %parallel_loop3A_323 = vector.broadcast %parallel_loop3A_322 : f32 to vector<16xf32>
      %parallel_loop3A_324 = arith.mulf %parallel_loop3A_321, %parallel_loop3A_323 : vector<16xf32>
      %parallel_loop3A_325 = arith.constant 0x4B400000 : f32
      %parallel_loop3A_326 = vector.broadcast %parallel_loop3A_325 : f32 to vector<16xf32>
      %parallel_loop3A_327 = arith.addf %parallel_loop3A_324, %parallel_loop3A_326 : vector<16xf32>
      %parallel_loop3A_328 = arith.constant 0x4B400000 : f32
      %parallel_loop3A_329 = vector.broadcast %parallel_loop3A_328 : f32 to vector<16xf32>
      %parallel_loop3A_330 = arith.subf %parallel_loop3A_327, %parallel_loop3A_329 : vector<16xf32>
      %parallel_loop3A_331 = arith.constant 1.57080078 : f32
      %parallel_loop3A_332 = vector.broadcast %parallel_loop3A_331 : f32 to vector<16xf32>
      %parallel_loop3A_333 = arith.mulf %parallel_loop3A_330, %parallel_loop3A_332 : vector<16xf32>
      %parallel_loop3A_334 = arith.subf %parallel_loop3A_321, %parallel_loop3A_333 : vector<16xf32>
      %parallel_loop3A_335 = arith.constant -4.45445494E-6 : f32
      %parallel_loop3A_336 = vector.broadcast %parallel_loop3A_335 : f32 to vector<16xf32>
      %parallel_loop3A_337 = arith.mulf %parallel_loop3A_330, %parallel_loop3A_336 : vector<16xf32>
      %parallel_loop3A_338 = arith.subf %parallel_loop3A_334, %parallel_loop3A_337 : vector<16xf32>
      %parallel_loop3A_339 = arith.fptosi %parallel_loop3A_330 : vector<16xf32> to vector<16xi32>
      %parallel_loop3A_340 = arith.mulf %parallel_loop3A_338, %parallel_loop3A_338 : vector<16xf32>
      %parallel_loop3A_341 = arith.mulf %parallel_loop3A_338, %parallel_loop3A_340 : vector<16xf32>
      %parallel_loop3A_342 = arith.constant -1.95152956E-4 : f32
      %parallel_loop3A_343 = vector.broadcast %parallel_loop3A_342 : f32 to vector<16xf32>
      %parallel_loop3A_344 = arith.mulf %parallel_loop3A_340, %parallel_loop3A_343 : vector<16xf32>
      %parallel_loop3A_345 = arith.constant 0.00833216123 : f32
      %parallel_loop3A_346 = vector.broadcast %parallel_loop3A_345 : f32 to vector<16xf32>
      %parallel_loop3A_347 = arith.addf %parallel_loop3A_346, %parallel_loop3A_344 : vector<16xf32>
      %parallel_loop3A_348 = arith.mulf %parallel_loop3A_340, %parallel_loop3A_347 : vector<16xf32>
      %parallel_loop3A_349 = arith.constant -0.166666552 : f32
      %parallel_loop3A_350 = vector.broadcast %parallel_loop3A_349 : f32 to vector<16xf32>
      %parallel_loop3A_351 = arith.addf %parallel_loop3A_350, %parallel_loop3A_348 : vector<16xf32>
      %parallel_loop3A_352 = arith.mulf %parallel_loop3A_341, %parallel_loop3A_351 : vector<16xf32>
      %parallel_loop3A_353 = arith.addf %parallel_loop3A_338, %parallel_loop3A_352 : vector<16xf32>
      %parallel_loop3A_354 = arith.constant 2.44331568E-5 : f32
      %parallel_loop3A_355 = vector.broadcast %parallel_loop3A_354 : f32 to vector<16xf32>
      %parallel_loop3A_356 = arith.mulf %parallel_loop3A_340, %parallel_loop3A_355 : vector<16xf32>
      %parallel_loop3A_357 = arith.constant -0.00138873165 : f32
      %parallel_loop3A_358 = vector.broadcast %parallel_loop3A_357 : f32 to vector<16xf32>
      %parallel_loop3A_359 = arith.addf %parallel_loop3A_358, %parallel_loop3A_356 : vector<16xf32>
      %parallel_loop3A_360 = arith.mulf %parallel_loop3A_340, %parallel_loop3A_359 : vector<16xf32>
      %parallel_loop3A_361 = arith.constant 0.0416666456 : f32
      %parallel_loop3A_362 = vector.broadcast %parallel_loop3A_361 : f32 to vector<16xf32>
      %parallel_loop3A_363 = arith.addf %parallel_loop3A_362, %parallel_loop3A_360 : vector<16xf32>
      %parallel_loop3A_364 = arith.mulf %parallel_loop3A_340, %parallel_loop3A_363 : vector<16xf32>
      %parallel_loop3A_365 = arith.constant -5.000000e-01 : f32
      %parallel_loop3A_366 = vector.broadcast %parallel_loop3A_365 : f32 to vector<16xf32>
      %parallel_loop3A_367 = arith.addf %parallel_loop3A_366, %parallel_loop3A_364 : vector<16xf32>
      %parallel_loop3A_368 = arith.mulf %parallel_loop3A_340, %parallel_loop3A_367 : vector<16xf32>
      %parallel_loop3A_369 = arith.constant 1.000000e+00 : f32
      %parallel_loop3A_370 = vector.broadcast %parallel_loop3A_369 : f32 to vector<16xf32>
      %parallel_loop3A_371 = arith.addf %parallel_loop3A_370, %parallel_loop3A_368 : vector<16xf32>
      %parallel_loop3A_372 = arith.constant 3 : i32
      %parallel_loop3A_373 = vector.broadcast %parallel_loop3A_372 : i32 to vector<16xi32>
      %parallel_loop3A_374 = arith.andi %parallel_loop3A_339, %parallel_loop3A_373 : vector<16xi32>
      %parallel_loop3A_375 = arith.constant 1 : i32
      %parallel_loop3A_376 = vector.broadcast %parallel_loop3A_375 : i32 to vector<16xi32>
      %parallel_loop3A_377 = arith.andi %parallel_loop3A_374, %parallel_loop3A_376 : vector<16xi32>
      %parallel_loop3A_378 = arith.constant 1 : i32
      %parallel_loop3A_379 = vector.broadcast %parallel_loop3A_378 : i32 to vector<16xi32>
      %parallel_loop3A_380 = arith.cmpi eq, %parallel_loop3A_377, %parallel_loop3A_379 : vector<16xi32>
      %parallel_loop3A_381 = arith.select %parallel_loop3A_380, %parallel_loop3A_371, %parallel_loop3A_353 : vector<16xi1>, vector<16xf32>
      %parallel_loop3A_382 = arith.select %parallel_loop3A_380, %parallel_loop3A_353, %parallel_loop3A_371 : vector<16xi1>, vector<16xf32>
      %parallel_loop3A_383 = arith.constant 2 : i32
      %parallel_loop3A_384 = vector.broadcast %parallel_loop3A_383 : i32 to vector<16xi32>
      %parallel_loop3A_385 = arith.andi %parallel_loop3A_374, %parallel_loop3A_384 : vector<16xi32>
      %parallel_loop3A_386 = arith.constant 2 : i32
      %parallel_loop3A_387 = vector.broadcast %parallel_loop3A_386 : i32 to vector<16xi32>
      %parallel_loop3A_388 = arith.cmpi eq, %parallel_loop3A_385, %parallel_loop3A_387 : vector<16xi32>
      %parallel_loop3A_389 = arith.constant 0.000000e+00 : f32
      %parallel_loop3A_390 = vector.broadcast %parallel_loop3A_389 : f32 to vector<16xf32>
      %parallel_loop3A_391 = arith.subf %parallel_loop3A_390, %parallel_loop3A_381 : vector<16xf32>
      %parallel_loop3A_392 = arith.select %parallel_loop3A_388, %parallel_loop3A_391, %parallel_loop3A_381 : vector<16xi1>, vector<16xf32>
      %parallel_loop3A_393 = arith.constant 1 : i32
      %parallel_loop3A_394 = vector.broadcast %parallel_loop3A_393 : i32 to vector<16xi32>
      %parallel_loop3A_395 = arith.addi %parallel_loop3A_374, %parallel_loop3A_394 : vector<16xi32>
      %parallel_loop3A_396 = arith.constant 2 : i32
      %parallel_loop3A_397 = vector.broadcast %parallel_loop3A_396 : i32 to vector<16xi32>
      %parallel_loop3A_398 = arith.andi %parallel_loop3A_395, %parallel_loop3A_397 : vector<16xi32>
      %parallel_loop3A_399 = arith.constant 2 : i32
      %parallel_loop3A_400 = vector.broadcast %parallel_loop3A_399 : i32 to vector<16xi32>
      %parallel_loop3A_401 = arith.cmpi eq, %parallel_loop3A_398, %parallel_loop3A_400 : vector<16xi32>
      %parallel_loop3A_402 = arith.constant 0.000000e+00 : f32
      %parallel_loop3A_403 = vector.broadcast %parallel_loop3A_402 : f32 to vector<16xf32>
      %parallel_loop3A_404 = arith.subf %parallel_loop3A_403, %parallel_loop3A_382 : vector<16xf32>
      %parallel_loop3A_405 = arith.select %parallel_loop3A_401, %parallel_loop3A_404, %parallel_loop3A_382 : vector<16xi1>, vector<16xf32>
      %parallel_loop3A_406 = arith.constant 4 : i32
      %parallel_loop3A_407 = vector.broadcast %parallel_loop3A_406 : i32 to vector<16xi32>
      %parallel_loop3A_408 = arith.addi %parallel_loop3A_97, %parallel_loop3A_407 : vector<16xi32>
      %parallel_loop3A_409 = tpu.vector_load_idx %arg5[%parallel_loop3A_408] : memref<8832xf32, #tpu.memory_space<vmem>>[vector<16xi32>], vector<16xf32>,
      %parallel_loop3A_410 = arith.constant 0.636619746 : f32
      %parallel_loop3A_411 = vector.broadcast %parallel_loop3A_410 : f32 to vector<16xf32>
      %parallel_loop3A_412 = arith.mulf %parallel_loop3A_409, %parallel_loop3A_411 : vector<16xf32>
      %parallel_loop3A_413 = arith.constant 0x4B400000 : f32
      %parallel_loop3A_414 = vector.broadcast %parallel_loop3A_413 : f32 to vector<16xf32>
      %parallel_loop3A_415 = arith.addf %parallel_loop3A_412, %parallel_loop3A_414 : vector<16xf32>
      %parallel_loop3A_416 = arith.constant 0x4B400000 : f32
      %parallel_loop3A_417 = vector.broadcast %parallel_loop3A_416 : f32 to vector<16xf32>
      %parallel_loop3A_418 = arith.subf %parallel_loop3A_415, %parallel_loop3A_417 : vector<16xf32>
      %parallel_loop3A_419 = arith.constant 1.57080078 : f32
      %parallel_loop3A_420 = vector.broadcast %parallel_loop3A_419 : f32 to vector<16xf32>
      %parallel_loop3A_421 = arith.mulf %parallel_loop3A_418, %parallel_loop3A_420 : vector<16xf32>
      %parallel_loop3A_422 = arith.subf %parallel_loop3A_409, %parallel_loop3A_421 : vector<16xf32>
      %parallel_loop3A_423 = arith.constant -4.45445494E-6 : f32
      %parallel_loop3A_424 = vector.broadcast %parallel_loop3A_423 : f32 to vector<16xf32>
      %parallel_loop3A_425 = arith.mulf %parallel_loop3A_418, %parallel_loop3A_424 : vector<16xf32>
      %parallel_loop3A_426 = arith.subf %parallel_loop3A_422, %parallel_loop3A_425 : vector<16xf32>
      %parallel_loop3A_427 = arith.fptosi %parallel_loop3A_418 : vector<16xf32> to vector<16xi32>
      %parallel_loop3A_428 = arith.mulf %parallel_loop3A_426, %parallel_loop3A_426 : vector<16xf32>
      %parallel_loop3A_429 = arith.mulf %parallel_loop3A_426, %parallel_loop3A_428 : vector<16xf32>
      %parallel_loop3A_430 = arith.constant -1.95152956E-4 : f32
      %parallel_loop3A_431 = vector.broadcast %parallel_loop3A_430 : f32 to vector<16xf32>
      %parallel_loop3A_432 = arith.mulf %parallel_loop3A_428, %parallel_loop3A_431 : vector<16xf32>
      %parallel_loop3A_433 = arith.constant 0.00833216123 : f32
      %parallel_loop3A_434 = vector.broadcast %parallel_loop3A_433 : f32 to vector<16xf32>
      %parallel_loop3A_435 = arith.addf %parallel_loop3A_434, %parallel_loop3A_432 : vector<16xf32>
      %parallel_loop3A_436 = arith.mulf %parallel_loop3A_428, %parallel_loop3A_435 : vector<16xf32>
      %parallel_loop3A_437 = arith.constant -0.166666552 : f32
      %parallel_loop3A_438 = vector.broadcast %parallel_loop3A_437 : f32 to vector<16xf32>
      %parallel_loop3A_439 = arith.addf %parallel_loop3A_438, %parallel_loop3A_436 : vector<16xf32>
      %parallel_loop3A_440 = arith.mulf %parallel_loop3A_429, %parallel_loop3A_439 : vector<16xf32>
      %parallel_loop3A_441 = arith.addf %parallel_loop3A_426, %parallel_loop3A_440 : vector<16xf32>
      %parallel_loop3A_442 = arith.constant 2.44331568E-5 : f32
      %parallel_loop3A_443 = vector.broadcast %parallel_loop3A_442 : f32 to vector<16xf32>
      %parallel_loop3A_444 = arith.mulf %parallel_loop3A_428, %parallel_loop3A_443 : vector<16xf32>
      %parallel_loop3A_445 = arith.constant -0.00138873165 : f32
      %parallel_loop3A_446 = vector.broadcast %parallel_loop3A_445 : f32 to vector<16xf32>
      %parallel_loop3A_447 = arith.addf %parallel_loop3A_446, %parallel_loop3A_444 : vector<16xf32>
      %parallel_loop3A_448 = arith.mulf %parallel_loop3A_428, %parallel_loop3A_447 : vector<16xf32>
      %parallel_loop3A_449 = arith.constant 0.0416666456 : f32
      %parallel_loop3A_450 = vector.broadcast %parallel_loop3A_449 : f32 to vector<16xf32>
      %parallel_loop3A_451 = arith.addf %parallel_loop3A_450, %parallel_loop3A_448 : vector<16xf32>
      %parallel_loop3A_452 = arith.mulf %parallel_loop3A_428, %parallel_loop3A_451 : vector<16xf32>
      %parallel_loop3A_453 = arith.constant -5.000000e-01 : f32
      %parallel_loop3A_454 = vector.broadcast %parallel_loop3A_453 : f32 to vector<16xf32>
      %parallel_loop3A_455 = arith.addf %parallel_loop3A_454, %parallel_loop3A_452 : vector<16xf32>
      %parallel_loop3A_456 = arith.mulf %parallel_loop3A_428, %parallel_loop3A_455 : vector<16xf32>
      %parallel_loop3A_457 = arith.constant 1.000000e+00 : f32
      %parallel_loop3A_458 = vector.broadcast %parallel_loop3A_457 : f32 to vector<16xf32>
      %parallel_loop3A_459 = arith.addf %parallel_loop3A_458, %parallel_loop3A_456 : vector<16xf32>
      %parallel_loop3A_460 = arith.constant 3 : i32
      %parallel_loop3A_461 = vector.broadcast %parallel_loop3A_460 : i32 to vector<16xi32>
      %parallel_loop3A_462 = arith.andi %parallel_loop3A_427, %parallel_loop3A_461 : vector<16xi32>
      %parallel_loop3A_463 = arith.constant 1 : i32
      %parallel_loop3A_464 = vector.broadcast %parallel_loop3A_463 : i32 to vector<16xi32>
      %parallel_loop3A_465 = arith.andi %parallel_loop3A_462, %parallel_loop3A_464 : vector<16xi32>
      %parallel_loop3A_466 = arith.constant 1 : i32
      %parallel_loop3A_467 = vector.broadcast %parallel_loop3A_466 : i32 to vector<16xi32>
      %parallel_loop3A_468 = arith.cmpi eq, %parallel_loop3A_465, %parallel_loop3A_467 : vector<16xi32>
      %parallel_loop3A_469 = arith.select %parallel_loop3A_468, %parallel_loop3A_459, %parallel_loop3A_441 : vector<16xi1>, vector<16xf32>
      %parallel_loop3A_470 = arith.select %parallel_loop3A_468, %parallel_loop3A_441, %parallel_loop3A_459 : vector<16xi1>, vector<16xf32>
      %parallel_loop3A_471 = arith.constant 2 : i32
      %parallel_loop3A_472 = vector.broadcast %parallel_loop3A_471 : i32 to vector<16xi32>
      %parallel_loop3A_473 = arith.andi %parallel_loop3A_462, %parallel_loop3A_472 : vector<16xi32>
      %parallel_loop3A_474 = arith.constant 2 : i32
      %parallel_loop3A_475 = vector.broadcast %parallel_loop3A_474 : i32 to vector<16xi32>
      %parallel_loop3A_476 = arith.cmpi eq, %parallel_loop3A_473, %parallel_loop3A_475 : vector<16xi32>
      %parallel_loop3A_477 = arith.constant 0.000000e+00 : f32
      %parallel_loop3A_478 = vector.broadcast %parallel_loop3A_477 : f32 to vector<16xf32>
      %parallel_loop3A_479 = arith.subf %parallel_loop3A_478, %parallel_loop3A_469 : vector<16xf32>
      %parallel_loop3A_480 = arith.select %parallel_loop3A_476, %parallel_loop3A_479, %parallel_loop3A_469 : vector<16xi1>, vector<16xf32>
      %parallel_loop3A_481 = arith.constant 1 : i32
      %parallel_loop3A_482 = vector.broadcast %parallel_loop3A_481 : i32 to vector<16xi32>
      %parallel_loop3A_483 = arith.addi %parallel_loop3A_462, %parallel_loop3A_482 : vector<16xi32>
      %parallel_loop3A_484 = arith.constant 2 : i32
      %parallel_loop3A_485 = vector.broadcast %parallel_loop3A_484 : i32 to vector<16xi32>
      %parallel_loop3A_486 = arith.andi %parallel_loop3A_483, %parallel_loop3A_485 : vector<16xi32>
      %parallel_loop3A_487 = arith.constant 2 : i32
      %parallel_loop3A_488 = vector.broadcast %parallel_loop3A_487 : i32 to vector<16xi32>
      %parallel_loop3A_489 = arith.cmpi eq, %parallel_loop3A_486, %parallel_loop3A_488 : vector<16xi32>
      %parallel_loop3A_490 = arith.constant 0.000000e+00 : f32
      %parallel_loop3A_491 = vector.broadcast %parallel_loop3A_490 : f32 to vector<16xf32>
      %parallel_loop3A_492 = arith.subf %parallel_loop3A_491, %parallel_loop3A_470 : vector<16xf32>
      %parallel_loop3A_493 = arith.select %parallel_loop3A_489, %parallel_loop3A_492, %parallel_loop3A_470 : vector<16xi1>, vector<16xf32>
      %parallel_loop3A_494 = arith.constant 5 : i32
      %parallel_loop3A_495 = vector.broadcast %parallel_loop3A_494 : i32 to vector<16xi32>
      %parallel_loop3A_496 = arith.addi %parallel_loop3A_97, %parallel_loop3A_495 : vector<16xi32>
      %parallel_loop3A_497 = tpu.vector_load_idx %arg5[%parallel_loop3A_496] : memref<8832xf32, #tpu.memory_space<vmem>>[vector<16xi32>], vector<16xf32>,
      %parallel_loop3A_498 = arith.constant 0.636619746 : f32
      %parallel_loop3A_499 = vector.broadcast %parallel_loop3A_498 : f32 to vector<16xf32>
      %parallel_loop3A_500 = arith.mulf %parallel_loop3A_497, %parallel_loop3A_499 : vector<16xf32>
      %parallel_loop3A_501 = arith.constant 0x4B400000 : f32
      %parallel_loop3A_502 = vector.broadcast %parallel_loop3A_501 : f32 to vector<16xf32>
      %parallel_loop3A_503 = arith.addf %parallel_loop3A_500, %parallel_loop3A_502 : vector<16xf32>
      %parallel_loop3A_504 = arith.constant 0x4B400000 : f32
      %parallel_loop3A_505 = vector.broadcast %parallel_loop3A_504 : f32 to vector<16xf32>
      %parallel_loop3A_506 = arith.subf %parallel_loop3A_503, %parallel_loop3A_505 : vector<16xf32>
      %parallel_loop3A_507 = arith.constant 1.57080078 : f32
      %parallel_loop3A_508 = vector.broadcast %parallel_loop3A_507 : f32 to vector<16xf32>
      %parallel_loop3A_509 = arith.mulf %parallel_loop3A_506, %parallel_loop3A_508 : vector<16xf32>
      %parallel_loop3A_510 = arith.subf %parallel_loop3A_497, %parallel_loop3A_509 : vector<16xf32>
      %parallel_loop3A_511 = arith.constant -4.45445494E-6 : f32
      %parallel_loop3A_512 = vector.broadcast %parallel_loop3A_511 : f32 to vector<16xf32>
      %parallel_loop3A_513 = arith.mulf %parallel_loop3A_506, %parallel_loop3A_512 : vector<16xf32>
      %parallel_loop3A_514 = arith.subf %parallel_loop3A_510, %parallel_loop3A_513 : vector<16xf32>
      %parallel_loop3A_515 = arith.fptosi %parallel_loop3A_506 : vector<16xf32> to vector<16xi32>
      %parallel_loop3A_516 = arith.mulf %parallel_loop3A_514, %parallel_loop3A_514 : vector<16xf32>
      %parallel_loop3A_517 = arith.mulf %parallel_loop3A_514, %parallel_loop3A_516 : vector<16xf32>
      %parallel_loop3A_518 = arith.constant -1.95152956E-4 : f32
      %parallel_loop3A_519 = vector.broadcast %parallel_loop3A_518 : f32 to vector<16xf32>
      %parallel_loop3A_520 = arith.mulf %parallel_loop3A_516, %parallel_loop3A_519 : vector<16xf32>
      %parallel_loop3A_521 = arith.constant 0.00833216123 : f32
      %parallel_loop3A_522 = vector.broadcast %parallel_loop3A_521 : f32 to vector<16xf32>
      %parallel_loop3A_523 = arith.addf %parallel_loop3A_522, %parallel_loop3A_520 : vector<16xf32>
      %parallel_loop3A_524 = arith.mulf %parallel_loop3A_516, %parallel_loop3A_523 : vector<16xf32>
      %parallel_loop3A_525 = arith.constant -0.166666552 : f32
      %parallel_loop3A_526 = vector.broadcast %parallel_loop3A_525 : f32 to vector<16xf32>
      %parallel_loop3A_527 = arith.addf %parallel_loop3A_526, %parallel_loop3A_524 : vector<16xf32>
      %parallel_loop3A_528 = arith.mulf %parallel_loop3A_517, %parallel_loop3A_527 : vector<16xf32>
      %parallel_loop3A_529 = arith.addf %parallel_loop3A_514, %parallel_loop3A_528 : vector<16xf32>
      %parallel_loop3A_530 = arith.constant 2.44331568E-5 : f32
      %parallel_loop3A_531 = vector.broadcast %parallel_loop3A_530 : f32 to vector<16xf32>
      %parallel_loop3A_532 = arith.mulf %parallel_loop3A_516, %parallel_loop3A_531 : vector<16xf32>
      %parallel_loop3A_533 = arith.constant -0.00138873165 : f32
      %parallel_loop3A_534 = vector.broadcast %parallel_loop3A_533 : f32 to vector<16xf32>
      %parallel_loop3A_535 = arith.addf %parallel_loop3A_534, %parallel_loop3A_532 : vector<16xf32>
      %parallel_loop3A_536 = arith.mulf %parallel_loop3A_516, %parallel_loop3A_535 : vector<16xf32>
      %parallel_loop3A_537 = arith.constant 0.0416666456 : f32
      %parallel_loop3A_538 = vector.broadcast %parallel_loop3A_537 : f32 to vector<16xf32>
      %parallel_loop3A_539 = arith.addf %parallel_loop3A_538, %parallel_loop3A_536 : vector<16xf32>
      %parallel_loop3A_540 = arith.mulf %parallel_loop3A_516, %parallel_loop3A_539 : vector<16xf32>
      %parallel_loop3A_541 = arith.constant -5.000000e-01 : f32
      %parallel_loop3A_542 = vector.broadcast %parallel_loop3A_541 : f32 to vector<16xf32>
      %parallel_loop3A_543 = arith.addf %parallel_loop3A_542, %parallel_loop3A_540 : vector<16xf32>
      %parallel_loop3A_544 = arith.mulf %parallel_loop3A_516, %parallel_loop3A_543 : vector<16xf32>
      %parallel_loop3A_545 = arith.constant 1.000000e+00 : f32
      %parallel_loop3A_546 = vector.broadcast %parallel_loop3A_545 : f32 to vector<16xf32>
      %parallel_loop3A_547 = arith.addf %parallel_loop3A_546, %parallel_loop3A_544 : vector<16xf32>
      %parallel_loop3A_548 = arith.constant 3 : i32
      %parallel_loop3A_549 = vector.broadcast %parallel_loop3A_548 : i32 to vector<16xi32>
      %parallel_loop3A_550 = arith.andi %parallel_loop3A_515, %parallel_loop3A_549 : vector<16xi32>
      %parallel_loop3A_551 = arith.constant 1 : i32
      %parallel_loop3A_552 = vector.broadcast %parallel_loop3A_551 : i32 to vector<16xi32>
      %parallel_loop3A_553 = arith.andi %parallel_loop3A_550, %parallel_loop3A_552 : vector<16xi32>
      %parallel_loop3A_554 = arith.constant 1 : i32
      %parallel_loop3A_555 = vector.broadcast %parallel_loop3A_554 : i32 to vector<16xi32>
      %parallel_loop3A_556 = arith.cmpi eq, %parallel_loop3A_553, %parallel_loop3A_555 : vector<16xi32>
      %parallel_loop3A_557 = arith.select %parallel_loop3A_556, %parallel_loop3A_547, %parallel_loop3A_529 : vector<16xi1>, vector<16xf32>
      %parallel_loop3A_558 = arith.select %parallel_loop3A_556, %parallel_loop3A_529, %parallel_loop3A_547 : vector<16xi1>, vector<16xf32>
      %parallel_loop3A_559 = arith.constant 2 : i32
      %parallel_loop3A_560 = vector.broadcast %parallel_loop3A_559 : i32 to vector<16xi32>
      %parallel_loop3A_561 = arith.andi %parallel_loop3A_550, %parallel_loop3A_560 : vector<16xi32>
      %parallel_loop3A_562 = arith.constant 2 : i32
      %parallel_loop3A_563 = vector.broadcast %parallel_loop3A_562 : i32 to vector<16xi32>
      %parallel_loop3A_564 = arith.cmpi eq, %parallel_loop3A_561, %parallel_loop3A_563 : vector<16xi32>
      %parallel_loop3A_565 = arith.constant 0.000000e+00 : f32
      %parallel_loop3A_566 = vector.broadcast %parallel_loop3A_565 : f32 to vector<16xf32>
      %parallel_loop3A_567 = arith.subf %parallel_loop3A_566, %parallel_loop3A_557 : vector<16xf32>
      %parallel_loop3A_568 = arith.select %parallel_loop3A_564, %parallel_loop3A_567, %parallel_loop3A_557 : vector<16xi1>, vector<16xf32>
      %parallel_loop3A_569 = arith.constant 1 : i32
      %parallel_loop3A_570 = vector.broadcast %parallel_loop3A_569 : i32 to vector<16xi32>
      %parallel_loop3A_571 = arith.addi %parallel_loop3A_550, %parallel_loop3A_570 : vector<16xi32>
      %parallel_loop3A_572 = arith.constant 2 : i32
      %parallel_loop3A_573 = vector.broadcast %parallel_loop3A_572 : i32 to vector<16xi32>
      %parallel_loop3A_574 = arith.andi %parallel_loop3A_571, %parallel_loop3A_573 : vector<16xi32>
      %parallel_loop3A_575 = arith.constant 2 : i32
      %parallel_loop3A_576 = vector.broadcast %parallel_loop3A_575 : i32 to vector<16xi32>
      %parallel_loop3A_577 = arith.cmpi eq, %parallel_loop3A_574, %parallel_loop3A_576 : vector<16xi32>
      %parallel_loop3A_578 = arith.constant 0.000000e+00 : f32
      %parallel_loop3A_579 = vector.broadcast %parallel_loop3A_578 : f32 to vector<16xf32>
      %parallel_loop3A_580 = arith.subf %parallel_loop3A_579, %parallel_loop3A_558 : vector<16xf32>
      %parallel_loop3A_581 = arith.select %parallel_loop3A_577, %parallel_loop3A_580, %parallel_loop3A_558 : vector<16xi1>, vector<16xf32>
      %parallel_loop3A_582 = arith.mulf %parallel_loop3A_493, %parallel_loop3A_405 : vector<16xf32>
      %parallel_loop3A_583 = arith.constant 0.000000e+00 : f32
      %parallel_loop3A_584 = vector.broadcast %parallel_loop3A_583 : f32 to vector<16xf32>
      %parallel_loop3A_585 = arith.subf %parallel_loop3A_584, %parallel_loop3A_493 : vector<16xf32>
      %parallel_loop3A_586 = arith.mulf %parallel_loop3A_585, %parallel_loop3A_392 : vector<16xf32>
      %parallel_loop3A_587 = arith.mulf %parallel_loop3A_568, %parallel_loop3A_480 : vector<16xf32>
      %parallel_loop3A_588 = arith.mulf %parallel_loop3A_581, %parallel_loop3A_480 : vector<16xf32>
      %parallel_loop3A_589 = arith.mulf %parallel_loop3A_581, %parallel_loop3A_392 : vector<16xf32>
      %parallel_loop3A_590 = arith.mulf %parallel_loop3A_587, %parallel_loop3A_405 : vector<16xf32>
      %parallel_loop3A_591 = arith.addf %parallel_loop3A_589, %parallel_loop3A_590 : vector<16xf32>
      %parallel_loop3A_592 = arith.mulf %parallel_loop3A_581, %parallel_loop3A_405 : vector<16xf32>
      %parallel_loop3A_593 = arith.mulf %parallel_loop3A_587, %parallel_loop3A_392 : vector<16xf32>
      %parallel_loop3A_594 = arith.subf %parallel_loop3A_592, %parallel_loop3A_593 : vector<16xf32>
      %parallel_loop3A_595 = arith.constant 0.000000e+00 : f32
      %parallel_loop3A_596 = vector.broadcast %parallel_loop3A_595 : f32 to vector<16xf32>
      %parallel_loop3A_597 = arith.subf %parallel_loop3A_596, %parallel_loop3A_568 : vector<16xf32>
      %parallel_loop3A_598 = arith.mulf %parallel_loop3A_597, %parallel_loop3A_493 : vector<16xf32>
      %parallel_loop3A_599 = arith.mulf %parallel_loop3A_568, %parallel_loop3A_392 : vector<16xf32>
      %parallel_loop3A_600 = arith.mulf %parallel_loop3A_588, %parallel_loop3A_405 : vector<16xf32>
      %parallel_loop3A_601 = arith.subf %parallel_loop3A_599, %parallel_loop3A_600 : vector<16xf32>
      %parallel_loop3A_602 = arith.mulf %parallel_loop3A_568, %parallel_loop3A_405 : vector<16xf32>
      %parallel_loop3A_603 = arith.mulf %parallel_loop3A_588, %parallel_loop3A_392 : vector<16xf32>
      %parallel_loop3A_604 = arith.addf %parallel_loop3A_602, %parallel_loop3A_603 : vector<16xf32>
      %parallel_loop3A_605 = arith.mulf %parallel_loop3A_581, %parallel_loop3A_493 : vector<16xf32>
      %parallel_loop3A_606 = arith.constant 0 : i32
      %parallel_loop3A_607 = vector.broadcast %parallel_loop3A_606 : i32 to vector<16xi32>
      %parallel_loop3A_608 = arith.addi %parallel_loop3A_97, %parallel_loop3A_607 : vector<16xi32>
      %parallel_loop3A_609 = tpu.vector_load_idx %arg5[%parallel_loop3A_608] : memref<8832xf32, #tpu.memory_space<vmem>>[vector<16xi32>], vector<16xf32>,
      %parallel_loop3A_610 = arith.constant 1 : i32
      %parallel_loop3A_611 = vector.broadcast %parallel_loop3A_610 : i32 to vector<16xi32>
      %parallel_loop3A_612 = arith.addi %parallel_loop3A_97, %parallel_loop3A_611 : vector<16xi32>
      %parallel_loop3A_613 = tpu.vector_load_idx %arg5[%parallel_loop3A_612] : memref<8832xf32, #tpu.memory_space<vmem>>[vector<16xi32>], vector<16xf32>,
      %parallel_loop3A_614 = arith.constant 2 : i32
      %parallel_loop3A_615 = vector.broadcast %parallel_loop3A_614 : i32 to vector<16xi32>
      %parallel_loop3A_616 = arith.addi %parallel_loop3A_97, %parallel_loop3A_615 : vector<16xi32>
      %parallel_loop3A_617 = tpu.vector_load_idx %arg5[%parallel_loop3A_616] : memref<8832xf32, #tpu.memory_space<vmem>>[vector<16xi32>], vector<16xf32>,
      %parallel_loop3A_618 = arith.constant 0 : i32
      %parallel_loop3A_619 = vector.broadcast %parallel_loop3A_618 : i32 to vector<16xi32>
      %parallel_loop3A_620 = arith.addi %parallel_loop3A_100, %parallel_loop3A_619 : vector<16xi32>
      tpu.vector_store_idx %arg7[%parallel_loop3A_620], %parallel_loop3A_609 : memref<3456xf32, #tpu.memory_space<vmem>>[vector<16xi32>], vector<16xf32>,
      %parallel_loop3A_621 = arith.constant 1 : i32
      %parallel_loop3A_622 = vector.broadcast %parallel_loop3A_621 : i32 to vector<16xi32>
      %parallel_loop3A_623 = arith.addi %parallel_loop3A_100, %parallel_loop3A_622 : vector<16xi32>
      tpu.vector_store_idx %arg7[%parallel_loop3A_623], %parallel_loop3A_613 : memref<3456xf32, #tpu.memory_space<vmem>>[vector<16xi32>], vector<16xf32>,
      %parallel_loop3A_624 = arith.constant 2 : i32
      %parallel_loop3A_625 = vector.broadcast %parallel_loop3A_624 : i32 to vector<16xi32>
      %parallel_loop3A_626 = arith.addi %parallel_loop3A_100, %parallel_loop3A_625 : vector<16xi32>
      tpu.vector_store_idx %arg7[%parallel_loop3A_626], %parallel_loop3A_617 : memref<3456xf32, #tpu.memory_space<vmem>>[vector<16xi32>], vector<16xf32>,
      %parallel_loop3A_627 = arith.mulf %parallel_loop3A_582, %parallel_loop3A_104 : vector<16xf32>
      %parallel_loop3A_628 = arith.mulf %parallel_loop3A_591, %parallel_loop3A_108 : vector<16xf32>
      %parallel_loop3A_629 = arith.addf %parallel_loop3A_627, %parallel_loop3A_628 : vector<16xf32>
      %parallel_loop3A_630 = arith.mulf %parallel_loop3A_601, %parallel_loop3A_112 : vector<16xf32>
      %parallel_loop3A_631 = arith.addf %parallel_loop3A_629, %parallel_loop3A_630 : vector<16xf32>
      %parallel_loop3A_632 = arith.subf %parallel_loop3A_609, %parallel_loop3A_631 : vector<16xf32>
      %parallel_loop3A_633 = arith.mulf %parallel_loop3A_586, %parallel_loop3A_104 : vector<16xf32>
      %parallel_loop3A_634 = arith.mulf %parallel_loop3A_594, %parallel_loop3A_108 : vector<16xf32>
      %parallel_loop3A_635 = arith.addf %parallel_loop3A_633, %parallel_loop3A_634 : vector<16xf32>
      %parallel_loop3A_636 = arith.mulf %parallel_loop3A_604, %parallel_loop3A_112 : vector<16xf32>
      %parallel_loop3A_637 = arith.addf %parallel_loop3A_635, %parallel_loop3A_636 : vector<16xf32>
      %parallel_loop3A_638 = arith.subf %parallel_loop3A_613, %parallel_loop3A_637 : vector<16xf32>
      %parallel_loop3A_639 = arith.mulf %parallel_loop3A_480, %parallel_loop3A_104 : vector<16xf32>
      %parallel_loop3A_640 = arith.mulf %parallel_loop3A_598, %parallel_loop3A_108 : vector<16xf32>
      %parallel_loop3A_641 = arith.addf %parallel_loop3A_639, %parallel_loop3A_640 : vector<16xf32>
      %parallel_loop3A_642 = arith.mulf %parallel_loop3A_605, %parallel_loop3A_112 : vector<16xf32>
      %parallel_loop3A_643 = arith.addf %parallel_loop3A_641, %parallel_loop3A_642 : vector<16xf32>
      %parallel_loop3A_644 = arith.subf %parallel_loop3A_617, %parallel_loop3A_643 : vector<16xf32>
      %parallel_loop3A_645 = arith.constant 3 : i32
      %parallel_loop3A_646 = vector.broadcast %parallel_loop3A_645 : i32 to vector<16xi32>
      %parallel_loop3A_647 = arith.muli %parallel_loop3A_646, %parallel_loop3A_257 : vector<16xi32>
      %parallel_loop3A_648 = arith.constant 3 : i32
      %parallel_loop3A_649 = vector.broadcast %parallel_loop3A_648 : i32 to vector<16xi32>
      %parallel_loop3A_650 = arith.addi %parallel_loop3A_649, %parallel_loop3A_647 : vector<16xi32>
      %parallel_loop3A_651 = arith.addi %parallel_loop3A_100, %parallel_loop3A_650 : vector<16xi32>
      tpu.vector_store_idx %arg7[%parallel_loop3A_651], %parallel_loop3A_632 : memref<3456xf32, #tpu.memory_space<vmem>>[vector<16xi32>], vector<16xf32>,
      %parallel_loop3A_652 = arith.constant 1 : i32
      %parallel_loop3A_653 = vector.broadcast %parallel_loop3A_652 : i32 to vector<16xi32>
      %parallel_loop3A_654 = arith.addi %parallel_loop3A_650, %parallel_loop3A_653 : vector<16xi32>
      %parallel_loop3A_655 = arith.addi %parallel_loop3A_100, %parallel_loop3A_654 : vector<16xi32>
      tpu.vector_store_idx %arg7[%parallel_loop3A_655], %parallel_loop3A_638 : memref<3456xf32, #tpu.memory_space<vmem>>[vector<16xi32>], vector<16xf32>,
      %parallel_loop3A_656 = arith.constant 2 : i32
      %parallel_loop3A_657 = vector.broadcast %parallel_loop3A_656 : i32 to vector<16xi32>
      %parallel_loop3A_658 = arith.addi %parallel_loop3A_650, %parallel_loop3A_657 : vector<16xi32>
      %parallel_loop3A_659 = arith.addi %parallel_loop3A_100, %parallel_loop3A_658 : vector<16xi32>
      tpu.vector_store_idx %arg7[%parallel_loop3A_659], %parallel_loop3A_644 : memref<3456xf32, #tpu.memory_space<vmem>>[vector<16xi32>], vector<16xf32>,
      %parallel_loop3A_660 = arith.mulf %parallel_loop3A_582, %parallel_loop3A_121 : vector<16xf32>
      %parallel_loop3A_661 = arith.mulf %parallel_loop3A_591, %parallel_loop3A_125 : vector<16xf32>
      %parallel_loop3A_662 = arith.addf %parallel_loop3A_660, %parallel_loop3A_661 : vector<16xf32>
      %parallel_loop3A_663 = arith.mulf %parallel_loop3A_601, %parallel_loop3A_129 : vector<16xf32>
      %parallel_loop3A_664 = arith.addf %parallel_loop3A_662, %parallel_loop3A_663 : vector<16xf32>
      %parallel_loop3A_665 = arith.subf %parallel_loop3A_609, %parallel_loop3A_664 : vector<16xf32>
      %parallel_loop3A_666 = arith.mulf %parallel_loop3A_586, %parallel_loop3A_121 : vector<16xf32>
      %parallel_loop3A_667 = arith.mulf %parallel_loop3A_594, %parallel_loop3A_125 : vector<16xf32>
      %parallel_loop3A_668 = arith.addf %parallel_loop3A_666, %parallel_loop3A_667 : vector<16xf32>
      %parallel_loop3A_669 = arith.mulf %parallel_loop3A_604, %parallel_loop3A_129 : vector<16xf32>
      %parallel_loop3A_670 = arith.addf %parallel_loop3A_668, %parallel_loop3A_669 : vector<16xf32>
      %parallel_loop3A_671 = arith.subf %parallel_loop3A_613, %parallel_loop3A_670 : vector<16xf32>
      %parallel_loop3A_672 = arith.mulf %parallel_loop3A_480, %parallel_loop3A_121 : vector<16xf32>
      %parallel_loop3A_673 = arith.mulf %parallel_loop3A_598, %parallel_loop3A_125 : vector<16xf32>
      %parallel_loop3A_674 = arith.addf %parallel_loop3A_672, %parallel_loop3A_673 : vector<16xf32>
      %parallel_loop3A_675 = arith.mulf %parallel_loop3A_605, %parallel_loop3A_129 : vector<16xf32>
      %parallel_loop3A_676 = arith.addf %parallel_loop3A_674, %parallel_loop3A_675 : vector<16xf32>
      %parallel_loop3A_677 = arith.subf %parallel_loop3A_617, %parallel_loop3A_676 : vector<16xf32>
      %parallel_loop3A_678 = arith.constant 3 : i32
      %parallel_loop3A_679 = vector.broadcast %parallel_loop3A_678 : i32 to vector<16xi32>
      %parallel_loop3A_680 = arith.muli %parallel_loop3A_679, %parallel_loop3A_277 : vector<16xi32>
      %parallel_loop3A_681 = arith.constant 3 : i32
      %parallel_loop3A_682 = vector.broadcast %parallel_loop3A_681 : i32 to vector<16xi32>
      %parallel_loop3A_683 = arith.addi %parallel_loop3A_682, %parallel_loop3A_680 : vector<16xi32>
      %parallel_loop3A_684 = arith.addi %parallel_loop3A_100, %parallel_loop3A_683 : vector<16xi32>
      tpu.vector_store_idx %arg7[%parallel_loop3A_684], %parallel_loop3A_665 : memref<3456xf32, #tpu.memory_space<vmem>>[vector<16xi32>], vector<16xf32>,
      %parallel_loop3A_685 = arith.constant 1 : i32
      %parallel_loop3A_686 = vector.broadcast %parallel_loop3A_685 : i32 to vector<16xi32>
      %parallel_loop3A_687 = arith.addi %parallel_loop3A_683, %parallel_loop3A_686 : vector<16xi32>
      %parallel_loop3A_688 = arith.addi %parallel_loop3A_100, %parallel_loop3A_687 : vector<16xi32>
      tpu.vector_store_idx %arg7[%parallel_loop3A_688], %parallel_loop3A_671 : memref<3456xf32, #tpu.memory_space<vmem>>[vector<16xi32>], vector<16xf32>,
      %parallel_loop3A_689 = arith.constant 2 : i32
      %parallel_loop3A_690 = vector.broadcast %parallel_loop3A_689 : i32 to vector<16xi32>
      %parallel_loop3A_691 = arith.addi %parallel_loop3A_683, %parallel_loop3A_690 : vector<16xi32>
      %parallel_loop3A_692 = arith.addi %parallel_loop3A_100, %parallel_loop3A_691 : vector<16xi32>
      tpu.vector_store_idx %arg7[%parallel_loop3A_692], %parallel_loop3A_677 : memref<3456xf32, #tpu.memory_space<vmem>>[vector<16xi32>], vector<16xf32>,
      %parallel_loop3A_693 = arith.mulf %parallel_loop3A_582, %parallel_loop3A_138 : vector<16xf32>
      %parallel_loop3A_694 = arith.mulf %parallel_loop3A_591, %parallel_loop3A_142 : vector<16xf32>
      %parallel_loop3A_695 = arith.addf %parallel_loop3A_693, %parallel_loop3A_694 : vector<16xf32>
      %parallel_loop3A_696 = arith.mulf %parallel_loop3A_601, %parallel_loop3A_146 : vector<16xf32>
      %parallel_loop3A_697 = arith.addf %parallel_loop3A_695, %parallel_loop3A_696 : vector<16xf32>
      %parallel_loop3A_698 = arith.subf %parallel_loop3A_609, %parallel_loop3A_697 : vector<16xf32>
      %parallel_loop3A_699 = arith.mulf %parallel_loop3A_586, %parallel_loop3A_138 : vector<16xf32>
      %parallel_loop3A_700 = arith.mulf %parallel_loop3A_594, %parallel_loop3A_142 : vector<16xf32>
      %parallel_loop3A_701 = arith.addf %parallel_loop3A_699, %parallel_loop3A_700 : vector<16xf32>
      %parallel_loop3A_702 = arith.mulf %parallel_loop3A_604, %parallel_loop3A_146 : vector<16xf32>
      %parallel_loop3A_703 = arith.addf %parallel_loop3A_701, %parallel_loop3A_702 : vector<16xf32>
      %parallel_loop3A_704 = arith.subf %parallel_loop3A_613, %parallel_loop3A_703 : vector<16xf32>
      %parallel_loop3A_705 = arith.mulf %parallel_loop3A_480, %parallel_loop3A_138 : vector<16xf32>
      %parallel_loop3A_706 = arith.mulf %parallel_loop3A_598, %parallel_loop3A_142 : vector<16xf32>
      %parallel_loop3A_707 = arith.addf %parallel_loop3A_705, %parallel_loop3A_706 : vector<16xf32>
      %parallel_loop3A_708 = arith.mulf %parallel_loop3A_605, %parallel_loop3A_146 : vector<16xf32>
      %parallel_loop3A_709 = arith.addf %parallel_loop3A_707, %parallel_loop3A_708 : vector<16xf32>
      %parallel_loop3A_710 = arith.subf %parallel_loop3A_617, %parallel_loop3A_709 : vector<16xf32>
      %parallel_loop3A_711 = arith.constant 3 : i32
      %parallel_loop3A_712 = vector.broadcast %parallel_loop3A_711 : i32 to vector<16xi32>
      %parallel_loop3A_713 = arith.muli %parallel_loop3A_712, %parallel_loop3A_293 : vector<16xi32>
      %parallel_loop3A_714 = arith.constant 3 : i32
      %parallel_loop3A_715 = vector.broadcast %parallel_loop3A_714 : i32 to vector<16xi32>
      %parallel_loop3A_716 = arith.addi %parallel_loop3A_715, %parallel_loop3A_713 : vector<16xi32>
      %parallel_loop3A_717 = arith.addi %parallel_loop3A_100, %parallel_loop3A_716 : vector<16xi32>
      tpu.vector_store_idx %arg7[%parallel_loop3A_717], %parallel_loop3A_698 : memref<3456xf32, #tpu.memory_space<vmem>>[vector<16xi32>], vector<16xf32>,
      %parallel_loop3A_718 = arith.constant 1 : i32
      %parallel_loop3A_719 = vector.broadcast %parallel_loop3A_718 : i32 to vector<16xi32>
      %parallel_loop3A_720 = arith.addi %parallel_loop3A_716, %parallel_loop3A_719 : vector<16xi32>
      %parallel_loop3A_721 = arith.addi %parallel_loop3A_100, %parallel_loop3A_720 : vector<16xi32>
      tpu.vector_store_idx %arg7[%parallel_loop3A_721], %parallel_loop3A_704 : memref<3456xf32, #tpu.memory_space<vmem>>[vector<16xi32>], vector<16xf32>,
      %parallel_loop3A_722 = arith.constant 2 : i32
      %parallel_loop3A_723 = vector.broadcast %parallel_loop3A_722 : i32 to vector<16xi32>
      %parallel_loop3A_724 = arith.addi %parallel_loop3A_716, %parallel_loop3A_723 : vector<16xi32>
      %parallel_loop3A_725 = arith.addi %parallel_loop3A_100, %parallel_loop3A_724 : vector<16xi32>
      tpu.vector_store_idx %arg7[%parallel_loop3A_725], %parallel_loop3A_710 : memref<3456xf32, #tpu.memory_space<vmem>>[vector<16xi32>], vector<16xf32>,
      %parallel_loop3A_726 = arith.mulf %parallel_loop3A_582, %parallel_loop3A_155 : vector<16xf32>
      %parallel_loop3A_727 = arith.mulf %parallel_loop3A_591, %parallel_loop3A_159 : vector<16xf32>
      %parallel_loop3A_728 = arith.addf %parallel_loop3A_726, %parallel_loop3A_727 : vector<16xf32>
      %parallel_loop3A_729 = arith.mulf %parallel_loop3A_601, %parallel_loop3A_163 : vector<16xf32>
      %parallel_loop3A_730 = arith.addf %parallel_loop3A_728, %parallel_loop3A_729 : vector<16xf32>
      %parallel_loop3A_731 = arith.subf %parallel_loop3A_609, %parallel_loop3A_730 : vector<16xf32>
      %parallel_loop3A_732 = arith.mulf %parallel_loop3A_586, %parallel_loop3A_155 : vector<16xf32>
      %parallel_loop3A_733 = arith.mulf %parallel_loop3A_594, %parallel_loop3A_159 : vector<16xf32>
      %parallel_loop3A_734 = arith.addf %parallel_loop3A_732, %parallel_loop3A_733 : vector<16xf32>
      %parallel_loop3A_735 = arith.mulf %parallel_loop3A_604, %parallel_loop3A_163 : vector<16xf32>
      %parallel_loop3A_736 = arith.addf %parallel_loop3A_734, %parallel_loop3A_735 : vector<16xf32>
      %parallel_loop3A_737 = arith.subf %parallel_loop3A_613, %parallel_loop3A_736 : vector<16xf32>
      %parallel_loop3A_738 = arith.mulf %parallel_loop3A_480, %parallel_loop3A_155 : vector<16xf32>
      %parallel_loop3A_739 = arith.mulf %parallel_loop3A_598, %parallel_loop3A_159 : vector<16xf32>
      %parallel_loop3A_740 = arith.addf %parallel_loop3A_738, %parallel_loop3A_739 : vector<16xf32>
      %parallel_loop3A_741 = arith.mulf %parallel_loop3A_605, %parallel_loop3A_163 : vector<16xf32>
      %parallel_loop3A_742 = arith.addf %parallel_loop3A_740, %parallel_loop3A_741 : vector<16xf32>
      %parallel_loop3A_743 = arith.subf %parallel_loop3A_617, %parallel_loop3A_742 : vector<16xf32>
      %parallel_loop3A_744 = arith.constant 3 : i32
      %parallel_loop3A_745 = vector.broadcast %parallel_loop3A_744 : i32 to vector<16xi32>
      %parallel_loop3A_746 = arith.muli %parallel_loop3A_745, %parallel_loop3A_305 : vector<16xi32>
      %parallel_loop3A_747 = arith.constant 3 : i32
      %parallel_loop3A_748 = vector.broadcast %parallel_loop3A_747 : i32 to vector<16xi32>
      %parallel_loop3A_749 = arith.addi %parallel_loop3A_748, %parallel_loop3A_746 : vector<16xi32>
      %parallel_loop3A_750 = arith.addi %parallel_loop3A_100, %parallel_loop3A_749 : vector<16xi32>
      tpu.vector_store_idx %arg7[%parallel_loop3A_750], %parallel_loop3A_731 : memref<3456xf32, #tpu.memory_space<vmem>>[vector<16xi32>], vector<16xf32>,
      %parallel_loop3A_751 = arith.constant 1 : i32
      %parallel_loop3A_752 = vector.broadcast %parallel_loop3A_751 : i32 to vector<16xi32>
      %parallel_loop3A_753 = arith.addi %parallel_loop3A_749, %parallel_loop3A_752 : vector<16xi32>
      %parallel_loop3A_754 = arith.addi %parallel_loop3A_100, %parallel_loop3A_753 : vector<16xi32>
      tpu.vector_store_idx %arg7[%parallel_loop3A_754], %parallel_loop3A_737 : memref<3456xf32, #tpu.memory_space<vmem>>[vector<16xi32>], vector<16xf32>,
      %parallel_loop3A_755 = arith.constant 2 : i32
      %parallel_loop3A_756 = vector.broadcast %parallel_loop3A_755 : i32 to vector<16xi32>
      %parallel_loop3A_757 = arith.addi %parallel_loop3A_749, %parallel_loop3A_756 : vector<16xi32>
      %parallel_loop3A_758 = arith.addi %parallel_loop3A_100, %parallel_loop3A_757 : vector<16xi32>
      tpu.vector_store_idx %arg7[%parallel_loop3A_758], %parallel_loop3A_743 : memref<3456xf32, #tpu.memory_space<vmem>>[vector<16xi32>], vector<16xf32>,
      %parallel_loop3A_759 = arith.mulf %parallel_loop3A_582, %parallel_loop3A_172 : vector<16xf32>
      %parallel_loop3A_760 = arith.mulf %parallel_loop3A_591, %parallel_loop3A_176 : vector<16xf32>
      %parallel_loop3A_761 = arith.addf %parallel_loop3A_759, %parallel_loop3A_760 : vector<16xf32>
      %parallel_loop3A_762 = arith.mulf %parallel_loop3A_601, %parallel_loop3A_180 : vector<16xf32>
      %parallel_loop3A_763 = arith.addf %parallel_loop3A_761, %parallel_loop3A_762 : vector<16xf32>
      %parallel_loop3A_764 = arith.subf %parallel_loop3A_609, %parallel_loop3A_763 : vector<16xf32>
      %parallel_loop3A_765 = arith.mulf %parallel_loop3A_586, %parallel_loop3A_172 : vector<16xf32>
      %parallel_loop3A_766 = arith.mulf %parallel_loop3A_594, %parallel_loop3A_176 : vector<16xf32>
      %parallel_loop3A_767 = arith.addf %parallel_loop3A_765, %parallel_loop3A_766 : vector<16xf32>
      %parallel_loop3A_768 = arith.mulf %parallel_loop3A_604, %parallel_loop3A_180 : vector<16xf32>
      %parallel_loop3A_769 = arith.addf %parallel_loop3A_767, %parallel_loop3A_768 : vector<16xf32>
      %parallel_loop3A_770 = arith.subf %parallel_loop3A_613, %parallel_loop3A_769 : vector<16xf32>
      %parallel_loop3A_771 = arith.mulf %parallel_loop3A_480, %parallel_loop3A_172 : vector<16xf32>
      %parallel_loop3A_772 = arith.mulf %parallel_loop3A_598, %parallel_loop3A_176 : vector<16xf32>
      %parallel_loop3A_773 = arith.addf %parallel_loop3A_771, %parallel_loop3A_772 : vector<16xf32>
      %parallel_loop3A_774 = arith.mulf %parallel_loop3A_605, %parallel_loop3A_180 : vector<16xf32>
      %parallel_loop3A_775 = arith.addf %parallel_loop3A_773, %parallel_loop3A_774 : vector<16xf32>
      %parallel_loop3A_776 = arith.subf %parallel_loop3A_617, %parallel_loop3A_775 : vector<16xf32>
      %parallel_loop3A_777 = arith.constant 3 : i32
      %parallel_loop3A_778 = vector.broadcast %parallel_loop3A_777 : i32 to vector<16xi32>
      %parallel_loop3A_779 = arith.muli %parallel_loop3A_778, %parallel_loop3A_313 : vector<16xi32>
      %parallel_loop3A_780 = arith.constant 3 : i32
      %parallel_loop3A_781 = vector.broadcast %parallel_loop3A_780 : i32 to vector<16xi32>
      %parallel_loop3A_782 = arith.addi %parallel_loop3A_781, %parallel_loop3A_779 : vector<16xi32>
      %parallel_loop3A_783 = arith.addi %parallel_loop3A_100, %parallel_loop3A_782 : vector<16xi32>
      tpu.vector_store_idx %arg7[%parallel_loop3A_783], %parallel_loop3A_764 : memref<3456xf32, #tpu.memory_space<vmem>>[vector<16xi32>], vector<16xf32>,
      %parallel_loop3A_784 = arith.constant 1 : i32
      %parallel_loop3A_785 = vector.broadcast %parallel_loop3A_784 : i32 to vector<16xi32>
      %parallel_loop3A_786 = arith.addi %parallel_loop3A_782, %parallel_loop3A_785 : vector<16xi32>
      %parallel_loop3A_787 = arith.addi %parallel_loop3A_100, %parallel_loop3A_786 : vector<16xi32>
      tpu.vector_store_idx %arg7[%parallel_loop3A_787], %parallel_loop3A_770 : memref<3456xf32, #tpu.memory_space<vmem>>[vector<16xi32>], vector<16xf32>,
      %parallel_loop3A_788 = arith.constant 2 : i32
      %parallel_loop3A_789 = vector.broadcast %parallel_loop3A_788 : i32 to vector<16xi32>
      %parallel_loop3A_790 = arith.addi %parallel_loop3A_782, %parallel_loop3A_789 : vector<16xi32>
      %parallel_loop3A_791 = arith.addi %parallel_loop3A_100, %parallel_loop3A_790 : vector<16xi32>
      tpu.vector_store_idx %arg7[%parallel_loop3A_791], %parallel_loop3A_776 : memref<3456xf32, #tpu.memory_space<vmem>>[vector<16xi32>], vector<16xf32>,
      %parallel_loop3A_792 = arith.mulf %parallel_loop3A_582, %parallel_loop3A_189 : vector<16xf32>
      %parallel_loop3A_793 = arith.mulf %parallel_loop3A_591, %parallel_loop3A_193 : vector<16xf32>
      %parallel_loop3A_794 = arith.addf %parallel_loop3A_792, %parallel_loop3A_793 : vector<16xf32>
      %parallel_loop3A_795 = arith.mulf %parallel_loop3A_601, %parallel_loop3A_197 : vector<16xf32>
      %parallel_loop3A_796 = arith.addf %parallel_loop3A_794, %parallel_loop3A_795 : vector<16xf32>
      %parallel_loop3A_797 = arith.subf %parallel_loop3A_609, %parallel_loop3A_796 : vector<16xf32>
      %parallel_loop3A_798 = arith.mulf %parallel_loop3A_586, %parallel_loop3A_189 : vector<16xf32>
      %parallel_loop3A_799 = arith.mulf %parallel_loop3A_594, %parallel_loop3A_193 : vector<16xf32>
      %parallel_loop3A_800 = arith.addf %parallel_loop3A_798, %parallel_loop3A_799 : vector<16xf32>
      %parallel_loop3A_801 = arith.mulf %parallel_loop3A_604, %parallel_loop3A_197 : vector<16xf32>
      %parallel_loop3A_802 = arith.addf %parallel_loop3A_800, %parallel_loop3A_801 : vector<16xf32>
      %parallel_loop3A_803 = arith.subf %parallel_loop3A_613, %parallel_loop3A_802 : vector<16xf32>
      %parallel_loop3A_804 = arith.mulf %parallel_loop3A_480, %parallel_loop3A_189 : vector<16xf32>
      %parallel_loop3A_805 = arith.mulf %parallel_loop3A_598, %parallel_loop3A_193 : vector<16xf32>
      %parallel_loop3A_806 = arith.addf %parallel_loop3A_804, %parallel_loop3A_805 : vector<16xf32>
      %parallel_loop3A_807 = arith.mulf %parallel_loop3A_605, %parallel_loop3A_197 : vector<16xf32>
      %parallel_loop3A_808 = arith.addf %parallel_loop3A_806, %parallel_loop3A_807 : vector<16xf32>
      %parallel_loop3A_809 = arith.subf %parallel_loop3A_617, %parallel_loop3A_808 : vector<16xf32>
      %parallel_loop3A_810 = arith.constant 3 : i32
      %parallel_loop3A_811 = vector.broadcast %parallel_loop3A_810 : i32 to vector<16xi32>
      %parallel_loop3A_812 = arith.muli %parallel_loop3A_811, %parallel_loop3A_317 : vector<16xi32>
      %parallel_loop3A_813 = arith.constant 3 : i32
      %parallel_loop3A_814 = vector.broadcast %parallel_loop3A_813 : i32 to vector<16xi32>
      %parallel_loop3A_815 = arith.addi %parallel_loop3A_814, %parallel_loop3A_812 : vector<16xi32>
      %parallel_loop3A_816 = arith.addi %parallel_loop3A_100, %parallel_loop3A_815 : vector<16xi32>
      tpu.vector_store_idx %arg7[%parallel_loop3A_816], %parallel_loop3A_797 : memref<3456xf32, #tpu.memory_space<vmem>>[vector<16xi32>], vector<16xf32>,
      %parallel_loop3A_817 = arith.constant 1 : i32
      %parallel_loop3A_818 = vector.broadcast %parallel_loop3A_817 : i32 to vector<16xi32>
      %parallel_loop3A_819 = arith.addi %parallel_loop3A_815, %parallel_loop3A_818 : vector<16xi32>
      %parallel_loop3A_820 = arith.addi %parallel_loop3A_100, %parallel_loop3A_819 : vector<16xi32>
      tpu.vector_store_idx %arg7[%parallel_loop3A_820], %parallel_loop3A_803 : memref<3456xf32, #tpu.memory_space<vmem>>[vector<16xi32>], vector<16xf32>,
      %parallel_loop3A_821 = arith.constant 2 : i32
      %parallel_loop3A_822 = vector.broadcast %parallel_loop3A_821 : i32 to vector<16xi32>
      %parallel_loop3A_823 = arith.addi %parallel_loop3A_815, %parallel_loop3A_822 : vector<16xi32>
      %parallel_loop3A_824 = arith.addi %parallel_loop3A_100, %parallel_loop3A_823 : vector<16xi32>
      tpu.vector_store_idx %arg7[%parallel_loop3A_824], %parallel_loop3A_809 : memref<3456xf32, #tpu.memory_space<vmem>>[vector<16xi32>], vector<16xf32>,
      %parallel_loop3A_825 = arith.mulf %parallel_loop3A_582, %parallel_loop3A_206 : vector<16xf32>
      %parallel_loop3A_826 = arith.mulf %parallel_loop3A_591, %parallel_loop3A_210 : vector<16xf32>
      %parallel_loop3A_827 = arith.addf %parallel_loop3A_825, %parallel_loop3A_826 : vector<16xf32>
      %parallel_loop3A_828 = arith.mulf %parallel_loop3A_601, %parallel_loop3A_214 : vector<16xf32>
      %parallel_loop3A_829 = arith.addf %parallel_loop3A_827, %parallel_loop3A_828 : vector<16xf32>
      %parallel_loop3A_830 = arith.subf %parallel_loop3A_609, %parallel_loop3A_829 : vector<16xf32>
      %parallel_loop3A_831 = arith.mulf %parallel_loop3A_586, %parallel_loop3A_206 : vector<16xf32>
      %parallel_loop3A_832 = arith.mulf %parallel_loop3A_594, %parallel_loop3A_210 : vector<16xf32>
      %parallel_loop3A_833 = arith.addf %parallel_loop3A_831, %parallel_loop3A_832 : vector<16xf32>
      %parallel_loop3A_834 = arith.mulf %parallel_loop3A_604, %parallel_loop3A_214 : vector<16xf32>
      %parallel_loop3A_835 = arith.addf %parallel_loop3A_833, %parallel_loop3A_834 : vector<16xf32>
      %parallel_loop3A_836 = arith.subf %parallel_loop3A_613, %parallel_loop3A_835 : vector<16xf32>
      %parallel_loop3A_837 = arith.mulf %parallel_loop3A_480, %parallel_loop3A_206 : vector<16xf32>
      %parallel_loop3A_838 = arith.mulf %parallel_loop3A_598, %parallel_loop3A_210 : vector<16xf32>
      %parallel_loop3A_839 = arith.addf %parallel_loop3A_837, %parallel_loop3A_838 : vector<16xf32>
      %parallel_loop3A_840 = arith.mulf %parallel_loop3A_605, %parallel_loop3A_214 : vector<16xf32>
      %parallel_loop3A_841 = arith.addf %parallel_loop3A_839, %parallel_loop3A_840 : vector<16xf32>
      %parallel_loop3A_842 = arith.subf %parallel_loop3A_617, %parallel_loop3A_841 : vector<16xf32>
      %parallel_loop3A_843 = arith.constant 3 : i32
      %parallel_loop3A_844 = vector.broadcast %parallel_loop3A_843 : i32 to vector<16xi32>
      %parallel_loop3A_845 = arith.muli %parallel_loop3A_844, %parallel_loop3A_316 : vector<16xi32>
      %parallel_loop3A_846 = arith.constant 3 : i32
      %parallel_loop3A_847 = vector.broadcast %parallel_loop3A_846 : i32 to vector<16xi32>
      %parallel_loop3A_848 = arith.addi %parallel_loop3A_847, %parallel_loop3A_845 : vector<16xi32>
      %parallel_loop3A_849 = arith.addi %parallel_loop3A_100, %parallel_loop3A_848 : vector<16xi32>
      tpu.vector_store_idx %arg7[%parallel_loop3A_849], %parallel_loop3A_830 : memref<3456xf32, #tpu.memory_space<vmem>>[vector<16xi32>], vector<16xf32>,
      %parallel_loop3A_850 = arith.constant 1 : i32
      %parallel_loop3A_851 = vector.broadcast %parallel_loop3A_850 : i32 to vector<16xi32>
      %parallel_loop3A_852 = arith.addi %parallel_loop3A_848, %parallel_loop3A_851 : vector<16xi32>
      %parallel_loop3A_853 = arith.addi %parallel_loop3A_100, %parallel_loop3A_852 : vector<16xi32>
      tpu.vector_store_idx %arg7[%parallel_loop3A_853], %parallel_loop3A_836 : memref<3456xf32, #tpu.memory_space<vmem>>[vector<16xi32>], vector<16xf32>,
      %parallel_loop3A_854 = arith.constant 2 : i32
      %parallel_loop3A_855 = vector.broadcast %parallel_loop3A_854 : i32 to vector<16xi32>
      %parallel_loop3A_856 = arith.addi %parallel_loop3A_848, %parallel_loop3A_855 : vector<16xi32>
      %parallel_loop3A_857 = arith.addi %parallel_loop3A_100, %parallel_loop3A_856 : vector<16xi32>
      tpu.vector_store_idx %arg7[%parallel_loop3A_857], %parallel_loop3A_842 : memref<3456xf32, #tpu.memory_space<vmem>>[vector<16xi32>], vector<16xf32>,
      %parallel_loop3A_858 = arith.constant 62 : i32
      %parallel_loop3A_859 = vector.broadcast %parallel_loop3A_858 : i32 to vector<16xi32>
      %parallel_loop3A_860 = arith.addi %parallel_loop3A_97, %parallel_loop3A_859 : vector<16xi32>
      %parallel_loop3A_861 = tpu.vector_load_idx %arg5[%parallel_loop3A_860] : memref<8832xf32, #tpu.memory_space<vmem>>[vector<16xi32>], vector<16xf32>,
      %parallel_loop3A_862 = arith.constant 63 : i32
      %parallel_loop3A_863 = vector.broadcast %parallel_loop3A_862 : i32 to vector<16xi32>
      %parallel_loop3A_864 = arith.addi %parallel_loop3A_97, %parallel_loop3A_863 : vector<16xi32>
      %parallel_loop3A_865 = tpu.vector_load_idx %arg5[%parallel_loop3A_864] : memref<8832xf32, #tpu.memory_space<vmem>>[vector<16xi32>], vector<16xf32>,
      %parallel_loop3A_866 = arith.constant 64 : i32
      %parallel_loop3A_867 = vector.broadcast %parallel_loop3A_866 : i32 to vector<16xi32>
      %parallel_loop3A_868 = arith.addi %parallel_loop3A_97, %parallel_loop3A_867 : vector<16xi32>
      %parallel_loop3A_869 = tpu.vector_load_idx %arg5[%parallel_loop3A_868] : memref<8832xf32, #tpu.memory_space<vmem>>[vector<16xi32>], vector<16xf32>,
      %parallel_loop3A_870 = arith.mulf %parallel_loop3A_582, %parallel_loop3A_861 : vector<16xf32>
      %parallel_loop3A_871 = arith.mulf %parallel_loop3A_591, %parallel_loop3A_865 : vector<16xf32>
      %parallel_loop3A_872 = arith.addf %parallel_loop3A_870, %parallel_loop3A_871 : vector<16xf32>
      %parallel_loop3A_873 = arith.mulf %parallel_loop3A_601, %parallel_loop3A_869 : vector<16xf32>
      %parallel_loop3A_874 = arith.addf %parallel_loop3A_872, %parallel_loop3A_873 : vector<16xf32>
      %parallel_loop3A_875 = arith.subf %parallel_loop3A_609, %parallel_loop3A_874 : vector<16xf32>
      %parallel_loop3A_876 = arith.mulf %parallel_loop3A_586, %parallel_loop3A_861 : vector<16xf32>
      %parallel_loop3A_877 = arith.mulf %parallel_loop3A_594, %parallel_loop3A_865 : vector<16xf32>
      %parallel_loop3A_878 = arith.addf %parallel_loop3A_876, %parallel_loop3A_877 : vector<16xf32>
      %parallel_loop3A_879 = arith.mulf %parallel_loop3A_604, %parallel_loop3A_869 : vector<16xf32>
      %parallel_loop3A_880 = arith.addf %parallel_loop3A_878, %parallel_loop3A_879 : vector<16xf32>
      %parallel_loop3A_881 = arith.subf %parallel_loop3A_613, %parallel_loop3A_880 : vector<16xf32>
      %parallel_loop3A_882 = arith.mulf %parallel_loop3A_480, %parallel_loop3A_861 : vector<16xf32>
      %parallel_loop3A_883 = arith.mulf %parallel_loop3A_598, %parallel_loop3A_865 : vector<16xf32>
      %parallel_loop3A_884 = arith.addf %parallel_loop3A_882, %parallel_loop3A_883 : vector<16xf32>
      %parallel_loop3A_885 = arith.mulf %parallel_loop3A_605, %parallel_loop3A_869 : vector<16xf32>
      %parallel_loop3A_886 = arith.addf %parallel_loop3A_884, %parallel_loop3A_885 : vector<16xf32>
      %parallel_loop3A_887 = arith.subf %parallel_loop3A_617, %parallel_loop3A_886 : vector<16xf32>
      %parallel_loop3A_888 = arith.constant 24 : i32
      %parallel_loop3A_889 = vector.broadcast %parallel_loop3A_888 : i32 to vector<16xi32>
      %parallel_loop3A_890 = arith.addi %parallel_loop3A_100, %parallel_loop3A_889 : vector<16xi32>
      tpu.vector_store_idx %arg7[%parallel_loop3A_890], %parallel_loop3A_875 : memref<3456xf32, #tpu.memory_space<vmem>>[vector<16xi32>], vector<16xf32>,
      %parallel_loop3A_891 = arith.constant 25 : i32
      %parallel_loop3A_892 = vector.broadcast %parallel_loop3A_891 : i32 to vector<16xi32>
      %parallel_loop3A_893 = arith.addi %parallel_loop3A_100, %parallel_loop3A_892 : vector<16xi32>
      tpu.vector_store_idx %arg7[%parallel_loop3A_893], %parallel_loop3A_881 : memref<3456xf32, #tpu.memory_space<vmem>>[vector<16xi32>], vector<16xf32>,
      %parallel_loop3A_894 = arith.constant 26 : i32
      %parallel_loop3A_895 = vector.broadcast %parallel_loop3A_894 : i32 to vector<16xi32>
      %parallel_loop3A_896 = arith.addi %parallel_loop3A_100, %parallel_loop3A_895 : vector<16xi32>
      tpu.vector_store_idx %arg7[%parallel_loop3A_896], %parallel_loop3A_887 : memref<3456xf32, #tpu.memory_space<vmem>>[vector<16xi32>], vector<16xf32>,
    } {sc.loop_unroll_factor = 2 : i64, sc.parallel_access}
    %mul3A_40 = arith.constant 512 : i32
    %mul3A_41 = arith.muli %add3A, %mul3A_40 : i32
    %add3A_42 = arith.constant 128 : i32
    %add3A_43 = arith.addi %mul3A_41, %add3A_42 : i32
    %mul3A_44 = arith.constant 27 : i32
    %mul3A_45 = arith.muli %add3A_43, %mul3A_44 : i32
    %dma_start3A_46 = tpu.memref_slice %arg3[%mul3A_45] : memref<442368xf32, #tpu.memory_space<hbm>> -> memref<3456xf32, #tpu.memory_space<hbm>>
    %dma_start3A_47 = tpu.memref_slice %arg3[%mul3A_45] : memref<442368xf32, #tpu.memory_space<hbm>> -> memref<3456xf32, #tpu.memory_space<hbm>>
    tpu.enqueue_dma source(%arg7 : memref<3456xf32, #tpu.memory_space<vmem>>) target(%dma_start3A_47 : memref<3456xf32, #tpu.memory_space<hbm>>) target_semaphore(%arg11 : memref<!tpu.dma_semaphore, #tpu.memory_space<semaphore_mem>>)
    %mul3A_48 = arith.constant 512 : i32
    %mul3A_49 = arith.muli %add3A, %mul3A_48 : i32
    %add3A_50 = arith.constant 384 : i32
    %add3A_51 = arith.addi %mul3A_49, %add3A_50 : i32
    %mul3A_52 = arith.constant 69 : i32
    %mul3A_53 = arith.muli %add3A_51, %mul3A_52 : i32
    %dma_start3A_54 = tpu.memref_slice %arg2[%mul3A_53] : memref<1130496xf32, #tpu.memory_space<hbm>> -> memref<8832xf32, #tpu.memory_space<hbm>>
    %dma_start3A_55 = tpu.memref_slice %arg2[%mul3A_53] : memref<1130496xf32, #tpu.memory_space<hbm>> -> memref<8832xf32, #tpu.memory_space<hbm>>
    tpu.enqueue_dma source(%dma_start3A_55 : memref<8832xf32, #tpu.memory_space<hbm>>) target(%arg5 : memref<8832xf32, #tpu.memory_space<vmem>>) target_semaphore(%arg9 : memref<!tpu.dma_semaphore, #tpu.memory_space<semaphore_mem>>)
    %dma_wait3A_56 = tpu.memref_slice %arg2[%mul3A_32] : memref<1130496xf32, #tpu.memory_space<hbm>> -> memref<8832xf32, #tpu.memory_space<hbm>>
    %dma_wait3A_57 = tpu.memref_slice %arg2[%mul3A_32] : memref<1130496xf32, #tpu.memory_space<hbm>> -> memref<8832xf32, #tpu.memory_space<hbm>>
    tpu.wait_dma2 semaphore(%arg8 : memref<!tpu.dma_semaphore, #tpu.memory_space<semaphore_mem>>) src(%dma_wait3A_57 : memref<8832xf32, #tpu.memory_space<hbm>>) dst(%arg4 : memref<8832xf32, #tpu.memory_space<vmem>>)
    %dma_wait3A_58 = tpu.memref_slice %arg3[%mul3A_24] : memref<442368xf32, #tpu.memory_space<hbm>> -> memref<3456xf32, #tpu.memory_space<hbm>>
    %dma_wait3A_59 = tpu.memref_slice %arg3[%mul3A_24] : memref<442368xf32, #tpu.memory_space<hbm>> -> memref<3456xf32, #tpu.memory_space<hbm>>
    tpu.wait_dma2 semaphore(%arg10 : memref<!tpu.dma_semaphore, #tpu.memory_space<semaphore_mem>>) src(%arg6 : memref<3456xf32, #tpu.memory_space<vmem>>) dst(%dma_wait3A_59 : memref<3456xf32, #tpu.memory_space<hbm>>)
    %parallel_loop3A_60 = arith.constant 0 : i32
    %parallel_loop3A_61 = arith.constant 8 : i32
    %parallel_loop3A_62 = arith.constant 1 : i32
    scf.for %parallel_loop3A_90 = %parallel_loop3A_60 to %parallel_loop3A_61 step %parallel_loop3A_62  : i32 {
      %parallel_loop3A_91 = arith.constant 16 : i32
      %parallel_loop3A_92 = arith.muli %parallel_loop3A_90, %parallel_loop3A_91 : i32
      %parallel_loop3A_93 = vector.broadcast %parallel_loop3A_92 : i32 to vector<16xi32>
      %parallel_loop3A_94 = arith.addi %parallel_loop3A_93, %iota3A : vector<16xi32>
      %parallel_loop3A_95 = arith.constant 69 : i32
      %parallel_loop3A_96 = vector.broadcast %parallel_loop3A_95 : i32 to vector<16xi32>
      %parallel_loop3A_97 = arith.muli %parallel_loop3A_94, %parallel_loop3A_96 : vector<16xi32>
      %parallel_loop3A_98 = arith.constant 27 : i32
      %parallel_loop3A_99 = vector.broadcast %parallel_loop3A_98 : i32 to vector<16xi32>
      %parallel_loop3A_100 = arith.muli %parallel_loop3A_94, %parallel_loop3A_99 : vector<16xi32>
      %parallel_loop3A_101 = arith.constant 13 : i32
      %parallel_loop3A_102 = vector.broadcast %parallel_loop3A_101 : i32 to vector<16xi32>
      %parallel_loop3A_103 = arith.addi %parallel_loop3A_97, %parallel_loop3A_102 : vector<16xi32>
      %parallel_loop3A_104 = tpu.vector_load_idx %arg4[%parallel_loop3A_103] : memref<8832xf32, #tpu.memory_space<vmem>>[vector<16xi32>], vector<16xf32>,
      %parallel_loop3A_105 = arith.constant 14 : i32
      %parallel_loop3A_106 = vector.broadcast %parallel_loop3A_105 : i32 to vector<16xi32>
      %parallel_loop3A_107 = arith.addi %parallel_loop3A_97, %parallel_loop3A_106 : vector<16xi32>
      %parallel_loop3A_108 = tpu.vector_load_idx %arg4[%parallel_loop3A_107] : memref<8832xf32, #tpu.memory_space<vmem>>[vector<16xi32>], vector<16xf32>,
      %parallel_loop3A_109 = arith.constant 15 : i32
      %parallel_loop3A_110 = vector.broadcast %parallel_loop3A_109 : i32 to vector<16xi32>
      %parallel_loop3A_111 = arith.addi %parallel_loop3A_97, %parallel_loop3A_110 : vector<16xi32>
      %parallel_loop3A_112 = tpu.vector_load_idx %arg4[%parallel_loop3A_111] : memref<8832xf32, #tpu.memory_space<vmem>>[vector<16xi32>], vector<16xf32>,
      %parallel_loop3A_113 = arith.mulf %parallel_loop3A_104, %parallel_loop3A_104 : vector<16xf32>
      %parallel_loop3A_114 = arith.mulf %parallel_loop3A_108, %parallel_loop3A_108 : vector<16xf32>
      %parallel_loop3A_115 = arith.addf %parallel_loop3A_113, %parallel_loop3A_114 : vector<16xf32>
      %parallel_loop3A_116 = arith.mulf %parallel_loop3A_112, %parallel_loop3A_112 : vector<16xf32>
      %parallel_loop3A_117 = arith.addf %parallel_loop3A_115, %parallel_loop3A_116 : vector<16xf32>
      %parallel_loop3A_118 = arith.constant 20 : i32
      %parallel_loop3A_119 = vector.broadcast %parallel_loop3A_118 : i32 to vector<16xi32>
      %parallel_loop3A_120 = arith.addi %parallel_loop3A_97, %parallel_loop3A_119 : vector<16xi32>
      %parallel_loop3A_121 = tpu.vector_load_idx %arg4[%parallel_loop3A_120] : memref<8832xf32, #tpu.memory_space<vmem>>[vector<16xi32>], vector<16xf32>,
      %parallel_loop3A_122 = arith.constant 21 : i32
      %parallel_loop3A_123 = vector.broadcast %parallel_loop3A_122 : i32 to vector<16xi32>
      %parallel_loop3A_124 = arith.addi %parallel_loop3A_97, %parallel_loop3A_123 : vector<16xi32>
      %parallel_loop3A_125 = tpu.vector_load_idx %arg4[%parallel_loop3A_124] : memref<8832xf32, #tpu.memory_space<vmem>>[vector<16xi32>], vector<16xf32>,
      %parallel_loop3A_126 = arith.constant 22 : i32
      %parallel_loop3A_127 = vector.broadcast %parallel_loop3A_126 : i32 to vector<16xi32>
      %parallel_loop3A_128 = arith.addi %parallel_loop3A_97, %parallel_loop3A_127 : vector<16xi32>
      %parallel_loop3A_129 = tpu.vector_load_idx %arg4[%parallel_loop3A_128] : memref<8832xf32, #tpu.memory_space<vmem>>[vector<16xi32>], vector<16xf32>,
      %parallel_loop3A_130 = arith.mulf %parallel_loop3A_121, %parallel_loop3A_121 : vector<16xf32>
      %parallel_loop3A_131 = arith.mulf %parallel_loop3A_125, %parallel_loop3A_125 : vector<16xf32>
      %parallel_loop3A_132 = arith.addf %parallel_loop3A_130, %parallel_loop3A_131 : vector<16xf32>
      %parallel_loop3A_133 = arith.mulf %parallel_loop3A_129, %parallel_loop3A_129 : vector<16xf32>
      %parallel_loop3A_134 = arith.addf %parallel_loop3A_132, %parallel_loop3A_133 : vector<16xf32>
      %parallel_loop3A_135 = arith.constant 27 : i32
      %parallel_loop3A_136 = vector.broadcast %parallel_loop3A_135 : i32 to vector<16xi32>
      %parallel_loop3A_137 = arith.addi %parallel_loop3A_97, %parallel_loop3A_136 : vector<16xi32>
      %parallel_loop3A_138 = tpu.vector_load_idx %arg4[%parallel_loop3A_137] : memref<8832xf32, #tpu.memory_space<vmem>>[vector<16xi32>], vector<16xf32>,
      %parallel_loop3A_139 = arith.constant 28 : i32
      %parallel_loop3A_140 = vector.broadcast %parallel_loop3A_139 : i32 to vector<16xi32>
      %parallel_loop3A_141 = arith.addi %parallel_loop3A_97, %parallel_loop3A_140 : vector<16xi32>
      %parallel_loop3A_142 = tpu.vector_load_idx %arg4[%parallel_loop3A_141] : memref<8832xf32, #tpu.memory_space<vmem>>[vector<16xi32>], vector<16xf32>,
      %parallel_loop3A_143 = arith.constant 29 : i32
      %parallel_loop3A_144 = vector.broadcast %parallel_loop3A_143 : i32 to vector<16xi32>
      %parallel_loop3A_145 = arith.addi %parallel_loop3A_97, %parallel_loop3A_144 : vector<16xi32>
      %parallel_loop3A_146 = tpu.vector_load_idx %arg4[%parallel_loop3A_145] : memref<8832xf32, #tpu.memory_space<vmem>>[vector<16xi32>], vector<16xf32>,
      %parallel_loop3A_147 = arith.mulf %parallel_loop3A_138, %parallel_loop3A_138 : vector<16xf32>
      %parallel_loop3A_148 = arith.mulf %parallel_loop3A_142, %parallel_loop3A_142 : vector<16xf32>
      %parallel_loop3A_149 = arith.addf %parallel_loop3A_147, %parallel_loop3A_148 : vector<16xf32>
      %parallel_loop3A_150 = arith.mulf %parallel_loop3A_146, %parallel_loop3A_146 : vector<16xf32>
      %parallel_loop3A_151 = arith.addf %parallel_loop3A_149, %parallel_loop3A_150 : vector<16xf32>
      %parallel_loop3A_152 = arith.constant 34 : i32
      %parallel_loop3A_153 = vector.broadcast %parallel_loop3A_152 : i32 to vector<16xi32>
      %parallel_loop3A_154 = arith.addi %parallel_loop3A_97, %parallel_loop3A_153 : vector<16xi32>
      %parallel_loop3A_155 = tpu.vector_load_idx %arg4[%parallel_loop3A_154] : memref<8832xf32, #tpu.memory_space<vmem>>[vector<16xi32>], vector<16xf32>,
      %parallel_loop3A_156 = arith.constant 35 : i32
      %parallel_loop3A_157 = vector.broadcast %parallel_loop3A_156 : i32 to vector<16xi32>
      %parallel_loop3A_158 = arith.addi %parallel_loop3A_97, %parallel_loop3A_157 : vector<16xi32>
      %parallel_loop3A_159 = tpu.vector_load_idx %arg4[%parallel_loop3A_158] : memref<8832xf32, #tpu.memory_space<vmem>>[vector<16xi32>], vector<16xf32>,
      %parallel_loop3A_160 = arith.constant 36 : i32
      %parallel_loop3A_161 = vector.broadcast %parallel_loop3A_160 : i32 to vector<16xi32>
      %parallel_loop3A_162 = arith.addi %parallel_loop3A_97, %parallel_loop3A_161 : vector<16xi32>
      %parallel_loop3A_163 = tpu.vector_load_idx %arg4[%parallel_loop3A_162] : memref<8832xf32, #tpu.memory_space<vmem>>[vector<16xi32>], vector<16xf32>,
      %parallel_loop3A_164 = arith.mulf %parallel_loop3A_155, %parallel_loop3A_155 : vector<16xf32>
      %parallel_loop3A_165 = arith.mulf %parallel_loop3A_159, %parallel_loop3A_159 : vector<16xf32>
      %parallel_loop3A_166 = arith.addf %parallel_loop3A_164, %parallel_loop3A_165 : vector<16xf32>
      %parallel_loop3A_167 = arith.mulf %parallel_loop3A_163, %parallel_loop3A_163 : vector<16xf32>
      %parallel_loop3A_168 = arith.addf %parallel_loop3A_166, %parallel_loop3A_167 : vector<16xf32>
      %parallel_loop3A_169 = arith.constant 41 : i32
      %parallel_loop3A_170 = vector.broadcast %parallel_loop3A_169 : i32 to vector<16xi32>
      %parallel_loop3A_171 = arith.addi %parallel_loop3A_97, %parallel_loop3A_170 : vector<16xi32>
      %parallel_loop3A_172 = tpu.vector_load_idx %arg4[%parallel_loop3A_171] : memref<8832xf32, #tpu.memory_space<vmem>>[vector<16xi32>], vector<16xf32>,
      %parallel_loop3A_173 = arith.constant 42 : i32
      %parallel_loop3A_174 = vector.broadcast %parallel_loop3A_173 : i32 to vector<16xi32>
      %parallel_loop3A_175 = arith.addi %parallel_loop3A_97, %parallel_loop3A_174 : vector<16xi32>
      %parallel_loop3A_176 = tpu.vector_load_idx %arg4[%parallel_loop3A_175] : memref<8832xf32, #tpu.memory_space<vmem>>[vector<16xi32>], vector<16xf32>,
      %parallel_loop3A_177 = arith.constant 43 : i32
      %parallel_loop3A_178 = vector.broadcast %parallel_loop3A_177 : i32 to vector<16xi32>
      %parallel_loop3A_179 = arith.addi %parallel_loop3A_97, %parallel_loop3A_178 : vector<16xi32>
      %parallel_loop3A_180 = tpu.vector_load_idx %arg4[%parallel_loop3A_179] : memref<8832xf32, #tpu.memory_space<vmem>>[vector<16xi32>], vector<16xf32>,
      %parallel_loop3A_181 = arith.mulf %parallel_loop3A_172, %parallel_loop3A_172 : vector<16xf32>
      %parallel_loop3A_182 = arith.mulf %parallel_loop3A_176, %parallel_loop3A_176 : vector<16xf32>
      %parallel_loop3A_183 = arith.addf %parallel_loop3A_181, %parallel_loop3A_182 : vector<16xf32>
      %parallel_loop3A_184 = arith.mulf %parallel_loop3A_180, %parallel_loop3A_180 : vector<16xf32>
      %parallel_loop3A_185 = arith.addf %parallel_loop3A_183, %parallel_loop3A_184 : vector<16xf32>
      %parallel_loop3A_186 = arith.constant 48 : i32
      %parallel_loop3A_187 = vector.broadcast %parallel_loop3A_186 : i32 to vector<16xi32>
      %parallel_loop3A_188 = arith.addi %parallel_loop3A_97, %parallel_loop3A_187 : vector<16xi32>
      %parallel_loop3A_189 = tpu.vector_load_idx %arg4[%parallel_loop3A_188] : memref<8832xf32, #tpu.memory_space<vmem>>[vector<16xi32>], vector<16xf32>,
      %parallel_loop3A_190 = arith.constant 49 : i32
      %parallel_loop3A_191 = vector.broadcast %parallel_loop3A_190 : i32 to vector<16xi32>
      %parallel_loop3A_192 = arith.addi %parallel_loop3A_97, %parallel_loop3A_191 : vector<16xi32>
      %parallel_loop3A_193 = tpu.vector_load_idx %arg4[%parallel_loop3A_192] : memref<8832xf32, #tpu.memory_space<vmem>>[vector<16xi32>], vector<16xf32>,
      %parallel_loop3A_194 = arith.constant 50 : i32
      %parallel_loop3A_195 = vector.broadcast %parallel_loop3A_194 : i32 to vector<16xi32>
      %parallel_loop3A_196 = arith.addi %parallel_loop3A_97, %parallel_loop3A_195 : vector<16xi32>
      %parallel_loop3A_197 = tpu.vector_load_idx %arg4[%parallel_loop3A_196] : memref<8832xf32, #tpu.memory_space<vmem>>[vector<16xi32>], vector<16xf32>,
      %parallel_loop3A_198 = arith.mulf %parallel_loop3A_189, %parallel_loop3A_189 : vector<16xf32>
      %parallel_loop3A_199 = arith.mulf %parallel_loop3A_193, %parallel_loop3A_193 : vector<16xf32>
      %parallel_loop3A_200 = arith.addf %parallel_loop3A_198, %parallel_loop3A_199 : vector<16xf32>
      %parallel_loop3A_201 = arith.mulf %parallel_loop3A_197, %parallel_loop3A_197 : vector<16xf32>
      %parallel_loop3A_202 = arith.addf %parallel_loop3A_200, %parallel_loop3A_201 : vector<16xf32>
      %parallel_loop3A_203 = arith.constant 55 : i32
      %parallel_loop3A_204 = vector.broadcast %parallel_loop3A_203 : i32 to vector<16xi32>
      %parallel_loop3A_205 = arith.addi %parallel_loop3A_97, %parallel_loop3A_204 : vector<16xi32>
      %parallel_loop3A_206 = tpu.vector_load_idx %arg4[%parallel_loop3A_205] : memref<8832xf32, #tpu.memory_space<vmem>>[vector<16xi32>], vector<16xf32>,
      %parallel_loop3A_207 = arith.constant 56 : i32
      %parallel_loop3A_208 = vector.broadcast %parallel_loop3A_207 : i32 to vector<16xi32>
      %parallel_loop3A_209 = arith.addi %parallel_loop3A_97, %parallel_loop3A_208 : vector<16xi32>
      %parallel_loop3A_210 = tpu.vector_load_idx %arg4[%parallel_loop3A_209] : memref<8832xf32, #tpu.memory_space<vmem>>[vector<16xi32>], vector<16xf32>,
      %parallel_loop3A_211 = arith.constant 57 : i32
      %parallel_loop3A_212 = vector.broadcast %parallel_loop3A_211 : i32 to vector<16xi32>
      %parallel_loop3A_213 = arith.addi %parallel_loop3A_97, %parallel_loop3A_212 : vector<16xi32>
      %parallel_loop3A_214 = tpu.vector_load_idx %arg4[%parallel_loop3A_213] : memref<8832xf32, #tpu.memory_space<vmem>>[vector<16xi32>], vector<16xf32>,
      %parallel_loop3A_215 = arith.mulf %parallel_loop3A_206, %parallel_loop3A_206 : vector<16xf32>
      %parallel_loop3A_216 = arith.mulf %parallel_loop3A_210, %parallel_loop3A_210 : vector<16xf32>
      %parallel_loop3A_217 = arith.addf %parallel_loop3A_215, %parallel_loop3A_216 : vector<16xf32>
      %parallel_loop3A_218 = arith.mulf %parallel_loop3A_214, %parallel_loop3A_214 : vector<16xf32>
      %parallel_loop3A_219 = arith.addf %parallel_loop3A_217, %parallel_loop3A_218 : vector<16xf32>
      %parallel_loop3A_220 = arith.constant 6 : i32
      %parallel_loop3A_221 = vector.broadcast %parallel_loop3A_220 : i32 to vector<16xi32>
      %parallel_loop3A_222 = arith.constant 5 : i32
      %parallel_loop3A_223 = vector.broadcast %parallel_loop3A_222 : i32 to vector<16xi32>
      %parallel_loop3A_224 = arith.constant 4 : i32
      %parallel_loop3A_225 = vector.broadcast %parallel_loop3A_224 : i32 to vector<16xi32>
      %parallel_loop3A_226 = arith.constant 3 : i32
      %parallel_loop3A_227 = vector.broadcast %parallel_loop3A_226 : i32 to vector<16xi32>
      %parallel_loop3A_228 = arith.constant 2 : i32
      %parallel_loop3A_229 = vector.broadcast %parallel_loop3A_228 : i32 to vector<16xi32>
      %parallel_loop3A_230 = arith.constant 1 : i32
      %parallel_loop3A_231 = vector.broadcast %parallel_loop3A_230 : i32 to vector<16xi32>
      %parallel_loop3A_232 = arith.constant 0 : i32
      %parallel_loop3A_233 = vector.broadcast %parallel_loop3A_232 : i32 to vector<16xi32>
      %parallel_loop3A_234 = arith.cmpf ole, %parallel_loop3A_117, %parallel_loop3A_134 : vector<16xf32>
      %parallel_loop3A_235 = arith.extui %parallel_loop3A_234 : vector<16xi1> to vector<16xi32>
      %parallel_loop3A_236 = arith.addi %parallel_loop3A_223, %parallel_loop3A_235 : vector<16xi32>
      %parallel_loop3A_237 = arith.subi %parallel_loop3A_221, %parallel_loop3A_235 : vector<16xi32>
      %parallel_loop3A_238 = arith.cmpf ole, %parallel_loop3A_117, %parallel_loop3A_151 : vector<16xf32>
      %parallel_loop3A_239 = arith.extui %parallel_loop3A_238 : vector<16xi1> to vector<16xi32>
      %parallel_loop3A_240 = arith.addi %parallel_loop3A_225, %parallel_loop3A_239 : vector<16xi32>
      %parallel_loop3A_241 = arith.subi %parallel_loop3A_237, %parallel_loop3A_239 : vector<16xi32>
      %parallel_loop3A_242 = arith.cmpf ole, %parallel_loop3A_117, %parallel_loop3A_168 : vector<16xf32>
      %parallel_loop3A_243 = arith.extui %parallel_loop3A_242 : vector<16xi1> to vector<16xi32>
      %parallel_loop3A_244 = arith.addi %parallel_loop3A_227, %parallel_loop3A_243 : vector<16xi32>
      %parallel_loop3A_245 = arith.subi %parallel_loop3A_241, %parallel_loop3A_243 : vector<16xi32>
      %parallel_loop3A_246 = arith.cmpf ole, %parallel_loop3A_117, %parallel_loop3A_185 : vector<16xf32>
      %parallel_loop3A_247 = arith.extui %parallel_loop3A_246 : vector<16xi1> to vector<16xi32>
      %parallel_loop3A_248 = arith.addi %parallel_loop3A_229, %parallel_loop3A_247 : vector<16xi32>
      %parallel_loop3A_249 = arith.subi %parallel_loop3A_245, %parallel_loop3A_247 : vector<16xi32>
      %parallel_loop3A_250 = arith.cmpf ole, %parallel_loop3A_117, %parallel_loop3A_202 : vector<16xf32>
      %parallel_loop3A_251 = arith.extui %parallel_loop3A_250 : vector<16xi1> to vector<16xi32>
      %parallel_loop3A_252 = arith.addi %parallel_loop3A_231, %parallel_loop3A_251 : vector<16xi32>
      %parallel_loop3A_253 = arith.subi %parallel_loop3A_249, %parallel_loop3A_251 : vector<16xi32>
      %parallel_loop3A_254 = arith.cmpf ole, %parallel_loop3A_117, %parallel_loop3A_219 : vector<16xf32>
      %parallel_loop3A_255 = arith.extui %parallel_loop3A_254 : vector<16xi1> to vector<16xi32>
      %parallel_loop3A_256 = arith.addi %parallel_loop3A_233, %parallel_loop3A_255 : vector<16xi32>
      %parallel_loop3A_257 = arith.subi %parallel_loop3A_253, %parallel_loop3A_255 : vector<16xi32>
      %parallel_loop3A_258 = arith.cmpf ole, %parallel_loop3A_134, %parallel_loop3A_151 : vector<16xf32>
      %parallel_loop3A_259 = arith.extui %parallel_loop3A_258 : vector<16xi1> to vector<16xi32>
      %parallel_loop3A_260 = arith.addi %parallel_loop3A_240, %parallel_loop3A_259 : vector<16xi32>
      %parallel_loop3A_261 = arith.subi %parallel_loop3A_236, %parallel_loop3A_259 : vector<16xi32>
      %parallel_loop3A_262 = arith.cmpf ole, %parallel_loop3A_134, %parallel_loop3A_168 : vector<16xf32>
      %parallel_loop3A_263 = arith.extui %parallel_loop3A_262 : vector<16xi1> to vector<16xi32>
      %parallel_loop3A_264 = arith.addi %parallel_loop3A_244, %parallel_loop3A_263 : vector<16xi32>
      %parallel_loop3A_265 = arith.subi %parallel_loop3A_261, %parallel_loop3A_263 : vector<16xi32>
      %parallel_loop3A_266 = arith.cmpf ole, %parallel_loop3A_134, %parallel_loop3A_185 : vector<16xf32>
      %parallel_loop3A_267 = arith.extui %parallel_loop3A_266 : vector<16xi1> to vector<16xi32>
      %parallel_loop3A_268 = arith.addi %parallel_loop3A_248, %parallel_loop3A_267 : vector<16xi32>
      %parallel_loop3A_269 = arith.subi %parallel_loop3A_265, %parallel_loop3A_267 : vector<16xi32>
      %parallel_loop3A_270 = arith.cmpf ole, %parallel_loop3A_134, %parallel_loop3A_202 : vector<16xf32>
      %parallel_loop3A_271 = arith.extui %parallel_loop3A_270 : vector<16xi1> to vector<16xi32>
      %parallel_loop3A_272 = arith.addi %parallel_loop3A_252, %parallel_loop3A_271 : vector<16xi32>
      %parallel_loop3A_273 = arith.subi %parallel_loop3A_269, %parallel_loop3A_271 : vector<16xi32>
      %parallel_loop3A_274 = arith.cmpf ole, %parallel_loop3A_134, %parallel_loop3A_219 : vector<16xf32>
      %parallel_loop3A_275 = arith.extui %parallel_loop3A_274 : vector<16xi1> to vector<16xi32>
      %parallel_loop3A_276 = arith.addi %parallel_loop3A_256, %parallel_loop3A_275 : vector<16xi32>
      %parallel_loop3A_277 = arith.subi %parallel_loop3A_273, %parallel_loop3A_275 : vector<16xi32>
      %parallel_loop3A_278 = arith.cmpf ole, %parallel_loop3A_151, %parallel_loop3A_168 : vector<16xf32>
      %parallel_loop3A_279 = arith.extui %parallel_loop3A_278 : vector<16xi1> to vector<16xi32>
      %parallel_loop3A_280 = arith.addi %parallel_loop3A_264, %parallel_loop3A_279 : vector<16xi32>
      %parallel_loop3A_281 = arith.subi %parallel_loop3A_260, %parallel_loop3A_279 : vector<16xi32>
      %parallel_loop3A_282 = arith.cmpf ole, %parallel_loop3A_151, %parallel_loop3A_185 : vector<16xf32>
      %parallel_loop3A_283 = arith.extui %parallel_loop3A_282 : vector<16xi1> to vector<16xi32>
      %parallel_loop3A_284 = arith.addi %parallel_loop3A_268, %parallel_loop3A_283 : vector<16xi32>
      %parallel_loop3A_285 = arith.subi %parallel_loop3A_281, %parallel_loop3A_283 : vector<16xi32>
      %parallel_loop3A_286 = arith.cmpf ole, %parallel_loop3A_151, %parallel_loop3A_202 : vector<16xf32>
      %parallel_loop3A_287 = arith.extui %parallel_loop3A_286 : vector<16xi1> to vector<16xi32>
      %parallel_loop3A_288 = arith.addi %parallel_loop3A_272, %parallel_loop3A_287 : vector<16xi32>
      %parallel_loop3A_289 = arith.subi %parallel_loop3A_285, %parallel_loop3A_287 : vector<16xi32>
      %parallel_loop3A_290 = arith.cmpf ole, %parallel_loop3A_151, %parallel_loop3A_219 : vector<16xf32>
      %parallel_loop3A_291 = arith.extui %parallel_loop3A_290 : vector<16xi1> to vector<16xi32>
      %parallel_loop3A_292 = arith.addi %parallel_loop3A_276, %parallel_loop3A_291 : vector<16xi32>
      %parallel_loop3A_293 = arith.subi %parallel_loop3A_289, %parallel_loop3A_291 : vector<16xi32>
      %parallel_loop3A_294 = arith.cmpf ole, %parallel_loop3A_168, %parallel_loop3A_185 : vector<16xf32>
      %parallel_loop3A_295 = arith.extui %parallel_loop3A_294 : vector<16xi1> to vector<16xi32>
      %parallel_loop3A_296 = arith.addi %parallel_loop3A_284, %parallel_loop3A_295 : vector<16xi32>
      %parallel_loop3A_297 = arith.subi %parallel_loop3A_280, %parallel_loop3A_295 : vector<16xi32>
      %parallel_loop3A_298 = arith.cmpf ole, %parallel_loop3A_168, %parallel_loop3A_202 : vector<16xf32>
      %parallel_loop3A_299 = arith.extui %parallel_loop3A_298 : vector<16xi1> to vector<16xi32>
      %parallel_loop3A_300 = arith.addi %parallel_loop3A_288, %parallel_loop3A_299 : vector<16xi32>
      %parallel_loop3A_301 = arith.subi %parallel_loop3A_297, %parallel_loop3A_299 : vector<16xi32>
      %parallel_loop3A_302 = arith.cmpf ole, %parallel_loop3A_168, %parallel_loop3A_219 : vector<16xf32>
      %parallel_loop3A_303 = arith.extui %parallel_loop3A_302 : vector<16xi1> to vector<16xi32>
      %parallel_loop3A_304 = arith.addi %parallel_loop3A_292, %parallel_loop3A_303 : vector<16xi32>
      %parallel_loop3A_305 = arith.subi %parallel_loop3A_301, %parallel_loop3A_303 : vector<16xi32>
      %parallel_loop3A_306 = arith.cmpf ole, %parallel_loop3A_185, %parallel_loop3A_202 : vector<16xf32>
      %parallel_loop3A_307 = arith.extui %parallel_loop3A_306 : vector<16xi1> to vector<16xi32>
      %parallel_loop3A_308 = arith.addi %parallel_loop3A_300, %parallel_loop3A_307 : vector<16xi32>
      %parallel_loop3A_309 = arith.subi %parallel_loop3A_296, %parallel_loop3A_307 : vector<16xi32>
      %parallel_loop3A_310 = arith.cmpf ole, %parallel_loop3A_185, %parallel_loop3A_219 : vector<16xf32>
      %parallel_loop3A_311 = arith.extui %parallel_loop3A_310 : vector<16xi1> to vector<16xi32>
      %parallel_loop3A_312 = arith.addi %parallel_loop3A_304, %parallel_loop3A_311 : vector<16xi32>
      %parallel_loop3A_313 = arith.subi %parallel_loop3A_309, %parallel_loop3A_311 : vector<16xi32>
      %parallel_loop3A_314 = arith.cmpf ole, %parallel_loop3A_202, %parallel_loop3A_219 : vector<16xf32>
      %parallel_loop3A_315 = arith.extui %parallel_loop3A_314 : vector<16xi1> to vector<16xi32>
      %parallel_loop3A_316 = arith.addi %parallel_loop3A_312, %parallel_loop3A_315 : vector<16xi32>
      %parallel_loop3A_317 = arith.subi %parallel_loop3A_308, %parallel_loop3A_315 : vector<16xi32>
      %parallel_loop3A_318 = arith.constant 3 : i32
      %parallel_loop3A_319 = vector.broadcast %parallel_loop3A_318 : i32 to vector<16xi32>
      %parallel_loop3A_320 = arith.addi %parallel_loop3A_97, %parallel_loop3A_319 : vector<16xi32>
      %parallel_loop3A_321 = tpu.vector_load_idx %arg4[%parallel_loop3A_320] : memref<8832xf32, #tpu.memory_space<vmem>>[vector<16xi32>], vector<16xf32>,
      %parallel_loop3A_322 = arith.constant 0.636619746 : f32
      %parallel_loop3A_323 = vector.broadcast %parallel_loop3A_322 : f32 to vector<16xf32>
      %parallel_loop3A_324 = arith.mulf %parallel_loop3A_321, %parallel_loop3A_323 : vector<16xf32>
      %parallel_loop3A_325 = arith.constant 0x4B400000 : f32
      %parallel_loop3A_326 = vector.broadcast %parallel_loop3A_325 : f32 to vector<16xf32>
      %parallel_loop3A_327 = arith.addf %parallel_loop3A_324, %parallel_loop3A_326 : vector<16xf32>
      %parallel_loop3A_328 = arith.constant 0x4B400000 : f32
      %parallel_loop3A_329 = vector.broadcast %parallel_loop3A_328 : f32 to vector<16xf32>
      %parallel_loop3A_330 = arith.subf %parallel_loop3A_327, %parallel_loop3A_329 : vector<16xf32>
      %parallel_loop3A_331 = arith.constant 1.57080078 : f32
      %parallel_loop3A_332 = vector.broadcast %parallel_loop3A_331 : f32 to vector<16xf32>
      %parallel_loop3A_333 = arith.mulf %parallel_loop3A_330, %parallel_loop3A_332 : vector<16xf32>
      %parallel_loop3A_334 = arith.subf %parallel_loop3A_321, %parallel_loop3A_333 : vector<16xf32>
      %parallel_loop3A_335 = arith.constant -4.45445494E-6 : f32
      %parallel_loop3A_336 = vector.broadcast %parallel_loop3A_335 : f32 to vector<16xf32>
      %parallel_loop3A_337 = arith.mulf %parallel_loop3A_330, %parallel_loop3A_336 : vector<16xf32>
      %parallel_loop3A_338 = arith.subf %parallel_loop3A_334, %parallel_loop3A_337 : vector<16xf32>
      %parallel_loop3A_339 = arith.fptosi %parallel_loop3A_330 : vector<16xf32> to vector<16xi32>
      %parallel_loop3A_340 = arith.mulf %parallel_loop3A_338, %parallel_loop3A_338 : vector<16xf32>
      %parallel_loop3A_341 = arith.mulf %parallel_loop3A_338, %parallel_loop3A_340 : vector<16xf32>
      %parallel_loop3A_342 = arith.constant -1.95152956E-4 : f32
      %parallel_loop3A_343 = vector.broadcast %parallel_loop3A_342 : f32 to vector<16xf32>
      %parallel_loop3A_344 = arith.mulf %parallel_loop3A_340, %parallel_loop3A_343 : vector<16xf32>
      %parallel_loop3A_345 = arith.constant 0.00833216123 : f32
      %parallel_loop3A_346 = vector.broadcast %parallel_loop3A_345 : f32 to vector<16xf32>
      %parallel_loop3A_347 = arith.addf %parallel_loop3A_346, %parallel_loop3A_344 : vector<16xf32>
      %parallel_loop3A_348 = arith.mulf %parallel_loop3A_340, %parallel_loop3A_347 : vector<16xf32>
      %parallel_loop3A_349 = arith.constant -0.166666552 : f32
      %parallel_loop3A_350 = vector.broadcast %parallel_loop3A_349 : f32 to vector<16xf32>
      %parallel_loop3A_351 = arith.addf %parallel_loop3A_350, %parallel_loop3A_348 : vector<16xf32>
      %parallel_loop3A_352 = arith.mulf %parallel_loop3A_341, %parallel_loop3A_351 : vector<16xf32>
      %parallel_loop3A_353 = arith.addf %parallel_loop3A_338, %parallel_loop3A_352 : vector<16xf32>
      %parallel_loop3A_354 = arith.constant 2.44331568E-5 : f32
      %parallel_loop3A_355 = vector.broadcast %parallel_loop3A_354 : f32 to vector<16xf32>
      %parallel_loop3A_356 = arith.mulf %parallel_loop3A_340, %parallel_loop3A_355 : vector<16xf32>
      %parallel_loop3A_357 = arith.constant -0.00138873165 : f32
      %parallel_loop3A_358 = vector.broadcast %parallel_loop3A_357 : f32 to vector<16xf32>
      %parallel_loop3A_359 = arith.addf %parallel_loop3A_358, %parallel_loop3A_356 : vector<16xf32>
      %parallel_loop3A_360 = arith.mulf %parallel_loop3A_340, %parallel_loop3A_359 : vector<16xf32>
      %parallel_loop3A_361 = arith.constant 0.0416666456 : f32
      %parallel_loop3A_362 = vector.broadcast %parallel_loop3A_361 : f32 to vector<16xf32>
      %parallel_loop3A_363 = arith.addf %parallel_loop3A_362, %parallel_loop3A_360 : vector<16xf32>
      %parallel_loop3A_364 = arith.mulf %parallel_loop3A_340, %parallel_loop3A_363 : vector<16xf32>
      %parallel_loop3A_365 = arith.constant -5.000000e-01 : f32
      %parallel_loop3A_366 = vector.broadcast %parallel_loop3A_365 : f32 to vector<16xf32>
      %parallel_loop3A_367 = arith.addf %parallel_loop3A_366, %parallel_loop3A_364 : vector<16xf32>
      %parallel_loop3A_368 = arith.mulf %parallel_loop3A_340, %parallel_loop3A_367 : vector<16xf32>
      %parallel_loop3A_369 = arith.constant 1.000000e+00 : f32
      %parallel_loop3A_370 = vector.broadcast %parallel_loop3A_369 : f32 to vector<16xf32>
      %parallel_loop3A_371 = arith.addf %parallel_loop3A_370, %parallel_loop3A_368 : vector<16xf32>
      %parallel_loop3A_372 = arith.constant 3 : i32
      %parallel_loop3A_373 = vector.broadcast %parallel_loop3A_372 : i32 to vector<16xi32>
      %parallel_loop3A_374 = arith.andi %parallel_loop3A_339, %parallel_loop3A_373 : vector<16xi32>
      %parallel_loop3A_375 = arith.constant 1 : i32
      %parallel_loop3A_376 = vector.broadcast %parallel_loop3A_375 : i32 to vector<16xi32>
      %parallel_loop3A_377 = arith.andi %parallel_loop3A_374, %parallel_loop3A_376 : vector<16xi32>
      %parallel_loop3A_378 = arith.constant 1 : i32
      %parallel_loop3A_379 = vector.broadcast %parallel_loop3A_378 : i32 to vector<16xi32>
      %parallel_loop3A_380 = arith.cmpi eq, %parallel_loop3A_377, %parallel_loop3A_379 : vector<16xi32>
      %parallel_loop3A_381 = arith.select %parallel_loop3A_380, %parallel_loop3A_371, %parallel_loop3A_353 : vector<16xi1>, vector<16xf32>
      %parallel_loop3A_382 = arith.select %parallel_loop3A_380, %parallel_loop3A_353, %parallel_loop3A_371 : vector<16xi1>, vector<16xf32>
      %parallel_loop3A_383 = arith.constant 2 : i32
      %parallel_loop3A_384 = vector.broadcast %parallel_loop3A_383 : i32 to vector<16xi32>
      %parallel_loop3A_385 = arith.andi %parallel_loop3A_374, %parallel_loop3A_384 : vector<16xi32>
      %parallel_loop3A_386 = arith.constant 2 : i32
      %parallel_loop3A_387 = vector.broadcast %parallel_loop3A_386 : i32 to vector<16xi32>
      %parallel_loop3A_388 = arith.cmpi eq, %parallel_loop3A_385, %parallel_loop3A_387 : vector<16xi32>
      %parallel_loop3A_389 = arith.constant 0.000000e+00 : f32
      %parallel_loop3A_390 = vector.broadcast %parallel_loop3A_389 : f32 to vector<16xf32>
      %parallel_loop3A_391 = arith.subf %parallel_loop3A_390, %parallel_loop3A_381 : vector<16xf32>
      %parallel_loop3A_392 = arith.select %parallel_loop3A_388, %parallel_loop3A_391, %parallel_loop3A_381 : vector<16xi1>, vector<16xf32>
      %parallel_loop3A_393 = arith.constant 1 : i32
      %parallel_loop3A_394 = vector.broadcast %parallel_loop3A_393 : i32 to vector<16xi32>
      %parallel_loop3A_395 = arith.addi %parallel_loop3A_374, %parallel_loop3A_394 : vector<16xi32>
      %parallel_loop3A_396 = arith.constant 2 : i32
      %parallel_loop3A_397 = vector.broadcast %parallel_loop3A_396 : i32 to vector<16xi32>
      %parallel_loop3A_398 = arith.andi %parallel_loop3A_395, %parallel_loop3A_397 : vector<16xi32>
      %parallel_loop3A_399 = arith.constant 2 : i32
      %parallel_loop3A_400 = vector.broadcast %parallel_loop3A_399 : i32 to vector<16xi32>
      %parallel_loop3A_401 = arith.cmpi eq, %parallel_loop3A_398, %parallel_loop3A_400 : vector<16xi32>
      %parallel_loop3A_402 = arith.constant 0.000000e+00 : f32
      %parallel_loop3A_403 = vector.broadcast %parallel_loop3A_402 : f32 to vector<16xf32>
      %parallel_loop3A_404 = arith.subf %parallel_loop3A_403, %parallel_loop3A_382 : vector<16xf32>
      %parallel_loop3A_405 = arith.select %parallel_loop3A_401, %parallel_loop3A_404, %parallel_loop3A_382 : vector<16xi1>, vector<16xf32>
      %parallel_loop3A_406 = arith.constant 4 : i32
      %parallel_loop3A_407 = vector.broadcast %parallel_loop3A_406 : i32 to vector<16xi32>
      %parallel_loop3A_408 = arith.addi %parallel_loop3A_97, %parallel_loop3A_407 : vector<16xi32>
      %parallel_loop3A_409 = tpu.vector_load_idx %arg4[%parallel_loop3A_408] : memref<8832xf32, #tpu.memory_space<vmem>>[vector<16xi32>], vector<16xf32>,
      %parallel_loop3A_410 = arith.constant 0.636619746 : f32
      %parallel_loop3A_411 = vector.broadcast %parallel_loop3A_410 : f32 to vector<16xf32>
      %parallel_loop3A_412 = arith.mulf %parallel_loop3A_409, %parallel_loop3A_411 : vector<16xf32>
      %parallel_loop3A_413 = arith.constant 0x4B400000 : f32
      %parallel_loop3A_414 = vector.broadcast %parallel_loop3A_413 : f32 to vector<16xf32>
      %parallel_loop3A_415 = arith.addf %parallel_loop3A_412, %parallel_loop3A_414 : vector<16xf32>
      %parallel_loop3A_416 = arith.constant 0x4B400000 : f32
      %parallel_loop3A_417 = vector.broadcast %parallel_loop3A_416 : f32 to vector<16xf32>
      %parallel_loop3A_418 = arith.subf %parallel_loop3A_415, %parallel_loop3A_417 : vector<16xf32>
      %parallel_loop3A_419 = arith.constant 1.57080078 : f32
      %parallel_loop3A_420 = vector.broadcast %parallel_loop3A_419 : f32 to vector<16xf32>
      %parallel_loop3A_421 = arith.mulf %parallel_loop3A_418, %parallel_loop3A_420 : vector<16xf32>
      %parallel_loop3A_422 = arith.subf %parallel_loop3A_409, %parallel_loop3A_421 : vector<16xf32>
      %parallel_loop3A_423 = arith.constant -4.45445494E-6 : f32
      %parallel_loop3A_424 = vector.broadcast %parallel_loop3A_423 : f32 to vector<16xf32>
      %parallel_loop3A_425 = arith.mulf %parallel_loop3A_418, %parallel_loop3A_424 : vector<16xf32>
      %parallel_loop3A_426 = arith.subf %parallel_loop3A_422, %parallel_loop3A_425 : vector<16xf32>
      %parallel_loop3A_427 = arith.fptosi %parallel_loop3A_418 : vector<16xf32> to vector<16xi32>
      %parallel_loop3A_428 = arith.mulf %parallel_loop3A_426, %parallel_loop3A_426 : vector<16xf32>
      %parallel_loop3A_429 = arith.mulf %parallel_loop3A_426, %parallel_loop3A_428 : vector<16xf32>
      %parallel_loop3A_430 = arith.constant -1.95152956E-4 : f32
      %parallel_loop3A_431 = vector.broadcast %parallel_loop3A_430 : f32 to vector<16xf32>
      %parallel_loop3A_432 = arith.mulf %parallel_loop3A_428, %parallel_loop3A_431 : vector<16xf32>
      %parallel_loop3A_433 = arith.constant 0.00833216123 : f32
      %parallel_loop3A_434 = vector.broadcast %parallel_loop3A_433 : f32 to vector<16xf32>
      %parallel_loop3A_435 = arith.addf %parallel_loop3A_434, %parallel_loop3A_432 : vector<16xf32>
      %parallel_loop3A_436 = arith.mulf %parallel_loop3A_428, %parallel_loop3A_435 : vector<16xf32>
      %parallel_loop3A_437 = arith.constant -0.166666552 : f32
      %parallel_loop3A_438 = vector.broadcast %parallel_loop3A_437 : f32 to vector<16xf32>
      %parallel_loop3A_439 = arith.addf %parallel_loop3A_438, %parallel_loop3A_436 : vector<16xf32>
      %parallel_loop3A_440 = arith.mulf %parallel_loop3A_429, %parallel_loop3A_439 : vector<16xf32>
      %parallel_loop3A_441 = arith.addf %parallel_loop3A_426, %parallel_loop3A_440 : vector<16xf32>
      %parallel_loop3A_442 = arith.constant 2.44331568E-5 : f32
      %parallel_loop3A_443 = vector.broadcast %parallel_loop3A_442 : f32 to vector<16xf32>
      %parallel_loop3A_444 = arith.mulf %parallel_loop3A_428, %parallel_loop3A_443 : vector<16xf32>
      %parallel_loop3A_445 = arith.constant -0.00138873165 : f32
      %parallel_loop3A_446 = vector.broadcast %parallel_loop3A_445 : f32 to vector<16xf32>
      %parallel_loop3A_447 = arith.addf %parallel_loop3A_446, %parallel_loop3A_444 : vector<16xf32>
      %parallel_loop3A_448 = arith.mulf %parallel_loop3A_428, %parallel_loop3A_447 : vector<16xf32>
      %parallel_loop3A_449 = arith.constant 0.0416666456 : f32
      %parallel_loop3A_450 = vector.broadcast %parallel_loop3A_449 : f32 to vector<16xf32>
      %parallel_loop3A_451 = arith.addf %parallel_loop3A_450, %parallel_loop3A_448 : vector<16xf32>
      %parallel_loop3A_452 = arith.mulf %parallel_loop3A_428, %parallel_loop3A_451 : vector<16xf32>
      %parallel_loop3A_453 = arith.constant -5.000000e-01 : f32
      %parallel_loop3A_454 = vector.broadcast %parallel_loop3A_453 : f32 to vector<16xf32>
      %parallel_loop3A_455 = arith.addf %parallel_loop3A_454, %parallel_loop3A_452 : vector<16xf32>
      %parallel_loop3A_456 = arith.mulf %parallel_loop3A_428, %parallel_loop3A_455 : vector<16xf32>
      %parallel_loop3A_457 = arith.constant 1.000000e+00 : f32
      %parallel_loop3A_458 = vector.broadcast %parallel_loop3A_457 : f32 to vector<16xf32>
      %parallel_loop3A_459 = arith.addf %parallel_loop3A_458, %parallel_loop3A_456 : vector<16xf32>
      %parallel_loop3A_460 = arith.constant 3 : i32
      %parallel_loop3A_461 = vector.broadcast %parallel_loop3A_460 : i32 to vector<16xi32>
      %parallel_loop3A_462 = arith.andi %parallel_loop3A_427, %parallel_loop3A_461 : vector<16xi32>
      %parallel_loop3A_463 = arith.constant 1 : i32
      %parallel_loop3A_464 = vector.broadcast %parallel_loop3A_463 : i32 to vector<16xi32>
      %parallel_loop3A_465 = arith.andi %parallel_loop3A_462, %parallel_loop3A_464 : vector<16xi32>
      %parallel_loop3A_466 = arith.constant 1 : i32
      %parallel_loop3A_467 = vector.broadcast %parallel_loop3A_466 : i32 to vector<16xi32>
      %parallel_loop3A_468 = arith.cmpi eq, %parallel_loop3A_465, %parallel_loop3A_467 : vector<16xi32>
      %parallel_loop3A_469 = arith.select %parallel_loop3A_468, %parallel_loop3A_459, %parallel_loop3A_441 : vector<16xi1>, vector<16xf32>
      %parallel_loop3A_470 = arith.select %parallel_loop3A_468, %parallel_loop3A_441, %parallel_loop3A_459 : vector<16xi1>, vector<16xf32>
      %parallel_loop3A_471 = arith.constant 2 : i32
      %parallel_loop3A_472 = vector.broadcast %parallel_loop3A_471 : i32 to vector<16xi32>
      %parallel_loop3A_473 = arith.andi %parallel_loop3A_462, %parallel_loop3A_472 : vector<16xi32>
      %parallel_loop3A_474 = arith.constant 2 : i32
      %parallel_loop3A_475 = vector.broadcast %parallel_loop3A_474 : i32 to vector<16xi32>
      %parallel_loop3A_476 = arith.cmpi eq, %parallel_loop3A_473, %parallel_loop3A_475 : vector<16xi32>
      %parallel_loop3A_477 = arith.constant 0.000000e+00 : f32
      %parallel_loop3A_478 = vector.broadcast %parallel_loop3A_477 : f32 to vector<16xf32>
      %parallel_loop3A_479 = arith.subf %parallel_loop3A_478, %parallel_loop3A_469 : vector<16xf32>
      %parallel_loop3A_480 = arith.select %parallel_loop3A_476, %parallel_loop3A_479, %parallel_loop3A_469 : vector<16xi1>, vector<16xf32>
      %parallel_loop3A_481 = arith.constant 1 : i32
      %parallel_loop3A_482 = vector.broadcast %parallel_loop3A_481 : i32 to vector<16xi32>
      %parallel_loop3A_483 = arith.addi %parallel_loop3A_462, %parallel_loop3A_482 : vector<16xi32>
      %parallel_loop3A_484 = arith.constant 2 : i32
      %parallel_loop3A_485 = vector.broadcast %parallel_loop3A_484 : i32 to vector<16xi32>
      %parallel_loop3A_486 = arith.andi %parallel_loop3A_483, %parallel_loop3A_485 : vector<16xi32>
      %parallel_loop3A_487 = arith.constant 2 : i32
      %parallel_loop3A_488 = vector.broadcast %parallel_loop3A_487 : i32 to vector<16xi32>
      %parallel_loop3A_489 = arith.cmpi eq, %parallel_loop3A_486, %parallel_loop3A_488 : vector<16xi32>
      %parallel_loop3A_490 = arith.constant 0.000000e+00 : f32
      %parallel_loop3A_491 = vector.broadcast %parallel_loop3A_490 : f32 to vector<16xf32>
      %parallel_loop3A_492 = arith.subf %parallel_loop3A_491, %parallel_loop3A_470 : vector<16xf32>
      %parallel_loop3A_493 = arith.select %parallel_loop3A_489, %parallel_loop3A_492, %parallel_loop3A_470 : vector<16xi1>, vector<16xf32>
      %parallel_loop3A_494 = arith.constant 5 : i32
      %parallel_loop3A_495 = vector.broadcast %parallel_loop3A_494 : i32 to vector<16xi32>
      %parallel_loop3A_496 = arith.addi %parallel_loop3A_97, %parallel_loop3A_495 : vector<16xi32>
      %parallel_loop3A_497 = tpu.vector_load_idx %arg4[%parallel_loop3A_496] : memref<8832xf32, #tpu.memory_space<vmem>>[vector<16xi32>], vector<16xf32>,
      %parallel_loop3A_498 = arith.constant 0.636619746 : f32
      %parallel_loop3A_499 = vector.broadcast %parallel_loop3A_498 : f32 to vector<16xf32>
      %parallel_loop3A_500 = arith.mulf %parallel_loop3A_497, %parallel_loop3A_499 : vector<16xf32>
      %parallel_loop3A_501 = arith.constant 0x4B400000 : f32
      %parallel_loop3A_502 = vector.broadcast %parallel_loop3A_501 : f32 to vector<16xf32>
      %parallel_loop3A_503 = arith.addf %parallel_loop3A_500, %parallel_loop3A_502 : vector<16xf32>
      %parallel_loop3A_504 = arith.constant 0x4B400000 : f32
      %parallel_loop3A_505 = vector.broadcast %parallel_loop3A_504 : f32 to vector<16xf32>
      %parallel_loop3A_506 = arith.subf %parallel_loop3A_503, %parallel_loop3A_505 : vector<16xf32>
      %parallel_loop3A_507 = arith.constant 1.57080078 : f32
      %parallel_loop3A_508 = vector.broadcast %parallel_loop3A_507 : f32 to vector<16xf32>
      %parallel_loop3A_509 = arith.mulf %parallel_loop3A_506, %parallel_loop3A_508 : vector<16xf32>
      %parallel_loop3A_510 = arith.subf %parallel_loop3A_497, %parallel_loop3A_509 : vector<16xf32>
      %parallel_loop3A_511 = arith.constant -4.45445494E-6 : f32
      %parallel_loop3A_512 = vector.broadcast %parallel_loop3A_511 : f32 to vector<16xf32>
      %parallel_loop3A_513 = arith.mulf %parallel_loop3A_506, %parallel_loop3A_512 : vector<16xf32>
      %parallel_loop3A_514 = arith.subf %parallel_loop3A_510, %parallel_loop3A_513 : vector<16xf32>
      %parallel_loop3A_515 = arith.fptosi %parallel_loop3A_506 : vector<16xf32> to vector<16xi32>
      %parallel_loop3A_516 = arith.mulf %parallel_loop3A_514, %parallel_loop3A_514 : vector<16xf32>
      %parallel_loop3A_517 = arith.mulf %parallel_loop3A_514, %parallel_loop3A_516 : vector<16xf32>
      %parallel_loop3A_518 = arith.constant -1.95152956E-4 : f32
      %parallel_loop3A_519 = vector.broadcast %parallel_loop3A_518 : f32 to vector<16xf32>
      %parallel_loop3A_520 = arith.mulf %parallel_loop3A_516, %parallel_loop3A_519 : vector<16xf32>
      %parallel_loop3A_521 = arith.constant 0.00833216123 : f32
      %parallel_loop3A_522 = vector.broadcast %parallel_loop3A_521 : f32 to vector<16xf32>
      %parallel_loop3A_523 = arith.addf %parallel_loop3A_522, %parallel_loop3A_520 : vector<16xf32>
      %parallel_loop3A_524 = arith.mulf %parallel_loop3A_516, %parallel_loop3A_523 : vector<16xf32>
      %parallel_loop3A_525 = arith.constant -0.166666552 : f32
      %parallel_loop3A_526 = vector.broadcast %parallel_loop3A_525 : f32 to vector<16xf32>
      %parallel_loop3A_527 = arith.addf %parallel_loop3A_526, %parallel_loop3A_524 : vector<16xf32>
      %parallel_loop3A_528 = arith.mulf %parallel_loop3A_517, %parallel_loop3A_527 : vector<16xf32>
      %parallel_loop3A_529 = arith.addf %parallel_loop3A_514, %parallel_loop3A_528 : vector<16xf32>
      %parallel_loop3A_530 = arith.constant 2.44331568E-5 : f32
      %parallel_loop3A_531 = vector.broadcast %parallel_loop3A_530 : f32 to vector<16xf32>
      %parallel_loop3A_532 = arith.mulf %parallel_loop3A_516, %parallel_loop3A_531 : vector<16xf32>
      %parallel_loop3A_533 = arith.constant -0.00138873165 : f32
      %parallel_loop3A_534 = vector.broadcast %parallel_loop3A_533 : f32 to vector<16xf32>
      %parallel_loop3A_535 = arith.addf %parallel_loop3A_534, %parallel_loop3A_532 : vector<16xf32>
      %parallel_loop3A_536 = arith.mulf %parallel_loop3A_516, %parallel_loop3A_535 : vector<16xf32>
      %parallel_loop3A_537 = arith.constant 0.0416666456 : f32
      %parallel_loop3A_538 = vector.broadcast %parallel_loop3A_537 : f32 to vector<16xf32>
      %parallel_loop3A_539 = arith.addf %parallel_loop3A_538, %parallel_loop3A_536 : vector<16xf32>
      %parallel_loop3A_540 = arith.mulf %parallel_loop3A_516, %parallel_loop3A_539 : vector<16xf32>
      %parallel_loop3A_541 = arith.constant -5.000000e-01 : f32
      %parallel_loop3A_542 = vector.broadcast %parallel_loop3A_541 : f32 to vector<16xf32>
      %parallel_loop3A_543 = arith.addf %parallel_loop3A_542, %parallel_loop3A_540 : vector<16xf32>
      %parallel_loop3A_544 = arith.mulf %parallel_loop3A_516, %parallel_loop3A_543 : vector<16xf32>
      %parallel_loop3A_545 = arith.constant 1.000000e+00 : f32
      %parallel_loop3A_546 = vector.broadcast %parallel_loop3A_545 : f32 to vector<16xf32>
      %parallel_loop3A_547 = arith.addf %parallel_loop3A_546, %parallel_loop3A_544 : vector<16xf32>
      %parallel_loop3A_548 = arith.constant 3 : i32
      %parallel_loop3A_549 = vector.broadcast %parallel_loop3A_548 : i32 to vector<16xi32>
      %parallel_loop3A_550 = arith.andi %parallel_loop3A_515, %parallel_loop3A_549 : vector<16xi32>
      %parallel_loop3A_551 = arith.constant 1 : i32
      %parallel_loop3A_552 = vector.broadcast %parallel_loop3A_551 : i32 to vector<16xi32>
      %parallel_loop3A_553 = arith.andi %parallel_loop3A_550, %parallel_loop3A_552 : vector<16xi32>
      %parallel_loop3A_554 = arith.constant 1 : i32
      %parallel_loop3A_555 = vector.broadcast %parallel_loop3A_554 : i32 to vector<16xi32>
      %parallel_loop3A_556 = arith.cmpi eq, %parallel_loop3A_553, %parallel_loop3A_555 : vector<16xi32>
      %parallel_loop3A_557 = arith.select %parallel_loop3A_556, %parallel_loop3A_547, %parallel_loop3A_529 : vector<16xi1>, vector<16xf32>
      %parallel_loop3A_558 = arith.select %parallel_loop3A_556, %parallel_loop3A_529, %parallel_loop3A_547 : vector<16xi1>, vector<16xf32>
      %parallel_loop3A_559 = arith.constant 2 : i32
      %parallel_loop3A_560 = vector.broadcast %parallel_loop3A_559 : i32 to vector<16xi32>
      %parallel_loop3A_561 = arith.andi %parallel_loop3A_550, %parallel_loop3A_560 : vector<16xi32>
      %parallel_loop3A_562 = arith.constant 2 : i32
      %parallel_loop3A_563 = vector.broadcast %parallel_loop3A_562 : i32 to vector<16xi32>
      %parallel_loop3A_564 = arith.cmpi eq, %parallel_loop3A_561, %parallel_loop3A_563 : vector<16xi32>
      %parallel_loop3A_565 = arith.constant 0.000000e+00 : f32
      %parallel_loop3A_566 = vector.broadcast %parallel_loop3A_565 : f32 to vector<16xf32>
      %parallel_loop3A_567 = arith.subf %parallel_loop3A_566, %parallel_loop3A_557 : vector<16xf32>
      %parallel_loop3A_568 = arith.select %parallel_loop3A_564, %parallel_loop3A_567, %parallel_loop3A_557 : vector<16xi1>, vector<16xf32>
      %parallel_loop3A_569 = arith.constant 1 : i32
      %parallel_loop3A_570 = vector.broadcast %parallel_loop3A_569 : i32 to vector<16xi32>
      %parallel_loop3A_571 = arith.addi %parallel_loop3A_550, %parallel_loop3A_570 : vector<16xi32>
      %parallel_loop3A_572 = arith.constant 2 : i32
      %parallel_loop3A_573 = vector.broadcast %parallel_loop3A_572 : i32 to vector<16xi32>
      %parallel_loop3A_574 = arith.andi %parallel_loop3A_571, %parallel_loop3A_573 : vector<16xi32>
      %parallel_loop3A_575 = arith.constant 2 : i32
      %parallel_loop3A_576 = vector.broadcast %parallel_loop3A_575 : i32 to vector<16xi32>
      %parallel_loop3A_577 = arith.cmpi eq, %parallel_loop3A_574, %parallel_loop3A_576 : vector<16xi32>
      %parallel_loop3A_578 = arith.constant 0.000000e+00 : f32
      %parallel_loop3A_579 = vector.broadcast %parallel_loop3A_578 : f32 to vector<16xf32>
      %parallel_loop3A_580 = arith.subf %parallel_loop3A_579, %parallel_loop3A_558 : vector<16xf32>
      %parallel_loop3A_581 = arith.select %parallel_loop3A_577, %parallel_loop3A_580, %parallel_loop3A_558 : vector<16xi1>, vector<16xf32>
      %parallel_loop3A_582 = arith.mulf %parallel_loop3A_493, %parallel_loop3A_405 : vector<16xf32>
      %parallel_loop3A_583 = arith.constant 0.000000e+00 : f32
      %parallel_loop3A_584 = vector.broadcast %parallel_loop3A_583 : f32 to vector<16xf32>
      %parallel_loop3A_585 = arith.subf %parallel_loop3A_584, %parallel_loop3A_493 : vector<16xf32>
      %parallel_loop3A_586 = arith.mulf %parallel_loop3A_585, %parallel_loop3A_392 : vector<16xf32>
      %parallel_loop3A_587 = arith.mulf %parallel_loop3A_568, %parallel_loop3A_480 : vector<16xf32>
      %parallel_loop3A_588 = arith.mulf %parallel_loop3A_581, %parallel_loop3A_480 : vector<16xf32>
      %parallel_loop3A_589 = arith.mulf %parallel_loop3A_581, %parallel_loop3A_392 : vector<16xf32>
      %parallel_loop3A_590 = arith.mulf %parallel_loop3A_587, %parallel_loop3A_405 : vector<16xf32>
      %parallel_loop3A_591 = arith.addf %parallel_loop3A_589, %parallel_loop3A_590 : vector<16xf32>
      %parallel_loop3A_592 = arith.mulf %parallel_loop3A_581, %parallel_loop3A_405 : vector<16xf32>
      %parallel_loop3A_593 = arith.mulf %parallel_loop3A_587, %parallel_loop3A_392 : vector<16xf32>
      %parallel_loop3A_594 = arith.subf %parallel_loop3A_592, %parallel_loop3A_593 : vector<16xf32>
      %parallel_loop3A_595 = arith.constant 0.000000e+00 : f32
      %parallel_loop3A_596 = vector.broadcast %parallel_loop3A_595 : f32 to vector<16xf32>
      %parallel_loop3A_597 = arith.subf %parallel_loop3A_596, %parallel_loop3A_568 : vector<16xf32>
      %parallel_loop3A_598 = arith.mulf %parallel_loop3A_597, %parallel_loop3A_493 : vector<16xf32>
      %parallel_loop3A_599 = arith.mulf %parallel_loop3A_568, %parallel_loop3A_392 : vector<16xf32>
      %parallel_loop3A_600 = arith.mulf %parallel_loop3A_588, %parallel_loop3A_405 : vector<16xf32>
      %parallel_loop3A_601 = arith.subf %parallel_loop3A_599, %parallel_loop3A_600 : vector<16xf32>
      %parallel_loop3A_602 = arith.mulf %parallel_loop3A_568, %parallel_loop3A_405 : vector<16xf32>
      %parallel_loop3A_603 = arith.mulf %parallel_loop3A_588, %parallel_loop3A_392 : vector<16xf32>
      %parallel_loop3A_604 = arith.addf %parallel_loop3A_602, %parallel_loop3A_603 : vector<16xf32>
      %parallel_loop3A_605 = arith.mulf %parallel_loop3A_581, %parallel_loop3A_493 : vector<16xf32>
      %parallel_loop3A_606 = arith.constant 0 : i32
      %parallel_loop3A_607 = vector.broadcast %parallel_loop3A_606 : i32 to vector<16xi32>
      %parallel_loop3A_608 = arith.addi %parallel_loop3A_97, %parallel_loop3A_607 : vector<16xi32>
      %parallel_loop3A_609 = tpu.vector_load_idx %arg4[%parallel_loop3A_608] : memref<8832xf32, #tpu.memory_space<vmem>>[vector<16xi32>], vector<16xf32>,
      %parallel_loop3A_610 = arith.constant 1 : i32
      %parallel_loop3A_611 = vector.broadcast %parallel_loop3A_610 : i32 to vector<16xi32>
      %parallel_loop3A_612 = arith.addi %parallel_loop3A_97, %parallel_loop3A_611 : vector<16xi32>
      %parallel_loop3A_613 = tpu.vector_load_idx %arg4[%parallel_loop3A_612] : memref<8832xf32, #tpu.memory_space<vmem>>[vector<16xi32>], vector<16xf32>,
      %parallel_loop3A_614 = arith.constant 2 : i32
      %parallel_loop3A_615 = vector.broadcast %parallel_loop3A_614 : i32 to vector<16xi32>
      %parallel_loop3A_616 = arith.addi %parallel_loop3A_97, %parallel_loop3A_615 : vector<16xi32>
      %parallel_loop3A_617 = tpu.vector_load_idx %arg4[%parallel_loop3A_616] : memref<8832xf32, #tpu.memory_space<vmem>>[vector<16xi32>], vector<16xf32>,
      %parallel_loop3A_618 = arith.constant 0 : i32
      %parallel_loop3A_619 = vector.broadcast %parallel_loop3A_618 : i32 to vector<16xi32>
      %parallel_loop3A_620 = arith.addi %parallel_loop3A_100, %parallel_loop3A_619 : vector<16xi32>
      tpu.vector_store_idx %arg6[%parallel_loop3A_620], %parallel_loop3A_609 : memref<3456xf32, #tpu.memory_space<vmem>>[vector<16xi32>], vector<16xf32>,
      %parallel_loop3A_621 = arith.constant 1 : i32
      %parallel_loop3A_622 = vector.broadcast %parallel_loop3A_621 : i32 to vector<16xi32>
      %parallel_loop3A_623 = arith.addi %parallel_loop3A_100, %parallel_loop3A_622 : vector<16xi32>
      tpu.vector_store_idx %arg6[%parallel_loop3A_623], %parallel_loop3A_613 : memref<3456xf32, #tpu.memory_space<vmem>>[vector<16xi32>], vector<16xf32>,
      %parallel_loop3A_624 = arith.constant 2 : i32
      %parallel_loop3A_625 = vector.broadcast %parallel_loop3A_624 : i32 to vector<16xi32>
      %parallel_loop3A_626 = arith.addi %parallel_loop3A_100, %parallel_loop3A_625 : vector<16xi32>
      tpu.vector_store_idx %arg6[%parallel_loop3A_626], %parallel_loop3A_617 : memref<3456xf32, #tpu.memory_space<vmem>>[vector<16xi32>], vector<16xf32>,
      %parallel_loop3A_627 = arith.mulf %parallel_loop3A_582, %parallel_loop3A_104 : vector<16xf32>
      %parallel_loop3A_628 = arith.mulf %parallel_loop3A_591, %parallel_loop3A_108 : vector<16xf32>
      %parallel_loop3A_629 = arith.addf %parallel_loop3A_627, %parallel_loop3A_628 : vector<16xf32>
      %parallel_loop3A_630 = arith.mulf %parallel_loop3A_601, %parallel_loop3A_112 : vector<16xf32>
      %parallel_loop3A_631 = arith.addf %parallel_loop3A_629, %parallel_loop3A_630 : vector<16xf32>
      %parallel_loop3A_632 = arith.subf %parallel_loop3A_609, %parallel_loop3A_631 : vector<16xf32>
      %parallel_loop3A_633 = arith.mulf %parallel_loop3A_586, %parallel_loop3A_104 : vector<16xf32>
      %parallel_loop3A_634 = arith.mulf %parallel_loop3A_594, %parallel_loop3A_108 : vector<16xf32>
      %parallel_loop3A_635 = arith.addf %parallel_loop3A_633, %parallel_loop3A_634 : vector<16xf32>
      %parallel_loop3A_636 = arith.mulf %parallel_loop3A_604, %parallel_loop3A_112 : vector<16xf32>
      %parallel_loop3A_637 = arith.addf %parallel_loop3A_635, %parallel_loop3A_636 : vector<16xf32>
      %parallel_loop3A_638 = arith.subf %parallel_loop3A_613, %parallel_loop3A_637 : vector<16xf32>
      %parallel_loop3A_639 = arith.mulf %parallel_loop3A_480, %parallel_loop3A_104 : vector<16xf32>
      %parallel_loop3A_640 = arith.mulf %parallel_loop3A_598, %parallel_loop3A_108 : vector<16xf32>
      %parallel_loop3A_641 = arith.addf %parallel_loop3A_639, %parallel_loop3A_640 : vector<16xf32>
      %parallel_loop3A_642 = arith.mulf %parallel_loop3A_605, %parallel_loop3A_112 : vector<16xf32>
      %parallel_loop3A_643 = arith.addf %parallel_loop3A_641, %parallel_loop3A_642 : vector<16xf32>
      %parallel_loop3A_644 = arith.subf %parallel_loop3A_617, %parallel_loop3A_643 : vector<16xf32>
      %parallel_loop3A_645 = arith.constant 3 : i32
      %parallel_loop3A_646 = vector.broadcast %parallel_loop3A_645 : i32 to vector<16xi32>
      %parallel_loop3A_647 = arith.muli %parallel_loop3A_646, %parallel_loop3A_257 : vector<16xi32>
      %parallel_loop3A_648 = arith.constant 3 : i32
      %parallel_loop3A_649 = vector.broadcast %parallel_loop3A_648 : i32 to vector<16xi32>
      %parallel_loop3A_650 = arith.addi %parallel_loop3A_649, %parallel_loop3A_647 : vector<16xi32>
      %parallel_loop3A_651 = arith.addi %parallel_loop3A_100, %parallel_loop3A_650 : vector<16xi32>
      tpu.vector_store_idx %arg6[%parallel_loop3A_651], %parallel_loop3A_632 : memref<3456xf32, #tpu.memory_space<vmem>>[vector<16xi32>], vector<16xf32>,
      %parallel_loop3A_652 = arith.constant 1 : i32
      %parallel_loop3A_653 = vector.broadcast %parallel_loop3A_652 : i32 to vector<16xi32>
      %parallel_loop3A_654 = arith.addi %parallel_loop3A_650, %parallel_loop3A_653 : vector<16xi32>
      %parallel_loop3A_655 = arith.addi %parallel_loop3A_100, %parallel_loop3A_654 : vector<16xi32>
      tpu.vector_store_idx %arg6[%parallel_loop3A_655], %parallel_loop3A_638 : memref<3456xf32, #tpu.memory_space<vmem>>[vector<16xi32>], vector<16xf32>,
      %parallel_loop3A_656 = arith.constant 2 : i32
      %parallel_loop3A_657 = vector.broadcast %parallel_loop3A_656 : i32 to vector<16xi32>
      %parallel_loop3A_658 = arith.addi %parallel_loop3A_650, %parallel_loop3A_657 : vector<16xi32>
      %parallel_loop3A_659 = arith.addi %parallel_loop3A_100, %parallel_loop3A_658 : vector<16xi32>
      tpu.vector_store_idx %arg6[%parallel_loop3A_659], %parallel_loop3A_644 : memref<3456xf32, #tpu.memory_space<vmem>>[vector<16xi32>], vector<16xf32>,
      %parallel_loop3A_660 = arith.mulf %parallel_loop3A_582, %parallel_loop3A_121 : vector<16xf32>
      %parallel_loop3A_661 = arith.mulf %parallel_loop3A_591, %parallel_loop3A_125 : vector<16xf32>
      %parallel_loop3A_662 = arith.addf %parallel_loop3A_660, %parallel_loop3A_661 : vector<16xf32>
      %parallel_loop3A_663 = arith.mulf %parallel_loop3A_601, %parallel_loop3A_129 : vector<16xf32>
      %parallel_loop3A_664 = arith.addf %parallel_loop3A_662, %parallel_loop3A_663 : vector<16xf32>
      %parallel_loop3A_665 = arith.subf %parallel_loop3A_609, %parallel_loop3A_664 : vector<16xf32>
      %parallel_loop3A_666 = arith.mulf %parallel_loop3A_586, %parallel_loop3A_121 : vector<16xf32>
      %parallel_loop3A_667 = arith.mulf %parallel_loop3A_594, %parallel_loop3A_125 : vector<16xf32>
      %parallel_loop3A_668 = arith.addf %parallel_loop3A_666, %parallel_loop3A_667 : vector<16xf32>
      %parallel_loop3A_669 = arith.mulf %parallel_loop3A_604, %parallel_loop3A_129 : vector<16xf32>
      %parallel_loop3A_670 = arith.addf %parallel_loop3A_668, %parallel_loop3A_669 : vector<16xf32>
      %parallel_loop3A_671 = arith.subf %parallel_loop3A_613, %parallel_loop3A_670 : vector<16xf32>
      %parallel_loop3A_672 = arith.mulf %parallel_loop3A_480, %parallel_loop3A_121 : vector<16xf32>
      %parallel_loop3A_673 = arith.mulf %parallel_loop3A_598, %parallel_loop3A_125 : vector<16xf32>
      %parallel_loop3A_674 = arith.addf %parallel_loop3A_672, %parallel_loop3A_673 : vector<16xf32>
      %parallel_loop3A_675 = arith.mulf %parallel_loop3A_605, %parallel_loop3A_129 : vector<16xf32>
      %parallel_loop3A_676 = arith.addf %parallel_loop3A_674, %parallel_loop3A_675 : vector<16xf32>
      %parallel_loop3A_677 = arith.subf %parallel_loop3A_617, %parallel_loop3A_676 : vector<16xf32>
      %parallel_loop3A_678 = arith.constant 3 : i32
      %parallel_loop3A_679 = vector.broadcast %parallel_loop3A_678 : i32 to vector<16xi32>
      %parallel_loop3A_680 = arith.muli %parallel_loop3A_679, %parallel_loop3A_277 : vector<16xi32>
      %parallel_loop3A_681 = arith.constant 3 : i32
      %parallel_loop3A_682 = vector.broadcast %parallel_loop3A_681 : i32 to vector<16xi32>
      %parallel_loop3A_683 = arith.addi %parallel_loop3A_682, %parallel_loop3A_680 : vector<16xi32>
      %parallel_loop3A_684 = arith.addi %parallel_loop3A_100, %parallel_loop3A_683 : vector<16xi32>
      tpu.vector_store_idx %arg6[%parallel_loop3A_684], %parallel_loop3A_665 : memref<3456xf32, #tpu.memory_space<vmem>>[vector<16xi32>], vector<16xf32>,
      %parallel_loop3A_685 = arith.constant 1 : i32
      %parallel_loop3A_686 = vector.broadcast %parallel_loop3A_685 : i32 to vector<16xi32>
      %parallel_loop3A_687 = arith.addi %parallel_loop3A_683, %parallel_loop3A_686 : vector<16xi32>
      %parallel_loop3A_688 = arith.addi %parallel_loop3A_100, %parallel_loop3A_687 : vector<16xi32>
      tpu.vector_store_idx %arg6[%parallel_loop3A_688], %parallel_loop3A_671 : memref<3456xf32, #tpu.memory_space<vmem>>[vector<16xi32>], vector<16xf32>,
      %parallel_loop3A_689 = arith.constant 2 : i32
      %parallel_loop3A_690 = vector.broadcast %parallel_loop3A_689 : i32 to vector<16xi32>
      %parallel_loop3A_691 = arith.addi %parallel_loop3A_683, %parallel_loop3A_690 : vector<16xi32>
      %parallel_loop3A_692 = arith.addi %parallel_loop3A_100, %parallel_loop3A_691 : vector<16xi32>
      tpu.vector_store_idx %arg6[%parallel_loop3A_692], %parallel_loop3A_677 : memref<3456xf32, #tpu.memory_space<vmem>>[vector<16xi32>], vector<16xf32>,
      %parallel_loop3A_693 = arith.mulf %parallel_loop3A_582, %parallel_loop3A_138 : vector<16xf32>
      %parallel_loop3A_694 = arith.mulf %parallel_loop3A_591, %parallel_loop3A_142 : vector<16xf32>
      %parallel_loop3A_695 = arith.addf %parallel_loop3A_693, %parallel_loop3A_694 : vector<16xf32>
      %parallel_loop3A_696 = arith.mulf %parallel_loop3A_601, %parallel_loop3A_146 : vector<16xf32>
      %parallel_loop3A_697 = arith.addf %parallel_loop3A_695, %parallel_loop3A_696 : vector<16xf32>
      %parallel_loop3A_698 = arith.subf %parallel_loop3A_609, %parallel_loop3A_697 : vector<16xf32>
      %parallel_loop3A_699 = arith.mulf %parallel_loop3A_586, %parallel_loop3A_138 : vector<16xf32>
      %parallel_loop3A_700 = arith.mulf %parallel_loop3A_594, %parallel_loop3A_142 : vector<16xf32>
      %parallel_loop3A_701 = arith.addf %parallel_loop3A_699, %parallel_loop3A_700 : vector<16xf32>
      %parallel_loop3A_702 = arith.mulf %parallel_loop3A_604, %parallel_loop3A_146 : vector<16xf32>
      %parallel_loop3A_703 = arith.addf %parallel_loop3A_701, %parallel_loop3A_702 : vector<16xf32>
      %parallel_loop3A_704 = arith.subf %parallel_loop3A_613, %parallel_loop3A_703 : vector<16xf32>
      %parallel_loop3A_705 = arith.mulf %parallel_loop3A_480, %parallel_loop3A_138 : vector<16xf32>
      %parallel_loop3A_706 = arith.mulf %parallel_loop3A_598, %parallel_loop3A_142 : vector<16xf32>
      %parallel_loop3A_707 = arith.addf %parallel_loop3A_705, %parallel_loop3A_706 : vector<16xf32>
      %parallel_loop3A_708 = arith.mulf %parallel_loop3A_605, %parallel_loop3A_146 : vector<16xf32>
      %parallel_loop3A_709 = arith.addf %parallel_loop3A_707, %parallel_loop3A_708 : vector<16xf32>
      %parallel_loop3A_710 = arith.subf %parallel_loop3A_617, %parallel_loop3A_709 : vector<16xf32>
      %parallel_loop3A_711 = arith.constant 3 : i32
      %parallel_loop3A_712 = vector.broadcast %parallel_loop3A_711 : i32 to vector<16xi32>
      %parallel_loop3A_713 = arith.muli %parallel_loop3A_712, %parallel_loop3A_293 : vector<16xi32>
      %parallel_loop3A_714 = arith.constant 3 : i32
      %parallel_loop3A_715 = vector.broadcast %parallel_loop3A_714 : i32 to vector<16xi32>
      %parallel_loop3A_716 = arith.addi %parallel_loop3A_715, %parallel_loop3A_713 : vector<16xi32>
      %parallel_loop3A_717 = arith.addi %parallel_loop3A_100, %parallel_loop3A_716 : vector<16xi32>
      tpu.vector_store_idx %arg6[%parallel_loop3A_717], %parallel_loop3A_698 : memref<3456xf32, #tpu.memory_space<vmem>>[vector<16xi32>], vector<16xf32>,
      %parallel_loop3A_718 = arith.constant 1 : i32
      %parallel_loop3A_719 = vector.broadcast %parallel_loop3A_718 : i32 to vector<16xi32>
      %parallel_loop3A_720 = arith.addi %parallel_loop3A_716, %parallel_loop3A_719 : vector<16xi32>
      %parallel_loop3A_721 = arith.addi %parallel_loop3A_100, %parallel_loop3A_720 : vector<16xi32>
      tpu.vector_store_idx %arg6[%parallel_loop3A_721], %parallel_loop3A_704 : memref<3456xf32, #tpu.memory_space<vmem>>[vector<16xi32>], vector<16xf32>,
      %parallel_loop3A_722 = arith.constant 2 : i32
      %parallel_loop3A_723 = vector.broadcast %parallel_loop3A_722 : i32 to vector<16xi32>
      %parallel_loop3A_724 = arith.addi %parallel_loop3A_716, %parallel_loop3A_723 : vector<16xi32>
      %parallel_loop3A_725 = arith.addi %parallel_loop3A_100, %parallel_loop3A_724 : vector<16xi32>
      tpu.vector_store_idx %arg6[%parallel_loop3A_725], %parallel_loop3A_710 : memref<3456xf32, #tpu.memory_space<vmem>>[vector<16xi32>], vector<16xf32>,
      %parallel_loop3A_726 = arith.mulf %parallel_loop3A_582, %parallel_loop3A_155 : vector<16xf32>
      %parallel_loop3A_727 = arith.mulf %parallel_loop3A_591, %parallel_loop3A_159 : vector<16xf32>
      %parallel_loop3A_728 = arith.addf %parallel_loop3A_726, %parallel_loop3A_727 : vector<16xf32>
      %parallel_loop3A_729 = arith.mulf %parallel_loop3A_601, %parallel_loop3A_163 : vector<16xf32>
      %parallel_loop3A_730 = arith.addf %parallel_loop3A_728, %parallel_loop3A_729 : vector<16xf32>
      %parallel_loop3A_731 = arith.subf %parallel_loop3A_609, %parallel_loop3A_730 : vector<16xf32>
      %parallel_loop3A_732 = arith.mulf %parallel_loop3A_586, %parallel_loop3A_155 : vector<16xf32>
      %parallel_loop3A_733 = arith.mulf %parallel_loop3A_594, %parallel_loop3A_159 : vector<16xf32>
      %parallel_loop3A_734 = arith.addf %parallel_loop3A_732, %parallel_loop3A_733 : vector<16xf32>
      %parallel_loop3A_735 = arith.mulf %parallel_loop3A_604, %parallel_loop3A_163 : vector<16xf32>
      %parallel_loop3A_736 = arith.addf %parallel_loop3A_734, %parallel_loop3A_735 : vector<16xf32>
      %parallel_loop3A_737 = arith.subf %parallel_loop3A_613, %parallel_loop3A_736 : vector<16xf32>
      %parallel_loop3A_738 = arith.mulf %parallel_loop3A_480, %parallel_loop3A_155 : vector<16xf32>
      %parallel_loop3A_739 = arith.mulf %parallel_loop3A_598, %parallel_loop3A_159 : vector<16xf32>
      %parallel_loop3A_740 = arith.addf %parallel_loop3A_738, %parallel_loop3A_739 : vector<16xf32>
      %parallel_loop3A_741 = arith.mulf %parallel_loop3A_605, %parallel_loop3A_163 : vector<16xf32>
      %parallel_loop3A_742 = arith.addf %parallel_loop3A_740, %parallel_loop3A_741 : vector<16xf32>
      %parallel_loop3A_743 = arith.subf %parallel_loop3A_617, %parallel_loop3A_742 : vector<16xf32>
      %parallel_loop3A_744 = arith.constant 3 : i32
      %parallel_loop3A_745 = vector.broadcast %parallel_loop3A_744 : i32 to vector<16xi32>
      %parallel_loop3A_746 = arith.muli %parallel_loop3A_745, %parallel_loop3A_305 : vector<16xi32>
      %parallel_loop3A_747 = arith.constant 3 : i32
      %parallel_loop3A_748 = vector.broadcast %parallel_loop3A_747 : i32 to vector<16xi32>
      %parallel_loop3A_749 = arith.addi %parallel_loop3A_748, %parallel_loop3A_746 : vector<16xi32>
      %parallel_loop3A_750 = arith.addi %parallel_loop3A_100, %parallel_loop3A_749 : vector<16xi32>
      tpu.vector_store_idx %arg6[%parallel_loop3A_750], %parallel_loop3A_731 : memref<3456xf32, #tpu.memory_space<vmem>>[vector<16xi32>], vector<16xf32>,
      %parallel_loop3A_751 = arith.constant 1 : i32
      %parallel_loop3A_752 = vector.broadcast %parallel_loop3A_751 : i32 to vector<16xi32>
      %parallel_loop3A_753 = arith.addi %parallel_loop3A_749, %parallel_loop3A_752 : vector<16xi32>
      %parallel_loop3A_754 = arith.addi %parallel_loop3A_100, %parallel_loop3A_753 : vector<16xi32>
      tpu.vector_store_idx %arg6[%parallel_loop3A_754], %parallel_loop3A_737 : memref<3456xf32, #tpu.memory_space<vmem>>[vector<16xi32>], vector<16xf32>,
      %parallel_loop3A_755 = arith.constant 2 : i32
      %parallel_loop3A_756 = vector.broadcast %parallel_loop3A_755 : i32 to vector<16xi32>
      %parallel_loop3A_757 = arith.addi %parallel_loop3A_749, %parallel_loop3A_756 : vector<16xi32>
      %parallel_loop3A_758 = arith.addi %parallel_loop3A_100, %parallel_loop3A_757 : vector<16xi32>
      tpu.vector_store_idx %arg6[%parallel_loop3A_758], %parallel_loop3A_743 : memref<3456xf32, #tpu.memory_space<vmem>>[vector<16xi32>], vector<16xf32>,
      %parallel_loop3A_759 = arith.mulf %parallel_loop3A_582, %parallel_loop3A_172 : vector<16xf32>
      %parallel_loop3A_760 = arith.mulf %parallel_loop3A_591, %parallel_loop3A_176 : vector<16xf32>
      %parallel_loop3A_761 = arith.addf %parallel_loop3A_759, %parallel_loop3A_760 : vector<16xf32>
      %parallel_loop3A_762 = arith.mulf %parallel_loop3A_601, %parallel_loop3A_180 : vector<16xf32>
      %parallel_loop3A_763 = arith.addf %parallel_loop3A_761, %parallel_loop3A_762 : vector<16xf32>
      %parallel_loop3A_764 = arith.subf %parallel_loop3A_609, %parallel_loop3A_763 : vector<16xf32>
      %parallel_loop3A_765 = arith.mulf %parallel_loop3A_586, %parallel_loop3A_172 : vector<16xf32>
      %parallel_loop3A_766 = arith.mulf %parallel_loop3A_594, %parallel_loop3A_176 : vector<16xf32>
      %parallel_loop3A_767 = arith.addf %parallel_loop3A_765, %parallel_loop3A_766 : vector<16xf32>
      %parallel_loop3A_768 = arith.mulf %parallel_loop3A_604, %parallel_loop3A_180 : vector<16xf32>
      %parallel_loop3A_769 = arith.addf %parallel_loop3A_767, %parallel_loop3A_768 : vector<16xf32>
      %parallel_loop3A_770 = arith.subf %parallel_loop3A_613, %parallel_loop3A_769 : vector<16xf32>
      %parallel_loop3A_771 = arith.mulf %parallel_loop3A_480, %parallel_loop3A_172 : vector<16xf32>
      %parallel_loop3A_772 = arith.mulf %parallel_loop3A_598, %parallel_loop3A_176 : vector<16xf32>
      %parallel_loop3A_773 = arith.addf %parallel_loop3A_771, %parallel_loop3A_772 : vector<16xf32>
      %parallel_loop3A_774 = arith.mulf %parallel_loop3A_605, %parallel_loop3A_180 : vector<16xf32>
      %parallel_loop3A_775 = arith.addf %parallel_loop3A_773, %parallel_loop3A_774 : vector<16xf32>
      %parallel_loop3A_776 = arith.subf %parallel_loop3A_617, %parallel_loop3A_775 : vector<16xf32>
      %parallel_loop3A_777 = arith.constant 3 : i32
      %parallel_loop3A_778 = vector.broadcast %parallel_loop3A_777 : i32 to vector<16xi32>
      %parallel_loop3A_779 = arith.muli %parallel_loop3A_778, %parallel_loop3A_313 : vector<16xi32>
      %parallel_loop3A_780 = arith.constant 3 : i32
      %parallel_loop3A_781 = vector.broadcast %parallel_loop3A_780 : i32 to vector<16xi32>
      %parallel_loop3A_782 = arith.addi %parallel_loop3A_781, %parallel_loop3A_779 : vector<16xi32>
      %parallel_loop3A_783 = arith.addi %parallel_loop3A_100, %parallel_loop3A_782 : vector<16xi32>
      tpu.vector_store_idx %arg6[%parallel_loop3A_783], %parallel_loop3A_764 : memref<3456xf32, #tpu.memory_space<vmem>>[vector<16xi32>], vector<16xf32>,
      %parallel_loop3A_784 = arith.constant 1 : i32
      %parallel_loop3A_785 = vector.broadcast %parallel_loop3A_784 : i32 to vector<16xi32>
      %parallel_loop3A_786 = arith.addi %parallel_loop3A_782, %parallel_loop3A_785 : vector<16xi32>
      %parallel_loop3A_787 = arith.addi %parallel_loop3A_100, %parallel_loop3A_786 : vector<16xi32>
      tpu.vector_store_idx %arg6[%parallel_loop3A_787], %parallel_loop3A_770 : memref<3456xf32, #tpu.memory_space<vmem>>[vector<16xi32>], vector<16xf32>,
      %parallel_loop3A_788 = arith.constant 2 : i32
      %parallel_loop3A_789 = vector.broadcast %parallel_loop3A_788 : i32 to vector<16xi32>
      %parallel_loop3A_790 = arith.addi %parallel_loop3A_782, %parallel_loop3A_789 : vector<16xi32>
      %parallel_loop3A_791 = arith.addi %parallel_loop3A_100, %parallel_loop3A_790 : vector<16xi32>
      tpu.vector_store_idx %arg6[%parallel_loop3A_791], %parallel_loop3A_776 : memref<3456xf32, #tpu.memory_space<vmem>>[vector<16xi32>], vector<16xf32>,
      %parallel_loop3A_792 = arith.mulf %parallel_loop3A_582, %parallel_loop3A_189 : vector<16xf32>
      %parallel_loop3A_793 = arith.mulf %parallel_loop3A_591, %parallel_loop3A_193 : vector<16xf32>
      %parallel_loop3A_794 = arith.addf %parallel_loop3A_792, %parallel_loop3A_793 : vector<16xf32>
      %parallel_loop3A_795 = arith.mulf %parallel_loop3A_601, %parallel_loop3A_197 : vector<16xf32>
      %parallel_loop3A_796 = arith.addf %parallel_loop3A_794, %parallel_loop3A_795 : vector<16xf32>
      %parallel_loop3A_797 = arith.subf %parallel_loop3A_609, %parallel_loop3A_796 : vector<16xf32>
      %parallel_loop3A_798 = arith.mulf %parallel_loop3A_586, %parallel_loop3A_189 : vector<16xf32>
      %parallel_loop3A_799 = arith.mulf %parallel_loop3A_594, %parallel_loop3A_193 : vector<16xf32>
      %parallel_loop3A_800 = arith.addf %parallel_loop3A_798, %parallel_loop3A_799 : vector<16xf32>
      %parallel_loop3A_801 = arith.mulf %parallel_loop3A_604, %parallel_loop3A_197 : vector<16xf32>
      %parallel_loop3A_802 = arith.addf %parallel_loop3A_800, %parallel_loop3A_801 : vector<16xf32>
      %parallel_loop3A_803 = arith.subf %parallel_loop3A_613, %parallel_loop3A_802 : vector<16xf32>
      %parallel_loop3A_804 = arith.mulf %parallel_loop3A_480, %parallel_loop3A_189 : vector<16xf32>
      %parallel_loop3A_805 = arith.mulf %parallel_loop3A_598, %parallel_loop3A_193 : vector<16xf32>
      %parallel_loop3A_806 = arith.addf %parallel_loop3A_804, %parallel_loop3A_805 : vector<16xf32>
      %parallel_loop3A_807 = arith.mulf %parallel_loop3A_605, %parallel_loop3A_197 : vector<16xf32>
      %parallel_loop3A_808 = arith.addf %parallel_loop3A_806, %parallel_loop3A_807 : vector<16xf32>
      %parallel_loop3A_809 = arith.subf %parallel_loop3A_617, %parallel_loop3A_808 : vector<16xf32>
      %parallel_loop3A_810 = arith.constant 3 : i32
      %parallel_loop3A_811 = vector.broadcast %parallel_loop3A_810 : i32 to vector<16xi32>
      %parallel_loop3A_812 = arith.muli %parallel_loop3A_811, %parallel_loop3A_317 : vector<16xi32>
      %parallel_loop3A_813 = arith.constant 3 : i32
      %parallel_loop3A_814 = vector.broadcast %parallel_loop3A_813 : i32 to vector<16xi32>
      %parallel_loop3A_815 = arith.addi %parallel_loop3A_814, %parallel_loop3A_812 : vector<16xi32>
      %parallel_loop3A_816 = arith.addi %parallel_loop3A_100, %parallel_loop3A_815 : vector<16xi32>
      tpu.vector_store_idx %arg6[%parallel_loop3A_816], %parallel_loop3A_797 : memref<3456xf32, #tpu.memory_space<vmem>>[vector<16xi32>], vector<16xf32>,
      %parallel_loop3A_817 = arith.constant 1 : i32
      %parallel_loop3A_818 = vector.broadcast %parallel_loop3A_817 : i32 to vector<16xi32>
      %parallel_loop3A_819 = arith.addi %parallel_loop3A_815, %parallel_loop3A_818 : vector<16xi32>
      %parallel_loop3A_820 = arith.addi %parallel_loop3A_100, %parallel_loop3A_819 : vector<16xi32>
      tpu.vector_store_idx %arg6[%parallel_loop3A_820], %parallel_loop3A_803 : memref<3456xf32, #tpu.memory_space<vmem>>[vector<16xi32>], vector<16xf32>,
      %parallel_loop3A_821 = arith.constant 2 : i32
      %parallel_loop3A_822 = vector.broadcast %parallel_loop3A_821 : i32 to vector<16xi32>
      %parallel_loop3A_823 = arith.addi %parallel_loop3A_815, %parallel_loop3A_822 : vector<16xi32>
      %parallel_loop3A_824 = arith.addi %parallel_loop3A_100, %parallel_loop3A_823 : vector<16xi32>
      tpu.vector_store_idx %arg6[%parallel_loop3A_824], %parallel_loop3A_809 : memref<3456xf32, #tpu.memory_space<vmem>>[vector<16xi32>], vector<16xf32>,
      %parallel_loop3A_825 = arith.mulf %parallel_loop3A_582, %parallel_loop3A_206 : vector<16xf32>
      %parallel_loop3A_826 = arith.mulf %parallel_loop3A_591, %parallel_loop3A_210 : vector<16xf32>
      %parallel_loop3A_827 = arith.addf %parallel_loop3A_825, %parallel_loop3A_826 : vector<16xf32>
      %parallel_loop3A_828 = arith.mulf %parallel_loop3A_601, %parallel_loop3A_214 : vector<16xf32>
      %parallel_loop3A_829 = arith.addf %parallel_loop3A_827, %parallel_loop3A_828 : vector<16xf32>
      %parallel_loop3A_830 = arith.subf %parallel_loop3A_609, %parallel_loop3A_829 : vector<16xf32>
      %parallel_loop3A_831 = arith.mulf %parallel_loop3A_586, %parallel_loop3A_206 : vector<16xf32>
      %parallel_loop3A_832 = arith.mulf %parallel_loop3A_594, %parallel_loop3A_210 : vector<16xf32>
      %parallel_loop3A_833 = arith.addf %parallel_loop3A_831, %parallel_loop3A_832 : vector<16xf32>
      %parallel_loop3A_834 = arith.mulf %parallel_loop3A_604, %parallel_loop3A_214 : vector<16xf32>
      %parallel_loop3A_835 = arith.addf %parallel_loop3A_833, %parallel_loop3A_834 : vector<16xf32>
      %parallel_loop3A_836 = arith.subf %parallel_loop3A_613, %parallel_loop3A_835 : vector<16xf32>
      %parallel_loop3A_837 = arith.mulf %parallel_loop3A_480, %parallel_loop3A_206 : vector<16xf32>
      %parallel_loop3A_838 = arith.mulf %parallel_loop3A_598, %parallel_loop3A_210 : vector<16xf32>
      %parallel_loop3A_839 = arith.addf %parallel_loop3A_837, %parallel_loop3A_838 : vector<16xf32>
      %parallel_loop3A_840 = arith.mulf %parallel_loop3A_605, %parallel_loop3A_214 : vector<16xf32>
      %parallel_loop3A_841 = arith.addf %parallel_loop3A_839, %parallel_loop3A_840 : vector<16xf32>
      %parallel_loop3A_842 = arith.subf %parallel_loop3A_617, %parallel_loop3A_841 : vector<16xf32>
      %parallel_loop3A_843 = arith.constant 3 : i32
      %parallel_loop3A_844 = vector.broadcast %parallel_loop3A_843 : i32 to vector<16xi32>
      %parallel_loop3A_845 = arith.muli %parallel_loop3A_844, %parallel_loop3A_316 : vector<16xi32>
      %parallel_loop3A_846 = arith.constant 3 : i32
      %parallel_loop3A_847 = vector.broadcast %parallel_loop3A_846 : i32 to vector<16xi32>
      %parallel_loop3A_848 = arith.addi %parallel_loop3A_847, %parallel_loop3A_845 : vector<16xi32>
      %parallel_loop3A_849 = arith.addi %parallel_loop3A_100, %parallel_loop3A_848 : vector<16xi32>
      tpu.vector_store_idx %arg6[%parallel_loop3A_849], %parallel_loop3A_830 : memref<3456xf32, #tpu.memory_space<vmem>>[vector<16xi32>], vector<16xf32>,
      %parallel_loop3A_850 = arith.constant 1 : i32
      %parallel_loop3A_851 = vector.broadcast %parallel_loop3A_850 : i32 to vector<16xi32>
      %parallel_loop3A_852 = arith.addi %parallel_loop3A_848, %parallel_loop3A_851 : vector<16xi32>
      %parallel_loop3A_853 = arith.addi %parallel_loop3A_100, %parallel_loop3A_852 : vector<16xi32>
      tpu.vector_store_idx %arg6[%parallel_loop3A_853], %parallel_loop3A_836 : memref<3456xf32, #tpu.memory_space<vmem>>[vector<16xi32>], vector<16xf32>,
      %parallel_loop3A_854 = arith.constant 2 : i32
      %parallel_loop3A_855 = vector.broadcast %parallel_loop3A_854 : i32 to vector<16xi32>
      %parallel_loop3A_856 = arith.addi %parallel_loop3A_848, %parallel_loop3A_855 : vector<16xi32>
      %parallel_loop3A_857 = arith.addi %parallel_loop3A_100, %parallel_loop3A_856 : vector<16xi32>
      tpu.vector_store_idx %arg6[%parallel_loop3A_857], %parallel_loop3A_842 : memref<3456xf32, #tpu.memory_space<vmem>>[vector<16xi32>], vector<16xf32>,
      %parallel_loop3A_858 = arith.constant 62 : i32
      %parallel_loop3A_859 = vector.broadcast %parallel_loop3A_858 : i32 to vector<16xi32>
      %parallel_loop3A_860 = arith.addi %parallel_loop3A_97, %parallel_loop3A_859 : vector<16xi32>
      %parallel_loop3A_861 = tpu.vector_load_idx %arg4[%parallel_loop3A_860] : memref<8832xf32, #tpu.memory_space<vmem>>[vector<16xi32>], vector<16xf32>,
      %parallel_loop3A_862 = arith.constant 63 : i32
      %parallel_loop3A_863 = vector.broadcast %parallel_loop3A_862 : i32 to vector<16xi32>
      %parallel_loop3A_864 = arith.addi %parallel_loop3A_97, %parallel_loop3A_863 : vector<16xi32>
      %parallel_loop3A_865 = tpu.vector_load_idx %arg4[%parallel_loop3A_864] : memref<8832xf32, #tpu.memory_space<vmem>>[vector<16xi32>], vector<16xf32>,
      %parallel_loop3A_866 = arith.constant 64 : i32
      %parallel_loop3A_867 = vector.broadcast %parallel_loop3A_866 : i32 to vector<16xi32>
      %parallel_loop3A_868 = arith.addi %parallel_loop3A_97, %parallel_loop3A_867 : vector<16xi32>
      %parallel_loop3A_869 = tpu.vector_load_idx %arg4[%parallel_loop3A_868] : memref<8832xf32, #tpu.memory_space<vmem>>[vector<16xi32>], vector<16xf32>,
      %parallel_loop3A_870 = arith.mulf %parallel_loop3A_582, %parallel_loop3A_861 : vector<16xf32>
      %parallel_loop3A_871 = arith.mulf %parallel_loop3A_591, %parallel_loop3A_865 : vector<16xf32>
      %parallel_loop3A_872 = arith.addf %parallel_loop3A_870, %parallel_loop3A_871 : vector<16xf32>
      %parallel_loop3A_873 = arith.mulf %parallel_loop3A_601, %parallel_loop3A_869 : vector<16xf32>
      %parallel_loop3A_874 = arith.addf %parallel_loop3A_872, %parallel_loop3A_873 : vector<16xf32>
      %parallel_loop3A_875 = arith.subf %parallel_loop3A_609, %parallel_loop3A_874 : vector<16xf32>
      %parallel_loop3A_876 = arith.mulf %parallel_loop3A_586, %parallel_loop3A_861 : vector<16xf32>
      %parallel_loop3A_877 = arith.mulf %parallel_loop3A_594, %parallel_loop3A_865 : vector<16xf32>
      %parallel_loop3A_878 = arith.addf %parallel_loop3A_876, %parallel_loop3A_877 : vector<16xf32>
      %parallel_loop3A_879 = arith.mulf %parallel_loop3A_604, %parallel_loop3A_869 : vector<16xf32>
      %parallel_loop3A_880 = arith.addf %parallel_loop3A_878, %parallel_loop3A_879 : vector<16xf32>
      %parallel_loop3A_881 = arith.subf %parallel_loop3A_613, %parallel_loop3A_880 : vector<16xf32>
      %parallel_loop3A_882 = arith.mulf %parallel_loop3A_480, %parallel_loop3A_861 : vector<16xf32>
      %parallel_loop3A_883 = arith.mulf %parallel_loop3A_598, %parallel_loop3A_865 : vector<16xf32>
      %parallel_loop3A_884 = arith.addf %parallel_loop3A_882, %parallel_loop3A_883 : vector<16xf32>
      %parallel_loop3A_885 = arith.mulf %parallel_loop3A_605, %parallel_loop3A_869 : vector<16xf32>
      %parallel_loop3A_886 = arith.addf %parallel_loop3A_884, %parallel_loop3A_885 : vector<16xf32>
      %parallel_loop3A_887 = arith.subf %parallel_loop3A_617, %parallel_loop3A_886 : vector<16xf32>
      %parallel_loop3A_888 = arith.constant 24 : i32
      %parallel_loop3A_889 = vector.broadcast %parallel_loop3A_888 : i32 to vector<16xi32>
      %parallel_loop3A_890 = arith.addi %parallel_loop3A_100, %parallel_loop3A_889 : vector<16xi32>
      tpu.vector_store_idx %arg6[%parallel_loop3A_890], %parallel_loop3A_875 : memref<3456xf32, #tpu.memory_space<vmem>>[vector<16xi32>], vector<16xf32>,
      %parallel_loop3A_891 = arith.constant 25 : i32
      %parallel_loop3A_892 = vector.broadcast %parallel_loop3A_891 : i32 to vector<16xi32>
      %parallel_loop3A_893 = arith.addi %parallel_loop3A_100, %parallel_loop3A_892 : vector<16xi32>
      tpu.vector_store_idx %arg6[%parallel_loop3A_893], %parallel_loop3A_881 : memref<3456xf32, #tpu.memory_space<vmem>>[vector<16xi32>], vector<16xf32>,
      %parallel_loop3A_894 = arith.constant 26 : i32
      %parallel_loop3A_895 = vector.broadcast %parallel_loop3A_894 : i32 to vector<16xi32>
      %parallel_loop3A_896 = arith.addi %parallel_loop3A_100, %parallel_loop3A_895 : vector<16xi32>
      tpu.vector_store_idx %arg6[%parallel_loop3A_896], %parallel_loop3A_887 : memref<3456xf32, #tpu.memory_space<vmem>>[vector<16xi32>], vector<16xf32>,
    } {sc.loop_unroll_factor = 2 : i64, sc.parallel_access}
    %mul3A_63 = arith.constant 512 : i32
    %mul3A_64 = arith.muli %add3A, %mul3A_63 : i32
    %add3A_65 = arith.constant 256 : i32
    %add3A_66 = arith.addi %mul3A_64, %add3A_65 : i32
    %mul3A_67 = arith.constant 27 : i32
    %mul3A_68 = arith.muli %add3A_66, %mul3A_67 : i32
    %dma_start3A_69 = tpu.memref_slice %arg3[%mul3A_68] : memref<442368xf32, #tpu.memory_space<hbm>> -> memref<3456xf32, #tpu.memory_space<hbm>>
    %dma_start3A_70 = tpu.memref_slice %arg3[%mul3A_68] : memref<442368xf32, #tpu.memory_space<hbm>> -> memref<3456xf32, #tpu.memory_space<hbm>>
    tpu.enqueue_dma source(%arg6 : memref<3456xf32, #tpu.memory_space<vmem>>) target(%dma_start3A_70 : memref<3456xf32, #tpu.memory_space<hbm>>) target_semaphore(%arg10 : memref<!tpu.dma_semaphore, #tpu.memory_space<semaphore_mem>>)
    %dma_wait3A_71 = tpu.memref_slice %arg2[%mul3A_53] : memref<1130496xf32, #tpu.memory_space<hbm>> -> memref<8832xf32, #tpu.memory_space<hbm>>
    %dma_wait3A_72 = tpu.memref_slice %arg2[%mul3A_53] : memref<1130496xf32, #tpu.memory_space<hbm>> -> memref<8832xf32, #tpu.memory_space<hbm>>
    tpu.wait_dma2 semaphore(%arg9 : memref<!tpu.dma_semaphore, #tpu.memory_space<semaphore_mem>>) src(%dma_wait3A_72 : memref<8832xf32, #tpu.memory_space<hbm>>) dst(%arg5 : memref<8832xf32, #tpu.memory_space<vmem>>)
    %dma_wait3A_73 = tpu.memref_slice %arg3[%mul3A_45] : memref<442368xf32, #tpu.memory_space<hbm>> -> memref<3456xf32, #tpu.memory_space<hbm>>
    %dma_wait3A_74 = tpu.memref_slice %arg3[%mul3A_45] : memref<442368xf32, #tpu.memory_space<hbm>> -> memref<3456xf32, #tpu.memory_space<hbm>>
    tpu.wait_dma2 semaphore(%arg11 : memref<!tpu.dma_semaphore, #tpu.memory_space<semaphore_mem>>) src(%arg7 : memref<3456xf32, #tpu.memory_space<vmem>>) dst(%dma_wait3A_74 : memref<3456xf32, #tpu.memory_space<hbm>>)
    %parallel_loop3A_75 = arith.constant 0 : i32
    %parallel_loop3A_76 = arith.constant 8 : i32
    %parallel_loop3A_77 = arith.constant 1 : i32
    scf.for %parallel_loop3A_90 = %parallel_loop3A_75 to %parallel_loop3A_76 step %parallel_loop3A_77  : i32 {
      %parallel_loop3A_91 = arith.constant 16 : i32
      %parallel_loop3A_92 = arith.muli %parallel_loop3A_90, %parallel_loop3A_91 : i32
      %parallel_loop3A_93 = vector.broadcast %parallel_loop3A_92 : i32 to vector<16xi32>
      %parallel_loop3A_94 = arith.addi %parallel_loop3A_93, %iota3A : vector<16xi32>
      %parallel_loop3A_95 = arith.constant 69 : i32
      %parallel_loop3A_96 = vector.broadcast %parallel_loop3A_95 : i32 to vector<16xi32>
      %parallel_loop3A_97 = arith.muli %parallel_loop3A_94, %parallel_loop3A_96 : vector<16xi32>
      %parallel_loop3A_98 = arith.constant 27 : i32
      %parallel_loop3A_99 = vector.broadcast %parallel_loop3A_98 : i32 to vector<16xi32>
      %parallel_loop3A_100 = arith.muli %parallel_loop3A_94, %parallel_loop3A_99 : vector<16xi32>
      %parallel_loop3A_101 = arith.constant 13 : i32
      %parallel_loop3A_102 = vector.broadcast %parallel_loop3A_101 : i32 to vector<16xi32>
      %parallel_loop3A_103 = arith.addi %parallel_loop3A_97, %parallel_loop3A_102 : vector<16xi32>
      %parallel_loop3A_104 = tpu.vector_load_idx %arg5[%parallel_loop3A_103] : memref<8832xf32, #tpu.memory_space<vmem>>[vector<16xi32>], vector<16xf32>,
      %parallel_loop3A_105 = arith.constant 14 : i32
      %parallel_loop3A_106 = vector.broadcast %parallel_loop3A_105 : i32 to vector<16xi32>
      %parallel_loop3A_107 = arith.addi %parallel_loop3A_97, %parallel_loop3A_106 : vector<16xi32>
      %parallel_loop3A_108 = tpu.vector_load_idx %arg5[%parallel_loop3A_107] : memref<8832xf32, #tpu.memory_space<vmem>>[vector<16xi32>], vector<16xf32>,
      %parallel_loop3A_109 = arith.constant 15 : i32
      %parallel_loop3A_110 = vector.broadcast %parallel_loop3A_109 : i32 to vector<16xi32>
      %parallel_loop3A_111 = arith.addi %parallel_loop3A_97, %parallel_loop3A_110 : vector<16xi32>
      %parallel_loop3A_112 = tpu.vector_load_idx %arg5[%parallel_loop3A_111] : memref<8832xf32, #tpu.memory_space<vmem>>[vector<16xi32>], vector<16xf32>,
      %parallel_loop3A_113 = arith.mulf %parallel_loop3A_104, %parallel_loop3A_104 : vector<16xf32>
      %parallel_loop3A_114 = arith.mulf %parallel_loop3A_108, %parallel_loop3A_108 : vector<16xf32>
      %parallel_loop3A_115 = arith.addf %parallel_loop3A_113, %parallel_loop3A_114 : vector<16xf32>
      %parallel_loop3A_116 = arith.mulf %parallel_loop3A_112, %parallel_loop3A_112 : vector<16xf32>
      %parallel_loop3A_117 = arith.addf %parallel_loop3A_115, %parallel_loop3A_116 : vector<16xf32>
      %parallel_loop3A_118 = arith.constant 20 : i32
      %parallel_loop3A_119 = vector.broadcast %parallel_loop3A_118 : i32 to vector<16xi32>
      %parallel_loop3A_120 = arith.addi %parallel_loop3A_97, %parallel_loop3A_119 : vector<16xi32>
      %parallel_loop3A_121 = tpu.vector_load_idx %arg5[%parallel_loop3A_120] : memref<8832xf32, #tpu.memory_space<vmem>>[vector<16xi32>], vector<16xf32>,
      %parallel_loop3A_122 = arith.constant 21 : i32
      %parallel_loop3A_123 = vector.broadcast %parallel_loop3A_122 : i32 to vector<16xi32>
      %parallel_loop3A_124 = arith.addi %parallel_loop3A_97, %parallel_loop3A_123 : vector<16xi32>
      %parallel_loop3A_125 = tpu.vector_load_idx %arg5[%parallel_loop3A_124] : memref<8832xf32, #tpu.memory_space<vmem>>[vector<16xi32>], vector<16xf32>,
      %parallel_loop3A_126 = arith.constant 22 : i32
      %parallel_loop3A_127 = vector.broadcast %parallel_loop3A_126 : i32 to vector<16xi32>
      %parallel_loop3A_128 = arith.addi %parallel_loop3A_97, %parallel_loop3A_127 : vector<16xi32>
      %parallel_loop3A_129 = tpu.vector_load_idx %arg5[%parallel_loop3A_128] : memref<8832xf32, #tpu.memory_space<vmem>>[vector<16xi32>], vector<16xf32>,
      %parallel_loop3A_130 = arith.mulf %parallel_loop3A_121, %parallel_loop3A_121 : vector<16xf32>
      %parallel_loop3A_131 = arith.mulf %parallel_loop3A_125, %parallel_loop3A_125 : vector<16xf32>
      %parallel_loop3A_132 = arith.addf %parallel_loop3A_130, %parallel_loop3A_131 : vector<16xf32>
      %parallel_loop3A_133 = arith.mulf %parallel_loop3A_129, %parallel_loop3A_129 : vector<16xf32>
      %parallel_loop3A_134 = arith.addf %parallel_loop3A_132, %parallel_loop3A_133 : vector<16xf32>
      %parallel_loop3A_135 = arith.constant 27 : i32
      %parallel_loop3A_136 = vector.broadcast %parallel_loop3A_135 : i32 to vector<16xi32>
      %parallel_loop3A_137 = arith.addi %parallel_loop3A_97, %parallel_loop3A_136 : vector<16xi32>
      %parallel_loop3A_138 = tpu.vector_load_idx %arg5[%parallel_loop3A_137] : memref<8832xf32, #tpu.memory_space<vmem>>[vector<16xi32>], vector<16xf32>,
      %parallel_loop3A_139 = arith.constant 28 : i32
      %parallel_loop3A_140 = vector.broadcast %parallel_loop3A_139 : i32 to vector<16xi32>
      %parallel_loop3A_141 = arith.addi %parallel_loop3A_97, %parallel_loop3A_140 : vector<16xi32>
      %parallel_loop3A_142 = tpu.vector_load_idx %arg5[%parallel_loop3A_141] : memref<8832xf32, #tpu.memory_space<vmem>>[vector<16xi32>], vector<16xf32>,
      %parallel_loop3A_143 = arith.constant 29 : i32
      %parallel_loop3A_144 = vector.broadcast %parallel_loop3A_143 : i32 to vector<16xi32>
      %parallel_loop3A_145 = arith.addi %parallel_loop3A_97, %parallel_loop3A_144 : vector<16xi32>
      %parallel_loop3A_146 = tpu.vector_load_idx %arg5[%parallel_loop3A_145] : memref<8832xf32, #tpu.memory_space<vmem>>[vector<16xi32>], vector<16xf32>,
      %parallel_loop3A_147 = arith.mulf %parallel_loop3A_138, %parallel_loop3A_138 : vector<16xf32>
      %parallel_loop3A_148 = arith.mulf %parallel_loop3A_142, %parallel_loop3A_142 : vector<16xf32>
      %parallel_loop3A_149 = arith.addf %parallel_loop3A_147, %parallel_loop3A_148 : vector<16xf32>
      %parallel_loop3A_150 = arith.mulf %parallel_loop3A_146, %parallel_loop3A_146 : vector<16xf32>
      %parallel_loop3A_151 = arith.addf %parallel_loop3A_149, %parallel_loop3A_150 : vector<16xf32>
      %parallel_loop3A_152 = arith.constant 34 : i32
      %parallel_loop3A_153 = vector.broadcast %parallel_loop3A_152 : i32 to vector<16xi32>
      %parallel_loop3A_154 = arith.addi %parallel_loop3A_97, %parallel_loop3A_153 : vector<16xi32>
      %parallel_loop3A_155 = tpu.vector_load_idx %arg5[%parallel_loop3A_154] : memref<8832xf32, #tpu.memory_space<vmem>>[vector<16xi32>], vector<16xf32>,
      %parallel_loop3A_156 = arith.constant 35 : i32
      %parallel_loop3A_157 = vector.broadcast %parallel_loop3A_156 : i32 to vector<16xi32>
      %parallel_loop3A_158 = arith.addi %parallel_loop3A_97, %parallel_loop3A_157 : vector<16xi32>
      %parallel_loop3A_159 = tpu.vector_load_idx %arg5[%parallel_loop3A_158] : memref<8832xf32, #tpu.memory_space<vmem>>[vector<16xi32>], vector<16xf32>,
      %parallel_loop3A_160 = arith.constant 36 : i32
      %parallel_loop3A_161 = vector.broadcast %parallel_loop3A_160 : i32 to vector<16xi32>
      %parallel_loop3A_162 = arith.addi %parallel_loop3A_97, %parallel_loop3A_161 : vector<16xi32>
      %parallel_loop3A_163 = tpu.vector_load_idx %arg5[%parallel_loop3A_162] : memref<8832xf32, #tpu.memory_space<vmem>>[vector<16xi32>], vector<16xf32>,
      %parallel_loop3A_164 = arith.mulf %parallel_loop3A_155, %parallel_loop3A_155 : vector<16xf32>
      %parallel_loop3A_165 = arith.mulf %parallel_loop3A_159, %parallel_loop3A_159 : vector<16xf32>
      %parallel_loop3A_166 = arith.addf %parallel_loop3A_164, %parallel_loop3A_165 : vector<16xf32>
      %parallel_loop3A_167 = arith.mulf %parallel_loop3A_163, %parallel_loop3A_163 : vector<16xf32>
      %parallel_loop3A_168 = arith.addf %parallel_loop3A_166, %parallel_loop3A_167 : vector<16xf32>
      %parallel_loop3A_169 = arith.constant 41 : i32
      %parallel_loop3A_170 = vector.broadcast %parallel_loop3A_169 : i32 to vector<16xi32>
      %parallel_loop3A_171 = arith.addi %parallel_loop3A_97, %parallel_loop3A_170 : vector<16xi32>
      %parallel_loop3A_172 = tpu.vector_load_idx %arg5[%parallel_loop3A_171] : memref<8832xf32, #tpu.memory_space<vmem>>[vector<16xi32>], vector<16xf32>,
      %parallel_loop3A_173 = arith.constant 42 : i32
      %parallel_loop3A_174 = vector.broadcast %parallel_loop3A_173 : i32 to vector<16xi32>
      %parallel_loop3A_175 = arith.addi %parallel_loop3A_97, %parallel_loop3A_174 : vector<16xi32>
      %parallel_loop3A_176 = tpu.vector_load_idx %arg5[%parallel_loop3A_175] : memref<8832xf32, #tpu.memory_space<vmem>>[vector<16xi32>], vector<16xf32>,
      %parallel_loop3A_177 = arith.constant 43 : i32
      %parallel_loop3A_178 = vector.broadcast %parallel_loop3A_177 : i32 to vector<16xi32>
      %parallel_loop3A_179 = arith.addi %parallel_loop3A_97, %parallel_loop3A_178 : vector<16xi32>
      %parallel_loop3A_180 = tpu.vector_load_idx %arg5[%parallel_loop3A_179] : memref<8832xf32, #tpu.memory_space<vmem>>[vector<16xi32>], vector<16xf32>,
      %parallel_loop3A_181 = arith.mulf %parallel_loop3A_172, %parallel_loop3A_172 : vector<16xf32>
      %parallel_loop3A_182 = arith.mulf %parallel_loop3A_176, %parallel_loop3A_176 : vector<16xf32>
      %parallel_loop3A_183 = arith.addf %parallel_loop3A_181, %parallel_loop3A_182 : vector<16xf32>
      %parallel_loop3A_184 = arith.mulf %parallel_loop3A_180, %parallel_loop3A_180 : vector<16xf32>
      %parallel_loop3A_185 = arith.addf %parallel_loop3A_183, %parallel_loop3A_184 : vector<16xf32>
      %parallel_loop3A_186 = arith.constant 48 : i32
      %parallel_loop3A_187 = vector.broadcast %parallel_loop3A_186 : i32 to vector<16xi32>
      %parallel_loop3A_188 = arith.addi %parallel_loop3A_97, %parallel_loop3A_187 : vector<16xi32>
      %parallel_loop3A_189 = tpu.vector_load_idx %arg5[%parallel_loop3A_188] : memref<8832xf32, #tpu.memory_space<vmem>>[vector<16xi32>], vector<16xf32>,
      %parallel_loop3A_190 = arith.constant 49 : i32
      %parallel_loop3A_191 = vector.broadcast %parallel_loop3A_190 : i32 to vector<16xi32>
      %parallel_loop3A_192 = arith.addi %parallel_loop3A_97, %parallel_loop3A_191 : vector<16xi32>
      %parallel_loop3A_193 = tpu.vector_load_idx %arg5[%parallel_loop3A_192] : memref<8832xf32, #tpu.memory_space<vmem>>[vector<16xi32>], vector<16xf32>,
      %parallel_loop3A_194 = arith.constant 50 : i32
      %parallel_loop3A_195 = vector.broadcast %parallel_loop3A_194 : i32 to vector<16xi32>
      %parallel_loop3A_196 = arith.addi %parallel_loop3A_97, %parallel_loop3A_195 : vector<16xi32>
      %parallel_loop3A_197 = tpu.vector_load_idx %arg5[%parallel_loop3A_196] : memref<8832xf32, #tpu.memory_space<vmem>>[vector<16xi32>], vector<16xf32>,
      %parallel_loop3A_198 = arith.mulf %parallel_loop3A_189, %parallel_loop3A_189 : vector<16xf32>
      %parallel_loop3A_199 = arith.mulf %parallel_loop3A_193, %parallel_loop3A_193 : vector<16xf32>
      %parallel_loop3A_200 = arith.addf %parallel_loop3A_198, %parallel_loop3A_199 : vector<16xf32>
      %parallel_loop3A_201 = arith.mulf %parallel_loop3A_197, %parallel_loop3A_197 : vector<16xf32>
      %parallel_loop3A_202 = arith.addf %parallel_loop3A_200, %parallel_loop3A_201 : vector<16xf32>
      %parallel_loop3A_203 = arith.constant 55 : i32
      %parallel_loop3A_204 = vector.broadcast %parallel_loop3A_203 : i32 to vector<16xi32>
      %parallel_loop3A_205 = arith.addi %parallel_loop3A_97, %parallel_loop3A_204 : vector<16xi32>
      %parallel_loop3A_206 = tpu.vector_load_idx %arg5[%parallel_loop3A_205] : memref<8832xf32, #tpu.memory_space<vmem>>[vector<16xi32>], vector<16xf32>,
      %parallel_loop3A_207 = arith.constant 56 : i32
      %parallel_loop3A_208 = vector.broadcast %parallel_loop3A_207 : i32 to vector<16xi32>
      %parallel_loop3A_209 = arith.addi %parallel_loop3A_97, %parallel_loop3A_208 : vector<16xi32>
      %parallel_loop3A_210 = tpu.vector_load_idx %arg5[%parallel_loop3A_209] : memref<8832xf32, #tpu.memory_space<vmem>>[vector<16xi32>], vector<16xf32>,
      %parallel_loop3A_211 = arith.constant 57 : i32
      %parallel_loop3A_212 = vector.broadcast %parallel_loop3A_211 : i32 to vector<16xi32>
      %parallel_loop3A_213 = arith.addi %parallel_loop3A_97, %parallel_loop3A_212 : vector<16xi32>
      %parallel_loop3A_214 = tpu.vector_load_idx %arg5[%parallel_loop3A_213] : memref<8832xf32, #tpu.memory_space<vmem>>[vector<16xi32>], vector<16xf32>,
      %parallel_loop3A_215 = arith.mulf %parallel_loop3A_206, %parallel_loop3A_206 : vector<16xf32>
      %parallel_loop3A_216 = arith.mulf %parallel_loop3A_210, %parallel_loop3A_210 : vector<16xf32>
      %parallel_loop3A_217 = arith.addf %parallel_loop3A_215, %parallel_loop3A_216 : vector<16xf32>
      %parallel_loop3A_218 = arith.mulf %parallel_loop3A_214, %parallel_loop3A_214 : vector<16xf32>
      %parallel_loop3A_219 = arith.addf %parallel_loop3A_217, %parallel_loop3A_218 : vector<16xf32>
      %parallel_loop3A_220 = arith.constant 6 : i32
      %parallel_loop3A_221 = vector.broadcast %parallel_loop3A_220 : i32 to vector<16xi32>
      %parallel_loop3A_222 = arith.constant 5 : i32
      %parallel_loop3A_223 = vector.broadcast %parallel_loop3A_222 : i32 to vector<16xi32>
      %parallel_loop3A_224 = arith.constant 4 : i32
      %parallel_loop3A_225 = vector.broadcast %parallel_loop3A_224 : i32 to vector<16xi32>
      %parallel_loop3A_226 = arith.constant 3 : i32
      %parallel_loop3A_227 = vector.broadcast %parallel_loop3A_226 : i32 to vector<16xi32>
      %parallel_loop3A_228 = arith.constant 2 : i32
      %parallel_loop3A_229 = vector.broadcast %parallel_loop3A_228 : i32 to vector<16xi32>
      %parallel_loop3A_230 = arith.constant 1 : i32
      %parallel_loop3A_231 = vector.broadcast %parallel_loop3A_230 : i32 to vector<16xi32>
      %parallel_loop3A_232 = arith.constant 0 : i32
      %parallel_loop3A_233 = vector.broadcast %parallel_loop3A_232 : i32 to vector<16xi32>
      %parallel_loop3A_234 = arith.cmpf ole, %parallel_loop3A_117, %parallel_loop3A_134 : vector<16xf32>
      %parallel_loop3A_235 = arith.extui %parallel_loop3A_234 : vector<16xi1> to vector<16xi32>
      %parallel_loop3A_236 = arith.addi %parallel_loop3A_223, %parallel_loop3A_235 : vector<16xi32>
      %parallel_loop3A_237 = arith.subi %parallel_loop3A_221, %parallel_loop3A_235 : vector<16xi32>
      %parallel_loop3A_238 = arith.cmpf ole, %parallel_loop3A_117, %parallel_loop3A_151 : vector<16xf32>
      %parallel_loop3A_239 = arith.extui %parallel_loop3A_238 : vector<16xi1> to vector<16xi32>
      %parallel_loop3A_240 = arith.addi %parallel_loop3A_225, %parallel_loop3A_239 : vector<16xi32>
      %parallel_loop3A_241 = arith.subi %parallel_loop3A_237, %parallel_loop3A_239 : vector<16xi32>
      %parallel_loop3A_242 = arith.cmpf ole, %parallel_loop3A_117, %parallel_loop3A_168 : vector<16xf32>
      %parallel_loop3A_243 = arith.extui %parallel_loop3A_242 : vector<16xi1> to vector<16xi32>
      %parallel_loop3A_244 = arith.addi %parallel_loop3A_227, %parallel_loop3A_243 : vector<16xi32>
      %parallel_loop3A_245 = arith.subi %parallel_loop3A_241, %parallel_loop3A_243 : vector<16xi32>
      %parallel_loop3A_246 = arith.cmpf ole, %parallel_loop3A_117, %parallel_loop3A_185 : vector<16xf32>
      %parallel_loop3A_247 = arith.extui %parallel_loop3A_246 : vector<16xi1> to vector<16xi32>
      %parallel_loop3A_248 = arith.addi %parallel_loop3A_229, %parallel_loop3A_247 : vector<16xi32>
      %parallel_loop3A_249 = arith.subi %parallel_loop3A_245, %parallel_loop3A_247 : vector<16xi32>
      %parallel_loop3A_250 = arith.cmpf ole, %parallel_loop3A_117, %parallel_loop3A_202 : vector<16xf32>
      %parallel_loop3A_251 = arith.extui %parallel_loop3A_250 : vector<16xi1> to vector<16xi32>
      %parallel_loop3A_252 = arith.addi %parallel_loop3A_231, %parallel_loop3A_251 : vector<16xi32>
      %parallel_loop3A_253 = arith.subi %parallel_loop3A_249, %parallel_loop3A_251 : vector<16xi32>
      %parallel_loop3A_254 = arith.cmpf ole, %parallel_loop3A_117, %parallel_loop3A_219 : vector<16xf32>
      %parallel_loop3A_255 = arith.extui %parallel_loop3A_254 : vector<16xi1> to vector<16xi32>
      %parallel_loop3A_256 = arith.addi %parallel_loop3A_233, %parallel_loop3A_255 : vector<16xi32>
      %parallel_loop3A_257 = arith.subi %parallel_loop3A_253, %parallel_loop3A_255 : vector<16xi32>
      %parallel_loop3A_258 = arith.cmpf ole, %parallel_loop3A_134, %parallel_loop3A_151 : vector<16xf32>
      %parallel_loop3A_259 = arith.extui %parallel_loop3A_258 : vector<16xi1> to vector<16xi32>
      %parallel_loop3A_260 = arith.addi %parallel_loop3A_240, %parallel_loop3A_259 : vector<16xi32>
      %parallel_loop3A_261 = arith.subi %parallel_loop3A_236, %parallel_loop3A_259 : vector<16xi32>
      %parallel_loop3A_262 = arith.cmpf ole, %parallel_loop3A_134, %parallel_loop3A_168 : vector<16xf32>
      %parallel_loop3A_263 = arith.extui %parallel_loop3A_262 : vector<16xi1> to vector<16xi32>
      %parallel_loop3A_264 = arith.addi %parallel_loop3A_244, %parallel_loop3A_263 : vector<16xi32>
      %parallel_loop3A_265 = arith.subi %parallel_loop3A_261, %parallel_loop3A_263 : vector<16xi32>
      %parallel_loop3A_266 = arith.cmpf ole, %parallel_loop3A_134, %parallel_loop3A_185 : vector<16xf32>
      %parallel_loop3A_267 = arith.extui %parallel_loop3A_266 : vector<16xi1> to vector<16xi32>
      %parallel_loop3A_268 = arith.addi %parallel_loop3A_248, %parallel_loop3A_267 : vector<16xi32>
      %parallel_loop3A_269 = arith.subi %parallel_loop3A_265, %parallel_loop3A_267 : vector<16xi32>
      %parallel_loop3A_270 = arith.cmpf ole, %parallel_loop3A_134, %parallel_loop3A_202 : vector<16xf32>
      %parallel_loop3A_271 = arith.extui %parallel_loop3A_270 : vector<16xi1> to vector<16xi32>
      %parallel_loop3A_272 = arith.addi %parallel_loop3A_252, %parallel_loop3A_271 : vector<16xi32>
      %parallel_loop3A_273 = arith.subi %parallel_loop3A_269, %parallel_loop3A_271 : vector<16xi32>
      %parallel_loop3A_274 = arith.cmpf ole, %parallel_loop3A_134, %parallel_loop3A_219 : vector<16xf32>
      %parallel_loop3A_275 = arith.extui %parallel_loop3A_274 : vector<16xi1> to vector<16xi32>
      %parallel_loop3A_276 = arith.addi %parallel_loop3A_256, %parallel_loop3A_275 : vector<16xi32>
      %parallel_loop3A_277 = arith.subi %parallel_loop3A_273, %parallel_loop3A_275 : vector<16xi32>
      %parallel_loop3A_278 = arith.cmpf ole, %parallel_loop3A_151, %parallel_loop3A_168 : vector<16xf32>
      %parallel_loop3A_279 = arith.extui %parallel_loop3A_278 : vector<16xi1> to vector<16xi32>
      %parallel_loop3A_280 = arith.addi %parallel_loop3A_264, %parallel_loop3A_279 : vector<16xi32>
      %parallel_loop3A_281 = arith.subi %parallel_loop3A_260, %parallel_loop3A_279 : vector<16xi32>
      %parallel_loop3A_282 = arith.cmpf ole, %parallel_loop3A_151, %parallel_loop3A_185 : vector<16xf32>
      %parallel_loop3A_283 = arith.extui %parallel_loop3A_282 : vector<16xi1> to vector<16xi32>
      %parallel_loop3A_284 = arith.addi %parallel_loop3A_268, %parallel_loop3A_283 : vector<16xi32>
      %parallel_loop3A_285 = arith.subi %parallel_loop3A_281, %parallel_loop3A_283 : vector<16xi32>
      %parallel_loop3A_286 = arith.cmpf ole, %parallel_loop3A_151, %parallel_loop3A_202 : vector<16xf32>
      %parallel_loop3A_287 = arith.extui %parallel_loop3A_286 : vector<16xi1> to vector<16xi32>
      %parallel_loop3A_288 = arith.addi %parallel_loop3A_272, %parallel_loop3A_287 : vector<16xi32>
      %parallel_loop3A_289 = arith.subi %parallel_loop3A_285, %parallel_loop3A_287 : vector<16xi32>
      %parallel_loop3A_290 = arith.cmpf ole, %parallel_loop3A_151, %parallel_loop3A_219 : vector<16xf32>
      %parallel_loop3A_291 = arith.extui %parallel_loop3A_290 : vector<16xi1> to vector<16xi32>
      %parallel_loop3A_292 = arith.addi %parallel_loop3A_276, %parallel_loop3A_291 : vector<16xi32>
      %parallel_loop3A_293 = arith.subi %parallel_loop3A_289, %parallel_loop3A_291 : vector<16xi32>
      %parallel_loop3A_294 = arith.cmpf ole, %parallel_loop3A_168, %parallel_loop3A_185 : vector<16xf32>
      %parallel_loop3A_295 = arith.extui %parallel_loop3A_294 : vector<16xi1> to vector<16xi32>
      %parallel_loop3A_296 = arith.addi %parallel_loop3A_284, %parallel_loop3A_295 : vector<16xi32>
      %parallel_loop3A_297 = arith.subi %parallel_loop3A_280, %parallel_loop3A_295 : vector<16xi32>
      %parallel_loop3A_298 = arith.cmpf ole, %parallel_loop3A_168, %parallel_loop3A_202 : vector<16xf32>
      %parallel_loop3A_299 = arith.extui %parallel_loop3A_298 : vector<16xi1> to vector<16xi32>
      %parallel_loop3A_300 = arith.addi %parallel_loop3A_288, %parallel_loop3A_299 : vector<16xi32>
      %parallel_loop3A_301 = arith.subi %parallel_loop3A_297, %parallel_loop3A_299 : vector<16xi32>
      %parallel_loop3A_302 = arith.cmpf ole, %parallel_loop3A_168, %parallel_loop3A_219 : vector<16xf32>
      %parallel_loop3A_303 = arith.extui %parallel_loop3A_302 : vector<16xi1> to vector<16xi32>
      %parallel_loop3A_304 = arith.addi %parallel_loop3A_292, %parallel_loop3A_303 : vector<16xi32>
      %parallel_loop3A_305 = arith.subi %parallel_loop3A_301, %parallel_loop3A_303 : vector<16xi32>
      %parallel_loop3A_306 = arith.cmpf ole, %parallel_loop3A_185, %parallel_loop3A_202 : vector<16xf32>
      %parallel_loop3A_307 = arith.extui %parallel_loop3A_306 : vector<16xi1> to vector<16xi32>
      %parallel_loop3A_308 = arith.addi %parallel_loop3A_300, %parallel_loop3A_307 : vector<16xi32>
      %parallel_loop3A_309 = arith.subi %parallel_loop3A_296, %parallel_loop3A_307 : vector<16xi32>
      %parallel_loop3A_310 = arith.cmpf ole, %parallel_loop3A_185, %parallel_loop3A_219 : vector<16xf32>
      %parallel_loop3A_311 = arith.extui %parallel_loop3A_310 : vector<16xi1> to vector<16xi32>
      %parallel_loop3A_312 = arith.addi %parallel_loop3A_304, %parallel_loop3A_311 : vector<16xi32>
      %parallel_loop3A_313 = arith.subi %parallel_loop3A_309, %parallel_loop3A_311 : vector<16xi32>
      %parallel_loop3A_314 = arith.cmpf ole, %parallel_loop3A_202, %parallel_loop3A_219 : vector<16xf32>
      %parallel_loop3A_315 = arith.extui %parallel_loop3A_314 : vector<16xi1> to vector<16xi32>
      %parallel_loop3A_316 = arith.addi %parallel_loop3A_312, %parallel_loop3A_315 : vector<16xi32>
      %parallel_loop3A_317 = arith.subi %parallel_loop3A_308, %parallel_loop3A_315 : vector<16xi32>
      %parallel_loop3A_318 = arith.constant 3 : i32
      %parallel_loop3A_319 = vector.broadcast %parallel_loop3A_318 : i32 to vector<16xi32>
      %parallel_loop3A_320 = arith.addi %parallel_loop3A_97, %parallel_loop3A_319 : vector<16xi32>
      %parallel_loop3A_321 = tpu.vector_load_idx %arg5[%parallel_loop3A_320] : memref<8832xf32, #tpu.memory_space<vmem>>[vector<16xi32>], vector<16xf32>,
      %parallel_loop3A_322 = arith.constant 0.636619746 : f32
      %parallel_loop3A_323 = vector.broadcast %parallel_loop3A_322 : f32 to vector<16xf32>
      %parallel_loop3A_324 = arith.mulf %parallel_loop3A_321, %parallel_loop3A_323 : vector<16xf32>
      %parallel_loop3A_325 = arith.constant 0x4B400000 : f32
      %parallel_loop3A_326 = vector.broadcast %parallel_loop3A_325 : f32 to vector<16xf32>
      %parallel_loop3A_327 = arith.addf %parallel_loop3A_324, %parallel_loop3A_326 : vector<16xf32>
      %parallel_loop3A_328 = arith.constant 0x4B400000 : f32
      %parallel_loop3A_329 = vector.broadcast %parallel_loop3A_328 : f32 to vector<16xf32>
      %parallel_loop3A_330 = arith.subf %parallel_loop3A_327, %parallel_loop3A_329 : vector<16xf32>
      %parallel_loop3A_331 = arith.constant 1.57080078 : f32
      %parallel_loop3A_332 = vector.broadcast %parallel_loop3A_331 : f32 to vector<16xf32>
      %parallel_loop3A_333 = arith.mulf %parallel_loop3A_330, %parallel_loop3A_332 : vector<16xf32>
      %parallel_loop3A_334 = arith.subf %parallel_loop3A_321, %parallel_loop3A_333 : vector<16xf32>
      %parallel_loop3A_335 = arith.constant -4.45445494E-6 : f32
      %parallel_loop3A_336 = vector.broadcast %parallel_loop3A_335 : f32 to vector<16xf32>
      %parallel_loop3A_337 = arith.mulf %parallel_loop3A_330, %parallel_loop3A_336 : vector<16xf32>
      %parallel_loop3A_338 = arith.subf %parallel_loop3A_334, %parallel_loop3A_337 : vector<16xf32>
      %parallel_loop3A_339 = arith.fptosi %parallel_loop3A_330 : vector<16xf32> to vector<16xi32>
      %parallel_loop3A_340 = arith.mulf %parallel_loop3A_338, %parallel_loop3A_338 : vector<16xf32>
      %parallel_loop3A_341 = arith.mulf %parallel_loop3A_338, %parallel_loop3A_340 : vector<16xf32>
      %parallel_loop3A_342 = arith.constant -1.95152956E-4 : f32
      %parallel_loop3A_343 = vector.broadcast %parallel_loop3A_342 : f32 to vector<16xf32>
      %parallel_loop3A_344 = arith.mulf %parallel_loop3A_340, %parallel_loop3A_343 : vector<16xf32>
      %parallel_loop3A_345 = arith.constant 0.00833216123 : f32
      %parallel_loop3A_346 = vector.broadcast %parallel_loop3A_345 : f32 to vector<16xf32>
      %parallel_loop3A_347 = arith.addf %parallel_loop3A_346, %parallel_loop3A_344 : vector<16xf32>
      %parallel_loop3A_348 = arith.mulf %parallel_loop3A_340, %parallel_loop3A_347 : vector<16xf32>
      %parallel_loop3A_349 = arith.constant -0.166666552 : f32
      %parallel_loop3A_350 = vector.broadcast %parallel_loop3A_349 : f32 to vector<16xf32>
      %parallel_loop3A_351 = arith.addf %parallel_loop3A_350, %parallel_loop3A_348 : vector<16xf32>
      %parallel_loop3A_352 = arith.mulf %parallel_loop3A_341, %parallel_loop3A_351 : vector<16xf32>
      %parallel_loop3A_353 = arith.addf %parallel_loop3A_338, %parallel_loop3A_352 : vector<16xf32>
      %parallel_loop3A_354 = arith.constant 2.44331568E-5 : f32
      %parallel_loop3A_355 = vector.broadcast %parallel_loop3A_354 : f32 to vector<16xf32>
      %parallel_loop3A_356 = arith.mulf %parallel_loop3A_340, %parallel_loop3A_355 : vector<16xf32>
      %parallel_loop3A_357 = arith.constant -0.00138873165 : f32
      %parallel_loop3A_358 = vector.broadcast %parallel_loop3A_357 : f32 to vector<16xf32>
      %parallel_loop3A_359 = arith.addf %parallel_loop3A_358, %parallel_loop3A_356 : vector<16xf32>
      %parallel_loop3A_360 = arith.mulf %parallel_loop3A_340, %parallel_loop3A_359 : vector<16xf32>
      %parallel_loop3A_361 = arith.constant 0.0416666456 : f32
      %parallel_loop3A_362 = vector.broadcast %parallel_loop3A_361 : f32 to vector<16xf32>
      %parallel_loop3A_363 = arith.addf %parallel_loop3A_362, %parallel_loop3A_360 : vector<16xf32>
      %parallel_loop3A_364 = arith.mulf %parallel_loop3A_340, %parallel_loop3A_363 : vector<16xf32>
      %parallel_loop3A_365 = arith.constant -5.000000e-01 : f32
      %parallel_loop3A_366 = vector.broadcast %parallel_loop3A_365 : f32 to vector<16xf32>
      %parallel_loop3A_367 = arith.addf %parallel_loop3A_366, %parallel_loop3A_364 : vector<16xf32>
      %parallel_loop3A_368 = arith.mulf %parallel_loop3A_340, %parallel_loop3A_367 : vector<16xf32>
      %parallel_loop3A_369 = arith.constant 1.000000e+00 : f32
      %parallel_loop3A_370 = vector.broadcast %parallel_loop3A_369 : f32 to vector<16xf32>
      %parallel_loop3A_371 = arith.addf %parallel_loop3A_370, %parallel_loop3A_368 : vector<16xf32>
      %parallel_loop3A_372 = arith.constant 3 : i32
      %parallel_loop3A_373 = vector.broadcast %parallel_loop3A_372 : i32 to vector<16xi32>
      %parallel_loop3A_374 = arith.andi %parallel_loop3A_339, %parallel_loop3A_373 : vector<16xi32>
      %parallel_loop3A_375 = arith.constant 1 : i32
      %parallel_loop3A_376 = vector.broadcast %parallel_loop3A_375 : i32 to vector<16xi32>
      %parallel_loop3A_377 = arith.andi %parallel_loop3A_374, %parallel_loop3A_376 : vector<16xi32>
      %parallel_loop3A_378 = arith.constant 1 : i32
      %parallel_loop3A_379 = vector.broadcast %parallel_loop3A_378 : i32 to vector<16xi32>
      %parallel_loop3A_380 = arith.cmpi eq, %parallel_loop3A_377, %parallel_loop3A_379 : vector<16xi32>
      %parallel_loop3A_381 = arith.select %parallel_loop3A_380, %parallel_loop3A_371, %parallel_loop3A_353 : vector<16xi1>, vector<16xf32>
      %parallel_loop3A_382 = arith.select %parallel_loop3A_380, %parallel_loop3A_353, %parallel_loop3A_371 : vector<16xi1>, vector<16xf32>
      %parallel_loop3A_383 = arith.constant 2 : i32
      %parallel_loop3A_384 = vector.broadcast %parallel_loop3A_383 : i32 to vector<16xi32>
      %parallel_loop3A_385 = arith.andi %parallel_loop3A_374, %parallel_loop3A_384 : vector<16xi32>
      %parallel_loop3A_386 = arith.constant 2 : i32
      %parallel_loop3A_387 = vector.broadcast %parallel_loop3A_386 : i32 to vector<16xi32>
      %parallel_loop3A_388 = arith.cmpi eq, %parallel_loop3A_385, %parallel_loop3A_387 : vector<16xi32>
      %parallel_loop3A_389 = arith.constant 0.000000e+00 : f32
      %parallel_loop3A_390 = vector.broadcast %parallel_loop3A_389 : f32 to vector<16xf32>
      %parallel_loop3A_391 = arith.subf %parallel_loop3A_390, %parallel_loop3A_381 : vector<16xf32>
      %parallel_loop3A_392 = arith.select %parallel_loop3A_388, %parallel_loop3A_391, %parallel_loop3A_381 : vector<16xi1>, vector<16xf32>
      %parallel_loop3A_393 = arith.constant 1 : i32
      %parallel_loop3A_394 = vector.broadcast %parallel_loop3A_393 : i32 to vector<16xi32>
      %parallel_loop3A_395 = arith.addi %parallel_loop3A_374, %parallel_loop3A_394 : vector<16xi32>
      %parallel_loop3A_396 = arith.constant 2 : i32
      %parallel_loop3A_397 = vector.broadcast %parallel_loop3A_396 : i32 to vector<16xi32>
      %parallel_loop3A_398 = arith.andi %parallel_loop3A_395, %parallel_loop3A_397 : vector<16xi32>
      %parallel_loop3A_399 = arith.constant 2 : i32
      %parallel_loop3A_400 = vector.broadcast %parallel_loop3A_399 : i32 to vector<16xi32>
      %parallel_loop3A_401 = arith.cmpi eq, %parallel_loop3A_398, %parallel_loop3A_400 : vector<16xi32>
      %parallel_loop3A_402 = arith.constant 0.000000e+00 : f32
      %parallel_loop3A_403 = vector.broadcast %parallel_loop3A_402 : f32 to vector<16xf32>
      %parallel_loop3A_404 = arith.subf %parallel_loop3A_403, %parallel_loop3A_382 : vector<16xf32>
      %parallel_loop3A_405 = arith.select %parallel_loop3A_401, %parallel_loop3A_404, %parallel_loop3A_382 : vector<16xi1>, vector<16xf32>
      %parallel_loop3A_406 = arith.constant 4 : i32
      %parallel_loop3A_407 = vector.broadcast %parallel_loop3A_406 : i32 to vector<16xi32>
      %parallel_loop3A_408 = arith.addi %parallel_loop3A_97, %parallel_loop3A_407 : vector<16xi32>
      %parallel_loop3A_409 = tpu.vector_load_idx %arg5[%parallel_loop3A_408] : memref<8832xf32, #tpu.memory_space<vmem>>[vector<16xi32>], vector<16xf32>,
      %parallel_loop3A_410 = arith.constant 0.636619746 : f32
      %parallel_loop3A_411 = vector.broadcast %parallel_loop3A_410 : f32 to vector<16xf32>
      %parallel_loop3A_412 = arith.mulf %parallel_loop3A_409, %parallel_loop3A_411 : vector<16xf32>
      %parallel_loop3A_413 = arith.constant 0x4B400000 : f32
      %parallel_loop3A_414 = vector.broadcast %parallel_loop3A_413 : f32 to vector<16xf32>
      %parallel_loop3A_415 = arith.addf %parallel_loop3A_412, %parallel_loop3A_414 : vector<16xf32>
      %parallel_loop3A_416 = arith.constant 0x4B400000 : f32
      %parallel_loop3A_417 = vector.broadcast %parallel_loop3A_416 : f32 to vector<16xf32>
      %parallel_loop3A_418 = arith.subf %parallel_loop3A_415, %parallel_loop3A_417 : vector<16xf32>
      %parallel_loop3A_419 = arith.constant 1.57080078 : f32
      %parallel_loop3A_420 = vector.broadcast %parallel_loop3A_419 : f32 to vector<16xf32>
      %parallel_loop3A_421 = arith.mulf %parallel_loop3A_418, %parallel_loop3A_420 : vector<16xf32>
      %parallel_loop3A_422 = arith.subf %parallel_loop3A_409, %parallel_loop3A_421 : vector<16xf32>
      %parallel_loop3A_423 = arith.constant -4.45445494E-6 : f32
      %parallel_loop3A_424 = vector.broadcast %parallel_loop3A_423 : f32 to vector<16xf32>
      %parallel_loop3A_425 = arith.mulf %parallel_loop3A_418, %parallel_loop3A_424 : vector<16xf32>
      %parallel_loop3A_426 = arith.subf %parallel_loop3A_422, %parallel_loop3A_425 : vector<16xf32>
      %parallel_loop3A_427 = arith.fptosi %parallel_loop3A_418 : vector<16xf32> to vector<16xi32>
      %parallel_loop3A_428 = arith.mulf %parallel_loop3A_426, %parallel_loop3A_426 : vector<16xf32>
      %parallel_loop3A_429 = arith.mulf %parallel_loop3A_426, %parallel_loop3A_428 : vector<16xf32>
      %parallel_loop3A_430 = arith.constant -1.95152956E-4 : f32
      %parallel_loop3A_431 = vector.broadcast %parallel_loop3A_430 : f32 to vector<16xf32>
      %parallel_loop3A_432 = arith.mulf %parallel_loop3A_428, %parallel_loop3A_431 : vector<16xf32>
      %parallel_loop3A_433 = arith.constant 0.00833216123 : f32
      %parallel_loop3A_434 = vector.broadcast %parallel_loop3A_433 : f32 to vector<16xf32>
      %parallel_loop3A_435 = arith.addf %parallel_loop3A_434, %parallel_loop3A_432 : vector<16xf32>
      %parallel_loop3A_436 = arith.mulf %parallel_loop3A_428, %parallel_loop3A_435 : vector<16xf32>
      %parallel_loop3A_437 = arith.constant -0.166666552 : f32
      %parallel_loop3A_438 = vector.broadcast %parallel_loop3A_437 : f32 to vector<16xf32>
      %parallel_loop3A_439 = arith.addf %parallel_loop3A_438, %parallel_loop3A_436 : vector<16xf32>
      %parallel_loop3A_440 = arith.mulf %parallel_loop3A_429, %parallel_loop3A_439 : vector<16xf32>
      %parallel_loop3A_441 = arith.addf %parallel_loop3A_426, %parallel_loop3A_440 : vector<16xf32>
      %parallel_loop3A_442 = arith.constant 2.44331568E-5 : f32
      %parallel_loop3A_443 = vector.broadcast %parallel_loop3A_442 : f32 to vector<16xf32>
      %parallel_loop3A_444 = arith.mulf %parallel_loop3A_428, %parallel_loop3A_443 : vector<16xf32>
      %parallel_loop3A_445 = arith.constant -0.00138873165 : f32
      %parallel_loop3A_446 = vector.broadcast %parallel_loop3A_445 : f32 to vector<16xf32>
      %parallel_loop3A_447 = arith.addf %parallel_loop3A_446, %parallel_loop3A_444 : vector<16xf32>
      %parallel_loop3A_448 = arith.mulf %parallel_loop3A_428, %parallel_loop3A_447 : vector<16xf32>
      %parallel_loop3A_449 = arith.constant 0.0416666456 : f32
      %parallel_loop3A_450 = vector.broadcast %parallel_loop3A_449 : f32 to vector<16xf32>
      %parallel_loop3A_451 = arith.addf %parallel_loop3A_450, %parallel_loop3A_448 : vector<16xf32>
      %parallel_loop3A_452 = arith.mulf %parallel_loop3A_428, %parallel_loop3A_451 : vector<16xf32>
      %parallel_loop3A_453 = arith.constant -5.000000e-01 : f32
      %parallel_loop3A_454 = vector.broadcast %parallel_loop3A_453 : f32 to vector<16xf32>
      %parallel_loop3A_455 = arith.addf %parallel_loop3A_454, %parallel_loop3A_452 : vector<16xf32>
      %parallel_loop3A_456 = arith.mulf %parallel_loop3A_428, %parallel_loop3A_455 : vector<16xf32>
      %parallel_loop3A_457 = arith.constant 1.000000e+00 : f32
      %parallel_loop3A_458 = vector.broadcast %parallel_loop3A_457 : f32 to vector<16xf32>
      %parallel_loop3A_459 = arith.addf %parallel_loop3A_458, %parallel_loop3A_456 : vector<16xf32>
      %parallel_loop3A_460 = arith.constant 3 : i32
      %parallel_loop3A_461 = vector.broadcast %parallel_loop3A_460 : i32 to vector<16xi32>
      %parallel_loop3A_462 = arith.andi %parallel_loop3A_427, %parallel_loop3A_461 : vector<16xi32>
      %parallel_loop3A_463 = arith.constant 1 : i32
      %parallel_loop3A_464 = vector.broadcast %parallel_loop3A_463 : i32 to vector<16xi32>
      %parallel_loop3A_465 = arith.andi %parallel_loop3A_462, %parallel_loop3A_464 : vector<16xi32>
      %parallel_loop3A_466 = arith.constant 1 : i32
      %parallel_loop3A_467 = vector.broadcast %parallel_loop3A_466 : i32 to vector<16xi32>
      %parallel_loop3A_468 = arith.cmpi eq, %parallel_loop3A_465, %parallel_loop3A_467 : vector<16xi32>
      %parallel_loop3A_469 = arith.select %parallel_loop3A_468, %parallel_loop3A_459, %parallel_loop3A_441 : vector<16xi1>, vector<16xf32>
      %parallel_loop3A_470 = arith.select %parallel_loop3A_468, %parallel_loop3A_441, %parallel_loop3A_459 : vector<16xi1>, vector<16xf32>
      %parallel_loop3A_471 = arith.constant 2 : i32
      %parallel_loop3A_472 = vector.broadcast %parallel_loop3A_471 : i32 to vector<16xi32>
      %parallel_loop3A_473 = arith.andi %parallel_loop3A_462, %parallel_loop3A_472 : vector<16xi32>
      %parallel_loop3A_474 = arith.constant 2 : i32
      %parallel_loop3A_475 = vector.broadcast %parallel_loop3A_474 : i32 to vector<16xi32>
      %parallel_loop3A_476 = arith.cmpi eq, %parallel_loop3A_473, %parallel_loop3A_475 : vector<16xi32>
      %parallel_loop3A_477 = arith.constant 0.000000e+00 : f32
      %parallel_loop3A_478 = vector.broadcast %parallel_loop3A_477 : f32 to vector<16xf32>
      %parallel_loop3A_479 = arith.subf %parallel_loop3A_478, %parallel_loop3A_469 : vector<16xf32>
      %parallel_loop3A_480 = arith.select %parallel_loop3A_476, %parallel_loop3A_479, %parallel_loop3A_469 : vector<16xi1>, vector<16xf32>
      %parallel_loop3A_481 = arith.constant 1 : i32
      %parallel_loop3A_482 = vector.broadcast %parallel_loop3A_481 : i32 to vector<16xi32>
      %parallel_loop3A_483 = arith.addi %parallel_loop3A_462, %parallel_loop3A_482 : vector<16xi32>
      %parallel_loop3A_484 = arith.constant 2 : i32
      %parallel_loop3A_485 = vector.broadcast %parallel_loop3A_484 : i32 to vector<16xi32>
      %parallel_loop3A_486 = arith.andi %parallel_loop3A_483, %parallel_loop3A_485 : vector<16xi32>
      %parallel_loop3A_487 = arith.constant 2 : i32
      %parallel_loop3A_488 = vector.broadcast %parallel_loop3A_487 : i32 to vector<16xi32>
      %parallel_loop3A_489 = arith.cmpi eq, %parallel_loop3A_486, %parallel_loop3A_488 : vector<16xi32>
      %parallel_loop3A_490 = arith.constant 0.000000e+00 : f32
      %parallel_loop3A_491 = vector.broadcast %parallel_loop3A_490 : f32 to vector<16xf32>
      %parallel_loop3A_492 = arith.subf %parallel_loop3A_491, %parallel_loop3A_470 : vector<16xf32>
      %parallel_loop3A_493 = arith.select %parallel_loop3A_489, %parallel_loop3A_492, %parallel_loop3A_470 : vector<16xi1>, vector<16xf32>
      %parallel_loop3A_494 = arith.constant 5 : i32
      %parallel_loop3A_495 = vector.broadcast %parallel_loop3A_494 : i32 to vector<16xi32>
      %parallel_loop3A_496 = arith.addi %parallel_loop3A_97, %parallel_loop3A_495 : vector<16xi32>
      %parallel_loop3A_497 = tpu.vector_load_idx %arg5[%parallel_loop3A_496] : memref<8832xf32, #tpu.memory_space<vmem>>[vector<16xi32>], vector<16xf32>,
      %parallel_loop3A_498 = arith.constant 0.636619746 : f32
      %parallel_loop3A_499 = vector.broadcast %parallel_loop3A_498 : f32 to vector<16xf32>
      %parallel_loop3A_500 = arith.mulf %parallel_loop3A_497, %parallel_loop3A_499 : vector<16xf32>
      %parallel_loop3A_501 = arith.constant 0x4B400000 : f32
      %parallel_loop3A_502 = vector.broadcast %parallel_loop3A_501 : f32 to vector<16xf32>
      %parallel_loop3A_503 = arith.addf %parallel_loop3A_500, %parallel_loop3A_502 : vector<16xf32>
      %parallel_loop3A_504 = arith.constant 0x4B400000 : f32
      %parallel_loop3A_505 = vector.broadcast %parallel_loop3A_504 : f32 to vector<16xf32>
      %parallel_loop3A_506 = arith.subf %parallel_loop3A_503, %parallel_loop3A_505 : vector<16xf32>
      %parallel_loop3A_507 = arith.constant 1.57080078 : f32
      %parallel_loop3A_508 = vector.broadcast %parallel_loop3A_507 : f32 to vector<16xf32>
      %parallel_loop3A_509 = arith.mulf %parallel_loop3A_506, %parallel_loop3A_508 : vector<16xf32>
      %parallel_loop3A_510 = arith.subf %parallel_loop3A_497, %parallel_loop3A_509 : vector<16xf32>
      %parallel_loop3A_511 = arith.constant -4.45445494E-6 : f32
      %parallel_loop3A_512 = vector.broadcast %parallel_loop3A_511 : f32 to vector<16xf32>
      %parallel_loop3A_513 = arith.mulf %parallel_loop3A_506, %parallel_loop3A_512 : vector<16xf32>
      %parallel_loop3A_514 = arith.subf %parallel_loop3A_510, %parallel_loop3A_513 : vector<16xf32>
      %parallel_loop3A_515 = arith.fptosi %parallel_loop3A_506 : vector<16xf32> to vector<16xi32>
      %parallel_loop3A_516 = arith.mulf %parallel_loop3A_514, %parallel_loop3A_514 : vector<16xf32>
      %parallel_loop3A_517 = arith.mulf %parallel_loop3A_514, %parallel_loop3A_516 : vector<16xf32>
      %parallel_loop3A_518 = arith.constant -1.95152956E-4 : f32
      %parallel_loop3A_519 = vector.broadcast %parallel_loop3A_518 : f32 to vector<16xf32>
      %parallel_loop3A_520 = arith.mulf %parallel_loop3A_516, %parallel_loop3A_519 : vector<16xf32>
      %parallel_loop3A_521 = arith.constant 0.00833216123 : f32
      %parallel_loop3A_522 = vector.broadcast %parallel_loop3A_521 : f32 to vector<16xf32>
      %parallel_loop3A_523 = arith.addf %parallel_loop3A_522, %parallel_loop3A_520 : vector<16xf32>
      %parallel_loop3A_524 = arith.mulf %parallel_loop3A_516, %parallel_loop3A_523 : vector<16xf32>
      %parallel_loop3A_525 = arith.constant -0.166666552 : f32
      %parallel_loop3A_526 = vector.broadcast %parallel_loop3A_525 : f32 to vector<16xf32>
      %parallel_loop3A_527 = arith.addf %parallel_loop3A_526, %parallel_loop3A_524 : vector<16xf32>
      %parallel_loop3A_528 = arith.mulf %parallel_loop3A_517, %parallel_loop3A_527 : vector<16xf32>
      %parallel_loop3A_529 = arith.addf %parallel_loop3A_514, %parallel_loop3A_528 : vector<16xf32>
      %parallel_loop3A_530 = arith.constant 2.44331568E-5 : f32
      %parallel_loop3A_531 = vector.broadcast %parallel_loop3A_530 : f32 to vector<16xf32>
      %parallel_loop3A_532 = arith.mulf %parallel_loop3A_516, %parallel_loop3A_531 : vector<16xf32>
      %parallel_loop3A_533 = arith.constant -0.00138873165 : f32
      %parallel_loop3A_534 = vector.broadcast %parallel_loop3A_533 : f32 to vector<16xf32>
      %parallel_loop3A_535 = arith.addf %parallel_loop3A_534, %parallel_loop3A_532 : vector<16xf32>
      %parallel_loop3A_536 = arith.mulf %parallel_loop3A_516, %parallel_loop3A_535 : vector<16xf32>
      %parallel_loop3A_537 = arith.constant 0.0416666456 : f32
      %parallel_loop3A_538 = vector.broadcast %parallel_loop3A_537 : f32 to vector<16xf32>
      %parallel_loop3A_539 = arith.addf %parallel_loop3A_538, %parallel_loop3A_536 : vector<16xf32>
      %parallel_loop3A_540 = arith.mulf %parallel_loop3A_516, %parallel_loop3A_539 : vector<16xf32>
      %parallel_loop3A_541 = arith.constant -5.000000e-01 : f32
      %parallel_loop3A_542 = vector.broadcast %parallel_loop3A_541 : f32 to vector<16xf32>
      %parallel_loop3A_543 = arith.addf %parallel_loop3A_542, %parallel_loop3A_540 : vector<16xf32>
      %parallel_loop3A_544 = arith.mulf %parallel_loop3A_516, %parallel_loop3A_543 : vector<16xf32>
      %parallel_loop3A_545 = arith.constant 1.000000e+00 : f32
      %parallel_loop3A_546 = vector.broadcast %parallel_loop3A_545 : f32 to vector<16xf32>
      %parallel_loop3A_547 = arith.addf %parallel_loop3A_546, %parallel_loop3A_544 : vector<16xf32>
      %parallel_loop3A_548 = arith.constant 3 : i32
      %parallel_loop3A_549 = vector.broadcast %parallel_loop3A_548 : i32 to vector<16xi32>
      %parallel_loop3A_550 = arith.andi %parallel_loop3A_515, %parallel_loop3A_549 : vector<16xi32>
      %parallel_loop3A_551 = arith.constant 1 : i32
      %parallel_loop3A_552 = vector.broadcast %parallel_loop3A_551 : i32 to vector<16xi32>
      %parallel_loop3A_553 = arith.andi %parallel_loop3A_550, %parallel_loop3A_552 : vector<16xi32>
      %parallel_loop3A_554 = arith.constant 1 : i32
      %parallel_loop3A_555 = vector.broadcast %parallel_loop3A_554 : i32 to vector<16xi32>
      %parallel_loop3A_556 = arith.cmpi eq, %parallel_loop3A_553, %parallel_loop3A_555 : vector<16xi32>
      %parallel_loop3A_557 = arith.select %parallel_loop3A_556, %parallel_loop3A_547, %parallel_loop3A_529 : vector<16xi1>, vector<16xf32>
      %parallel_loop3A_558 = arith.select %parallel_loop3A_556, %parallel_loop3A_529, %parallel_loop3A_547 : vector<16xi1>, vector<16xf32>
      %parallel_loop3A_559 = arith.constant 2 : i32
      %parallel_loop3A_560 = vector.broadcast %parallel_loop3A_559 : i32 to vector<16xi32>
      %parallel_loop3A_561 = arith.andi %parallel_loop3A_550, %parallel_loop3A_560 : vector<16xi32>
      %parallel_loop3A_562 = arith.constant 2 : i32
      %parallel_loop3A_563 = vector.broadcast %parallel_loop3A_562 : i32 to vector<16xi32>
      %parallel_loop3A_564 = arith.cmpi eq, %parallel_loop3A_561, %parallel_loop3A_563 : vector<16xi32>
      %parallel_loop3A_565 = arith.constant 0.000000e+00 : f32
      %parallel_loop3A_566 = vector.broadcast %parallel_loop3A_565 : f32 to vector<16xf32>
      %parallel_loop3A_567 = arith.subf %parallel_loop3A_566, %parallel_loop3A_557 : vector<16xf32>
      %parallel_loop3A_568 = arith.select %parallel_loop3A_564, %parallel_loop3A_567, %parallel_loop3A_557 : vector<16xi1>, vector<16xf32>
      %parallel_loop3A_569 = arith.constant 1 : i32
      %parallel_loop3A_570 = vector.broadcast %parallel_loop3A_569 : i32 to vector<16xi32>
      %parallel_loop3A_571 = arith.addi %parallel_loop3A_550, %parallel_loop3A_570 : vector<16xi32>
      %parallel_loop3A_572 = arith.constant 2 : i32
      %parallel_loop3A_573 = vector.broadcast %parallel_loop3A_572 : i32 to vector<16xi32>
      %parallel_loop3A_574 = arith.andi %parallel_loop3A_571, %parallel_loop3A_573 : vector<16xi32>
      %parallel_loop3A_575 = arith.constant 2 : i32
      %parallel_loop3A_576 = vector.broadcast %parallel_loop3A_575 : i32 to vector<16xi32>
      %parallel_loop3A_577 = arith.cmpi eq, %parallel_loop3A_574, %parallel_loop3A_576 : vector<16xi32>
      %parallel_loop3A_578 = arith.constant 0.000000e+00 : f32
      %parallel_loop3A_579 = vector.broadcast %parallel_loop3A_578 : f32 to vector<16xf32>
      %parallel_loop3A_580 = arith.subf %parallel_loop3A_579, %parallel_loop3A_558 : vector<16xf32>
      %parallel_loop3A_581 = arith.select %parallel_loop3A_577, %parallel_loop3A_580, %parallel_loop3A_558 : vector<16xi1>, vector<16xf32>
      %parallel_loop3A_582 = arith.mulf %parallel_loop3A_493, %parallel_loop3A_405 : vector<16xf32>
      %parallel_loop3A_583 = arith.constant 0.000000e+00 : f32
      %parallel_loop3A_584 = vector.broadcast %parallel_loop3A_583 : f32 to vector<16xf32>
      %parallel_loop3A_585 = arith.subf %parallel_loop3A_584, %parallel_loop3A_493 : vector<16xf32>
      %parallel_loop3A_586 = arith.mulf %parallel_loop3A_585, %parallel_loop3A_392 : vector<16xf32>
      %parallel_loop3A_587 = arith.mulf %parallel_loop3A_568, %parallel_loop3A_480 : vector<16xf32>
      %parallel_loop3A_588 = arith.mulf %parallel_loop3A_581, %parallel_loop3A_480 : vector<16xf32>
      %parallel_loop3A_589 = arith.mulf %parallel_loop3A_581, %parallel_loop3A_392 : vector<16xf32>
      %parallel_loop3A_590 = arith.mulf %parallel_loop3A_587, %parallel_loop3A_405 : vector<16xf32>
      %parallel_loop3A_591 = arith.addf %parallel_loop3A_589, %parallel_loop3A_590 : vector<16xf32>
      %parallel_loop3A_592 = arith.mulf %parallel_loop3A_581, %parallel_loop3A_405 : vector<16xf32>
      %parallel_loop3A_593 = arith.mulf %parallel_loop3A_587, %parallel_loop3A_392 : vector<16xf32>
      %parallel_loop3A_594 = arith.subf %parallel_loop3A_592, %parallel_loop3A_593 : vector<16xf32>
      %parallel_loop3A_595 = arith.constant 0.000000e+00 : f32
      %parallel_loop3A_596 = vector.broadcast %parallel_loop3A_595 : f32 to vector<16xf32>
      %parallel_loop3A_597 = arith.subf %parallel_loop3A_596, %parallel_loop3A_568 : vector<16xf32>
      %parallel_loop3A_598 = arith.mulf %parallel_loop3A_597, %parallel_loop3A_493 : vector<16xf32>
      %parallel_loop3A_599 = arith.mulf %parallel_loop3A_568, %parallel_loop3A_392 : vector<16xf32>
      %parallel_loop3A_600 = arith.mulf %parallel_loop3A_588, %parallel_loop3A_405 : vector<16xf32>
      %parallel_loop3A_601 = arith.subf %parallel_loop3A_599, %parallel_loop3A_600 : vector<16xf32>
      %parallel_loop3A_602 = arith.mulf %parallel_loop3A_568, %parallel_loop3A_405 : vector<16xf32>
      %parallel_loop3A_603 = arith.mulf %parallel_loop3A_588, %parallel_loop3A_392 : vector<16xf32>
      %parallel_loop3A_604 = arith.addf %parallel_loop3A_602, %parallel_loop3A_603 : vector<16xf32>
      %parallel_loop3A_605 = arith.mulf %parallel_loop3A_581, %parallel_loop3A_493 : vector<16xf32>
      %parallel_loop3A_606 = arith.constant 0 : i32
      %parallel_loop3A_607 = vector.broadcast %parallel_loop3A_606 : i32 to vector<16xi32>
      %parallel_loop3A_608 = arith.addi %parallel_loop3A_97, %parallel_loop3A_607 : vector<16xi32>
      %parallel_loop3A_609 = tpu.vector_load_idx %arg5[%parallel_loop3A_608] : memref<8832xf32, #tpu.memory_space<vmem>>[vector<16xi32>], vector<16xf32>,
      %parallel_loop3A_610 = arith.constant 1 : i32
      %parallel_loop3A_611 = vector.broadcast %parallel_loop3A_610 : i32 to vector<16xi32>
      %parallel_loop3A_612 = arith.addi %parallel_loop3A_97, %parallel_loop3A_611 : vector<16xi32>
      %parallel_loop3A_613 = tpu.vector_load_idx %arg5[%parallel_loop3A_612] : memref<8832xf32, #tpu.memory_space<vmem>>[vector<16xi32>], vector<16xf32>,
      %parallel_loop3A_614 = arith.constant 2 : i32
      %parallel_loop3A_615 = vector.broadcast %parallel_loop3A_614 : i32 to vector<16xi32>
      %parallel_loop3A_616 = arith.addi %parallel_loop3A_97, %parallel_loop3A_615 : vector<16xi32>
      %parallel_loop3A_617 = tpu.vector_load_idx %arg5[%parallel_loop3A_616] : memref<8832xf32, #tpu.memory_space<vmem>>[vector<16xi32>], vector<16xf32>,
      %parallel_loop3A_618 = arith.constant 0 : i32
      %parallel_loop3A_619 = vector.broadcast %parallel_loop3A_618 : i32 to vector<16xi32>
      %parallel_loop3A_620 = arith.addi %parallel_loop3A_100, %parallel_loop3A_619 : vector<16xi32>
      tpu.vector_store_idx %arg7[%parallel_loop3A_620], %parallel_loop3A_609 : memref<3456xf32, #tpu.memory_space<vmem>>[vector<16xi32>], vector<16xf32>,
      %parallel_loop3A_621 = arith.constant 1 : i32
      %parallel_loop3A_622 = vector.broadcast %parallel_loop3A_621 : i32 to vector<16xi32>
      %parallel_loop3A_623 = arith.addi %parallel_loop3A_100, %parallel_loop3A_622 : vector<16xi32>
      tpu.vector_store_idx %arg7[%parallel_loop3A_623], %parallel_loop3A_613 : memref<3456xf32, #tpu.memory_space<vmem>>[vector<16xi32>], vector<16xf32>,
      %parallel_loop3A_624 = arith.constant 2 : i32
      %parallel_loop3A_625 = vector.broadcast %parallel_loop3A_624 : i32 to vector<16xi32>
      %parallel_loop3A_626 = arith.addi %parallel_loop3A_100, %parallel_loop3A_625 : vector<16xi32>
      tpu.vector_store_idx %arg7[%parallel_loop3A_626], %parallel_loop3A_617 : memref<3456xf32, #tpu.memory_space<vmem>>[vector<16xi32>], vector<16xf32>,
      %parallel_loop3A_627 = arith.mulf %parallel_loop3A_582, %parallel_loop3A_104 : vector<16xf32>
      %parallel_loop3A_628 = arith.mulf %parallel_loop3A_591, %parallel_loop3A_108 : vector<16xf32>
      %parallel_loop3A_629 = arith.addf %parallel_loop3A_627, %parallel_loop3A_628 : vector<16xf32>
      %parallel_loop3A_630 = arith.mulf %parallel_loop3A_601, %parallel_loop3A_112 : vector<16xf32>
      %parallel_loop3A_631 = arith.addf %parallel_loop3A_629, %parallel_loop3A_630 : vector<16xf32>
      %parallel_loop3A_632 = arith.subf %parallel_loop3A_609, %parallel_loop3A_631 : vector<16xf32>
      %parallel_loop3A_633 = arith.mulf %parallel_loop3A_586, %parallel_loop3A_104 : vector<16xf32>
      %parallel_loop3A_634 = arith.mulf %parallel_loop3A_594, %parallel_loop3A_108 : vector<16xf32>
      %parallel_loop3A_635 = arith.addf %parallel_loop3A_633, %parallel_loop3A_634 : vector<16xf32>
      %parallel_loop3A_636 = arith.mulf %parallel_loop3A_604, %parallel_loop3A_112 : vector<16xf32>
      %parallel_loop3A_637 = arith.addf %parallel_loop3A_635, %parallel_loop3A_636 : vector<16xf32>
      %parallel_loop3A_638 = arith.subf %parallel_loop3A_613, %parallel_loop3A_637 : vector<16xf32>
      %parallel_loop3A_639 = arith.mulf %parallel_loop3A_480, %parallel_loop3A_104 : vector<16xf32>
      %parallel_loop3A_640 = arith.mulf %parallel_loop3A_598, %parallel_loop3A_108 : vector<16xf32>
      %parallel_loop3A_641 = arith.addf %parallel_loop3A_639, %parallel_loop3A_640 : vector<16xf32>
      %parallel_loop3A_642 = arith.mulf %parallel_loop3A_605, %parallel_loop3A_112 : vector<16xf32>
      %parallel_loop3A_643 = arith.addf %parallel_loop3A_641, %parallel_loop3A_642 : vector<16xf32>
      %parallel_loop3A_644 = arith.subf %parallel_loop3A_617, %parallel_loop3A_643 : vector<16xf32>
      %parallel_loop3A_645 = arith.constant 3 : i32
      %parallel_loop3A_646 = vector.broadcast %parallel_loop3A_645 : i32 to vector<16xi32>
      %parallel_loop3A_647 = arith.muli %parallel_loop3A_646, %parallel_loop3A_257 : vector<16xi32>
      %parallel_loop3A_648 = arith.constant 3 : i32
      %parallel_loop3A_649 = vector.broadcast %parallel_loop3A_648 : i32 to vector<16xi32>
      %parallel_loop3A_650 = arith.addi %parallel_loop3A_649, %parallel_loop3A_647 : vector<16xi32>
      %parallel_loop3A_651 = arith.addi %parallel_loop3A_100, %parallel_loop3A_650 : vector<16xi32>
      tpu.vector_store_idx %arg7[%parallel_loop3A_651], %parallel_loop3A_632 : memref<3456xf32, #tpu.memory_space<vmem>>[vector<16xi32>], vector<16xf32>,
      %parallel_loop3A_652 = arith.constant 1 : i32
      %parallel_loop3A_653 = vector.broadcast %parallel_loop3A_652 : i32 to vector<16xi32>
      %parallel_loop3A_654 = arith.addi %parallel_loop3A_650, %parallel_loop3A_653 : vector<16xi32>
      %parallel_loop3A_655 = arith.addi %parallel_loop3A_100, %parallel_loop3A_654 : vector<16xi32>
      tpu.vector_store_idx %arg7[%parallel_loop3A_655], %parallel_loop3A_638 : memref<3456xf32, #tpu.memory_space<vmem>>[vector<16xi32>], vector<16xf32>,
      %parallel_loop3A_656 = arith.constant 2 : i32
      %parallel_loop3A_657 = vector.broadcast %parallel_loop3A_656 : i32 to vector<16xi32>
      %parallel_loop3A_658 = arith.addi %parallel_loop3A_650, %parallel_loop3A_657 : vector<16xi32>
      %parallel_loop3A_659 = arith.addi %parallel_loop3A_100, %parallel_loop3A_658 : vector<16xi32>
      tpu.vector_store_idx %arg7[%parallel_loop3A_659], %parallel_loop3A_644 : memref<3456xf32, #tpu.memory_space<vmem>>[vector<16xi32>], vector<16xf32>,
      %parallel_loop3A_660 = arith.mulf %parallel_loop3A_582, %parallel_loop3A_121 : vector<16xf32>
      %parallel_loop3A_661 = arith.mulf %parallel_loop3A_591, %parallel_loop3A_125 : vector<16xf32>
      %parallel_loop3A_662 = arith.addf %parallel_loop3A_660, %parallel_loop3A_661 : vector<16xf32>
      %parallel_loop3A_663 = arith.mulf %parallel_loop3A_601, %parallel_loop3A_129 : vector<16xf32>
      %parallel_loop3A_664 = arith.addf %parallel_loop3A_662, %parallel_loop3A_663 : vector<16xf32>
      %parallel_loop3A_665 = arith.subf %parallel_loop3A_609, %parallel_loop3A_664 : vector<16xf32>
      %parallel_loop3A_666 = arith.mulf %parallel_loop3A_586, %parallel_loop3A_121 : vector<16xf32>
      %parallel_loop3A_667 = arith.mulf %parallel_loop3A_594, %parallel_loop3A_125 : vector<16xf32>
      %parallel_loop3A_668 = arith.addf %parallel_loop3A_666, %parallel_loop3A_667 : vector<16xf32>
      %parallel_loop3A_669 = arith.mulf %parallel_loop3A_604, %parallel_loop3A_129 : vector<16xf32>
      %parallel_loop3A_670 = arith.addf %parallel_loop3A_668, %parallel_loop3A_669 : vector<16xf32>
      %parallel_loop3A_671 = arith.subf %parallel_loop3A_613, %parallel_loop3A_670 : vector<16xf32>
      %parallel_loop3A_672 = arith.mulf %parallel_loop3A_480, %parallel_loop3A_121 : vector<16xf32>
      %parallel_loop3A_673 = arith.mulf %parallel_loop3A_598, %parallel_loop3A_125 : vector<16xf32>
      %parallel_loop3A_674 = arith.addf %parallel_loop3A_672, %parallel_loop3A_673 : vector<16xf32>
      %parallel_loop3A_675 = arith.mulf %parallel_loop3A_605, %parallel_loop3A_129 : vector<16xf32>
      %parallel_loop3A_676 = arith.addf %parallel_loop3A_674, %parallel_loop3A_675 : vector<16xf32>
      %parallel_loop3A_677 = arith.subf %parallel_loop3A_617, %parallel_loop3A_676 : vector<16xf32>
      %parallel_loop3A_678 = arith.constant 3 : i32
      %parallel_loop3A_679 = vector.broadcast %parallel_loop3A_678 : i32 to vector<16xi32>
      %parallel_loop3A_680 = arith.muli %parallel_loop3A_679, %parallel_loop3A_277 : vector<16xi32>
      %parallel_loop3A_681 = arith.constant 3 : i32
      %parallel_loop3A_682 = vector.broadcast %parallel_loop3A_681 : i32 to vector<16xi32>
      %parallel_loop3A_683 = arith.addi %parallel_loop3A_682, %parallel_loop3A_680 : vector<16xi32>
      %parallel_loop3A_684 = arith.addi %parallel_loop3A_100, %parallel_loop3A_683 : vector<16xi32>
      tpu.vector_store_idx %arg7[%parallel_loop3A_684], %parallel_loop3A_665 : memref<3456xf32, #tpu.memory_space<vmem>>[vector<16xi32>], vector<16xf32>,
      %parallel_loop3A_685 = arith.constant 1 : i32
      %parallel_loop3A_686 = vector.broadcast %parallel_loop3A_685 : i32 to vector<16xi32>
      %parallel_loop3A_687 = arith.addi %parallel_loop3A_683, %parallel_loop3A_686 : vector<16xi32>
      %parallel_loop3A_688 = arith.addi %parallel_loop3A_100, %parallel_loop3A_687 : vector<16xi32>
      tpu.vector_store_idx %arg7[%parallel_loop3A_688], %parallel_loop3A_671 : memref<3456xf32, #tpu.memory_space<vmem>>[vector<16xi32>], vector<16xf32>,
      %parallel_loop3A_689 = arith.constant 2 : i32
      %parallel_loop3A_690 = vector.broadcast %parallel_loop3A_689 : i32 to vector<16xi32>
      %parallel_loop3A_691 = arith.addi %parallel_loop3A_683, %parallel_loop3A_690 : vector<16xi32>
      %parallel_loop3A_692 = arith.addi %parallel_loop3A_100, %parallel_loop3A_691 : vector<16xi32>
      tpu.vector_store_idx %arg7[%parallel_loop3A_692], %parallel_loop3A_677 : memref<3456xf32, #tpu.memory_space<vmem>>[vector<16xi32>], vector<16xf32>,
      %parallel_loop3A_693 = arith.mulf %parallel_loop3A_582, %parallel_loop3A_138 : vector<16xf32>
      %parallel_loop3A_694 = arith.mulf %parallel_loop3A_591, %parallel_loop3A_142 : vector<16xf32>
      %parallel_loop3A_695 = arith.addf %parallel_loop3A_693, %parallel_loop3A_694 : vector<16xf32>
      %parallel_loop3A_696 = arith.mulf %parallel_loop3A_601, %parallel_loop3A_146 : vector<16xf32>
      %parallel_loop3A_697 = arith.addf %parallel_loop3A_695, %parallel_loop3A_696 : vector<16xf32>
      %parallel_loop3A_698 = arith.subf %parallel_loop3A_609, %parallel_loop3A_697 : vector<16xf32>
      %parallel_loop3A_699 = arith.mulf %parallel_loop3A_586, %parallel_loop3A_138 : vector<16xf32>
      %parallel_loop3A_700 = arith.mulf %parallel_loop3A_594, %parallel_loop3A_142 : vector<16xf32>
      %parallel_loop3A_701 = arith.addf %parallel_loop3A_699, %parallel_loop3A_700 : vector<16xf32>
      %parallel_loop3A_702 = arith.mulf %parallel_loop3A_604, %parallel_loop3A_146 : vector<16xf32>
      %parallel_loop3A_703 = arith.addf %parallel_loop3A_701, %parallel_loop3A_702 : vector<16xf32>
      %parallel_loop3A_704 = arith.subf %parallel_loop3A_613, %parallel_loop3A_703 : vector<16xf32>
      %parallel_loop3A_705 = arith.mulf %parallel_loop3A_480, %parallel_loop3A_138 : vector<16xf32>
      %parallel_loop3A_706 = arith.mulf %parallel_loop3A_598, %parallel_loop3A_142 : vector<16xf32>
      %parallel_loop3A_707 = arith.addf %parallel_loop3A_705, %parallel_loop3A_706 : vector<16xf32>
      %parallel_loop3A_708 = arith.mulf %parallel_loop3A_605, %parallel_loop3A_146 : vector<16xf32>
      %parallel_loop3A_709 = arith.addf %parallel_loop3A_707, %parallel_loop3A_708 : vector<16xf32>
      %parallel_loop3A_710 = arith.subf %parallel_loop3A_617, %parallel_loop3A_709 : vector<16xf32>
      %parallel_loop3A_711 = arith.constant 3 : i32
      %parallel_loop3A_712 = vector.broadcast %parallel_loop3A_711 : i32 to vector<16xi32>
      %parallel_loop3A_713 = arith.muli %parallel_loop3A_712, %parallel_loop3A_293 : vector<16xi32>
      %parallel_loop3A_714 = arith.constant 3 : i32
      %parallel_loop3A_715 = vector.broadcast %parallel_loop3A_714 : i32 to vector<16xi32>
      %parallel_loop3A_716 = arith.addi %parallel_loop3A_715, %parallel_loop3A_713 : vector<16xi32>
      %parallel_loop3A_717 = arith.addi %parallel_loop3A_100, %parallel_loop3A_716 : vector<16xi32>
      tpu.vector_store_idx %arg7[%parallel_loop3A_717], %parallel_loop3A_698 : memref<3456xf32, #tpu.memory_space<vmem>>[vector<16xi32>], vector<16xf32>,
      %parallel_loop3A_718 = arith.constant 1 : i32
      %parallel_loop3A_719 = vector.broadcast %parallel_loop3A_718 : i32 to vector<16xi32>
      %parallel_loop3A_720 = arith.addi %parallel_loop3A_716, %parallel_loop3A_719 : vector<16xi32>
      %parallel_loop3A_721 = arith.addi %parallel_loop3A_100, %parallel_loop3A_720 : vector<16xi32>
      tpu.vector_store_idx %arg7[%parallel_loop3A_721], %parallel_loop3A_704 : memref<3456xf32, #tpu.memory_space<vmem>>[vector<16xi32>], vector<16xf32>,
      %parallel_loop3A_722 = arith.constant 2 : i32
      %parallel_loop3A_723 = vector.broadcast %parallel_loop3A_722 : i32 to vector<16xi32>
      %parallel_loop3A_724 = arith.addi %parallel_loop3A_716, %parallel_loop3A_723 : vector<16xi32>
      %parallel_loop3A_725 = arith.addi %parallel_loop3A_100, %parallel_loop3A_724 : vector<16xi32>
      tpu.vector_store_idx %arg7[%parallel_loop3A_725], %parallel_loop3A_710 : memref<3456xf32, #tpu.memory_space<vmem>>[vector<16xi32>], vector<16xf32>,
      %parallel_loop3A_726 = arith.mulf %parallel_loop3A_582, %parallel_loop3A_155 : vector<16xf32>
      %parallel_loop3A_727 = arith.mulf %parallel_loop3A_591, %parallel_loop3A_159 : vector<16xf32>
      %parallel_loop3A_728 = arith.addf %parallel_loop3A_726, %parallel_loop3A_727 : vector<16xf32>
      %parallel_loop3A_729 = arith.mulf %parallel_loop3A_601, %parallel_loop3A_163 : vector<16xf32>
      %parallel_loop3A_730 = arith.addf %parallel_loop3A_728, %parallel_loop3A_729 : vector<16xf32>
      %parallel_loop3A_731 = arith.subf %parallel_loop3A_609, %parallel_loop3A_730 : vector<16xf32>
      %parallel_loop3A_732 = arith.mulf %parallel_loop3A_586, %parallel_loop3A_155 : vector<16xf32>
      %parallel_loop3A_733 = arith.mulf %parallel_loop3A_594, %parallel_loop3A_159 : vector<16xf32>
      %parallel_loop3A_734 = arith.addf %parallel_loop3A_732, %parallel_loop3A_733 : vector<16xf32>
      %parallel_loop3A_735 = arith.mulf %parallel_loop3A_604, %parallel_loop3A_163 : vector<16xf32>
      %parallel_loop3A_736 = arith.addf %parallel_loop3A_734, %parallel_loop3A_735 : vector<16xf32>
      %parallel_loop3A_737 = arith.subf %parallel_loop3A_613, %parallel_loop3A_736 : vector<16xf32>
      %parallel_loop3A_738 = arith.mulf %parallel_loop3A_480, %parallel_loop3A_155 : vector<16xf32>
      %parallel_loop3A_739 = arith.mulf %parallel_loop3A_598, %parallel_loop3A_159 : vector<16xf32>
      %parallel_loop3A_740 = arith.addf %parallel_loop3A_738, %parallel_loop3A_739 : vector<16xf32>
      %parallel_loop3A_741 = arith.mulf %parallel_loop3A_605, %parallel_loop3A_163 : vector<16xf32>
      %parallel_loop3A_742 = arith.addf %parallel_loop3A_740, %parallel_loop3A_741 : vector<16xf32>
      %parallel_loop3A_743 = arith.subf %parallel_loop3A_617, %parallel_loop3A_742 : vector<16xf32>
      %parallel_loop3A_744 = arith.constant 3 : i32
      %parallel_loop3A_745 = vector.broadcast %parallel_loop3A_744 : i32 to vector<16xi32>
      %parallel_loop3A_746 = arith.muli %parallel_loop3A_745, %parallel_loop3A_305 : vector<16xi32>
      %parallel_loop3A_747 = arith.constant 3 : i32
      %parallel_loop3A_748 = vector.broadcast %parallel_loop3A_747 : i32 to vector<16xi32>
      %parallel_loop3A_749 = arith.addi %parallel_loop3A_748, %parallel_loop3A_746 : vector<16xi32>
      %parallel_loop3A_750 = arith.addi %parallel_loop3A_100, %parallel_loop3A_749 : vector<16xi32>
      tpu.vector_store_idx %arg7[%parallel_loop3A_750], %parallel_loop3A_731 : memref<3456xf32, #tpu.memory_space<vmem>>[vector<16xi32>], vector<16xf32>,
      %parallel_loop3A_751 = arith.constant 1 : i32
      %parallel_loop3A_752 = vector.broadcast %parallel_loop3A_751 : i32 to vector<16xi32>
      %parallel_loop3A_753 = arith.addi %parallel_loop3A_749, %parallel_loop3A_752 : vector<16xi32>
      %parallel_loop3A_754 = arith.addi %parallel_loop3A_100, %parallel_loop3A_753 : vector<16xi32>
      tpu.vector_store_idx %arg7[%parallel_loop3A_754], %parallel_loop3A_737 : memref<3456xf32, #tpu.memory_space<vmem>>[vector<16xi32>], vector<16xf32>,
      %parallel_loop3A_755 = arith.constant 2 : i32
      %parallel_loop3A_756 = vector.broadcast %parallel_loop3A_755 : i32 to vector<16xi32>
      %parallel_loop3A_757 = arith.addi %parallel_loop3A_749, %parallel_loop3A_756 : vector<16xi32>
      %parallel_loop3A_758 = arith.addi %parallel_loop3A_100, %parallel_loop3A_757 : vector<16xi32>
      tpu.vector_store_idx %arg7[%parallel_loop3A_758], %parallel_loop3A_743 : memref<3456xf32, #tpu.memory_space<vmem>>[vector<16xi32>], vector<16xf32>,
      %parallel_loop3A_759 = arith.mulf %parallel_loop3A_582, %parallel_loop3A_172 : vector<16xf32>
      %parallel_loop3A_760 = arith.mulf %parallel_loop3A_591, %parallel_loop3A_176 : vector<16xf32>
      %parallel_loop3A_761 = arith.addf %parallel_loop3A_759, %parallel_loop3A_760 : vector<16xf32>
      %parallel_loop3A_762 = arith.mulf %parallel_loop3A_601, %parallel_loop3A_180 : vector<16xf32>
      %parallel_loop3A_763 = arith.addf %parallel_loop3A_761, %parallel_loop3A_762 : vector<16xf32>
      %parallel_loop3A_764 = arith.subf %parallel_loop3A_609, %parallel_loop3A_763 : vector<16xf32>
      %parallel_loop3A_765 = arith.mulf %parallel_loop3A_586, %parallel_loop3A_172 : vector<16xf32>
      %parallel_loop3A_766 = arith.mulf %parallel_loop3A_594, %parallel_loop3A_176 : vector<16xf32>
      %parallel_loop3A_767 = arith.addf %parallel_loop3A_765, %parallel_loop3A_766 : vector<16xf32>
      %parallel_loop3A_768 = arith.mulf %parallel_loop3A_604, %parallel_loop3A_180 : vector<16xf32>
      %parallel_loop3A_769 = arith.addf %parallel_loop3A_767, %parallel_loop3A_768 : vector<16xf32>
      %parallel_loop3A_770 = arith.subf %parallel_loop3A_613, %parallel_loop3A_769 : vector<16xf32>
      %parallel_loop3A_771 = arith.mulf %parallel_loop3A_480, %parallel_loop3A_172 : vector<16xf32>
      %parallel_loop3A_772 = arith.mulf %parallel_loop3A_598, %parallel_loop3A_176 : vector<16xf32>
      %parallel_loop3A_773 = arith.addf %parallel_loop3A_771, %parallel_loop3A_772 : vector<16xf32>
      %parallel_loop3A_774 = arith.mulf %parallel_loop3A_605, %parallel_loop3A_180 : vector<16xf32>
      %parallel_loop3A_775 = arith.addf %parallel_loop3A_773, %parallel_loop3A_774 : vector<16xf32>
      %parallel_loop3A_776 = arith.subf %parallel_loop3A_617, %parallel_loop3A_775 : vector<16xf32>
      %parallel_loop3A_777 = arith.constant 3 : i32
      %parallel_loop3A_778 = vector.broadcast %parallel_loop3A_777 : i32 to vector<16xi32>
      %parallel_loop3A_779 = arith.muli %parallel_loop3A_778, %parallel_loop3A_313 : vector<16xi32>
      %parallel_loop3A_780 = arith.constant 3 : i32
      %parallel_loop3A_781 = vector.broadcast %parallel_loop3A_780 : i32 to vector<16xi32>
      %parallel_loop3A_782 = arith.addi %parallel_loop3A_781, %parallel_loop3A_779 : vector<16xi32>
      %parallel_loop3A_783 = arith.addi %parallel_loop3A_100, %parallel_loop3A_782 : vector<16xi32>
      tpu.vector_store_idx %arg7[%parallel_loop3A_783], %parallel_loop3A_764 : memref<3456xf32, #tpu.memory_space<vmem>>[vector<16xi32>], vector<16xf32>,
      %parallel_loop3A_784 = arith.constant 1 : i32
      %parallel_loop3A_785 = vector.broadcast %parallel_loop3A_784 : i32 to vector<16xi32>
      %parallel_loop3A_786 = arith.addi %parallel_loop3A_782, %parallel_loop3A_785 : vector<16xi32>
      %parallel_loop3A_787 = arith.addi %parallel_loop3A_100, %parallel_loop3A_786 : vector<16xi32>
      tpu.vector_store_idx %arg7[%parallel_loop3A_787], %parallel_loop3A_770 : memref<3456xf32, #tpu.memory_space<vmem>>[vector<16xi32>], vector<16xf32>,
      %parallel_loop3A_788 = arith.constant 2 : i32
      %parallel_loop3A_789 = vector.broadcast %parallel_loop3A_788 : i32 to vector<16xi32>
      %parallel_loop3A_790 = arith.addi %parallel_loop3A_782, %parallel_loop3A_789 : vector<16xi32>
      %parallel_loop3A_791 = arith.addi %parallel_loop3A_100, %parallel_loop3A_790 : vector<16xi32>
      tpu.vector_store_idx %arg7[%parallel_loop3A_791], %parallel_loop3A_776 : memref<3456xf32, #tpu.memory_space<vmem>>[vector<16xi32>], vector<16xf32>,
      %parallel_loop3A_792 = arith.mulf %parallel_loop3A_582, %parallel_loop3A_189 : vector<16xf32>
      %parallel_loop3A_793 = arith.mulf %parallel_loop3A_591, %parallel_loop3A_193 : vector<16xf32>
      %parallel_loop3A_794 = arith.addf %parallel_loop3A_792, %parallel_loop3A_793 : vector<16xf32>
      %parallel_loop3A_795 = arith.mulf %parallel_loop3A_601, %parallel_loop3A_197 : vector<16xf32>
      %parallel_loop3A_796 = arith.addf %parallel_loop3A_794, %parallel_loop3A_795 : vector<16xf32>
      %parallel_loop3A_797 = arith.subf %parallel_loop3A_609, %parallel_loop3A_796 : vector<16xf32>
      %parallel_loop3A_798 = arith.mulf %parallel_loop3A_586, %parallel_loop3A_189 : vector<16xf32>
      %parallel_loop3A_799 = arith.mulf %parallel_loop3A_594, %parallel_loop3A_193 : vector<16xf32>
      %parallel_loop3A_800 = arith.addf %parallel_loop3A_798, %parallel_loop3A_799 : vector<16xf32>
      %parallel_loop3A_801 = arith.mulf %parallel_loop3A_604, %parallel_loop3A_197 : vector<16xf32>
      %parallel_loop3A_802 = arith.addf %parallel_loop3A_800, %parallel_loop3A_801 : vector<16xf32>
      %parallel_loop3A_803 = arith.subf %parallel_loop3A_613, %parallel_loop3A_802 : vector<16xf32>
      %parallel_loop3A_804 = arith.mulf %parallel_loop3A_480, %parallel_loop3A_189 : vector<16xf32>
      %parallel_loop3A_805 = arith.mulf %parallel_loop3A_598, %parallel_loop3A_193 : vector<16xf32>
      %parallel_loop3A_806 = arith.addf %parallel_loop3A_804, %parallel_loop3A_805 : vector<16xf32>
      %parallel_loop3A_807 = arith.mulf %parallel_loop3A_605, %parallel_loop3A_197 : vector<16xf32>
      %parallel_loop3A_808 = arith.addf %parallel_loop3A_806, %parallel_loop3A_807 : vector<16xf32>
      %parallel_loop3A_809 = arith.subf %parallel_loop3A_617, %parallel_loop3A_808 : vector<16xf32>
      %parallel_loop3A_810 = arith.constant 3 : i32
      %parallel_loop3A_811 = vector.broadcast %parallel_loop3A_810 : i32 to vector<16xi32>
      %parallel_loop3A_812 = arith.muli %parallel_loop3A_811, %parallel_loop3A_317 : vector<16xi32>
      %parallel_loop3A_813 = arith.constant 3 : i32
      %parallel_loop3A_814 = vector.broadcast %parallel_loop3A_813 : i32 to vector<16xi32>
      %parallel_loop3A_815 = arith.addi %parallel_loop3A_814, %parallel_loop3A_812 : vector<16xi32>
      %parallel_loop3A_816 = arith.addi %parallel_loop3A_100, %parallel_loop3A_815 : vector<16xi32>
      tpu.vector_store_idx %arg7[%parallel_loop3A_816], %parallel_loop3A_797 : memref<3456xf32, #tpu.memory_space<vmem>>[vector<16xi32>], vector<16xf32>,
      %parallel_loop3A_817 = arith.constant 1 : i32
      %parallel_loop3A_818 = vector.broadcast %parallel_loop3A_817 : i32 to vector<16xi32>
      %parallel_loop3A_819 = arith.addi %parallel_loop3A_815, %parallel_loop3A_818 : vector<16xi32>
      %parallel_loop3A_820 = arith.addi %parallel_loop3A_100, %parallel_loop3A_819 : vector<16xi32>
      tpu.vector_store_idx %arg7[%parallel_loop3A_820], %parallel_loop3A_803 : memref<3456xf32, #tpu.memory_space<vmem>>[vector<16xi32>], vector<16xf32>,
      %parallel_loop3A_821 = arith.constant 2 : i32
      %parallel_loop3A_822 = vector.broadcast %parallel_loop3A_821 : i32 to vector<16xi32>
      %parallel_loop3A_823 = arith.addi %parallel_loop3A_815, %parallel_loop3A_822 : vector<16xi32>
      %parallel_loop3A_824 = arith.addi %parallel_loop3A_100, %parallel_loop3A_823 : vector<16xi32>
      tpu.vector_store_idx %arg7[%parallel_loop3A_824], %parallel_loop3A_809 : memref<3456xf32, #tpu.memory_space<vmem>>[vector<16xi32>], vector<16xf32>,
      %parallel_loop3A_825 = arith.mulf %parallel_loop3A_582, %parallel_loop3A_206 : vector<16xf32>
      %parallel_loop3A_826 = arith.mulf %parallel_loop3A_591, %parallel_loop3A_210 : vector<16xf32>
      %parallel_loop3A_827 = arith.addf %parallel_loop3A_825, %parallel_loop3A_826 : vector<16xf32>
      %parallel_loop3A_828 = arith.mulf %parallel_loop3A_601, %parallel_loop3A_214 : vector<16xf32>
      %parallel_loop3A_829 = arith.addf %parallel_loop3A_827, %parallel_loop3A_828 : vector<16xf32>
      %parallel_loop3A_830 = arith.subf %parallel_loop3A_609, %parallel_loop3A_829 : vector<16xf32>
      %parallel_loop3A_831 = arith.mulf %parallel_loop3A_586, %parallel_loop3A_206 : vector<16xf32>
      %parallel_loop3A_832 = arith.mulf %parallel_loop3A_594, %parallel_loop3A_210 : vector<16xf32>
      %parallel_loop3A_833 = arith.addf %parallel_loop3A_831, %parallel_loop3A_832 : vector<16xf32>
      %parallel_loop3A_834 = arith.mulf %parallel_loop3A_604, %parallel_loop3A_214 : vector<16xf32>
      %parallel_loop3A_835 = arith.addf %parallel_loop3A_833, %parallel_loop3A_834 : vector<16xf32>
      %parallel_loop3A_836 = arith.subf %parallel_loop3A_613, %parallel_loop3A_835 : vector<16xf32>
      %parallel_loop3A_837 = arith.mulf %parallel_loop3A_480, %parallel_loop3A_206 : vector<16xf32>
      %parallel_loop3A_838 = arith.mulf %parallel_loop3A_598, %parallel_loop3A_210 : vector<16xf32>
      %parallel_loop3A_839 = arith.addf %parallel_loop3A_837, %parallel_loop3A_838 : vector<16xf32>
      %parallel_loop3A_840 = arith.mulf %parallel_loop3A_605, %parallel_loop3A_214 : vector<16xf32>
      %parallel_loop3A_841 = arith.addf %parallel_loop3A_839, %parallel_loop3A_840 : vector<16xf32>
      %parallel_loop3A_842 = arith.subf %parallel_loop3A_617, %parallel_loop3A_841 : vector<16xf32>
      %parallel_loop3A_843 = arith.constant 3 : i32
      %parallel_loop3A_844 = vector.broadcast %parallel_loop3A_843 : i32 to vector<16xi32>
      %parallel_loop3A_845 = arith.muli %parallel_loop3A_844, %parallel_loop3A_316 : vector<16xi32>
      %parallel_loop3A_846 = arith.constant 3 : i32
      %parallel_loop3A_847 = vector.broadcast %parallel_loop3A_846 : i32 to vector<16xi32>
      %parallel_loop3A_848 = arith.addi %parallel_loop3A_847, %parallel_loop3A_845 : vector<16xi32>
      %parallel_loop3A_849 = arith.addi %parallel_loop3A_100, %parallel_loop3A_848 : vector<16xi32>
      tpu.vector_store_idx %arg7[%parallel_loop3A_849], %parallel_loop3A_830 : memref<3456xf32, #tpu.memory_space<vmem>>[vector<16xi32>], vector<16xf32>,
      %parallel_loop3A_850 = arith.constant 1 : i32
      %parallel_loop3A_851 = vector.broadcast %parallel_loop3A_850 : i32 to vector<16xi32>
      %parallel_loop3A_852 = arith.addi %parallel_loop3A_848, %parallel_loop3A_851 : vector<16xi32>
      %parallel_loop3A_853 = arith.addi %parallel_loop3A_100, %parallel_loop3A_852 : vector<16xi32>
      tpu.vector_store_idx %arg7[%parallel_loop3A_853], %parallel_loop3A_836 : memref<3456xf32, #tpu.memory_space<vmem>>[vector<16xi32>], vector<16xf32>,
      %parallel_loop3A_854 = arith.constant 2 : i32
      %parallel_loop3A_855 = vector.broadcast %parallel_loop3A_854 : i32 to vector<16xi32>
      %parallel_loop3A_856 = arith.addi %parallel_loop3A_848, %parallel_loop3A_855 : vector<16xi32>
      %parallel_loop3A_857 = arith.addi %parallel_loop3A_100, %parallel_loop3A_856 : vector<16xi32>
      tpu.vector_store_idx %arg7[%parallel_loop3A_857], %parallel_loop3A_842 : memref<3456xf32, #tpu.memory_space<vmem>>[vector<16xi32>], vector<16xf32>,
      %parallel_loop3A_858 = arith.constant 62 : i32
      %parallel_loop3A_859 = vector.broadcast %parallel_loop3A_858 : i32 to vector<16xi32>
      %parallel_loop3A_860 = arith.addi %parallel_loop3A_97, %parallel_loop3A_859 : vector<16xi32>
      %parallel_loop3A_861 = tpu.vector_load_idx %arg5[%parallel_loop3A_860] : memref<8832xf32, #tpu.memory_space<vmem>>[vector<16xi32>], vector<16xf32>,
      %parallel_loop3A_862 = arith.constant 63 : i32
      %parallel_loop3A_863 = vector.broadcast %parallel_loop3A_862 : i32 to vector<16xi32>
      %parallel_loop3A_864 = arith.addi %parallel_loop3A_97, %parallel_loop3A_863 : vector<16xi32>
      %parallel_loop3A_865 = tpu.vector_load_idx %arg5[%parallel_loop3A_864] : memref<8832xf32, #tpu.memory_space<vmem>>[vector<16xi32>], vector<16xf32>,
      %parallel_loop3A_866 = arith.constant 64 : i32
      %parallel_loop3A_867 = vector.broadcast %parallel_loop3A_866 : i32 to vector<16xi32>
      %parallel_loop3A_868 = arith.addi %parallel_loop3A_97, %parallel_loop3A_867 : vector<16xi32>
      %parallel_loop3A_869 = tpu.vector_load_idx %arg5[%parallel_loop3A_868] : memref<8832xf32, #tpu.memory_space<vmem>>[vector<16xi32>], vector<16xf32>,
      %parallel_loop3A_870 = arith.mulf %parallel_loop3A_582, %parallel_loop3A_861 : vector<16xf32>
      %parallel_loop3A_871 = arith.mulf %parallel_loop3A_591, %parallel_loop3A_865 : vector<16xf32>
      %parallel_loop3A_872 = arith.addf %parallel_loop3A_870, %parallel_loop3A_871 : vector<16xf32>
      %parallel_loop3A_873 = arith.mulf %parallel_loop3A_601, %parallel_loop3A_869 : vector<16xf32>
      %parallel_loop3A_874 = arith.addf %parallel_loop3A_872, %parallel_loop3A_873 : vector<16xf32>
      %parallel_loop3A_875 = arith.subf %parallel_loop3A_609, %parallel_loop3A_874 : vector<16xf32>
      %parallel_loop3A_876 = arith.mulf %parallel_loop3A_586, %parallel_loop3A_861 : vector<16xf32>
      %parallel_loop3A_877 = arith.mulf %parallel_loop3A_594, %parallel_loop3A_865 : vector<16xf32>
      %parallel_loop3A_878 = arith.addf %parallel_loop3A_876, %parallel_loop3A_877 : vector<16xf32>
      %parallel_loop3A_879 = arith.mulf %parallel_loop3A_604, %parallel_loop3A_869 : vector<16xf32>
      %parallel_loop3A_880 = arith.addf %parallel_loop3A_878, %parallel_loop3A_879 : vector<16xf32>
      %parallel_loop3A_881 = arith.subf %parallel_loop3A_613, %parallel_loop3A_880 : vector<16xf32>
      %parallel_loop3A_882 = arith.mulf %parallel_loop3A_480, %parallel_loop3A_861 : vector<16xf32>
      %parallel_loop3A_883 = arith.mulf %parallel_loop3A_598, %parallel_loop3A_865 : vector<16xf32>
      %parallel_loop3A_884 = arith.addf %parallel_loop3A_882, %parallel_loop3A_883 : vector<16xf32>
      %parallel_loop3A_885 = arith.mulf %parallel_loop3A_605, %parallel_loop3A_869 : vector<16xf32>
      %parallel_loop3A_886 = arith.addf %parallel_loop3A_884, %parallel_loop3A_885 : vector<16xf32>
      %parallel_loop3A_887 = arith.subf %parallel_loop3A_617, %parallel_loop3A_886 : vector<16xf32>
      %parallel_loop3A_888 = arith.constant 24 : i32
      %parallel_loop3A_889 = vector.broadcast %parallel_loop3A_888 : i32 to vector<16xi32>
      %parallel_loop3A_890 = arith.addi %parallel_loop3A_100, %parallel_loop3A_889 : vector<16xi32>
      tpu.vector_store_idx %arg7[%parallel_loop3A_890], %parallel_loop3A_875 : memref<3456xf32, #tpu.memory_space<vmem>>[vector<16xi32>], vector<16xf32>,
      %parallel_loop3A_891 = arith.constant 25 : i32
      %parallel_loop3A_892 = vector.broadcast %parallel_loop3A_891 : i32 to vector<16xi32>
      %parallel_loop3A_893 = arith.addi %parallel_loop3A_100, %parallel_loop3A_892 : vector<16xi32>
      tpu.vector_store_idx %arg7[%parallel_loop3A_893], %parallel_loop3A_881 : memref<3456xf32, #tpu.memory_space<vmem>>[vector<16xi32>], vector<16xf32>,
      %parallel_loop3A_894 = arith.constant 26 : i32
      %parallel_loop3A_895 = vector.broadcast %parallel_loop3A_894 : i32 to vector<16xi32>
      %parallel_loop3A_896 = arith.addi %parallel_loop3A_100, %parallel_loop3A_895 : vector<16xi32>
      tpu.vector_store_idx %arg7[%parallel_loop3A_896], %parallel_loop3A_887 : memref<3456xf32, #tpu.memory_space<vmem>>[vector<16xi32>], vector<16xf32>,
    } {sc.loop_unroll_factor = 2 : i64, sc.parallel_access}
    %mul3A_78 = arith.constant 512 : i32
    %mul3A_79 = arith.muli %add3A, %mul3A_78 : i32
    %add3A_80 = arith.constant 384 : i32
    %add3A_81 = arith.addi %mul3A_79, %add3A_80 : i32
    %mul3A_82 = arith.constant 27 : i32
    %mul3A_83 = arith.muli %add3A_81, %mul3A_82 : i32
    %dma_start3A_84 = tpu.memref_slice %arg3[%mul3A_83] : memref<442368xf32, #tpu.memory_space<hbm>> -> memref<3456xf32, #tpu.memory_space<hbm>>
    %dma_start3A_85 = tpu.memref_slice %arg3[%mul3A_83] : memref<442368xf32, #tpu.memory_space<hbm>> -> memref<3456xf32, #tpu.memory_space<hbm>>
    tpu.enqueue_dma source(%arg7 : memref<3456xf32, #tpu.memory_space<vmem>>) target(%dma_start3A_85 : memref<3456xf32, #tpu.memory_space<hbm>>) target_semaphore(%arg11 : memref<!tpu.dma_semaphore, #tpu.memory_space<semaphore_mem>>)
    %dma_wait3A_86 = tpu.memref_slice %arg3[%mul3A_68] : memref<442368xf32, #tpu.memory_space<hbm>> -> memref<3456xf32, #tpu.memory_space<hbm>>
    %dma_wait3A_87 = tpu.memref_slice %arg3[%mul3A_68] : memref<442368xf32, #tpu.memory_space<hbm>> -> memref<3456xf32, #tpu.memory_space<hbm>>
    tpu.wait_dma2 semaphore(%arg10 : memref<!tpu.dma_semaphore, #tpu.memory_space<semaphore_mem>>) src(%arg6 : memref<3456xf32, #tpu.memory_space<vmem>>) dst(%dma_wait3A_87 : memref<3456xf32, #tpu.memory_space<hbm>>)
    %dma_wait3A_88 = tpu.memref_slice %arg3[%mul3A_83] : memref<442368xf32, #tpu.memory_space<hbm>> -> memref<3456xf32, #tpu.memory_space<hbm>>
    %dma_wait3A_89 = tpu.memref_slice %arg3[%mul3A_83] : memref<442368xf32, #tpu.memory_space<hbm>> -> memref<3456xf32, #tpu.memory_space<hbm>>
    tpu.wait_dma2 semaphore(%arg11 : memref<!tpu.dma_semaphore, #tpu.memory_space<semaphore_mem>>) src(%arg7 : memref<3456xf32, #tpu.memory_space<vmem>>) dst(%dma_wait3A_89 : memref<3456xf32, #tpu.memory_space<hbm>>)
    return
  }
}

</mosaic_0001>

<sc_bundles>
// kernel: kernel.3.cloned.1.call-start
scs
__scs_entry_jumppad:
0x0: {  	(pc) =	sbr.rel $0x88, $3  }
0x1: {  	(tag) =	ssettag $0x0;
	lr =	simm.s32 $0x1  }
0x2: {  	[smem:$0x3FA0] =	sst lr;
	_ =	strace $0xD0000000  }
0x3: {  	_ = 	snop  }
0x4: {  	_ = 	snop  }
0x5: {  	_ = 	snop  }
0x6: {  	_ = 	snop  }
0x7: {  	_ = 	snop  }
__scs_overlays_trampoline_lowered:
0x8: {  	[smem:$0x3FAF] =	sst s0  }
0x9: {  	[smem:$0x3FB0] =	sst s1  }
0xa: {  	[smem:$0x3FB1] =	sst s2  }
0xb: {  	[smem:$0x3FB2] =	sst s3  }
0xc: {  	[smem:$0x3FB3] =	sst s4  }
0xd: {  	[smem:$0x3FB4] =	sst s5  }
0xe: {  	[smem:$0x3FB5] =	sst s6  }
0xf: {  	[smem:$0x3FB6] =	sst s7  }
0x10: {  	[smem:$0x3FB7] =	sst s8  }
0x11: {  	[smem:$0x3FB8] =	sst s9;
	s0 =	simm.s32 @!p0 $0x0  }
0x12: {  	s1 =	sld [smem:$0x3F9E];
	s0 =	simm.s32 @p0 $0x1  }
0x13: {  	[smem:$0x3FB9] =	sst s0;
	s0 =	simm.s32 @!p1 $0x0  }
0x14: {  	s2 =	sld [smem:$0x3F9D];
	s0 =	simm.s32 @p1 $0x1  }
0x15: {  	[smem:$0x3FBA] =	sst s0;
	s0 =	simm.s32 @!p2 $0x0  }
0x16: {  	s3 =	sld [smem:$0x3FDB];
	s0 =	simm.s32 @p2 $0x1  }
0x17: {  	s4 =	simm.s32 $0x1BF5;
	[smem:$0x3FBC] =	sst s0  }
0x18: {  	s0 =	sld [smem:$0x3F9F];
	_ =	swait.ge [sflag:s4], $0x0  }
0x19: {  	s7 =	sld [smem:$0x3FA0]  }
0x1a: {  	s8 =	sadd.s32 $0xFFFFE003, lr  }
0x1b: {  	s9 =	sadd.s32 $0xFFFFFEF7, lr;
	s5 =	simm.s32 $0xFFFFFFFF;
	p2 =	slt.u32 s8, $0xFFFFF086  }
0x1c: {  	p1 =	slt.u32 s9, $0xF7A;
	s5 =	simm.s32 @!p2 $0x0  }
0x1d: {  	s5 =	simm.s32 @p1 $0x1;
	p0 =	seq.s32 s7, s2  }
0x1e: {  	s7 =	smul.u32 @!p0 $0xF7A, s2;
	p2 =	seq.s32 @!p0 s5, $0x0  }
0x1f: {  	s9 =	smul.u32 $0xF7A, s1;
	s8 =	simm.s32 @!p0 $0x1BF5;
	p2 =	por !p2, p0  }
0x20: {  	[sflag:s8] =	ssyncset.s32 @!p0 $0xFFFFF086;
	s6 =	sadd.s32 @!p0 s3, s7;
	s7 =	simm.s32 @!p0 $0x108  }
0x21: {  	s3 =	sadd.s32 s3, s9;
	s6 =	sadd.s32 @!p0 $0x88, s6;
	s7 =	simm.s32 @p2 $0x1082  }
0x22: {  	[simem:s7], [sflag:s8] =	dma.local @!p0 [hbm:s6], $0xF7A  }
0x23: {  	s9 =	sor.u32 $0xD0000000, s2;
	s6 =	simm.s32 $0x108;
	_ =	swait.ge @!p0 [sflag:s8], $0x0  }
0x24: {  	s3 =	sadd.s32 $0x88, s3;
	s6 =	simm.s32 @!p1 $0x1082;
	[sflag:s4] =	ssyncset.s32 $0xFFFFF086  }
0x25: {  	[simem:s6], [sflag:s4] =	dma.local [hbm:s3], $0xF7A  }
0x26: {  	[smem:$0x3FA0] =	sst s1;
	(tag) =	ssettag s2;
	_ =	strace s9  }
0x27: {  	s1 =	sld [smem:$0x3FB0]  }
0x28: {  	s2 =	sld [smem:$0x3FB1]  }
0x29: {  	s4 =	sld [smem:$0x3FB3]  }
0x2a: {  	p0 =	seq.s32 s5, $0x0;
	s5 =	sld [smem:$0x3FB4]  }
0x2b: {  	s6 =	sld [smem:$0x3FB5]  }
0x2c: {  	s7 =	sld [smem:$0x3FB6]  }
0x2d: {  	s3 =	simm.s32 $0x108;
	s8 =	sld [smem:$0x3FB7]  }
0x2e: {  	s3 =	simm.s32 @!p0 $0x1082;
	s9 =	sld [smem:$0x3FB8]  }
0x2f: {  	lr =	sadd.s32 s0, s3;
	s0 =	sld [smem:$0x3FAF]  }
0x30: {  	s3 =	sld [smem:$0x3FB2]  }
0x31: {  	[smem:$0x3FBB] =	sst s10  }
0x32: {  	s10 =	sld [smem:$0x3FB9];
	_ =	sdelay $0x3  }
0x33: {  	p0 =	seq.s32 s10, $0x1;
	s10 =	sld [smem:$0x3FBB];
	_ =	sdelay $0x3  }
0x34: {  	[smem:$0x3FBB] =	sst s10  }
0x35: {  	s10 =	sld [smem:$0x3FBA];
	_ =	sdelay $0x3  }
0x36: {  	p1 =	seq.s32 s10, $0x1;
	s10 =	sld [smem:$0x3FBB];
	_ =	sdelay $0x3  }
0x37: {  	[smem:$0x3FBB] =	sst s10  }
0x38: {  	s10 =	sld [smem:$0x3FBC]  }
0x39: {  	_ = 	snop;
	(pc) =	sbr.ind lr, $3  }
0x3a: {  	_ = 	snop  }
0x3b: {  	_ = 	snop  }
0x3c: {  	p2 =	seq.s32 s10, $0x1;
	s10 =	sld [smem:$0x3FBB]  }
0x3d: {  	_ =	shalt  }
0x3e: {  	_ =	shalt  }
0x3f: {  	_ =	shalt  }
0x40: {  	_ =	shalt  }
0x41: {  	_ =	shalt  }
0x42: {  	_ =	shalt  }
0x43: {  	_ =	shalt  }
0x44: {  	_ =	shalt  }
0x45: {  	_ =	shalt  }
0x46: {  	_ =	shalt  }
0x47: {  	_ =	shalt  }
0x48: {  	_ =	shalt  }
0x49: {  	_ =	shalt  }
0x4a: {  	_ =	shalt  }
0x4b: {  	_ =	shalt  }
0x4c: {  	_ =	shalt  }
0x4d: {  	_ =	shalt  }
0x4e: {  	_ =	shalt  }
0x4f: {  	_ =	shalt  }
0x50: {  	_ =	shalt  }
0x51: {  	_ =	shalt  }
0x52: {  	_ =	shalt  }
0x53: {  	_ =	shalt  }
0x54: {  	_ =	shalt  }
0x55: {  	_ =	shalt  }
0x56: {  	_ =	shalt  }
0x57: {  	_ =	shalt  }
0x58: {  	_ =	shalt  }
0x59: {  	_ =	shalt  }
0x5a: {  	_ =	shalt  }
0x5b: {  	_ =	shalt  }
0x5c: {  	_ =	shalt  }
0x5d: {  	_ =	shalt  }
0x5e: {  	_ =	shalt  }
0x5f: {  	_ =	shalt  }
0x60: {  	_ =	shalt  }
0x61: {  	_ =	shalt  }
0x62: {  	_ =	shalt  }
0x63: {  	_ =	shalt  }
0x64: {  	_ =	shalt  }
0x65: {  	_ =	shalt  }
0x66: {  	_ =	shalt  }
0x67: {  	_ =	shalt  }
0x68: {  	_ =	shalt  }
0x69: {  	_ =	shalt  }
0x6a: {  	_ =	shalt  }
0x6b: {  	_ =	shalt  }
0x6c: {  	_ =	shalt  }
0x6d: {  	_ =	shalt  }
0x6e: {  	_ =	shalt  }
0x6f: {  	_ =	shalt  }
0x70: {  	_ =	shalt  }
0x71: {  	_ =	shalt  }
0x72: {  	_ =	shalt  }
0x73: {  	_ =	shalt  }
0x74: {  	_ =	shalt  }
0x75: {  	_ =	shalt  }
0x76: {  	_ =	shalt  }
0x77: {  	_ =	shalt  }
0x78: {  	_ =	shalt  }
0x79: {  	_ =	shalt  }
0x7a: {  	_ =	shalt  }
0x7b: {  	_ =	shalt  }
0x7c: {  	_ =	shalt  }
0x7d: {  	_ =	shalt  }
0x7e: {  	_ =	shalt  }
0x7f: {  	_ =	shalt  }
0x80: {  	_ =	shalt  }
0x81: {  	_ =	shalt  }
0x82: {  	_ =	shalt  }
0x83: {  	_ =	shalt  }
0x84: {  	_ =	shalt  }
0x85: {  	_ =	shalt  }
0x86: {  	_ =	shalt  }
0x87: {  	_ =	shalt  }
.Lfunc_end0:
.L_simem_size_0:
called_computation_lowered:
.L_overlay_start_0:
0x88: {  	s2 =	sld [smem:$0x3FD9]  }
0x89: {  	s3 =	sld [smem:$0x3FFE];
	_ =	sdelay $0x1  }
0x8a: {  	s1 =	srdreg.scid  }
0x8b: {  	s0 =	sand.u32 $0x1, s1  }
0x8c: {  	s17 =	sshll.u32 s0, $0xA;
	s2 =	sadd.s32 s3, s2  }
0x8d: {  	s2 =	sadd.s32 s2, s17  }
0x8e: {  	[smem:$0x3FC7] =	sst s2  }
0x8f: {  	_ = 	snop  }
0x90: {  	s2 =	sld [smem:$0x3FD0];
	(tm) =	ssettm $0x1  }
0x91: {  	s18 =	sld [smem:$0x3FFB];
	_ =	sdelay $0x3  }
0x92: {  	_ =	strace s18  }
0x93: {  	s3 =	sld [smem:$0x3FFC];
	_ =	sdelay $0x3  }
0x94: {  	_ =	strace s3  }
0x95: {  	s3 =	sld [smem:$0x3FFD];
	_ =	sdelay $0x3  }
0x96: {  	_ =	strace s3  }
0x97: {  	_ =	strace $0x8FFFFFFF  }
0x98: {  	s19 =	sld [smem:$0x3FDB];
	_ =	sdelay $0x1  }
0x99: {  	s4 =	simm.s32 $_scs_section_size  }
0x9a: {  	s5 =	simm.s32 $_size__tile_overlayer_lowered;
	s6 =	simm.s32 $_tile_overlayer_lowered  }
0x9b: {  	s22 =	simm.s32 $0x1BFF;
	s21 =	sshll.u32 s6, $0x1;
	s3 =	sadd.s32 s4, s19  }
0x9c: {  	s7 =	simm.s32 $0x0;
	s20 =	sshll.u32 s5, $0x1;
	s5 =	sadd.s32 s21, s3  }
0x9d: {  	[timem:s7], [sflag:s22] =	dma.local [hbm:s5], s20  }
0x9e: {  	_ =	swait.ge [sflag:s22], s20  }
0x9f: {  	s4 =	ssub.s32 $0x0, s20;
	[sflag:s22] =	ssyncset.done $0x0  }
0xa0: {  	[sflag:s22] =	ssyncadd.s32 s4;
	_ =	sdelay $0x1  }
0xa1: {  	s23 =	simm.s32 $0x1B8B  }
0xa2: {  	_ =	swait.ge [sflag:s23], $0x1  }
0xa3: {  	[sflag:s23] =	ssyncset.done $0x0  }
0xa4: {  	s25 =	simm.s32 $0x1B8E;
	s24 =	sld [smem:$0x3FFE];
	[sflag:s23] =	ssyncadd.s32 $0xFFFFFFFF  }
0xa5: {  	s26 =	simm.s32 $execute0_lowered;
	[smem:$0x3FD2] =	sst s25  }
0xa6: {  	s5 =	sshll.u32 s26, $0x1;
	_ =	strace $0x80000046;
	[dreg:$0x1] =	wrdreg $0xFFFFFFFF  }
0xa7: {  	s28 =	simm.s32 $_size_execute0_lowered;
	s3 =	sadd.s32 s3, s5;
	[dreg:$0x0] =	wrdreg $0x0  }
0xa8: {  	s5 =	sshll.u32 s28, $0x1;
	[dreg:$0x2] =	wrdreg s3  }
0xa9: {  	[dreg:$0x3] =	wrdreg s5  }
0xaa: {  	[dreg:$0x4] =	wrdreg $0xC0  }
0xab: {  	_ =	task [dreg:s7], $0x5FFFF  }
0xac: {  	[dreg:$0x1] =	wrdreg $0xFFFFFFFF  }
0xad: {  	[dreg:$0x0] =	wrdreg $0x60  }
0xae: {  	[dreg:$0x2] =	wrdreg s24  }
0xaf: {  	[dreg:$0x3] =	wrdreg s2  }
0xb0: {  	[dreg:$0x4] =	wrdreg $0x9  }
0xb1: {  	_ =	task.clear_ibuf [dreg:s7], $0x5FFFF;
	_ =	strace $0x90000046  }
0xb2: {  	s29 =	simm.s32 $0x9;
	_ =	strace $0x80000048  }
0xb3: {  	_ =	swait.ge [sflag:s29], $0x1  }
0xb4: {  	[sflag:s29] =	ssyncadd.s32 $0xFFFFFFFF  }
0xb5: {  	_ =	strace $0x90000048  }
0xb6: {  	_ =	sfence  }
0xb7: {  	s30 =	sld [smem:$0x0];
	_ =	sdelay $0x2  }
0xb8: {  	s31 =	sshll.u32 s1, $0xD;
	s1 =	sshrl.u32 s1, $0x2  }
0xb9: {  	s3 =	sand.u32 $0x4000, s31;
	s1 =	sadd.s32 s1, s30  }
0xba: {  	s0 =	sor.u32 s3, s0;
	s1 =	sshll.u32 s1, $0x11  }
0xbb: {  	s0 =	sor.u32 s1, s0  }
0xbc: {  	s0 =	sadd.s32 $0x8F2B, s0  }
0xbd: {  	[sflag:s0] =	ssyncadd.remote.s32 $0x1  }
0xbe: {  	_ =	sfence.sel $0xFFFF  }
0xbf: {  	[dreg:$0x0] =	wrdreg $0xFFFFFFFF;
	(pc) =	sbr.abs _section_cstart, $3  }
0xc0: {  	[dreg:$0x1] =	wrdreg $0xFFFFFFFF  }
0xc1: {  	_ =	task.clear_ibuf [dreg:s7], $0x2FFFF;
	_ =	strace $0x9FFFFFFF  }
0xc2: {  	(tm) =	ssettm $0x7FFFFFFF  }
0xc3: {  	_ =	shalt  }
tec
execute0_lowered:
.L_overlay_start_1:
0x0: {  	(tag) =	ssettag $0x1  }
0x1: {  	s1 =	srdreg.scid;
	s3 =	rddreg [dreg:$0x0]  }
0x2: {  	s0 =	stileid.u32;
	s10 =	rddreg [dreg:$0x1];
	s2 =	simm.s32 $0x0  }
0x3: {  	s15 =	simm.s32 $0x2;
	s4 =	sand.u32 $0x1, s1;
	s22 =	sshll.u32 s0, $0x1  }
0x4: {  	s16 =	simm.s32 $0x5280;
	s17 =	simm.s32 $0x3;
	s5 =	sor.u32 s4, s22  }
0x5: {  	s18 =	simm.s32 $0x4;
	s6 =	sshll.u32 s5, $0x9;
	s7 =	smul.u32 $0x1140, s5  }
0x6: {  	s19 =	simm.s32 $0x0;
	s5 =	smul.u32 $0x6C0, s5;
	s8 =	sor.u32 $0x80, s6  }
0x7: {  	s1 =	rddreg [dreg:$0x2];
	s11 =	sor.u32 $0x100, s6;
	s9 =	smul.u32 $0x45, s8  }
0x8: {  	[smem:$0x7FF] =	sst s2;
	s12 =	sadd.s32 $0x400, s3;
	s13 =	smul.u32 $0x45, s11  }
0x9: {  	s23 =	ssub.s32 $0x2, s4;
	s6 =	sor.u32 $0x180, s6;
	s8 =	smul.u32 $0x1B, s8  }
0xa: {  	_ =	strace $0x80000047;
	s4 =	sshrl.u32 s23, $0x1;
	s25 =	smul.u32 $0x45, s6  }
0xb: {  	s14 =	ssub.s32 s23, s4;
	s3 =	sadd.s32 s12, s7;
	s11 =	smul.u32 $0x1B, s11  }
0xc: {  	s28 =	smul.u32 $0x1B, s6;
	s5 =	sadd.s32 s10, s5;
	s24 =	sshrl.u32 s9, $0x3  }
0xd: {  	s26 =	sshrl.u32 s13, $0x3;
	s8 =	sshrl.u32 s8, $0x3;
	s29 =	sshrl.u32 s25, $0x3  }
0xe: {  	s30 =	sshrl.u32 s11, $0x3;
	s31 =	sshrl.u32 s28, $0x3;
	s11 =	smax.u32 s14, $0x1  }
0xf: {  	s13 =	simm.s32 $0x1;
	s14 =	simm.s32 $0x4500;
	s4 =	sadd.s32 s12, s24  }
0x10: {  	v51 =	vlaneseq.u32;
	v50 =	vimm.s32 $0x5;
	v57 =	vimm.s32 $0x6;
	s6 =	sadd.s32 s12, s26;
	s7 =	sadd.s32 s10, s8;
	s8 =	sadd.s32 s12, s29  }
0x11: {  	v36 =	vimm.s32 $0x0;
	v63 =	vimm.s32 $0x3;
	v61 =	vimm.s32 $0x2;
	s9 =	sadd.s32 s10, s30;
	s10 =	sadd.s32 s10, s31;
	s12 =	simm.s32 $0x2280  }
.LBB2_1:
0x12: {  	[tilespmem:s2], [sflag:$0x1] =	stream.linear.gather [hbm4b:s3+s2], $0x2280, $0x38;
	[tilespmem:$0x6000] =	vst v63  }
0x13: {  	_ = 	snop  }
0x14: {  	[tilespmem:s12], [sflag:$0x2] =	stream.linear.gather [hbm4b:s4+s2], $0x2280, $0x38;
	[tilespmem:$0x6000] =	vst v63  }
0x15: {  	_ =	swait.ge [sflag:s13], $0x2280  }
0x16: {  	[sflag:s13] =	ssyncset.done $0x0  }
0x17: {  	s20 =	simm.s32 $0xFFFFFFFE;
	s21 =	simm.s32 $0x10;
	v19 =	vimm.s32 $0x4;
	v47 =	vimm.s32 $0x1;
	[sflag:s13] =	ssyncadd.s32 $0xFFFFDD80  }
.LBB2_2:
0x18: {  	s22 =	sadd.s32 $0xFFFFFFF0, s21  }
0x19: {  	v46 =	vor.u32 s22, v51  }
0x1a: {  	v55 =	vmul.u32 $0x45, v46;
	_ =	sdelay $0x1  }
0x1b: {  	v0 =	vadd.s32 $0xD, v55  }
0x1c: {  	v1 =	vadd.s32 $0xE, v55  }
0x1d: {  	v2 =	vadd.s32 $0xF, v55  }
0x1e: {  	v4 =	vadd.s32 $0x14, v55  }
0x1f: {  	v5 =	vadd.s32 $0x15, v55  }
0x20: {  	v41 =	vadd.s32 $0x16, v55;
	v33 =	vld.idx.msk [tilespmem:v0+s2+$0x0], $0xffff  }
0x21: {  	v42 =	vadd.s32 $0x1B, v55;
	v34 =	vld.idx.msk [tilespmem:v1+s2+$0x0], $0xffff  }
0x22: {  	v43 =	vadd.s32 $0x1C, v55;
	v32 =	vld.idx.msk [tilespmem:v2+s2+$0x0], $0xffff  }
0x23: {  	v44 =	vadd.s32 $0x1D, v55;
	v29 =	vld.idx.msk [tilespmem:v4+s2+$0x0], $0xffff  }
0x24: {  	v45 =	vadd.s32 $0x22, v55;
	v30 =	vld.idx.msk [tilespmem:v5+s2+$0x0], $0xffff  }
0x25: {  	v48 =	vadd.s32 $0x23, v55;
	v31 =	vld.idx.msk [tilespmem:v41+s2+$0x0], $0xffff  }
0x26: {  	v49 =	vadd.s32 $0x24, v55;
	v18 =	vld.idx.msk [tilespmem:v42+s2+$0x0], $0xffff  }
0x27: {  	v7 =	vadd.s32 $0x29, v55;
	v28 =	vld.idx.msk [tilespmem:v43+s2+$0x0], $0xffff  }
0x28: {  	v9 =	vadd.s32 $0x2A, v55;
	v6 =	vld.idx.msk [tilespmem:v44+s2+$0x0], $0xffff  }
0x29: {  	v11 =	vadd.s32 $0x30, v55;
	v4 =	vld.idx.msk [tilespmem:v45+s2+$0x0], $0xffff  }
0x2a: {  	v52 =	vadd.s32 $0x31, v55;
	v5 =	vld.idx.msk [tilespmem:v48+s2+$0x0], $0xffff  }
0x2b: {  	v53 =	vadd.s32 $0x37, v55;
	v2 =	vld.idx.msk [tilespmem:v49+s2+$0x0], $0xffff  }
0x2c: {  	v54 =	vadd.s32 $0x38, v55;
	v27 =	vld.idx.msk [tilespmem:v7+s2+$0x0], $0xffff  }
0x2d: {  	v10 =	vadd.s32 $0x2B, v55;
	v0 =	vld.idx.msk [tilespmem:v9+s2+$0x0], $0xffff;
	v12 =	vmul.f32 v33, v33;
	v13 =	vmul.f32 v34, v34  }
0x2e: {  	v56 =	vadd.s32 $0x32, v55;
	v23 =	vld.idx.msk [tilespmem:v11+s2+$0x0], $0xffff;
	v59 =	vmul.f32 v32, v32;
	v14 =	vmul.f32 v29, v29  }
0x2f: {  	v58 =	vadd.s32 $0x39, v55;
	v24 =	vld.idx.msk [tilespmem:v52+s2+$0x0], $0xffff;
	v60 =	vmul.f32 v30, v30;
	v15 =	vmul.f32 v31, v31  }
0x30: {  	v20 =	vld.idx.msk [tilespmem:v53+s2+$0x0], $0xffff;
	v40 =	vmul.f32 v18, v18;
	v41 =	vmul.f32 v28, v28  }
0x31: {  	v21 =	vld.idx.msk [tilespmem:v54+s2+$0x0], $0xffff;
	v42 =	vmul.f32 v6, v6;
	v43 =	vmul.f32 v4, v4  }
0x32: {  	v26 =	vld.idx.msk [tilespmem:v10+s2+$0x0], $0xffff;
	v45 =	vmul.f32 v5, v5;
	v48 =	vmul.f32 v2, v2  }
0x33: {  	v25 =	vld.idx.msk [tilespmem:v56+s2+$0x0], $0xffff;
	v49 =	vmul.f32 v27, v27;
	v52 =	vmul.f32 v0, v0  }
0x34: {  	v22 =	vld.idx.msk [tilespmem:v58+s2+$0x0], $0xffff;
	v53 =	vmul.f32 v23, v23;
	v16 =	vmul.f32 v24, v24  }
0x35: {  	v54 =	vmul.f32 v20, v20;
	v12 =	vadd.f32 v13, v12;
	v1 =	vadd.f32 v60, v14  }
0x36: {  	v17 =	vmul.f32 v21, v21;
	v44 =	vadd.f32 v41, v40;
	v9 =	vadd.f32 v16, v53  }
0x37: {  	v56 =	vmul.f32 v26, v26;
	v62 =	vadd.f32 v59, v12;
	v11 =	vadd.f32 v15, v1  }
0x38: {  	v16 =	vmul.f32 v25, v25;
	v12 =	vadd.f32 v45, v43;
	v1 =	vadd.f32 v52, v49  }
0x39: {  	v14 =	vadd.f32 v17, v54;
	v17 =	vmul.f32 v22, v22;
	v10 =	vadd.f32 v42, v44  }
0x3a: {  	v8 =	vimm.s32 $0x0;
	v12 =	vadd.f32 v48, v12;
	v13 =	vadd.f32 v56, v1  }
0x3b: {  	v1 =	vadd.f32 v16, v9;
	v9 =	vadd.f32 v17, v14;
	vm0 =	vle.f32 v62, v11  }
0x3c: {  	vm9 =	vle.f32 v62, v10;
	vm13 =	vle.f32 v11, v10;
	v58 =	vsel vm0, $0x6, v50  }
0x3d: {  	v59 =	vsel vm0, $0x5, v57;
	v16 =	vsel vm9, $0xFFFFFFFF, v36;
	v17 =	vsel vm9, $0x5, v19  }
0x3e: {  	v38 =	vsel vm13, $0x1, v8;
	vm10 =	vle.f32 v62, v12;
	v15 =	vadd.s32 v16, v59  }
0x3f: {  	vm1 =	vle.f32 v62, v13;
	vm11 =	vle.f32 v62, v1;
	vm12 =	vle.f32 v62, v9  }
0x40: {  	v62 =	vadd.s32 $0x3, v55;
	vm14 =	vle.f32 v11, v12;
	vm15 =	vle.f32 v11, v13  }
0x41: {  	vm4 =	vle.f32 v11, v1;
	vm5 =	vle.f32 v11, v9;
	vm6 =	vle.f32 v10, v12  }
0x42: {  	vm7 =	vle.f32 v10, v13;
	vm8 =	vle.f32 v10, v1;
	v17 =	vadd.s32 v38, v17  }
0x43: {  	vm9 =	vle.f32 v10, v9;
	v16 =	vsel vm10, $0xFFFFFFFF, v36;
	v35 =	vsel vm10, $0x4, v63  }
0x44: {  	v37 =	vsel vm11, $0x2, v47;
	v63 =	vsel vm13, $0xFFFFFFFF, v8;
	v39 =	vsel vm14, $0xFFFFFFFF, v8  }
0x45: {  	v40 =	vsel vm14, $0x1, v8;
	v41 =	vsel vm15, $0xFFFFFFFF, v8;
	v42 =	vsel vm15, $0x1, v8  }
0x46: {  	v43 =	vsel vm4, $0xFFFFFFFF, v8;
	v44 =	vsel vm4, $0x1, v8;
	v45 =	vsel vm5, $0xFFFFFFFF, v8  }
0x47: {  	v48 =	vsel vm5, $0x1, v8;
	v52 =	vsel vm6, $0xFFFFFFFF, v8;
	v53 =	vsel vm7, $0xFFFFFFFF, v8  }
0x48: {  	v54 =	vsel vm8, $0x1, v8;
	vm10 =	vle.f32 v12, v13;
	vm13 =	vle.f32 v13, v1  }
0x49: {  	vm14 =	vle.f32 v13, v9;
	vm15 =	vle.f32 v1, v9;
	v15 =	vadd.s32 v16, v15  }
0x4a: {  	v16 =	vsel vm1, $0xFFFFFFFF, v36;
	v36 =	vsel vm1, $0x3, v61;
	v61 =	vsel vm12, $0xFFFFFFFF, v8  }
0x4b: {  	v14 =	vadd.s32 v63, v58;
	v3 =	vadd.s32 v44, v37;
	v58 =	vadd.s32 v52, v17;
	v7 =	vld.idx.msk [tilespmem:v62+s2+$0x0], $0xffff  }
0x4c: {  	v17 =	vsel vm9, $0xFFFFFFFF, v8;
	v38 =	vsel vm10, $0x1, v8;
	v15 =	vadd.s32 v16, v15  }
0x4d: {  	v16 =	vsel vm11, $0xFFFFFFFF, v8;
	v44 =	vadd.s32 v39, v14;
	v14 =	vsel vm6, $0x1, v8  }
0x4e: {  	v39 =	vsel vm7, $0x1, v8;
	v10 =	vadd.s32 v53, v58;
	vm11 =	vle.f32 v12, v1  }
0x4f: {  	v60 =	vadd.s32 v16, v15;
	v16 =	vsel vm12, $0x1, v8;
	v11 =	vadd.s32 v41, v44  }
0x50: {  	v15 =	vadd.s32 v54, v3;
	v63 =	vsel vm11, $0xFFFFFFFF, v8;
	v56 =	vmul.f32 $6.366197460e-01, v7  }
0x51: {  	v3 =	vsel vm11, $0x1, v8;
	v49 =	vadd.s32 v61, v60;
	v60 =	vadd.s32 $0x4, v55  }
0x52: {  	vm12 =	vle.f32 v12, v9;
	v44 =	vadd.s32 v40, v35;
	v59 =	vadd.f32 $1.258291200e+07, v56  }
0x53: {  	v16 =	vadd.s32 v48, v16;
	v11 =	vadd.s32 v43, v11;
	v61 =	vsel vm9, $0x1, v8  }
0x54: {  	v48 =	vadd.s32 v45, v11;
	v45 =	vsel vm8, $0xFFFFFFFF, v8;
	v11 =	vadd.f32 $-1.258291200e+07, v59  }
0x55: {  	v62 =	vsel vm10, $0xFFFFFFFF, v8;
	v43 =	vadd.s32 $0x5, v55;
	v10 =	vadd.s32 v45, v10  }
0x56: {  	v15 =	vadd.s32 v3, v15;
	v53 =	vadd.s32 v17, v10;
	v37 =	vld.idx.msk [tilespmem:v60+s2+$0x0], $0xffff;
	v17 =	vmul.f32 $1.570800780e+00, v11  }
0x57: {  	v52 =	vsel vm12, $0x1, v8;
	v12 =	vadd.s32 v14, v44;
	v54 =	vsel vm12, $0xFFFFFFFF, v8  }
0x58: {  	v16 =	vadd.s32 v61, v16;
	v7 =	vsub.f32 v7, v17;
	v17 =	vmul.f32 $4.454454940e-06, v11  }
0x59: {  	v61 =	vsel vm14, $0x1, v8;
	v16 =	vadd.s32 v52, v16;
	v10 =	vadd.s32 v62, v12  }
0x5a: {  	v62 =	vsel vm14, $0xFFFFFFFF, v8;
	v59 =	vsel vm13, $0x1, v8;
	v14 =	vadd.f32 v17, v7  }
0x5b: {  	v10 =	vadd.s32 v63, v10;
	v58 =	vmul.f32 $6.366197460e-01, v37;
	v40 =	vadd.s32 v59, v15;
	v17 =	vld.idx.msk [tilespmem:v43+s2+$0x0], $0xffff  }
0x5c: {  	v15 =	vadd.s32 v61, v16;
	v16 =	vadd.s32 v42, v36;
	v12 =	vmul.f32 v14, v14  }
0x5d: {  	v52 =	vadd.s32 v54, v10;
	v16 =	vadd.s32 v39, v16;
	v10 =	vadd.f32 $1.258291200e+07, v58  }
0x5e: {  	v56 =	vsel vm13, $0xFFFFFFFF, v8;
	v16 =	vadd.s32 v38, v16;
	v60 =	vmul.f32 $2.443315680e-05, v12  }
0x5f: {  	v11 =	vtrunc.f32 v11;
	v10 =	vadd.f32 $-1.258291200e+07, v10;
	v63 =	vmul.f32 $1.951529560e-04, v12  }
0x60: {  	v11 =	vcvt.f32.s32 v11;
	v3 =	vmul.f32 $6.366197460e-01, v17;
	v13 =	vadd.f32 $-1.388731650e-03, v60  }
0x61: {  	v7 =	vadd.s32 v56, v16;
	v41 =	vmul.f32 $1.570800780e+00, v10;
	v36 =	vsub.f32 $8.332161230e-03, v63  }
0x62: {  	v42 =	vmul.f32 $4.454454940e-06, v10;
	v16 =	vadd.f32 $1.258291200e+07, v3;
	v13 =	vmul.f32 v13, v12  }
0x63: {  	v7 =	vadd.s32 v62, v7;
	v37 =	vsub.f32 v37, v41;
	v36 =	vmul.f32 v36, v12  }
0x64: {  	v59 =	vand.u32 $0x1, v11;
	v16 =	vadd.f32 $-1.258291200e+07, v16;
	v13 =	vadd.f32 $4.166664560e-02, v13  }
0x65: {  	v43 =	vmul.f32 v12, v14;
	v37 =	vadd.f32 v42, v37;
	v36 =	vadd.f32 $-1.666665520e-01, v36  }
0x66: {  	v62 =	vand.u32 $0x2, v11;
	v44 =	vmul.f32 $1.570800780e+00, v16;
	v13 =	vmul.f32 v13, v12  }
0x67: {  	v11 =	vadd.s32 $0x1, v11;
	v45 =	vmul.f32 v36, v43;
	v36 =	vmul.f32 v37, v37  }
0x68: {  	v54 =	vsub.f32 v17, v44;
	v17 =	vmul.f32 $4.454454940e-06, v16;
	v13 =	vadd.f32 $-5.000000000e-01, v13  }
0x69: {  	v10 =	vtrunc.f32 v10;
	vm6 =	veq.s32 v59, $0x0;
	v58 =	vmul.f32 $2.443315680e-05, v36  }
0x6a: {  	v10 =	vcvt.f32.s32 v10;
	v12 =	vmul.f32 v13, v12;
	v13 =	vadd.f32 v17, v54  }
0x6b: {  	vm7 =	veq.s32 v62, $0x0;
	v11 =	vand.u32 $0x2, v11;
	v9 =	vadd.f32 $-1.388731650e-03, v58  }
0x6c: {  	v59 =	vand.u32 $0x1, v10;
	v56 =	vadd.f32 v45, v14;
	v38 =	vmul.f32 v13, v13  }
0x6d: {  	v60 =	vmul.f32 $1.951529560e-04, v36;
	v12 =	vadd.f32 $1.000000000e+00, v12;
	v9 =	vmul.f32 v9, v36  }
0x6e: {  	vm8 =	veq.s32 v11, $0x0;
	vm2 =	veq.s32 v59, $0x0;
	v3 =	vmul.f32 $2.443315680e-05, v38  }
0x6f: {  	v61 =	vsub.f32 $8.332161230e-03, v60;
	v35 =	vsel vm6, v56, v12;
	v9 =	vadd.f32 $4.166664560e-02, v9  }
0x70: {  	v45 =	vmul.f32 v36, v37;
	v63 =	vsub.f32 $0.0e+00, v35;
	v44 =	vadd.f32 $-1.388731650e-03, v3  }
0x71: {  	v1 =	vsel vm6, v12, v56;
	v12 =	vmul.f32 v61, v36;
	v54 =	vmul.f32 $1.951529560e-04, v38  }
0x72: {  	v9 =	vmul.f32 v9, v36;
	v14 =	vsel vm7, v35, v63;
	v35 =	vmul.f32 v44, v38  }
0x73: {  	v61 =	vtrunc.f32 v16;
	v12 =	vadd.f32 $-1.666665520e-01, v12;
	v56 =	vsub.f32 $8.332161230e-03, v54  }
0x74: {  	v16 =	vmul.f32 v38, v13;
	v9 =	vadd.f32 $-5.000000000e-01, v9;
	v35 =	vadd.f32 $4.166664560e-02, v35  }
0x75: {  	v62 =	vsub.f32 $0.0e+00, v1;
	v12 =	vmul.f32 v12, v45;
	v60 =	vmul.f32 v56, v38  }
0x76: {  	v3 =	vand.u32 $0x2, v10;
	v9 =	vmul.f32 v9, v36;
	v35 =	vmul.f32 v35, v38  }
0x77: {  	v10 =	vadd.s32 $0x1, v10;
	v58 =	vadd.f32 v12, v37;
	v36 =	vadd.f32 $-1.666665520e-01, v60  }
0x78: {  	v10 =	vand.u32 $0x2, v10;
	v9 =	vadd.f32 $1.000000000e+00, v9;
	v35 =	vadd.f32 $-5.000000000e-01, v35  }
0x79: {  	vm9 =	veq.s32 v3, $0x0;
	vm3 =	veq.s32 v10, $0x0;
	v16 =	vmul.f32 v36, v16  }
0x7a: {  	v12 =	vcvt.f32.s32 v61;
	v11 =	vsel vm2, v9, v58;
	v35 =	vmul.f32 v35, v38  }
0x7b: {  	v63 =	vsel vm2, v58, v9;
	v13 =	vadd.f32 v16, v13;
	v44 =	vsub.f32 $0.0e+00, v11  }
0x7c: {  	v42 =	vand.u32 $0x1, v12;
	v41 =	vsub.f32 $0.0e+00, v63;
	v16 =	vadd.f32 $1.000000000e+00, v35  }
0x7d: {  	v1 =	vsel vm8, v1, v62;
	vm10 =	veq.s32 v42, $0x0;
	v56 =	vsel vm3, v11, v44  }
0x7e: {  	v9 =	vsel vm9, v63, v41;
	v11 =	vsub.f32 $0.0e+00, v56;
	v35 =	vsel vm10, v13, v16  }
0x7f: {  	v13 =	vsel vm10, v16, v13;
	v16 =	vand.u32 $0x2, v12;
	v12 =	vadd.s32 $0x1, v12  }
0x80: {  	v10 =	vmul.f32 v11, v14;
	v43 =	vsub.f32 $0.0e+00, v35;
	v12 =	vand.u32 $0x2, v12  }
0x81: {  	vm11 =	veq.s32 v16, $0x0;
	v16 =	vsub.f32 $0.0e+00, v13;
	vm12 =	veq.s32 v12, $0x0  }
0x82: {  	v12 =	vmul.f32 v56, v1;
	v42 =	vmul.f32 v10, v33;
	v35 =	vsel vm11, v35, v43  }
0x83: {  	v39 =	vmul.f32 v10, v18;
	v45 =	vsel vm12, v13, v16;
	v54 =	vmul.f32 v35, v9  }
0x84: {  	v16 =	vmul.f32 v45, v9;
	v13 =	vmul.f32 v45, v14  }
0x85: {  	v17 =	vsel vm15, $0x1, v8;
	v59 =	vmul.f32 v45, v1;
	v60 =	vmul.f32 v35, v14  }
0x86: {  	v3 =	vadd.s32 v17, v15;
	v62 =	vmul.f32 v12, v33;
	v15 =	vmul.f32 v45, v56  }
0x87: {  	v33 =	vmul.f32 v9, v33;
	v58 =	vmul.f32 v54, v1  }
0x88: {  	v37 =	vmul.f32 v12, v18;
	v17 =	vmul.f32 v54, v14  }
0x89: {  	v18 =	vmul.f32 v9, v18;
	v54 =	vmul.f32 v12, v29;
	v13 =	vadd.f32 v58, v13  }
0x8a: {  	v11 =	vsub.f32 v59, v17;
	v17 =	vmul.f32 v16, v1;
	v1 =	vmul.f32 v35, v1  }
0x8b: {  	v61 =	vsub.f32 $0.0e+00, v35;
	v16 =	vmul.f32 v16, v14;
	v59 =	vmul.f32 v10, v29  }
0x8c: {  	v29 =	vmul.f32 v9, v29;
	v14 =	vsub.f32 v60, v17;
	v63 =	vmul.f32 v13, v34  }
0x8d: {  	v17 =	vadd.f32 v16, v1;
	v43 =	vmul.f32 v11, v34;
	v16 =	vmul.f32 v61, v56  }
0x8e: {  	v56 =	vmul.f32 v13, v30;
	v60 =	vmul.f32 v11, v30  }
0x8f: {  	v38 =	vmul.f32 v13, v28;
	v41 =	vmul.f32 v11, v28  }
0x90: {  	v44 =	vmul.f32 v14, v32;
	v45 =	vmul.f32 v17, v32  }
0x91: {  	v34 =	vmul.f32 v16, v34;
	v32 =	vmul.f32 v15, v32  }
0x92: {  	v35 =	vadd.f32 v63, v62;
	v58 =	vmul.f32 v14, v31;
	v61 =	vmul.f32 v17, v31  }
0x93: {  	v1 =	vadd.f32 v43, v42;
	v62 =	vmul.f32 v16, v30;
	v63 =	vmul.f32 v15, v31  }
0x94: {  	v36 =	vadd.f32 v60, v59;
	v43 =	vmul.f32 v14, v6;
	v28 =	vmul.f32 v16, v28  }
0x95: {  	v42 =	vadd.f32 v38, v37;
	v59 =	vmul.f32 v14, v2;
	v60 =	vmul.f32 v10, v4  }
0x96: {  	v37 =	vmul.f32 v14, v26;
	v35 =	vadd.f32 v35, v44;
	v1 =	vadd.f32 v1, v45  }
0x97: {  	v38 =	vmul.f32 v17, v26;
	v33 =	vadd.f32 v34, v33;
	v31 =	vadd.f32 v36, v61  }
0x98: {  	v44 =	vadd.f32 v41, v39;
	v45 =	vmul.f32 v17, v6;
	v6 =	vmul.f32 v15, v6  }
0x99: {  	v18 =	vadd.f32 v28, v18;
	v61 =	vmul.f32 v11, v5;
	v34 =	vmul.f32 v10, v27  }
0x9a: {  	[tilespmem:$0x1FD90] =	vst v1;
	v1 =	vadd.f32 v56, v54;
	v32 =	vadd.f32 v33, v32;
	v56 =	vmul.f32 v12, v4  }
0x9b: {  	v54 =	vadd.f32 v42, v43;
	v4 =	vmul.f32 v9, v4;
	v33 =	vmul.f32 v12, v27  }
0x9c: {  	[tilespmem:$0x1FD80] =	vst v35;
	v6 =	vadd.f32 v18, v6;
	v18 =	vmul.f32 v13, v0;
	v35 =	vmul.f32 v11, v0  }
0x9d: {  	v1 =	vadd.f32 v1, v58;
	v58 =	vmul.f32 v13, v5;
	v5 =	vmul.f32 v16, v5  }
0x9e: {  	v36 =	vor.u32 s21, v51;
	v51 =	vmul.f32 v11, v24;
	v28 =	vadd.f32 v35, v34  }
0x9f: {  	[tilespmem:$0x1FDE0] =	vst v54;
	v4 =	vadd.f32 v5, v4;
	v5 =	vadd.f32 v18, v33;
	v18 =	vmul.u32 $0x45, v36  }
0xa0: {  	v0 =	vmul.f32 v16, v0;
	v54 =	vmul.f32 v9, v27;
	[tilespmem:$0x1FDB0] =	vst v1;
	v1 =	vadd.f32 v62, v29  }
0xa1: {  	v62 =	vadd.f32 v61, v60;
	v43 =	vadd.f32 v28, v38;
	v41 =	vadd.s32 $0xD, v18  }
0xa2: {  	v0 =	vadd.f32 v0, v54;
	v1 =	vadd.f32 v1, v63;
	v60 =	vadd.s32 $0x14, v18  }
0xa3: {  	v63 =	vmul.f32 v17, v2;
	v2 =	vmul.f32 v15, v2;
	v61 =	vadd.s32 $0x15, v18  }
0xa4: {  	v42 =	vadd.f32 v5, v37;
	v54 =	vadd.s32 $0x1B, v18;
	[tilespmem:$0x1FDD0] =	vst v1;
	v1 =	vadd.f32 v44, v45  }
0xa5: {  	[tilespmem:$0x1FE70] =	vst v43;
	v43 =	vadd.s32 $0x24, v18;
	v39 =	vadd.f32 v4, v2;
	v4 =	vmul.f32 v15, v26  }
0xa6: {  	v44 =	vadd.s32 $0xE, v18;
	v45 =	vmul.f32 v10, v23;
	[tilespmem:$0x1FDF0] =	vst v1;
	v1 =	vadd.f32 v58, v56;
	v41 =	vld.idx.msk [tilespmem:v41+s2+$0x0], $0xffff  }
0xa7: {  	[tilespmem:$0x1FFF0] =	vst v9;
	v56 =	vadd.s32 $0xF, v18;
	v58 =	vmul.f32 v12, v23;
	v23 =	vmul.f32 v9, v23;
	v35 =	vld.idx.msk [tilespmem:v60+s2+$0x0], $0xffff  }
0xa8: {  	[tilespmem:$0x1FDA0] =	vst v32;
	v29 =	vadd.f32 v51, v45;
	v0 =	vadd.f32 v0, v4;
	v51 =	vadd.s32 $0x29, v18;
	v37 =	vld.idx.msk [tilespmem:v61+s2+$0x0], $0xffff  }
0xa9: {  	[tilespmem:$0x1FE00] =	vst v6;
	v45 =	vmul.f32 v13, v21;
	v61 =	vadd.s32 $0x22, v18;
	v32 =	vld.idx.msk [tilespmem:v54+s2+$0x0], $0xffff;
	v1 =	vadd.f32 v1, v59  }
0xaa: {  	[tilespmem:$0x1FE50] =	vst v42;
	v60 =	vmul.f32 v15, v25;
	v28 =	vld.idx.msk [tilespmem:v43+s2+$0x0], $0xffff;
	v43 =	vadd.s32 $0x32, v18;
	v59 =	vmul.f32 v13, v24  }
0xab: {  	v24 =	vmul.f32 v16, v24;
	v42 =	vld.idx.msk [tilespmem:v44+s2+$0x0], $0xffff;
	[tilespmem:$0x1FE10] =	vst v1;
	v1 =	vadd.f32 v62, v63;
	v63 =	vadd.s32 $0x16, v18  }
0xac: {  	[tilespmem:$0x1FE30] =	vst v39;
	v54 =	vmul.f32 v10, v20;
	v6 =	vadd.f32 v59, v58;
	v59 =	vadd.s32 $0x1D, v18;
	v39 =	vld.idx.msk [tilespmem:v56+s2+$0x0], $0xffff  }
0xad: {  	[tilespmem:$0x1FFD0] =	vst v10;
	v62 =	vmul.f32 v14, v25;
	v23 =	vadd.f32 v24, v23;
	v56 =	vadd.s32 $0x1C, v18;
	v27 =	vld.idx.msk [tilespmem:v51+s2+$0x0], $0xffff  }
0xae: {  	[tilespmem:$0x1FFB0] =	vst v12;
	v44 =	vmul.f32 v12, v20;
	v12 =	vadd.s32 $0x38, v18;
	v58 =	vmul.f32 v17, v25;
	v30 =	vld.idx.msk [tilespmem:v61+s2+$0x0], $0xffff  }
0xaf: {  	[tilespmem:$0x1FFC0] =	vst v13;
	v62 =	vadd.f32 v6, v62;
	v38 =	vadd.f32 v23, v60;
	v60 =	vadd.s32 $0x2B, v18;
	v26 =	vld.idx.msk [tilespmem:v43+s2+$0x0], $0xffff  }
0xb0: {  	[tilespmem:$0x1FF10] =	vst v36;
	v20 =	vmul.f32 v9, v20;
	v9 =	vadd.s32 $0x37, v18;
	v34 =	vadd.f32 v29, v58;
	v36 =	vld.idx.msk [tilespmem:v63+s2+$0x0], $0xffff  }
0xb1: {  	v2 =	vadd.f32 v45, v44;
	v61 =	vmul.f32 v17, v22;
	[tilespmem:$0x1FEB0] =	vst v62;
	v62 =	vadd.s32 $0x30, v18;
	v33 =	vld.idx.msk [tilespmem:v59+s2+$0x0], $0xffff  }
0xb2: {  	v45 =	vmul.f32 v35, v35;
	[tilespmem:$0x1FEC0] =	vst v34;
	v63 =	vadd.s32 $0x23, v18;
	v59 =	vmul.f32 v14, v22;
	v34 =	vld.idx.msk [tilespmem:v56+s2+$0x0], $0xffff  }
0xb3: {  	[tilespmem:$0x1FFE0] =	vst v11;
	v51 =	vadd.s32 $0x39, v18;
	v56 =	vmul.f32 v11, v21;
	v11 =	vmul.f32 v15, v22;
	v22 =	vld.idx.msk [tilespmem:v12+s2+$0x0], $0xffff  }
0xb4: {  	[tilespmem:$0x1FDC0] =	vst v31;
	v58 =	vadd.s32 $0x2A, v18;
	v13 =	vmul.f32 v42, v42;
	v21 =	vmul.f32 v16, v21;
	v25 =	vld.idx.msk [tilespmem:v60+s2+$0x0], $0xffff  }
0xb5: {  	v44 =	vmul.f32 v39, v39;
	v2 =	vadd.f32 v2, v59;
	v59 =	vld.idx.msk [tilespmem:v9+s2+$0x0], $0xffff;
	v12 =	vmul.f32 v30, v30  }
0xb6: {  	v6 =	vadd.f32 v56, v54;
	v10 =	vadd.f32 v21, v20;
	v20 =	vmul.f32 v41, v41;
	v23 =	vld.idx.msk [tilespmem:v62+s2+$0x0], $0xffff  }
0xb7: {  	[tilespmem:$0x1FE80] =	vst v0;
	v54 =	vmul.f32 v37, v37;
	v62 =	vmul.f32 v26, v26;
	v31 =	vld.idx.msk [tilespmem:v63+s2+$0x0], $0xffff;
	v63 =	vadd.s32 $0x31, v18  }
0xb8: {  	[tilespmem:$0x1FE20] =	vst v1;
	v6 =	vadd.f32 v6, v61;
	v4 =	vadd.f32 v10, v11;
	v56 =	vmul.f32 v36, v36  }
0xb9: {  	v29 =	vld.idx.msk [tilespmem:v58+s2+$0x0], $0xffff;
	v58 =	vadd.f32 v13, v20;
	v10 =	vmul.f32 v32, v32;
	v43 =	vmul.f32 v33, v33  }
0xba: {  	v1 =	vadd.f32 v54, v45;
	v45 =	vld.idx.msk [tilespmem:v51+s2+$0x0], $0xffff;
	v51 =	vmul.f32 v28, v28;
	v20 =	vmul.f32 v34, v34  }
0xbb: {  	[tilespmem:$0x1FEE0] =	vst v2;
	v54 =	vmul.f32 v27, v27;
	v60 =	vmul.f32 v22, v22;
	v0 =	vadd.f32 v44, v58  }
0xbc: {  	[tilespmem:$0x1FF90] =	vst v59;
	v59 =	vmul.f32 v59, v59;
	v61 =	vmul.f32 v25, v25;
	v2 =	vadd.f32 v20, v10  }
0xbd: {  	v10 =	vmul.u32 $0x1B, v46;
	v46 =	vmul.u32 $0x3, v7;
	v58 =	vmul.f32 v23, v23  }
0xbe: {  	[tilespmem:$0x1FF00] =	vst v6;
	v6 =	vadd.f32 v60, v59;
	v59 =	vadd.s32 $0x3, v18;
	v60 =	vmul.u32 $0x3, v53  }
0xbf: {  	v24 =	vld.idx.msk [tilespmem:v63+s2+$0x0], $0xffff;
	v13 =	vmul.f32 v31, v31;
	v63 =	vadd.f32 v56, v1;
	v2 =	vadd.f32 v43, v2  }
0xc0: {  	v56 =	vmul.f32 v29, v29;
	v1 =	vsel vm15, $0xFFFFFFFF, v8;
	v11 =	vmul.f32 v45, v45  }
0xc1: {  	v1 =	vadd.s32 v1, v40;
	v40 =	vadd.s32 $0x5, v10;
	v44 =	vadd.f32 v13, v12  }
0xc2: {  	v5 =	vadd.f32 v56, v54;
	v11 =	vadd.f32 v11, v6;
	vm14 =	vle.f32 v0, v2  }
0xc3: {  	[tilespmem:$0x1FFA0] =	vst v45;
	vm13 =	vle.f32 v0, v63;
	vm6 =	vle.f32 v63, v2;
	v45 =	vsel vm14, $0xFFFFFFFF, v8  }
0xc4: {  	[tilespmem:$0x1FF30] =	vst v4;
	v9 =	vadd.f32 v51, v44;
	v4 =	vadd.f32 v61, v5;
	v44 =	vsel vm13, $0x5, v57  }
0xc5: {  	vm5 =	vle.f32 v0, v11;
	v57 =	vmul.u32 $0x3, v49;
	v49 =	vadd.s32 $0x4, v10  }
0xc6: {  	v61 =	vmul.u32 $0x3, v52;
	v52 =	vadd.s32 v60, v40;
	vm8 =	vle.f32 v63, v11  }
0xc7: {  	vm9 =	vle.f32 v2, v11;
	v20 =	vmul.f32 v24, v24;
	v5 =	vadd.s32 v45, v44  }
0xc8: {  	v7 =	vld.idx.msk [tilespmem:v59+s2+$0x0], $0xffff;
	v59 =	vadd.s32 v46, v49;
	vm3 =	vle.f32 v0, v9;
	vm0 =	vle.f32 v0, v4  }
0xc9: {  	v6 =	vadd.s32 v57, v49;
	v53 =	vadd.s32 v61, v40;
	[tilespmem:$0x1FE90] =	vst v59;
	v59 =	vsel vm13, $0x6, v50  }
0xca: {  	vm1 =	vle.f32 v63, v4;
	v50 =	vsel vm14, $0x5, v19;
	v20 =	vadd.f32 v20, v58  }
0xcb: {  	v51 =	vsel vm3, $0xFFFFFFFF, v8;
	v54 =	vsel vm0, $0xFFFFFFFF, v8;
	v58 =	vmul.u32 $0x3, v48  }
0xcc: {  	v48 =	vadd.s32 v60, v49;
	v5 =	vadd.s32 v51, v5;
	v12 =	vadd.f32 v62, v20  }
0xcd: {  	v5 =	vadd.s32 v54, v5;
	v62 =	vadd.s32 $0x3, v10;
	v20 =	vadd.s32 v57, v40  }
0xce: {  	[tilespmem:$0x1FED0] =	vst v38;
	v38 =	vadd.s32 v58, v49;
	v44 =	vadd.s32 v58, v40;
	v54 =	vsel vm5, $0xFFFFFFFF, v8  }
0xcf: {  	v21 =	vadd.s32 v58, v62;
	v45 =	vadd.s32 v60, v62;
	vm4 =	vle.f32 v0, v12  }
0xd0: {  	v51 =	vadd.s32 v61, v62;
	v0 =	vadd.s32 v46, v40;
	v56 =	vsel vm4, $0xFFFFFFFF, v8  }
0xd1: {  	v43 =	vadd.s32 v56, v5;
	v5 =	vadd.s32 v57, v62;
	v57 =	vmul.u32 $0x3, v1  }
0xd2: {  	v58 =	vadd.s32 v46, v62;
	[tilespmem:$0x1FEA0] =	vst v0;
	v56 =	vadd.s32 v61, v49;
	v1 =	vmul.u32 $0x3, v3  }
0xd3: {  	[tilespmem:$0x1FE40] =	vst v56;
	v56 =	vmul.f32 $6.366197460e-01, v7;
	v0 =	vadd.s32 v54, v43;
	v60 =	vadd.s32 v57, v62  }
0xd4: {  	[tilespmem:$0x1FE60] =	vst v58;
	v13 =	vadd.s32 v57, v49;
	v61 =	vadd.s32 v57, v40;
	v57 =	vadd.s32 $0x4, v18  }
0xd5: {  	vm7 =	vle.f32 v63, v12;
	v54 =	vsel vm1, $0xFFFFFFFF, v8;
	v46 =	vadd.s32 v1, v62;
	[tilespmem:$0x1FF60] =	vst v0  }
0xd6: {  	v49 =	vadd.s32 v1, v49;
	v1 =	vadd.s32 v1, v40;
	[tilespmem:$0x1FEF0] =	vst v60;
	v58 =	vadd.f32 $1.258291200e+07, v56  }
0xd7: {  	v62 =	vsel vm6, $0xFFFFFFFF, v8;
	[tilespmem:$0x1FF20] =	vst v13;
	v60 =	vsel vm4, $0x2, v47;
	v13 =	vsel vm7, $0x1, v8  }
0xd8: {  	[tilespmem:$0x1FF70] =	vst v1;
	v1 =	vadd.s32 v62, v59;
	vm4 =	vle.f32 v63, v9;
	v0 =	vadd.f32 $-1.258291200e+07, v58  }
0xd9: {  	[tilespmem:$0x1FF40] =	vst v46;
	v47 =	vsel vm5, $0x1, v8;
	v63 =	vsel vm8, $0x1, v8;
	v46 =	vsel vm4, $0xFFFFFFFF, v8;
	v3 =	vld.idx.msk [tilespmem:v57+s2+$0x0], $0xffff  }
0xda: {  	v40 =	vadd.s32 v13, v60;
	v1 =	vadd.s32 v46, v1;
	v60 =	vmul.f32 $1.570800780e+00, v0  }
0xdb: {  	v56 =	vsel vm7, $0xFFFFFFFF, v8;
	v58 =	vsel vm8, $0xFFFFFFFF, v8;
	v1 =	vadd.s32 v54, v1  }
0xdc: {  	v1 =	vadd.s32 v56, v1;
	v57 =	vmul.f32 $4.454454940e-06, v0;
	v7 =	vsub.f32 v7, v60  }
0xdd: {  	vm15 =	vle.f32 v2, v12;
	v43 =	vadd.s32 v63, v47;
	v1 =	vadd.s32 v58, v1  }
0xde: {  	v47 =	vadd.s32 $0x5, v18;
	[tilespmem:$0x1FF80] =	vst v1;
	v1 =	vadd.f32 v57, v7;
	v59 =	vmul.f32 $6.366197460e-01, v3  }
0xdf: {  	vm2 =	vle.f32 v2, v4;
	vm7 =	vle.f32 v9, v12;
	v13 =	vsel vm15, $0x1, v8  }
0xe0: {  	v54 =	vsel vm6, $0x1, v8;
	v46 =	vadd.f32 $1.258291200e+07, v59;
	v59 =	vmul.f32 v1, v1  }
0xe1: {  	vm6 =	vle.f32 v2, v9;
	v0 =	vtrunc.f32 v0;
	v60 =	vadd.s32 v54, v50  }
0xe2: {  	v7 =	vadd.s32 v13, v40;
	v40 =	vadd.f32 $-1.258291200e+07, v46;
	v54 =	vmul.f32 $2.443315680e-05, v59  }
0xe3: {  	[tilespmem:$0x1FF50] =	vst v49;
	v0 =	vcvt.f32.s32 v0;
	v49 =	vld.idx.msk [tilespmem:v47+s2+$0x0], $0xffff;
	v47 =	vsel vm2, $0xFFFFFFFF, v8;
	v13 =	vsel vm6, $0xFFFFFFFF, v8  }
0xe4: {  	v60 =	vadd.s32 v13, v60;
	v46 =	vmul.f32 $1.570800780e+00, v40;
	v54 =	vadd.f32 $-1.388731650e-03, v54  }
0xe5: {  	v57 =	vsel vm15, $0xFFFFFFFF, v8;
	v60 =	vadd.s32 v47, v60;
	v58 =	vmul.f32 $1.951529560e-04, v59  }
0xe6: {  	v50 =	vmul.f32 $4.454454940e-06, v40;
	v3 =	vsub.f32 v3, v46;
	v54 =	vmul.f32 v54, v59  }
0xe7: {  	v47 =	vsel vm9, $0x1, v8;
	v13 =	vadd.s32 v57, v60;
	v58 =	vsub.f32 $8.332161230e-03, v58  }
0xe8: {  	v57 =	vmul.f32 $6.366197460e-01, v49;
	v3 =	vadd.f32 v50, v3;
	v54 =	vadd.f32 $4.166664560e-02, v54  }
0xe9: {  	v62 =	vadd.s32 v47, v43;
	v58 =	vmul.f32 v58, v59;
	v46 =	vsel vm9, $0xFFFFFFFF, v8  }
0xea: {  	v60 =	vadd.s32 v46, v13;
	v13 =	vmul.f32 v54, v59;
	v54 =	vmul.f32 v3, v3  }
0xeb: {  	v56 =	vmul.f32 v59, v1;
	v58 =	vadd.f32 $-1.666665520e-01, v58;
	v50 =	vadd.f32 $1.258291200e+07, v57  }
0xec: {  	v40 =	vtrunc.f32 v40;
	v47 =	vadd.f32 $-5.000000000e-01, v13;
	v57 =	vmul.f32 $2.443315680e-05, v54  }
0xed: {  	v46 =	vmul.f32 v58, v56;
	v50 =	vadd.f32 $-1.258291200e+07, v50;
	v56 =	vsel vm7, $0x1, v8  }
0xee: {  	v2 =	vadd.s32 v56, v7;
	v13 =	vmul.f32 v47, v59;
	v43 =	vadd.f32 $-1.388731650e-03, v57  }
0xef: {  	v1 =	vadd.f32 v46, v1;
	v46 =	vmul.f32 $1.570800780e+00, v50;
	v47 =	vand.u32 $0x1, v0  }
0xf0: {  	v7 =	vadd.f32 $1.000000000e+00, v13;
	v13 =	vmul.f32 $1.951529560e-04, v54;
	v43 =	vmul.f32 v43, v54  }
0xf1: {  	v49 =	vsub.f32 v49, v46;
	vm10 =	veq.s32 v47, $0x0;
	v47 =	vmul.f32 $4.454454940e-06, v50  }
0xf2: {  	v57 =	vand.u32 $0x2, v0;
	v46 =	vsub.f32 $8.332161230e-03, v13;
	v56 =	vadd.f32 $4.166664560e-02, v43  }
0xf3: {  	vm11 =	veq.s32 v57, $0x0;
	v63 =	vadd.f32 v47, v49;
	v59 =	vsel vm10, v1, v7  }
0xf4: {  	v1 =	vsel vm10, v7, v1;
	v58 =	vmul.f32 v46, v54;
	v7 =	vmul.f32 v56, v54  }
0xf5: {  	v49 =	vadd.s32 $0x1, v0;
	v13 =	vmul.f32 v54, v3;
	v47 =	vmul.f32 v63, v63  }
0xf6: {  	v49 =	vand.u32 $0x2, v49;
	v43 =	vadd.f32 $-1.666665520e-01, v58;
	v7 =	vadd.f32 $-5.000000000e-01, v7  }
0xf7: {  	v0 =	vsub.f32 $0.0e+00, v59;
	vm12 =	veq.s32 v49, $0x0;
	v46 =	vmul.f32 $2.443315680e-05, v47  }
0xf8: {  	v43 =	vmul.f32 v43, v13;
	v7 =	vmul.f32 v7, v54;
	v54 =	vadd.s32 $0x1, v55  }
0xf9: {  	v49 =	vadd.s32 $0x2, v55;
	v0 =	vsel vm11, v59, v0;
	v46 =	vadd.f32 $-1.388731650e-03, v46  }
0xfa: {  	v59 =	vmul.f32 $1.951529560e-04, v47;
	v3 =	vadd.f32 v43, v3;
	v43 =	vsub.f32 $0.0e+00, v1  }
0xfb: {  	v58 =	vcvt.f32.s32 v40  }
0xfc: {  	v40 =	vmul.f32 v46, v47;
	v43 =	vsel vm12, v1, v43;
	v1 =	vsub.f32 $8.332161230e-03, v59;
	v59 =	vld.idx.msk [tilespmem:v55+s2+$0x0], $0xffff  }
0xfd: {  	v56 =	vadd.s32 $0x1, v10;
	v46 =	vld.idx.msk [tilespmem:v54+s2+$0x0], $0xffff  }
0xfe: {  	v54 =	vadd.f32 $4.166664560e-02, v40;
	v40 =	vld.idx.msk [tilespmem:v49+s2+$0x0], $0xffff;
	v49 =	vadd.s32 $0x2, v10;
	_ =	sdelay $0x2  }
0xff: {  	[tilespmem:v10+s14+$0x0] =	vst.idx.msk $0xffff, v59  }
0x100: {  	[tilespmem:v56+s14+$0x0] =	vst.idx.msk $0xffff, v46  }
0x101: {  	v19 =	vand.u32 $0x2, v58;
	v1 =	vmul.f32 v1, v47;
	[tilespmem:v49+s14+$0x0] =	vst.idx.msk $0xffff, v40;
	v49 =	vld [tilespmem:$0x1FD90]  }
0x102: {  	vm5 =	vle.f32 v9, v4;
	vm14 =	veq.s32 v19, $0x0;
	v19 =	vmul.f32 v54, v47  }
0x103: {  	vm15 =	vle.f32 v9, v11;
	v9 =	vmul.f32 v47, v63;
	v1 =	vadd.f32 $-1.666665520e-01, v1  }
0x104: {  	v50 =	vtrunc.f32 v50;
	v54 =	vld [tilespmem:$0x1FD80];
	v19 =	vadd.f32 $-5.000000000e-01, v19  }
0x105: {  	v57 =	vand.u32 $0x1, v58;
	v7 =	vadd.f32 $1.000000000e+00, v7;
	v1 =	vmul.f32 v1, v9  }
0x106: {  	v9 =	vsub.f32 v46, v49;
	v49 =	vcvt.f32.s32 v50;
	v50 =	vmul.f32 v19, v47;
	v19 =	vld [tilespmem:$0x1FDA0]  }
0x107: {  	vm13 =	veq.s32 v57, $0x0  }
0x108: {  	v57 =	vsel vm13, v3, v7  }
0x109: {  	v13 =	vmov v55;
	v55 =	vsub.f32 $0.0e+00, v57;
	v54 =	vsub.f32 v59, v54  }
0x10a: {  	v7 =	vsel vm13, v7, v3  }
0x10b: {  	v3 =	vsel vm14, v57, v55;
	v55 =	vld [tilespmem:$0x1FDB0];
	[tilespmem:v5+s14+$0x0] =	vst.idx.msk $0xffff, v54;
	v19 =	vsub.f32 v40, v19  }
0x10c: {  	v1 =	vadd.f32 v1, v63;
	v63 =	vimm.s32 $0x3;
	[tilespmem:v6+s14+$0x0] =	vst.idx.msk $0xffff, v9  }
0x10d: {  	v5 =	vadd.f32 $1.000000000e+00, v50;
	v50 =	vld [tilespmem:$0x1FDC0];
	[tilespmem:v20+s14+$0x0] =	vst.idx.msk $0xffff, v19;
	v19 =	vsel vm3, $0x4, v63;
	v20 =	vsel vm4, $0x1, v8  }
0x10e: {  	v19 =	vadd.s32 v20, v19;
	v20 =	vld [tilespmem:$0x1FDD0];
	_ =	sdelay $0x1  }
0x10f: {  	v6 =	vsub.f32 v59, v55;
	_ =	sdelay $0x1  }
0x110: {  	[tilespmem:v21+s14+$0x0] =	vst.idx.msk $0xffff, v6;
	v6 =	vsub.f32 v46, v50  }
0x111: {  	v20 =	vsub.f32 v40, v20  }
0x112: {  	v54 =	vsel vm15, $0x1, v8;
	[tilespmem:v38+s14+$0x0] =	vst.idx.msk $0xffff, v6  }
0x113: {  	v9 =	vadd.s32 v54, v62;
	v62 =	vld [tilespmem:$0x1FDE0];
	[tilespmem:v44+s14+$0x0] =	vst.idx.msk $0xffff, v20;
	v20 =	vsel vm6, $0x1, v8  }
0x114: {  	v19 =	vadd.s32 v20, v19;
	v20 =	vld [tilespmem:$0x1FDF0];
	_ =	sdelay $0x1  }
0x115: {  	v56 =	vand.u32 $0x1, v49  }
0x116: {  	vm9 =	veq.s32 v56, $0x0  }
0x117: {  	v54 =	vsel vm9, v1, v5;
	v1 =	vsel vm9, v5, v1;
	v5 =	vsub.f32 v59, v62  }
0x118: {  	v38 =	vld [tilespmem:$0x1FE00];
	v20 =	vsub.f32 v46, v20  }
0x119: {  	[tilespmem:v45+s14+$0x0] =	vst.idx.msk $0xffff, v5  }
0x11a: {  	[tilespmem:v48+s14+$0x0] =	vst.idx.msk $0xffff, v20;
	v48 =	vld [tilespmem:$0x1FE10];
	_ =	sdelay $0x2  }
0x11b: {  	v5 =	vsub.f32 v40, v38;
	_ =	sdelay $0x1  }
0x11c: {  	[tilespmem:v52+s14+$0x0] =	vst.idx.msk $0xffff, v5;
	v5 =	vsub.f32 v59, v48;
	_ =	sdelay $0x1  }
0x11d: {  	[tilespmem:v51+s14+$0x0] =	vst.idx.msk $0xffff, v5;
	v51 =	vld [tilespmem:$0x1FE40]  }
0x11e: {  	v55 =	vand.u32 $0x2, v49;
	v44 =	vadd.s32 $0x1, v49;
	v49 =	vld [tilespmem:$0x1FE20]  }
0x11f: {  	v50 =	vld [tilespmem:$0x1FE30]  }
0x120: {  	v47 =	vsub.f32 $0.0e+00, v1;
	v45 =	vsel vm5, $0xFFFFFFFF, v8;
	v20 =	vand.u32 $0x2, v44  }
0x121: {  	v19 =	vadd.s32 v45, v19;
	vm11 =	veq.s32 v20, $0x0;
	v20 =	vsel vm7, $0xFFFFFFFF, v8  }
0x122: {  	v19 =	vadd.s32 v20, v19  }
0x123: {  	v62 =	vld [tilespmem:$0x1FE60];
	v21 =	vsel vm11, v1, v47;
	v1 =	vsub.f32 v46, v49;
	v20 =	vadd.s32 $0x1, v58  }
0x124: {  	v52 =	vld [tilespmem:$0x1FE50];
	v20 =	vand.u32 $0x2, v20;
	v5 =	vsub.f32 v40, v50  }
0x125: {  	vm12 =	veq.s32 v20, $0x0;
	v20 =	vld [tilespmem:$0x1FE90];
	[tilespmem:v51+s14+$0x0] =	vst.idx.msk $0xffff, v1  }
0x126: {  	[tilespmem:v53+s14+$0x0] =	vst.idx.msk $0xffff, v5;
	v53 =	vld [tilespmem:$0x1FE70];
	_ =	sdelay $0x2  }
0x127: {  	vm10 =	veq.s32 v55, $0x0;
	v55 =	vsub.f32 $0.0e+00, v7  }
0x128: {  	v1 =	vsub.f32 v59, v52  }
0x129: {  	v56 =	vsub.f32 $0.0e+00, v54;
	v5 =	vsel vm12, v7, v55;
	v7 =	vsub.f32 v46, v53  }
0x12a: {  	[tilespmem:v62+s14+$0x0] =	vst.idx.msk $0xffff, v1  }
0x12b: {  	v6 =	vsel vm10, v54, v56;
	v54 =	vsel vm15, $0xFFFFFFFF, v8;
	[tilespmem:v20+s14+$0x0] =	vst.idx.msk $0xffff, v7;
	v20 =	vld [tilespmem:$0x1FEA0]  }
0x12c: {  	v44 =	vadd.s32 v54, v19;
	v19 =	vld [tilespmem:$0x1FE80];
	_ =	sdelay $0x4  }
0x12d: {  	v19 =	vsub.f32 v40, v19  }
0x12e: {  	v38 =	vmul.f32 v6, v3  }
0x12f: {  	[tilespmem:v20+s14+$0x0] =	vst.idx.msk $0xffff, v19;
	v19 =	vld [tilespmem:$0x1FEF0]  }
0x130: {  	v58 =	vmul.f32 v38, v43;
	v49 =	vld [tilespmem:$0x1FEB0]  }
0x131: {  	v38 =	vmul.f32 v38, v0;
	v55 =	vmul.f32 v21, v43  }
0x132: {  	v56 =	vmul.f32 v21, v0  }
0x133: {  	v52 =	vmul.f32 v21, v3;
	v48 =	vsub.f32 v55, v38;
	v38 =	vsub.f32 $0.0e+00, v5  }
0x134: {  	v45 =	vadd.f32 v58, v56;
	v58 =	vmul.f32 v6, v0  }
0x135: {  	v1 =	vmul.f32 v52, v0;
	v51 =	vmul.f32 v38, v0;
	v0 =	vsub.f32 v59, v49;
	_ =	sdelay $0x1  }
0x136: {  	v54 =	vmul.f32 v52, v43;
	[tilespmem:v19+s14+$0x0] =	vst.idx.msk $0xffff, v0;
	v19 =	vld [tilespmem:$0x1FF10]  }
0x137: {  	v53 =	vld [tilespmem:$0x1FED0]  }
0x138: {  	v52 =	vsub.f32 v58, v54;
	v54 =	vld [tilespmem:$0x1FEE0];
	_ =	sdelay $0x1  }
0x139: {  	v55 =	vld [tilespmem:$0x1FF00]  }
0x13a: {  	vm13 =	vle.f32 v4, v12;
	v62 =	vmul.f32 v6, v43;
	v38 =	vmul.u32 $0x1B, v19;
	v19 =	vld [tilespmem:$0x1FF20]  }
0x13b: {  	vm14 =	vle.f32 v4, v11;
	v50 =	vld [tilespmem:$0x1FEC0];
	v4 =	vsub.f32 v40, v53;
	v53 =	vmul.f32 v5, v43  }
0x13c: {  	v56 =	vsel vm13, $0x1, v8;
	v1 =	vadd.f32 v1, v62;
	v7 =	vsub.f32 v59, v54  }
0x13d: {  	v54 =	vld [tilespmem:$0x1FF30];
	v43 =	vmul.f32 v53, v41;
	v20 =	vadd.s32 v56, v2;
	v56 =	vmul.f32 v45, v42  }
0x13e: {  	v62 =	vmul.f32 v48, v42;
	v58 =	vmul.f32 v51, v41;
	v0 =	vsub.f32 v46, v55;
	v55 =	vld [tilespmem:$0x1FF40]  }
0x13f: {  	v43 =	vadd.f32 v56, v43;
	v56 =	vld [tilespmem:$0x1FF50]  }
0x140: {  	v49 =	vadd.f32 v62, v58;
	v58 =	vld [tilespmem:$0x1FF60];
	v2 =	vsub.f32 v46, v50  }
0x141: {  	v62 =	vld [tilespmem:$0x1FF70]  }
0x142: {  	v6 =	vsub.f32 $0.0e+00, v6;
	[tilespmem:v19+s14+$0x0] =	vst.idx.msk $0xffff, v2;
	v19 =	vadd.s32 $0x1, v18  }
0x143: {  	v2 =	vmul.f32 v21, v5;
	v21 =	vadd.s32 $0x2, v18  }
0x144: {  	vm15 =	vle.f32 v12, v11;
	[tilespmem:v61+s14+$0x0] =	vst.idx.msk $0xffff, v4;
	v4 =	vmul.f32 v6, v5  }
0x145: {  	v41 =	vmul.f32 v3, v41;
	v47 =	vsub.f32 v40, v54;
	v54 =	vmul.u32 $0x3, v58  }
0x146: {  	v50 =	vadd.s32 $0x1, v38;
	v61 =	vimm.s32 $0x2;
	v5 =	vld.idx.msk [tilespmem:v18+s2+$0x0], $0xffff;
	[tilespmem:v55+s14+$0x0] =	vst.idx.msk $0xffff, v7;
	v42 =	vmul.f32 v4, v42  }
0x147: {  	v7 =	vsel vm14, $0x1, v8;
	v55 =	vmul.f32 v1, v39;
	[tilespmem:v56+s14+$0x0] =	vst.idx.msk $0xffff, v0;
	v0 =	vadd.s32 $0x3, v38;
	v6 =	vld.idx.msk [tilespmem:v19+s2+$0x0], $0xffff  }
0x148: {  	v19 =	vadd.s32 $0x2, v38;
	v42 =	vadd.f32 v42, v41;
	v41 =	vld.idx.msk [tilespmem:v21+s2+$0x0], $0xffff;
	v21 =	vmul.f32 v52, v39  }
0x149: {  	[tilespmem:v62+s14+$0x0] =	vst.idx.msk $0xffff, v47;
	v47 =	vmul.f32 v2, v39;
	v56 =	vadd.s32 v54, v0;
	v39 =	vadd.s32 $0x4, v38  }
0x14a: {  	v7 =	vadd.s32 v7, v9;
	v62 =	vadd.f32 v43, v21;
	v21 =	vadd.s32 v54, v39  }
0x14b: {  	v55 =	vadd.f32 v49, v55;
	[tilespmem:v38+s14+$0x0] =	vst.idx.msk $0xffff, v5;
	v47 =	vadd.f32 v42, v47;
	v42 =	vadd.s32 $0x5, v38  }
0x14c: {  	v58 =	vsel vm0, $0x3, v61;
	v9 =	vsub.f32 v5, v62;
	[tilespmem:v50+s14+$0x0] =	vst.idx.msk $0xffff, v6;
	v50 =	vadd.s32 v54, v42  }
0x14d: {  	v43 =	vsub.f32 v6, v55;
	v47 =	vsub.f32 v41, v47;
	[tilespmem:v19+s14+$0x0] =	vst.idx.msk $0xffff, v41;
	v19 =	vsel vm1, $0x1, v8  }
0x14e: {  	v62 =	vsel vm2, $0x1, v8;
	v54 =	vmul.f32 v52, v33;
	[tilespmem:v56+s14+$0x0] =	vst.idx.msk $0xffff, v9;
	v19 =	vadd.s32 v19, v58  }
0x14f: {  	v9 =	vsel vm5, $0x1, v8;
	v58 =	vmul.f32 v51, v35;
	v56 =	vld [tilespmem:$0x1FF80];
	[tilespmem:v21+s14+$0x0] =	vst.idx.msk $0xffff, v43;
	v21 =	vmul.f32 v53, v35  }
0x150: {  	v43 =	vmul.f32 v45, v37;
	v19 =	vadd.s32 v62, v19;
	v62 =	vmul.f32 v48, v37  }
0x151: {  	v35 =	vmul.f32 v3, v35;
	v37 =	vmul.f32 v4, v37;
	v9 =	vadd.s32 v9, v19  }
0x152: {  	v49 =	vsel vm13, $0xFFFFFFFF, v8;
	[tilespmem:v50+s14+$0x0] =	vst.idx.msk $0xffff, v47;
	v19 =	vadd.f32 v43, v21;
	v43 =	vmul.f32 v52, v36  }
0x153: {  	v47 =	vadd.f32 v62, v58;
	v58 =	vmul.f32 v1, v36;
	v9 =	vadd.s32 v49, v9  }
0x154: {  	v35 =	vadd.f32 v37, v35;
	v36 =	vmul.f32 v2, v36;
	v21 =	vmul.u32 $0x3, v56  }
0x155: {  	v19 =	vadd.f32 v19, v43;
	v47 =	vadd.f32 v47, v58;
	v56 =	vmul.f32 v53, v32  }
0x156: {  	v58 =	vmul.f32 v45, v34;
	v43 =	vsel vm14, $0xFFFFFFFF, v8;
	v8 =	vmul.f32 v1, v25  }
0x157: {  	v9 =	vadd.s32 v43, v9;
	v62 =	vadd.s32 v21, v0;
	v49 =	vsub.f32 v5, v19  }
0x158: {  	v19 =	vadd.f32 v35, v36;
	v35 =	vadd.f32 v58, v56;
	v56 =	vmul.u32 $0x3, v60  }
0x159: {  	v37 =	vadd.s32 v21, v39;
	v55 =	vsub.f32 v6, v47;
	v21 =	vadd.s32 v21, v42  }
0x15a: {  	v35 =	vadd.f32 v35, v54;
	v58 =	vadd.s32 v56, v0;
	v60 =	vadd.s32 v56, v39  }
0x15b: {  	v43 =	vadd.s32 v56, v42;
	v54 =	vmul.f32 v45, v31;
	v56 =	vmul.f32 v48, v31  }
0x15c: {  	[tilespmem:v62+s14+$0x0] =	vst.idx.msk $0xffff, v49;
	v62 =	vmul.f32 v51, v32;
	v49 =	vmul.f32 v48, v34  }
0x15d: {  	v19 =	vsub.f32 v41, v19;
	v32 =	vmul.f32 v3, v32;
	v34 =	vmul.f32 v4, v34  }
0x15e: {  	v36 =	vimm.s32 $0x0;
	[tilespmem:v37+s14+$0x0] =	vst.idx.msk $0xffff, v55;
	v55 =	vmul.f32 v1, v33;
	v33 =	vmul.f32 v2, v33  }
0x15f: {  	v37 =	vmul.u32 $0x3, v44;
	v44 =	vmul.f32 v45, v29;
	v11 =	vadd.f32 v49, v62  }
0x160: {  	v32 =	vadd.f32 v34, v32;
	[tilespmem:v21+s14+$0x0] =	vst.idx.msk $0xffff, v19;
	v19 =	vsel vm15, $0x1, v36;
	v49 =	vmul.f32 v53, v30  }
0x161: {  	v62 =	vsub.f32 v5, v35;
	v35 =	vmul.f32 v4, v31;
	v34 =	vmul.f32 v45, v24  }
0x162: {  	v7 =	vadd.s32 v19, v7;
	v21 =	vadd.s32 v37, v42;
	v11 =	vadd.f32 v11, v55  }
0x163: {  	v9 =	vmul.u32 $0x3, v9;
	v19 =	vadd.f32 v32, v33;
	[tilespmem:v58+s14+$0x0] =	vst.idx.msk $0xffff, v62;
	v55 =	vmul.f32 v51, v30  }
0x164: {  	v33 =	vadd.f32 v54, v49;
	v62 =	vmul.f32 v1, v28;
	v49 =	vadd.s32 v37, v0  }
0x165: {  	v54 =	vmul.f32 v52, v25;
	v25 =	vmul.f32 v2, v25;
	v11 =	vsub.f32 v6, v11  }
0x166: {  	v19 =	vsub.f32 v41, v19;
	v12 =	vadd.f32 v56, v55;
	v55 =	vmul.f32 v51, v27  }
0x167: {  	v58 =	vsel vm15, $0xFFFFFFFF, v36;
	v56 =	vmul.f32 v48, v29;
	[tilespmem:v60+s14+$0x0] =	vst.idx.msk $0xffff, v11;
	v60 =	vmul.f32 v52, v28  }
0x168: {  	v11 =	vadd.s32 v58, v20;
	v20 =	vmul.f32 v3, v30;
	v12 =	vadd.f32 v12, v62  }
0x169: {  	v28 =	vmul.f32 v2, v28;
	v58 =	vmul.f32 v4, v29;
	v62 =	vadd.s32 v37, v39  }
0x16a: {  	v31 =	vadd.f32 v56, v55;
	v37 =	vmul.f32 v48, v24;
	v24 =	vmul.f32 v4, v24  }
0x16b: {  	v7 =	vmul.u32 $0x3, v7;
	[tilespmem:v43+s14+$0x0] =	vst.idx.msk $0xffff, v19;
	v43 =	vmul.f32 v53, v27;
	v27 =	vmul.f32 v3, v27  }
0x16c: {  	v19 =	vadd.f32 v33, v60;
	v20 =	vadd.f32 v35, v20;
	v33 =	vmul.f32 v53, v23  }
0x16d: {  	v55 =	vld [tilespmem:$0x1FF90];
	v12 =	vsub.f32 v6, v12;
	v35 =	vmul.f32 v51, v23;
	v23 =	vmul.f32 v3, v23  }
0x16e: {  	v30 =	vadd.f32 v44, v43;
	v27 =	vadd.f32 v58, v27;
	v43 =	vmul.f32 v52, v26  }
0x16f: {  	v44 =	vmul.f32 v1, v26;
	v20 =	vadd.f32 v20, v28;
	v19 =	vsub.f32 v5, v19  }
0x170: {  	v26 =	vmul.f32 v2, v26;
	v28 =	vadd.f32 v31, v8;
	v23 =	vadd.f32 v24, v23  }
0x171: {  	v58 =	vmul.f32 v45, v22;
	v60 =	vadd.f32 v30, v54;
	v25 =	vadd.f32 v27, v25  }
0x172: {  	v27 =	vadd.f32 v34, v33;
	v54 =	vadd.s32 v9, v39;
	v56 =	vmul.f32 v53, v55  }
0x173: {  	v11 =	vmul.u32 $0x3, v11;
	v34 =	vmul.f32 v51, v55;
	[tilespmem:v49+s14+$0x0] =	vst.idx.msk $0xffff, v19;
	v20 =	vsub.f32 v41, v20  }
0x174: {  	v49 =	vadd.s32 v9, v0;
	v23 =	vadd.f32 v23, v26;
	v28 =	vsub.f32 v6, v28  }
0x175: {  	v19 =	vadd.s32 $0x3E, v13;
	[tilespmem:v62+s14+$0x0] =	vst.idx.msk $0xffff, v12;
	v12 =	vadd.f32 v37, v35;
	v27 =	vadd.f32 v27, v43  }
0x176: {  	v9 =	vadd.s32 v9, v42;
	v60 =	vsub.f32 v5, v60;
	v26 =	vadd.f32 v58, v56  }
0x177: {  	v62 =	vld [tilespmem:$0x1FFA0];
	v35 =	vmul.f32 v48, v22;
	v25 =	vsub.f32 v41, v25;
	v43 =	vadd.s32 v11, v0  }
0x178: {  	v22 =	vmul.f32 v4, v22;
	v0 =	vadd.s32 v7, v0;
	v58 =	vadd.s32 v7, v39  }
0x179: {  	v7 =	vadd.s32 v7, v42;
	[tilespmem:v21+s14+$0x0] =	vst.idx.msk $0xffff, v20;
	v20 =	vadd.s32 $0x3F, v13;
	v23 =	vsub.f32 v41, v23  }
0x17a: {  	v12 =	vadd.f32 v12, v44;
	v21 =	vadd.f32 v35, v34;
	v44 =	vadd.s32 v11, v39  }
0x17b: {  	v32 =	vld [tilespmem:$0x1FFE0];
	v37 =	vadd.s32 $0x40, v13;
	v11 =	vadd.s32 v11, v42;
	[tilespmem:v49+s14+$0x0] =	vst.idx.msk $0xffff, v60;
	v49 =	vmul.f32 v3, v55  }
0x17c: {  	v30 =	vld [tilespmem:$0x1FFD0];
	v12 =	vsub.f32 v6, v12;
	v33 =	vmul.f32 v52, v62;
	[tilespmem:v54+s14+$0x0] =	vst.idx.msk $0xffff, v28  }
0x17d: {  	v19 =	vld.idx.msk [tilespmem:v19+s2+$0x0], $0xffff;
	v54 =	vsub.f32 v5, v27;
	v55 =	vmul.f32 v1, v62;
	v56 =	vmul.f32 v2, v62  }
0x17e: {  	v28 =	vld [tilespmem:$0x1FFC0];
	[tilespmem:v9+s14+$0x0] =	vst.idx.msk $0xffff, v25;
	v9 =	vadd.f32 v22, v49;
	v26 =	vadd.f32 v26, v33  }
0x17f: {  	v62 =	vadd.s32 $0x3E, v18;
	v20 =	vld.idx.msk [tilespmem:v20+s2+$0x0], $0xffff;
	[tilespmem:v43+s14+$0x0] =	vst.idx.msk $0xffff, v54;
	v21 =	vadd.f32 v21, v55  }
0x180: {  	v25 =	vld.idx.msk [tilespmem:v37+s2+$0x0], $0xffff;
	[tilespmem:v44+s14+$0x0] =	vst.idx.msk $0xffff, v12;
	v9 =	vadd.f32 v9, v56;
	v60 =	vsub.f32 v5, v26  }
0x181: {  	v24 =	vadd.s32 $0x3F, v18;
	v37 =	vld [tilespmem:$0x1FFF0];
	[tilespmem:v11+s14+$0x0] =	vst.idx.msk $0xffff, v23;
	v13 =	vsub.f32 v6, v21  }
0x182: {  	v27 =	vld [tilespmem:$0x1FFB0];
	v26 =	vadd.s32 $0x40, v18;
	v9 =	vsub.f32 v41, v9;
	[tilespmem:v0+s14+$0x0] =	vst.idx.msk $0xffff, v60  }
0x183: {  	[tilespmem:v58+s14+$0x0] =	vst.idx.msk $0xffff, v13  }
0x184: {  	v31 =	vmul.f32 v19, v30;
	[tilespmem:v7+s14+$0x0] =	vst.idx.msk $0xffff, v9  }
0x185: {  	v29 =	vmul.f32 v20, v28;
	v33 =	vmul.f32 v20, v32;
	v11 =	vld.idx.msk [tilespmem:v62+s2+$0x0], $0xffff  }
0x186: {  	v34 =	vmul.f32 v25, v14;
	v39 =	vmul.f32 v19, v37;
	v18 =	vld.idx.msk [tilespmem:v24+s2+$0x0], $0xffff  }
0x187: {  	v54 =	vadd.s32 $0x18, v10;
	v16 =	vmul.f32 v20, v16;
	v7 =	vmul.f32 v19, v27;
	v0 =	vld.idx.msk [tilespmem:v26+s2+$0x0], $0xffff  }
0x188: {  	v35 =	vmul.f32 v25, v17;
	v44 =	vmul.f32 v25, v15;
	v12 =	vadd.f32 v33, v31  }
0x189: {  	v58 =	vadd.s32 $0x18, v38;
	v43 =	vadd.f32 v16, v39;
	v7 =	vadd.f32 v29, v7  }
0x18a: {  	v16 =	vadd.s32 $0x19, v10;
	v10 =	vadd.s32 $0x1A, v10;
	v42 =	vadd.f32 v35, v12  }
0x18b: {  	v12 =	vadd.f32 v44, v43;
	v7 =	vadd.f32 v34, v7;
	v49 =	vmul.f32 v11, v53  }
0x18c: {  	v9 =	vsub.f32 v46, v42;
	v53 =	vmul.f32 v18, v45;
	v55 =	vmul.f32 v0, v52  }
0x18d: {  	v7 =	vsub.f32 v59, v7;
	v17 =	vmul.f32 v11, v51;
	v19 =	vmul.f32 v18, v48  }
0x18e: {  	v3 =	vmul.f32 v11, v3;
	v4 =	vmul.f32 v18, v4;
	v14 =	vadd.f32 v53, v49  }
0x18f: {  	v1 =	vmul.f32 v0, v1;
	v0 =	vmul.f32 v0, v2;
	v56 =	vadd.f32 v19, v17  }
0x190: {  	s20 =	sadd.s32 $0x2, s20;
	v59 =	vadd.s32 $0x19, v38;
	v3 =	vadd.f32 v4, v3;
	v14 =	vadd.f32 v55, v14  }
0x191: {  	p0 =	slt.u32 s20, $0x6;
	v62 =	vadd.s32 $0x1A, v38;
	v60 =	vsub.f32 v40, v12;
	[tilespmem:v54+s14+$0x0] =	vst.idx.msk $0xffff, v7;
	v1 =	vadd.f32 v1, v56  }
.Ltmp0:
0x192: {  	[tilespmem:v16+s14+$0x0] =	vst.idx.msk $0xffff, v9;
	v0 =	vadd.f32 v0, v3;
	v5 =	vsub.f32 v5, v14;
	(pc) =	sbr.rel @p0 .LBB2_2-.Ltmp0, $4  }
0x193: {  	[tilespmem:v10+s14+$0x0] =	vst.idx.msk $0xffff, v60;
	v1 =	vsub.f32 v6, v1  }
0x194: {  	v0 =	vsub.f32 v41, v0;
	[tilespmem:v58+s14+$0x0] =	vst.idx.msk $0xffff, v5  }
0x195: {  	v57 =	vimm.s32 $0x6;
	v50 =	vimm.s32 $0x5;
	[tilespmem:v59+s14+$0x0] =	vst.idx.msk $0xffff, v1  }
0x196: {  	s21 =	sadd.s32 $0x20, s21;
	v47 =	vimm.s32 $0x1;
	v51 =	vlaneseq.u32;
	v19 =	vimm.s32 $0x4;
	[tilespmem:v62+s14+$0x0] =	vst.idx.msk $0xffff, v0  }
0x197: {  	[hbm4b:s5+s2] =	stream.linear.scatter [tilespmem:s14], [sflag:$0x3], $0xD80, $0x38;
	[tilespmem:$0x6000] =	vst v63  }
0x198: {  	_ = 	snop  }
0x199: {  	[tilespmem:s2], [sflag:$0x1] =	stream.linear.gather [hbm4b:s6+s2], $0x2280, $0x38;
	[tilespmem:$0x6000] =	vst v63  }
0x19a: {  	_ =	swait.ge [sflag:s15], $0x2280  }
0x19b: {  	[sflag:s15] =	ssyncset.done $0x0  }
0x19c: {  	s20 =	simm.s32 $0xFFFFFFFE;
	s21 =	simm.s32 $0x10;
	v17 =	vimm.s32 $0x5;
	[sflag:s15] =	ssyncadd.s32 $0xFFFFDD80  }
.LBB2_4:
0x19d: {  	s22 =	sadd.s32 $0xFFFFFFF0, s21  }
0x19e: {  	v8 =	vor.u32 s22, v51  }
0x19f: {  	v55 =	vmul.u32 $0x45, v8;
	_ =	sdelay $0x1  }
0x1a0: {  	v0 =	vadd.s32 $0xD, v55  }
0x1a1: {  	v1 =	vadd.s32 $0xE, v55  }
0x1a2: {  	v2 =	vadd.s32 $0xF, v55  }
0x1a3: {  	v3 =	vadd.s32 $0x14, v55  }
0x1a4: {  	v4 =	vadd.s32 $0x15, v55  }
0x1a5: {  	v49 =	vadd.s32 $0x16, v55;
	v33 =	vld.idx.msk [tilespmem:v0+s12+$0x0], $0xffff  }
0x1a6: {  	v50 =	vadd.s32 $0x1B, v55;
	v34 =	vld.idx.msk [tilespmem:v1+s12+$0x0], $0xffff  }
0x1a7: {  	v52 =	vadd.s32 $0x1C, v55;
	v32 =	vld.idx.msk [tilespmem:v2+s12+$0x0], $0xffff  }
0x1a8: {  	v53 =	vadd.s32 $0x1D, v55;
	v29 =	vld.idx.msk [tilespmem:v3+s12+$0x0], $0xffff  }
0x1a9: {  	v54 =	vadd.s32 $0x22, v55;
	v30 =	vld.idx.msk [tilespmem:v4+s12+$0x0], $0xffff  }
0x1aa: {  	v56 =	vadd.s32 $0x23, v55;
	v31 =	vld.idx.msk [tilespmem:v49+s12+$0x0], $0xffff  }
0x1ab: {  	v58 =	vadd.s32 $0x24, v55;
	v18 =	vld.idx.msk [tilespmem:v50+s12+$0x0], $0xffff  }
0x1ac: {  	v7 =	vadd.s32 $0x29, v55;
	v28 =	vld.idx.msk [tilespmem:v52+s12+$0x0], $0xffff  }
0x1ad: {  	v59 =	vadd.s32 $0x2A, v55;
	v6 =	vld.idx.msk [tilespmem:v53+s12+$0x0], $0xffff  }
0x1ae: {  	v10 =	vadd.s32 $0x30, v55;
	v4 =	vld.idx.msk [tilespmem:v54+s12+$0x0], $0xffff  }
0x1af: {  	v60 =	vadd.s32 $0x31, v55;
	v5 =	vld.idx.msk [tilespmem:v56+s12+$0x0], $0xffff  }
0x1b0: {  	v62 =	vadd.s32 $0x37, v55;
	v2 =	vld.idx.msk [tilespmem:v58+s12+$0x0], $0xffff  }
0x1b1: {  	v35 =	vadd.s32 $0x38, v55;
	v0 =	vld.idx.msk [tilespmem:v7+s12+$0x0], $0xffff  }
0x1b2: {  	v9 =	vadd.s32 $0x2B, v55;
	v27 =	vld.idx.msk [tilespmem:v59+s12+$0x0], $0xffff;
	v11 =	vmul.f32 v33, v33;
	v12 =	vmul.f32 v34, v34  }
0x1b3: {  	v37 =	vadd.s32 $0x32, v55;
	v23 =	vld.idx.msk [tilespmem:v10+s12+$0x0], $0xffff;
	v39 =	vmul.f32 v32, v32;
	v13 =	vmul.f32 v29, v29  }
0x1b4: {  	v38 =	vadd.s32 $0x39, v55;
	v24 =	vld.idx.msk [tilespmem:v60+s12+$0x0], $0xffff;
	v40 =	vmul.f32 v30, v30;
	v14 =	vmul.f32 v31, v31  }
0x1b5: {  	v20 =	vld.idx.msk [tilespmem:v62+s12+$0x0], $0xffff;
	v42 =	vmul.f32 v18, v18;
	v43 =	vmul.f32 v28, v28  }
0x1b6: {  	v21 =	vld.idx.msk [tilespmem:v35+s12+$0x0], $0xffff;
	v44 =	vmul.f32 v6, v6;
	v45 =	vmul.f32 v4, v4  }
0x1b7: {  	v26 =	vld.idx.msk [tilespmem:v9+s12+$0x0], $0xffff;
	v62 =	vadd.s32 $0x3, v55;
	v48 =	vmul.f32 v5, v5;
	v49 =	vmul.f32 v2, v2  }
0x1b8: {  	v25 =	vld.idx.msk [tilespmem:v37+s12+$0x0], $0xffff;
	v50 =	vmul.f32 v0, v0;
	v52 =	vmul.f32 v27, v27  }
0x1b9: {  	v22 =	vld.idx.msk [tilespmem:v38+s12+$0x0], $0xffff;
	v53 =	vmul.f32 v23, v23;
	v15 =	vmul.f32 v24, v24  }
0x1ba: {  	v54 =	vmul.f32 v20, v20;
	v11 =	vadd.f32 v12, v11;
	v1 =	vadd.f32 v40, v13  }
0x1bb: {  	v16 =	vmul.f32 v21, v21;
	v46 =	vadd.f32 v43, v42;
	v9 =	vadd.f32 v15, v53  }
0x1bc: {  	v56 =	vmul.f32 v26, v26;
	v7 =	vld.idx.msk [tilespmem:v62+s12+$0x0], $0xffff;
	v41 =	vadd.f32 v39, v11;
	v10 =	vadd.f32 v14, v1  }
0x1bd: {  	v15 =	vmul.f32 v25, v25;
	v11 =	vadd.f32 v48, v45;
	v1 =	vadd.f32 v52, v50  }
0x1be: {  	v13 =	vadd.f32 v16, v54;
	v16 =	vmul.f32 v22, v22;
	v3 =	vadd.f32 v44, v46  }
0x1bf: {  	v38 =	vimm.s32 $0x0;
	v11 =	vadd.f32 v49, v11;
	v12 =	vadd.f32 v56, v1  }
0x1c0: {  	v1 =	vadd.f32 v15, v9;
	v9 =	vadd.f32 v16, v13;
	vm0 =	vle.f32 v41, v10  }
0x1c1: {  	vm9 =	vle.f32 v41, v3;
	vm13 =	vle.f32 v10, v3;
	v56 =	vmul.f32 $6.366197460e-01, v7  }
0x1c2: {  	v58 =	vsel vm0, $0x6, v17;
	v59 =	vsel vm0, $0x5, v57;
	v15 =	vsel vm9, $0xFFFFFFFF, v36  }
0x1c3: {  	v16 =	vsel vm9, $0x5, v19;
	v45 =	vsel vm13, $0x1, v38;
	vm10 =	vle.f32 v41, v11  }
0x1c4: {  	v14 =	vadd.s32 v15, v59;
	vm1 =	vle.f32 v41, v12;
	vm11 =	vle.f32 v41, v1  }
0x1c5: {  	vm12 =	vle.f32 v41, v9;
	vm14 =	vle.f32 v10, v11;
	vm15 =	vle.f32 v10, v12  }
0x1c6: {  	vm4 =	vle.f32 v10, v1;
	vm5 =	vle.f32 v10, v9;
	vm6 =	vle.f32 v3, v11  }
0x1c7: {  	vm7 =	vle.f32 v3, v12;
	vm8 =	vle.f32 v3, v1;
	v16 =	vadd.s32 v45, v16  }
0x1c8: {  	vm9 =	vle.f32 v3, v9;
	v15 =	vsel vm10, $0xFFFFFFFF, v36;
	v17 =	vsel vm10, $0x4, v63  }
0x1c9: {  	v19 =	vsel vm1, $0x3, v61;
	v35 =	vsel vm11, $0x2, v47;
	v61 =	vsel vm12, $0xFFFFFFFF, v36  }
0x1ca: {  	v63 =	vsel vm13, $0xFFFFFFFF, v36;
	v37 =	vsel vm14, $0xFFFFFFFF, v38;
	v43 =	vsel vm14, $0x1, v38  }
0x1cb: {  	v39 =	vsel vm15, $0xFFFFFFFF, v38;
	v41 =	vsel vm15, $0x1, v38;
	v40 =	vsel vm4, $0xFFFFFFFF, v38  }
0x1cc: {  	v42 =	vsel vm4, $0x1, v38;
	v48 =	vsel vm5, $0xFFFFFFFF, v38;
	v50 =	vsel vm5, $0x1, v38  }
0x1cd: {  	v52 =	vsel vm6, $0xFFFFFFFF, v38;
	v53 =	vsel vm7, $0xFFFFFFFF, v38;
	v54 =	vsel vm8, $0x1, v38  }
0x1ce: {  	v62 =	vsel vm9, $0x1, v38;
	vm10 =	vle.f32 v11, v12;
	vm13 =	vle.f32 v12, v1  }
0x1cf: {  	vm14 =	vle.f32 v12, v9;
	vm15 =	vle.f32 v1, v9;
	v14 =	vadd.s32 v15, v14  }
0x1d0: {  	v15 =	vsel vm1, $0xFFFFFFFF, v36;
	v13 =	vadd.s32 v63, v58;
	v46 =	vadd.s32 v42, v35  }
0x1d1: {  	v58 =	vsel vm8, $0xFFFFFFFF, v38;
	v59 =	vadd.s32 v52, v16;
	v16 =	vsel vm9, $0xFFFFFFFF, v38  }
0x1d2: {  	v63 =	vsel vm10, $0xFFFFFFFF, v38;
	v45 =	vsel vm10, $0x1, v38;
	v14 =	vadd.s32 v15, v14  }
0x1d3: {  	v15 =	vsel vm11, $0xFFFFFFFF, v36;
	v47 =	vadd.s32 v37, v13;
	v13 =	vsel vm6, $0x1, v38  }
0x1d4: {  	v37 =	vsel vm7, $0x1, v38;
	v3 =	vadd.s32 v53, v59;
	vm11 =	vle.f32 v11, v1  }
0x1d5: {  	v60 =	vadd.s32 v15, v14;
	v15 =	vsel vm12, $0x1, v36;
	v10 =	vadd.s32 v39, v47  }
0x1d6: {  	v14 =	vadd.s32 v54, v46;
	v3 =	vadd.s32 v58, v3;
	v46 =	vsel vm11, $0xFFFFFFFF, v38  }
0x1d7: {  	v49 =	vadd.s32 v61, v60;
	v60 =	vadd.f32 $1.258291200e+07, v56;
	v61 =	vadd.s32 $0x4, v55  }
0x1d8: {  	v47 =	vsel vm11, $0x1, v38;
	vm12 =	vle.f32 v11, v9;
	v10 =	vadd.s32 v40, v10  }
0x1d9: {  	v39 =	vsel vm14, $0x1, v38;
	v48 =	vadd.s32 v48, v10;
	v10 =	vadd.f32 $-1.258291200e+07, v60  }
0x1da: {  	v15 =	vadd.s32 v50, v15;
	v52 =	vadd.s32 v16, v3;
	v50 =	vadd.s32 $0x5, v55  }
0x1db: {  	v14 =	vadd.s32 v47, v14;
	v56 =	vadd.s32 v43, v17;
	v16 =	vmul.f32 $1.570800780e+00, v10  }
0x1dc: {  	v17 =	vsel vm12, $0x1, v38;
	v59 =	vsel vm12, $0xFFFFFFFF, v38;
	v15 =	vadd.s32 v62, v15;
	v35 =	vld.idx.msk [tilespmem:v61+s12+$0x0], $0xffff  }
0x1dd: {  	v11 =	vadd.s32 v13, v56;
	v7 =	vsub.f32 v7, v16;
	v16 =	vmul.f32 $4.454454940e-06, v10  }
0x1de: {  	v15 =	vadd.s32 v17, v15;
	v3 =	vadd.s32 v63, v11;
	v17 =	vsel vm13, $0x1, v38  }
0x1df: {  	v3 =	vadd.s32 v46, v3;
	v40 =	vadd.s32 v17, v14;
	v58 =	vadd.f32 v16, v7;
	v16 =	vld.idx.msk [tilespmem:v50+s12+$0x0], $0xffff  }
0x1e0: {  	v17 =	vsel vm14, $0xFFFFFFFF, v38;
	v14 =	vadd.s32 v39, v15;
	v10 =	vtrunc.f32 v10  }
0x1e1: {  	v15 =	vadd.s32 v41, v19;
	v60 =	vmul.f32 v58, v58;
	v62 =	vmul.f32 $6.366197460e-01, v35  }
0x1e2: {  	v53 =	vadd.s32 v59, v3;
	v42 =	vadd.s32 v37, v15;
	v10 =	vcvt.f32.s32 v10  }
0x1e3: {  	v63 =	vmul.f32 $2.443315680e-05, v60;
	v7 =	vadd.f32 $1.258291200e+07, v62;
	v19 =	vmul.f32 $1.951529560e-04, v60  }
0x1e4: {  	v61 =	vsel vm13, $0xFFFFFFFF, v38;
	v47 =	vmul.f32 v60, v58;
	v15 =	vmul.f32 $6.366197460e-01, v16  }
0x1e5: {  	v12 =	vadd.f32 $-1.388731650e-03, v63;
	v39 =	vadd.f32 $-1.258291200e+07, v7;
	v7 =	vadd.s32 v45, v42  }
0x1e6: {  	v19 =	vsub.f32 $8.332161230e-03, v19;
	v3 =	vadd.s32 v61, v7;
	v45 =	vadd.f32 $1.258291200e+07, v15  }
0x1e7: {  	v61 =	vand.u32 $0x1, v10;
	v12 =	vmul.f32 v12, v60;
	v43 =	vmul.f32 $1.570800780e+00, v39  }
0x1e8: {  	v15 =	vmul.f32 v19, v60;
	v46 =	vmul.f32 $4.454454940e-06, v39;
	vm6 =	veq.s32 v61, $0x0  }
0x1e9: {  	v39 =	vtrunc.f32 v39;
	v44 =	vadd.f32 $4.166664560e-02, v12;
	v19 =	vsub.f32 v35, v43  }
0x1ea: {  	v12 =	vadd.f32 $-1.258291200e+07, v45;
	v15 =	vadd.f32 $-1.666665520e-01, v15;
	v43 =	vand.u32 $0x2, v10  }
0x1eb: {  	v10 =	vadd.s32 $0x1, v10;
	v7 =	vmul.f32 v44, v60;
	v19 =	vadd.f32 v46, v19  }
0x1ec: {  	vm7 =	veq.s32 v43, $0x0;
	v10 =	vand.u32 $0x2, v10;
	v54 =	vmul.f32 $1.570800780e+00, v12  }
0x1ed: {  	v56 =	vmul.f32 v15, v47;
	v50 =	vadd.f32 $-5.000000000e-01, v7;
	v15 =	vmul.f32 v19, v19  }
0x1ee: {  	v7 =	vadd.s32 v17, v3;
	v16 =	vsub.f32 v16, v54;
	v17 =	vmul.f32 $4.454454940e-06, v12  }
0x1ef: {  	vm8 =	veq.s32 v10, $0x0;
	v58 =	vadd.f32 v56, v58;
	v59 =	vmul.f32 $2.443315680e-05, v15  }
0x1f0: {  	v54 =	vcvt.f32.s32 v39;
	v11 =	vmul.f32 v50, v60;
	v13 =	vadd.f32 v17, v16  }
0x1f1: {  	v62 =	vmul.f32 $1.951529560e-04, v15;
	v47 =	vmul.f32 v15, v19;
	v3 =	vadd.f32 $-1.388731650e-03, v59  }
0x1f2: {  	v56 =	vand.u32 $0x1, v54;
	v60 =	vadd.f32 $1.000000000e+00, v11;
	v63 =	vmul.f32 v13, v13  }
0x1f3: {  	v39 =	vand.u32 $0x2, v54;
	v42 =	vsub.f32 $8.332161230e-03, v62;
	v3 =	vmul.f32 v3, v15  }
0x1f4: {  	vm2 =	veq.s32 v56, $0x0;
	v17 =	vsel vm6, v58, v60;
	v45 =	vmul.f32 $2.443315680e-05, v63  }
0x1f5: {  	v1 =	vsel vm6, v60, v58;
	v9 =	vmul.f32 v42, v15;
	v3 =	vadd.f32 $4.166664560e-02, v3  }
0x1f6: {  	v50 =	vmul.f32 $1.951529560e-04, v63;
	v58 =	vtrunc.f32 v12;
	v46 =	vadd.f32 $-1.388731650e-03, v45  }
0x1f7: {  	vm9 =	veq.s32 v39, $0x0;
	v59 =	vmul.f32 v63, v13;
	v3 =	vmul.f32 v3, v15  }
0x1f8: {  	v44 =	vsub.f32 $0.0e+00, v17;
	v9 =	vadd.f32 $-1.666665520e-01, v9;
	v11 =	vmul.f32 v46, v63  }
0x1f9: {  	v10 =	vcvt.f32.s32 v58;
	v37 =	vsub.f32 $8.332161230e-03, v50;
	v3 =	vadd.f32 $-5.000000000e-01, v3  }
0x1fa: {  	v17 =	vsel vm7, v17, v44;
	v9 =	vmul.f32 v9, v47;
	v11 =	vadd.f32 $4.166664560e-02, v11  }
0x1fb: {  	v62 =	vand.u32 $0x1, v10;
	v3 =	vmul.f32 v3, v15;
	v15 =	vmul.f32 v37, v63  }
0x1fc: {  	v39 =	vand.u32 $0x2, v10;
	v9 =	vadd.f32 v9, v19;
	v11 =	vmul.f32 v11, v63  }
0x1fd: {  	v10 =	vadd.s32 $0x1, v10;
	v3 =	vadd.f32 $1.000000000e+00, v3;
	v15 =	vadd.f32 $-1.666665520e-01, v15  }
0x1fe: {  	vm10 =	veq.s32 v62, $0x0;
	vm11 =	veq.s32 v39, $0x0;
	v11 =	vadd.f32 $-5.000000000e-01, v11  }
0x1ff: {  	v10 =	vand.u32 $0x2, v10;
	v60 =	vsel vm2, v9, v3;
	v12 =	vmul.f32 v15, v59  }
0x200: {  	v11 =	vmul.f32 v11, v63;
	v3 =	vsel vm2, v3, v9;
	v15 =	vadd.s32 $0x1, v54  }
0x201: {  	v19 =	vsub.f32 $0.0e+00, v1;
	v63 =	vand.u32 $0x2, v15;
	v43 =	vsub.f32 $0.0e+00, v3  }
0x202: {  	v12 =	vadd.f32 v12, v13;
	v11 =	vadd.f32 $1.000000000e+00, v11;
	vm3 =	veq.s32 v63, $0x0  }
0x203: {  	vm12 =	veq.s32 v10, $0x0;
	v1 =	vsel vm8, v1, v19;
	v19 =	vsel vm3, v3, v43  }
0x204: {  	v61 =	vsub.f32 $0.0e+00, v60;
	v15 =	vsel vm10, v12, v11;
	v47 =	vsub.f32 $0.0e+00, v19  }
0x205: {  	v11 =	vsel vm10, v11, v12;
	v59 =	vmul.f32 v19, v1;
	v41 =	vsub.f32 $0.0e+00, v15  }
0x206: {  	v44 =	vsel vm9, v60, v61;
	v42 =	vsub.f32 $0.0e+00, v11;
	v9 =	vmul.f32 v47, v17  }
0x207: {  	v63 =	vmul.f32 v59, v33;
	v37 =	vmul.f32 v59, v29;
	v15 =	vsel vm11, v15, v41  }
0x208: {  	v56 =	vmul.f32 v59, v18;
	v35 =	vsel vm12, v11, v42;
	v45 =	vmul.f32 v15, v44  }
0x209: {  	v46 =	vmul.f32 v35, v44;
	v50 =	vmul.f32 v35, v17  }
0x20a: {  	v16 =	vsel vm15, $0x1, v38;
	v60 =	vmul.f32 v35, v1;
	v54 =	vmul.f32 v45, v1  }
0x20b: {  	v3 =	vadd.s32 v16, v14;
	v61 =	vmul.f32 v15, v17;
	v16 =	vmul.f32 v45, v17  }
0x20c: {  	v12 =	vmul.f32 v9, v33;
	v33 =	vmul.f32 v44, v33;
	v54 =	vadd.f32 v54, v50  }
0x20d: {  	v60 =	vsub.f32 v60, v16;
	v16 =	vmul.f32 v46, v1;
	v1 =	vmul.f32 v15, v1  }
0x20e: {  	v62 =	vsub.f32 $0.0e+00, v15;
	v15 =	vmul.f32 v46, v17;
	v50 =	vmul.f32 v35, v19  }
0x20f: {  	v35 =	vmul.f32 v9, v4;
	v11 =	vmul.f32 v54, v34  }
0x210: {  	v47 =	vsub.f32 v61, v16;
	v13 =	vmul.f32 v60, v34;
	v16 =	vmul.f32 v62, v19  }
0x211: {  	v41 =	vmul.f32 v60, v30;
	v46 =	vmul.f32 v50, v31  }
0x212: {  	v17 =	vadd.f32 v15, v1;
	v58 =	vmul.f32 v54, v28;
	v61 =	vmul.f32 v9, v18  }
0x213: {  	v62 =	vmul.f32 v60, v28;
	v18 =	vmul.f32 v44, v18  }
0x214: {  	v14 =	vmul.f32 v47, v32;
	v19 =	vmul.f32 v17, v32  }
0x215: {  	v1 =	vadd.f32 v13, v12;
	v34 =	vmul.f32 v16, v34;
	v32 =	vmul.f32 v50, v32  }
0x216: {  	v36 =	vadd.f32 v11, v63;
	v39 =	vmul.f32 v47, v31;
	v43 =	vmul.f32 v17, v31  }
0x217: {  	v45 =	vmul.f32 v16, v30;
	v1 =	vadd.f32 v1, v19;
	v19 =	vmul.f32 v54, v30  }
0x218: {  	v12 =	vmul.f32 v47, v6;
	v36 =	vadd.f32 v36, v14;
	v33 =	vadd.f32 v34, v33  }
0x219: {  	v14 =	vmul.f32 v17, v6;
	[tilespmem:$0x1FB10] =	vst v1;
	v1 =	vadd.f32 v19, v37;
	v19 =	vmul.f32 v9, v29  }
0x21a: {  	v53 =	vmul.u32 $0x3, v53;
	v34 =	vmul.f32 v54, v5;
	v6 =	vmul.f32 v50, v6  }
0x21b: {  	v42 =	vadd.f32 v33, v32;
	v29 =	vmul.f32 v44, v29;
	v19 =	vadd.f32 v41, v19  }
0x21c: {  	[tilespmem:$0x1FB00] =	vst v36;
	v33 =	vmul.f32 v59, v4;
	v36 =	vmul.f32 v60, v5;
	v1 =	vadd.f32 v1, v39  }
0x21d: {  	v4 =	vmul.f32 v44, v4;
	v63 =	vadd.f32 v19, v43;
	v19 =	vadd.f32 v58, v56  }
0x21e: {  	v13 =	vadd.f32 v62, v61;
	v5 =	vmul.f32 v16, v5;
	v39 =	vmul.f32 v17, v2  }
0x21f: {  	[tilespmem:$0x1FB30] =	vst v1;
	v1 =	vadd.f32 v45, v29;
	v32 =	vadd.f32 v19, v12;
	v19 =	vmul.f32 v16, v28  }
0x220: {  	[tilespmem:$0x1FB20] =	vst v42;
	v37 =	vadd.f32 v36, v35;
	v41 =	vmul.f32 v59, v0;
	v42 =	vmul.f32 v60, v27  }
0x221: {  	v45 =	vmul.f32 v47, v26;
	v1 =	vadd.f32 v1, v46;
	v18 =	vadd.f32 v19, v18  }
0x222: {  	v4 =	vadd.f32 v5, v4;
	[tilespmem:$0x1FB40] =	vst v63;
	v46 =	vmul.f32 v17, v26;
	v63 =	vmul.f32 v16, v27  }
0x223: {  	[tilespmem:$0x1FB50] =	vst v1;
	v1 =	vadd.f32 v13, v14;
	v6 =	vadd.f32 v18, v6;
	v18 =	vmul.f32 v54, v27  }
0x224: {  	v43 =	vor.u32 s21, v51;
	v19 =	vmul.f32 v47, v2;
	v2 =	vmul.f32 v50, v2  }
0x225: {  	[tilespmem:$0x1FB70] =	vst v1;
	v1 =	vadd.f32 v34, v33;
	v5 =	vadd.f32 v18, v41;
	v18 =	vmul.u32 $0x45, v43  }
0x226: {  	v12 =	vmul.f32 v59, v23;
	v14 =	vmul.f32 v50, v26;
	v51 =	vadd.f32 v4, v2  }
0x227: {  	v1 =	vadd.f32 v1, v19;
	v19 =	vmul.f32 v9, v0;
	v56 =	vadd.s32 $0xD, v18  }
0x228: {  	[tilespmem:$0x1FBE0] =	vst v51;
	v0 =	vmul.f32 v44, v0;
	v51 =	vmul.f32 v9, v23;
	v62 =	vadd.s32 $0xE, v18  }
0x229: {  	v23 =	vmul.f32 v44, v23;
	v19 =	vadd.f32 v42, v19;
	v11 =	vadd.s32 $0xF, v18  }
0x22a: {  	[tilespmem:$0x1FBC0] =	vst v1;
	v1 =	vadd.f32 v37, v39;
	v58 =	vadd.f32 v5, v45;
	v13 =	vadd.s32 $0x14, v18  }
0x22b: {  	v0 =	vadd.f32 v63, v0;
	v45 =	vadd.s32 $0x15, v18;
	v63 =	vadd.s32 $0x1D, v18  }
0x22c: {  	[tilespmem:$0x1FB90] =	vst v6;
	v61 =	vadd.f32 v19, v46;
	v19 =	vmul.f32 v54, v24;
	v46 =	vadd.s32 $0x16, v18;
	v41 =	vld.idx.msk [tilespmem:v56+s12+$0x0], $0xffff  }
0x22d: {  	[tilespmem:$0x1FC00] =	vst v58;
	v58 =	vadd.s32 $0x1B, v18;
	v0 =	vadd.f32 v0, v14;
	v14 =	vadd.s32 $0x23, v18;
	v42 =	vld.idx.msk [tilespmem:v62+s12+$0x0], $0xffff  }
0x22e: {  	v6 =	vadd.f32 v19, v12;
	v19 =	vmul.f32 v47, v25;
	v56 =	vmul.f32 v60, v24;
	v39 =	vld.idx.msk [tilespmem:v11+s12+$0x0], $0xffff  }
0x22f: {  	[tilespmem:$0x1FC10] =	vst v61;
	v61 =	vadd.s32 $0x1C, v18;
	v24 =	vmul.f32 v16, v24;
	v62 =	vmul.f32 v17, v25;
	v35 =	vld.idx.msk [tilespmem:v13+s12+$0x0], $0xffff  }
0x230: {  	v12 =	vadd.s32 $0x22, v18;
	v11 =	vmul.f32 v50, v25;
	v33 =	vld.idx.msk [tilespmem:v63+s12+$0x0], $0xffff;
	v63 =	vmul.f32 v47, v22  }
0x231: {  	v37 =	vld.idx.msk [tilespmem:v45+s12+$0x0], $0xffff;
	v13 =	vadd.f32 v6, v19;
	v19 =	vmul.f32 v60, v21;
	v28 =	vadd.f32 v56, v51  }
0x232: {  	[tilespmem:$0x1FD70] =	vst v9;
	v23 =	vadd.f32 v24, v23;
	v36 =	vld.idx.msk [tilespmem:v46+s12+$0x0], $0xffff;
	v46 =	vadd.s32 $0x24, v18;
	v51 =	vmul.f32 v59, v20  }
0x233: {  	[tilespmem:$0x1FB60] =	vst v32;
	v32 =	vld.idx.msk [tilespmem:v58+s12+$0x0], $0xffff;
	v56 =	vmul.f32 v54, v21;
	v58 =	vadd.s32 $0x29, v18;
	v21 =	vmul.f32 v16, v21  }
0x234: {  	[tilespmem:$0x1FCB0] =	vst v43;
	v31 =	vld.idx.msk [tilespmem:v14+s12+$0x0], $0xffff;
	v14 =	vadd.s32 $0x37, v18;
	v43 =	vadd.f32 v28, v62;
	v45 =	vadd.f32 v23, v11  }
0x235: {  	[tilespmem:$0x1FBD0] =	vst v1;
	v34 =	vld.idx.msk [tilespmem:v61+s12+$0x0], $0xffff;
	v61 =	vmul.f32 v9, v20;
	v62 =	vadd.s32 $0x2A, v18;
	v2 =	vadd.f32 v56, v51  }
0x236: {  	[tilespmem:$0x1FC20] =	vst v0;
	v9 =	vadd.s32 $0x2B, v18;
	v11 =	vadd.s32 $0x30, v18;
	v20 =	vmul.f32 v44, v20  }
0x237: {  	[tilespmem:$0x1FC50] =	vst v13;
	v30 =	vld.idx.msk [tilespmem:v12+s12+$0x0], $0xffff;
	v12 =	vadd.s32 $0x31, v18;
	v56 =	vmul.f32 v50, v22;
	v6 =	vadd.f32 v19, v61  }
0x238: {  	v19 =	vmul.f32 v17, v22;
	v2 =	vadd.f32 v2, v63;
	v51 =	vadd.f32 v21, v20;
	v28 =	vld.idx.msk [tilespmem:v46+s12+$0x0], $0xffff  }
0x239: {  	[tilespmem:$0x1FC60] =	vst v43;
	v20 =	vmul.f32 v42, v42;
	v61 =	vadd.s32 $0x32, v18;
	v63 =	vmul.f32 v35, v35;
	v27 =	vld.idx.msk [tilespmem:v58+s12+$0x0], $0xffff  }
0x23a: {  	[tilespmem:$0x1FC70] =	vst v45;
	v45 =	vadd.s32 $0x39, v18;
	v58 =	vadd.s32 $0x38, v18;
	v46 =	vmul.f32 v32, v32;
	v29 =	vld.idx.msk [tilespmem:v62+s12+$0x0], $0xffff  }
0x23b: {  	v13 =	vadd.f32 v6, v19;
	v19 =	vmul.f32 v41, v41;
	v25 =	vld.idx.msk [tilespmem:v9+s12+$0x0], $0xffff;
	v62 =	vmul.f32 v39, v39  }
0x23c: {  	v4 =	vadd.f32 v51, v56;
	v23 =	vld.idx.msk [tilespmem:v11+s12+$0x0], $0xffff;
	v9 =	vmul.f32 v37, v37;
	v11 =	vmul.f32 v36, v36  }
0x23d: {  	v24 =	vld.idx.msk [tilespmem:v12+s12+$0x0], $0xffff;
	v56 =	vmul.f32 v30, v30;
	v43 =	vadd.f32 v20, v19;
	v19 =	vmul.f32 v34, v34  }
0x23e: {  	v10 =	vimm.s32 $0x1;
	[tilespmem:$0x1FCA0] =	vst v13;
	v13 =	vld.idx.msk [tilespmem:v14+s12+$0x0], $0xffff;
	v20 =	vmul.f32 v31, v31;
	v1 =	vadd.f32 v9, v63  }
0x23f: {  	[tilespmem:$0x1FC80] =	vst v2;
	v14 =	vmul.u32 $0x3, v7;
	v26 =	vld.idx.msk [tilespmem:v61+s12+$0x0], $0xffff;
	v0 =	vadd.f32 v62, v43;
	v2 =	vadd.f32 v19, v46  }
0x240: {  	v51 =	vld.idx.msk [tilespmem:v58+s12+$0x0], $0xffff;
	v58 =	vmul.f32 v33, v33;
	v61 =	vadd.f32 v20, v56;
	v21 =	vmul.f32 v28, v28  }
0x241: {  	v22 =	vmul.f32 v27, v27;
	v63 =	vadd.f32 v11, v1;
	v43 =	vmul.f32 v29, v29  }
0x242: {  	v62 =	vld.idx.msk [tilespmem:v45+s12+$0x0], $0xffff;
	v9 =	vadd.f32 v58, v2;
	v45 =	vmul.f32 v23, v23;
	v19 =	vmul.f32 v24, v24  }
0x243: {  	v12 =	vadd.f32 v21, v61;
	v46 =	vmul.f32 v13, v13;
	vm13 =	vle.f32 v0, v63  }
0x244: {  	v5 =	vadd.f32 v43, v22;
	v19 =	vadd.f32 v19, v45;
	v21 =	vmul.f32 v26, v26  }
0x245: {  	vm14 =	vle.f32 v0, v9;
	vm3 =	vle.f32 v0, v12;
	v57 =	vsel vm13, $0x5, v57  }
0x246: {  	vm6 =	vle.f32 v63, v9;
	[tilespmem:$0x1FD50] =	vst v51;
	v20 =	vmul.f32 v51, v51;
	v51 =	vmul.f32 v25, v25  }
0x247: {  	[tilespmem:$0x1FD60] =	vst v62;
	v45 =	vmul.f32 v62, v62;
	v61 =	vsel vm14, $0xFFFFFFFF, v38;
	v62 =	vsel vm3, $0xFFFFFFFF, v38  }
0x248: {  	v6 =	vadd.f32 v20, v46;
	v20 =	vsel vm15, $0xFFFFFFFF, v38;
	v15 =	vadd.f32 v51, v5  }
0x249: {  	v46 =	vadd.f32 v21, v19;
	v5 =	vadd.s32 v61, v57;
	v57 =	vmul.u32 $0x1B, v8  }
0x24a: {  	v19 =	vmul.u32 $0x3, v48;
	v8 =	vmul.u32 $0x3, v52;
	v58 =	vadd.s32 v20, v40  }
0x24b: {  	v5 =	vadd.s32 v62, v5;
	v56 =	vadd.f32 v45, v6;
	vm0 =	vle.f32 v0, v15  }
0x24c: {  	vm4 =	vle.f32 v0, v46;
	v62 =	vadd.s32 $0x3, v57;
	v6 =	vadd.s32 $0x3, v18  }
0x24d: {  	v40 =	vadd.s32 $0x5, v57;
	vm7 =	vle.f32 v63, v46;
	vm1 =	vle.f32 v63, v15  }
0x24e: {  	vm15 =	vle.f32 v9, v46;
	vm2 =	vle.f32 v9, v15;
	v1 =	vsel vm0, $0xFFFFFFFF, v38  }
0x24f: {  	v2 =	vsel vm4, $0xFFFFFFFF, v38;
	v45 =	vadd.s32 v19, v62;
	v52 =	vadd.s32 v19, v40  }
0x250: {  	v11 =	vadd.s32 v8, v62;
	v51 =	vadd.s32 v53, v62;
	v5 =	vadd.s32 v1, v5  }
0x251: {  	vm5 =	vle.f32 v0, v56;
	v0 =	vadd.s32 v8, v40;
	v1 =	vmul.u32 $0x3, v3  }
0x252: {  	v3 =	vsel vm4, $0x2, v10;
	vm4 =	vle.f32 v63, v12;
	vm8 =	vle.f32 v63, v56  }
0x253: {  	[tilespmem:$0x1FCD0] =	vst v4;
	vm9 =	vle.f32 v9, v56;
	v43 =	vadd.s32 v2, v5;
	v5 =	vmul.u32 $0x3, v49  }
0x254: {  	v49 =	vadd.s32 $0x4, v57;
	[tilespmem:$0x1FBB0] =	vst v0;
	v0 =	vadd.s32 v14, v40;
	v4 =	vsel vm5, $0xFFFFFFFF, v38  }
0x255: {  	[tilespmem:$0x1FD40] =	vst v13;
	v10 =	vsel vm5, $0x1, v38;
	v63 =	vsel vm8, $0x1, v38;
	vm5 =	vle.f32 v12, v15;
	v7 =	vld.idx.msk [tilespmem:v6+s12+$0x0], $0xffff  }
0x256: {  	[tilespmem:$0x1FB80] =	vst v11;
	v13 =	vadd.s32 v8, v49;
	v8 =	vadd.s32 v14, v49;
	v6 =	vmul.u32 $0x3, v58  }
0x257: {  	[tilespmem:$0x1FC40] =	vst v0;
	v0 =	vadd.s32 v4, v43;
	v4 =	vsel vm6, $0xFFFFFFFF, v38;
	v20 =	vadd.s32 v5, v62  }
0x258: {  	v21 =	vadd.s32 v5, v49;
	v22 =	vadd.s32 v5, v40;
	[tilespmem:$0x1FBA0] =	vst v13;
	v13 =	vadd.s32 v6, v49  }
0x259: {  	v5 =	vadd.s32 v53, v49;
	v53 =	vadd.s32 v53, v40;
	[tilespmem:$0x1FCC0] =	vst v13;
	v13 =	vadd.s32 $0x4, v18  }
0x25a: {  	v58 =	vadd.s32 v14, v62;
	v14 =	vadd.s32 v1, v62;
	[tilespmem:$0x1FBF0] =	vst v5;
	v5 =	vmul.f32 $6.366197460e-01, v7  }
0x25b: {  	[tilespmem:$0x1FCE0] =	vst v14;
	v11 =	vadd.s32 v6, v62;
	v61 =	vadd.s32 v6, v40;
	v62 =	vadd.s32 v1, v49  }
0x25c: {  	v1 =	vadd.s32 v1, v40;
	[tilespmem:$0x1FCF0] =	vst v62;
	v62 =	vimm.s32 $0x5;
	v14 =	vadd.f32 $1.258291200e+07, v5  }
0x25d: {  	v6 =	vsel vm4, $0xFFFFFFFF, v38;
	[tilespmem:$0x1FD10] =	vst v1;
	v1 =	vsel vm13, $0x6, v62;
	v5 =	vsel vm7, $0x1, v38  }
0x25e: {  	[tilespmem:$0x1FC30] =	vst v8;
	v1 =	vadd.s32 v4, v1;
	v40 =	vadd.s32 v5, v3;
	v8 =	vld.idx.msk [tilespmem:v13+s12+$0x0], $0xffff;
	v5 =	vadd.f32 $-1.258291200e+07, v14  }
0x25f: {  	v48 =	vadd.s32 v19, v49;
	[tilespmem:$0x1FC90] =	vst v11;
	v11 =	vsel vm1, $0xFFFFFFFF, v38;
	v1 =	vadd.s32 v6, v1  }
0x260: {  	[tilespmem:$0x1FD00] =	vst v0;
	v1 =	vadd.s32 v11, v1;
	v13 =	vsel vm7, $0xFFFFFFFF, v38;
	v0 =	vmul.f32 $1.570800780e+00, v5  }
0x261: {  	v43 =	vadd.s32 v63, v10;
	v10 =	vsel vm8, $0xFFFFFFFF, v38;
	v1 =	vadd.s32 v13, v1  }
0x262: {  	v13 =	vsel vm15, $0x1, v38;
	v14 =	vmul.f32 $4.454454940e-06, v5;
	v0 =	vsub.f32 v7, v0  }
0x263: {  	v6 =	vadd.s32 v13, v40;
	v40 =	vadd.s32 $0x5, v18;
	v11 =	vmul.f32 $6.366197460e-01, v8  }
0x264: {  	v63 =	vimm.s32 $0x4;
	v3 =	vsel vm15, $0xFFFFFFFF, v38;
	v4 =	vadd.f32 v14, v0  }
0x265: {  	v1 =	vadd.s32 v10, v1;
	v10 =	vsel vm14, $0x5, v63;
	v14 =	vadd.f32 $1.258291200e+07, v11  }
0x266: {  	v11 =	vsel vm6, $0x1, v38;
	vm6 =	vle.f32 v9, v12;
	v0 =	vmul.f32 v4, v4  }
0x267: {  	v49 =	vadd.s32 v11, v10;
	v13 =	vsel vm6, $0xFFFFFFFF, v38;
	v7 =	vadd.f32 $-1.258291200e+07, v14  }
0x268: {  	v40 =	vld.idx.msk [tilespmem:v40+s12+$0x0], $0xffff;
	v49 =	vadd.s32 v13, v49;
	v13 =	vsel vm2, $0xFFFFFFFF, v38;
	v10 =	vmul.f32 $2.443315680e-05, v0  }
0x269: {  	v49 =	vadd.s32 v13, v49;
	v14 =	vmul.f32 $1.951529560e-04, v0;
	v11 =	vmul.f32 $1.570800780e+00, v7  }
0x26a: {  	vm7 =	vle.f32 v12, v46;
	v9 =	vadd.s32 v3, v49;
	v2 =	vadd.f32 $-1.388731650e-03, v10  }
0x26b: {  	[tilespmem:$0x1FD20] =	vst v1;
	v1 =	vsub.f32 $8.332161230e-03, v14;
	v8 =	vsub.f32 v8, v11;
	v14 =	vmul.f32 $4.454454940e-06, v7  }
0x26c: {  	v13 =	vmul.f32 v0, v4;
	v11 =	vsel vm9, $0x1, v38;
	v2 =	vmul.f32 v2, v0  }
0x26d: {  	v1 =	vmul.f32 v1, v0;
	v8 =	vadd.f32 v14, v8;
	v14 =	vmul.f32 $6.366197460e-01, v40  }
0x26e: {  	v10 =	vsel vm9, $0xFFFFFFFF, v38;
	v62 =	vadd.s32 v11, v43;
	v2 =	vadd.f32 $4.166664560e-02, v2  }
0x26f: {  	v3 =	vadd.f32 $-1.666665520e-01, v1;
	v1 =	vadd.f32 $1.258291200e+07, v14;
	v43 =	vmul.f32 v8, v8  }
0x270: {  	v9 =	vadd.s32 v10, v9;
	v11 =	vsel vm7, $0x1, v38;
	v2 =	vmul.f32 v2, v0  }
0x271: {  	v3 =	vmul.f32 v3, v13;
	v63 =	vadd.f32 $-1.258291200e+07, v1;
	v13 =	vmul.f32 $2.443315680e-05, v43  }
0x272: {  	v19 =	vadd.s32 v11, v6;
	v11 =	vmul.f32 $1.951529560e-04, v43;
	v2 =	vadd.f32 $-5.000000000e-01, v2  }
0x273: {  	v5 =	vtrunc.f32 v5;
	[tilespmem:$0x1FD30] =	vst v9;
	v14 =	vadd.f32 $-1.388731650e-03, v13;
	v9 =	vmul.f32 $1.570800780e+00, v63  }
0x274: {  	v6 =	vsub.f32 $8.332161230e-03, v11;
	v13 =	vmul.f32 $4.454454940e-06, v63;
	v0 =	vmul.f32 v2, v0  }
0x275: {  	v3 =	vadd.f32 v3, v4;
	v2 =	vcvt.f32.s32 v5;
	v4 =	vmul.f32 v14, v43  }
0x276: {  	v5 =	vsub.f32 v40, v9;
	v11 =	vmul.f32 v6, v43;
	v0 =	vadd.f32 $1.000000000e+00, v0  }
0x277: {  	v10 =	vand.u32 $0x1, v2;
	v14 =	vadd.f32 $4.166664560e-02, v4;
	v4 =	vmul.f32 v43, v8  }
0x278: {  	vm10 =	veq.s32 v10, $0x0;
	v10 =	vand.u32 $0x2, v2;
	v2 =	vadd.s32 $0x1, v2  }
0x279: {  	v40 =	vsel vm10, v3, v0;
	vm11 =	veq.s32 v10, $0x0;
	v10 =	vadd.f32 v13, v5  }
0x27a: {  	v9 =	vsel vm10, v0, v3;
	v13 =	vmul.f32 v14, v43;
	v5 =	vadd.f32 $-1.666665520e-01, v11  }
0x27b: {  	v11 =	vand.u32 $0x2, v2;
	v14 =	vsub.f32 $0.0e+00, v40;
	v0 =	vmul.f32 v10, v10  }
0x27c: {  	vm12 =	veq.s32 v11, $0x0;
	v11 =	vtrunc.f32 v7;
	v13 =	vadd.f32 $-5.000000000e-01, v13  }
0x27d: {  	vm15 =	vle.f32 v12, v56;
	v11 =	vcvt.f32.s32 v11;
	v49 =	vmul.f32 $2.443315680e-05, v0  }
0x27e: {  	v40 =	vsel vm11, v40, v14;
	v14 =	vmul.f32 v5, v4;
	v2 =	vmul.f32 v13, v43  }
0x27f: {  	v13 =	vsub.f32 $0.0e+00, v9;
	v5 =	vadd.f32 $-1.388731650e-03, v49;
	v49 =	vadd.s32 $0x2, v55  }
0x280: {  	v12 =	vld [tilespmem:$0x1FB00];
	v43 =	vadd.s32 $0x1, v55;
	v4 =	vand.u32 $0x1, v11;
	v3 =	vadd.f32 v14, v8  }
0x281: {  	v14 =	vmul.f32 $1.951529560e-04, v0;
	v2 =	vadd.f32 $1.000000000e+00, v2;
	v9 =	vsel vm12, v9, v13;
	v13 =	vld.idx.msk [tilespmem:v55+s12+$0x0], $0xffff  }
0x282: {  	vm13 =	veq.s32 v4, $0x0;
	v5 =	vmul.f32 v5, v0  }
0x283: {  	v6 =	vsub.f32 $8.332161230e-03, v14;
	v1 =	vsel vm13, v3, v2  }
0x284: {  	v4 =	vsub.f32 $0.0e+00, v1;
	v5 =	vadd.f32 $4.166664560e-02, v5;
	v14 =	vld.idx.msk [tilespmem:v49+s12+$0x0], $0xffff;
	v49 =	vand.u32 $0x2, v11  }
0x285: {  	v7 =	vadd.s32 $0x1, v57;
	v43 =	vld.idx.msk [tilespmem:v43+s12+$0x0], $0xffff;
	vm14 =	veq.s32 v49, $0x0  }
0x286: {  	v49 =	vsel vm14, v1, v4;
	v1 =	vmul.f32 v5, v0;
	v5 =	vsub.f32 v13, v12;
	v12 =	vld [tilespmem:$0x1FB10]  }
0x287: {  	v6 =	vmul.f32 v6, v0  }
0x288: {  	v8 =	vadd.s32 $0x2, v57  }
0x289: {  	v2 =	vsel vm13, v2, v3;
	[tilespmem:v57+s16+$0x0] =	vst.idx.msk $0xffff, v13;
	v3 =	vadd.f32 $-1.666665520e-01, v6;
	v4 =	vmul.f32 v0, v10  }
0x28a: {  	[tilespmem:v7+s16+$0x0] =	vst.idx.msk $0xffff, v43;
	v7 =	vld [tilespmem:$0x1FB20]  }
0x28b: {  	v3 =	vmul.f32 v3, v4;
	v4 =	vsub.f32 v43, v12;
	v12 =	vld [tilespmem:$0x1FB30];
	_ =	sdelay $0x1  }
0x28c: {  	v1 =	vadd.f32 $-5.000000000e-01, v1  }
0x28d: {  	[tilespmem:v8+s16+$0x0] =	vst.idx.msk $0xffff, v14  }
0x28e: {  	[tilespmem:v20+s16+$0x0] =	vst.idx.msk $0xffff, v5;
	v0 =	vmul.f32 v1, v0;
	v1 =	vsub.f32 v14, v7  }
0x28f: {  	[tilespmem:v21+s16+$0x0] =	vst.idx.msk $0xffff, v4;
	v4 =	vsub.f32 v13, v12  }
0x290: {  	[tilespmem:v22+s16+$0x0] =	vst.idx.msk $0xffff, v1  }
0x291: {  	v6 =	vtrunc.f32 v63;
	[tilespmem:v45+s16+$0x0] =	vst.idx.msk $0xffff, v4;
	v45 =	vld [tilespmem:$0x1FB40]  }
0x292: {  	v6 =	vcvt.f32.s32 v6;
	v8 =	vsel vm15, $0x1, v38;
	v22 =	vadd.f32 v3, v10;
	v10 =	vld [tilespmem:$0x1FB50]  }
0x293: {  	v63 =	vimm.s32 $0x3;
	v7 =	vadd.s32 v8, v62;
	v0 =	vadd.f32 $1.000000000e+00, v0  }
0x294: {  	v62 =	vsel vm3, $0x4, v63;
	v8 =	vsel vm4, $0x1, v38;
	v21 =	vand.u32 $0x1, v6  }
0x295: {  	vm9 =	veq.s32 v21, $0x0;
	v4 =	vadd.s32 v8, v62;
	v62 =	vld [tilespmem:$0x1FB80]  }
0x296: {  	v21 =	vand.u32 $0x2, v6;
	v12 =	vsel vm9, v22, v0;
	v3 =	vsub.f32 v43, v45;
	v45 =	vld [tilespmem:$0x1FB60]  }
0x297: {  	v0 =	vsel vm9, v0, v22;
	v22 =	vsub.f32 $0.0e+00, v12;
	v5 =	vsub.f32 v14, v10  }
0x298: {  	vm10 =	veq.s32 v21, $0x0;
	[tilespmem:v48+s16+$0x0] =	vst.idx.msk $0xffff, v3  }
0x299: {  	[tilespmem:v52+s16+$0x0] =	vst.idx.msk $0xffff, v5;
	v5 =	vsel vm10, v12, v22;
	v22 =	vld [tilespmem:$0x1FBA0]  }
0x29a: {  	v52 =	vld [tilespmem:$0x1FB70]  }
0x29b: {  	v12 =	vld [tilespmem:$0x1FB90];
	v1 =	vsub.f32 v13, v45;
	_ =	sdelay $0x1  }
0x29c: {  	v6 =	vadd.s32 $0x1, v6;
	[tilespmem:v62+s16+$0x0] =	vst.idx.msk $0xffff, v1;
	v62 =	vld [tilespmem:$0x1FBB0]  }
0x29d: {  	v21 =	vsel vm5, $0xFFFFFFFF, v38;
	v10 =	vsel vm7, $0xFFFFFFFF, v38;
	v48 =	vsel vm6, $0x1, v38  }
0x29e: {  	v8 =	vld [tilespmem:$0x1FBC0];
	v4 =	vadd.s32 v48, v4;
	v48 =	vand.u32 $0x2, v6;
	v3 =	vsub.f32 v43, v52  }
0x29f: {  	v45 =	vadd.s32 v21, v4;
	v1 =	vsub.f32 v14, v12;
	v52 =	vsub.f32 $0.0e+00, v0;
	v12 =	vld [tilespmem:$0x1FBD0]  }
0x2a0: {  	vm11 =	veq.s32 v48, $0x0;
	[tilespmem:v22+s16+$0x0] =	vst.idx.msk $0xffff, v3;
	v3 =	vadd.s32 v10, v45;
	v22 =	vadd.s32 $0x1, v11;
	v45 =	vld [tilespmem:$0x1FBF0]  }
0x2a1: {  	v21 =	vld [tilespmem:$0x1FBE0];
	v0 =	vsel vm11, v0, v52;
	v52 =	vsub.f32 $0.0e+00, v2;
	v6 =	vand.u32 $0x2, v22  }
0x2a2: {  	vm12 =	veq.s32 v6, $0x0  }
0x2a3: {  	v48 =	vld [tilespmem:$0x1FC00];
	v2 =	vsel vm12, v2, v52  }
0x2a4: {  	v52 =	vld [tilespmem:$0x1FC30];
	[tilespmem:v62+s16+$0x0] =	vst.idx.msk $0xffff, v1;
	v1 =	vsub.f32 v13, v8;
	v8 =	vmul.f32 v5, v49  }
0x2a5: {  	v22 =	vld [tilespmem:$0x1FC10];
	v4 =	vsub.f32 v43, v12  }
0x2a6: {  	[tilespmem:v51+s16+$0x0] =	vst.idx.msk $0xffff, v1;
	v1 =	vsub.f32 v14, v21;
	v62 =	vmul.f32 v8, v9  }
0x2a7: {  	v20 =	vld [tilespmem:$0x1FC40];
	v51 =	vsel vm15, $0xFFFFFFFF, v38;
	v21 =	vmul.f32 v0, v49;
	v8 =	vmul.f32 v8, v40  }
0x2a8: {  	v3 =	vadd.s32 v51, v3;
	[tilespmem:v45+s16+$0x0] =	vst.idx.msk $0xffff, v4;
	v4 =	vsub.f32 v13, v48;
	v48 =	vld [tilespmem:$0x1FC20]  }
0x2a9: {  	v10 =	vmul.f32 v21, v9;
	[tilespmem:v53+s16+$0x0] =	vst.idx.msk $0xffff, v1;
	v53 =	vmul.f32 v0, v40  }
0x2aa: {  	v1 =	vsub.f32 v43, v22;
	v22 =	vld [tilespmem:$0x1FC50];
	[tilespmem:v58+s16+$0x0] =	vst.idx.msk $0xffff, v4;
	v58 =	vmul.f32 v5, v40  }
0x2ab: {  	v4 =	vmul.f32 v21, v40;
	v21 =	vld [tilespmem:$0x1FCC0];
	v45 =	vadd.f32 v62, v53;
	v62 =	vmul.f32 v5, v9  }
0x2ac: {  	v11 =	vsub.f32 $0.0e+00, v2;
	v51 =	vmul.f32 v0, v9;
	[tilespmem:v52+s16+$0x0] =	vst.idx.msk $0xffff, v1;
	v52 =	vsub.f32 v58, v10;
	v58 =	vld [tilespmem:$0x1FC80]  }
0x2ad: {  	vm13 =	vle.f32 v15, v46;
	v6 =	vsub.f32 v14, v48;
	v1 =	vadd.f32 v4, v62;
	v62 =	vld [tilespmem:$0x1FC90]  }
0x2ae: {  	v53 =	vsel vm13, $0x1, v38;
	v48 =	vsub.f32 v51, v8;
	v51 =	vmul.f32 v11, v40;
	v40 =	vld [tilespmem:$0x1FC60]  }
0x2af: {  	[tilespmem:v20+s16+$0x0] =	vst.idx.msk $0xffff, v6;
	v20 =	vadd.s32 v53, v19;
	v53 =	vld [tilespmem:$0x1FC70]  }
0x2b0: {  	v11 =	vld [tilespmem:$0x1FCB0]  }
0x2b1: {  	vm14 =	vle.f32 v15, v56  }
0x2b2: {  	v15 =	vmul.f32 v49, v41;
	v12 =	vsub.f32 $0.0e+00, v5;
	v4 =	vsub.f32 v13, v22  }
0x2b3: {  	v5 =	vmul.f32 v51, v41;
	v10 =	vsub.f32 v13, v58;
	v58 =	vmul.f32 v48, v42  }
0x2b4: {  	v6 =	vsub.f32 v43, v40;
	v8 =	vsub.f32 v14, v53;
	v53 =	vmul.f32 v2, v9;
	v9 =	vld [tilespmem:$0x1FCA0]  }
0x2b5: {  	[tilespmem:v62+s16+$0x0] =	vst.idx.msk $0xffff, v4;
	v62 =	vmul.u32 $0x1B, v11;
	v4 =	vmul.f32 v12, v2;
	v11 =	vadd.f32 v58, v5;
	v58 =	vld [tilespmem:$0x1FD10]  }
0x2b6: {  	v40 =	vmul.f32 v45, v42;
	v22 =	vmul.f32 v53, v41;
	v41 =	vld [tilespmem:$0x1FCE0]  }
0x2b7: {  	[tilespmem:v21+s16+$0x0] =	vst.idx.msk $0xffff, v6;
	v19 =	vmul.f32 v4, v42;
	v42 =	vld [tilespmem:$0x1FCF0]  }
0x2b8: {  	v6 =	vadd.s32 $0x1, v18;
	[tilespmem:v61+s16+$0x0] =	vst.idx.msk $0xffff, v8;
	v8 =	vadd.f32 v40, v22;
	v40 =	vld [tilespmem:$0x1FCD0]  }
0x2b9: {  	v15 =	vadd.f32 v19, v15;
	v19 =	vld [tilespmem:$0x1FD00]  }
0x2ba: {  	v2 =	vmul.f32 v0, v2;
	v0 =	vadd.s32 $0x2, v18;
	_ =	sdelay $0x1  }
0x2bb: {  	v5 =	vld.idx.msk [tilespmem:v18+s12+$0x0], $0xffff  }
0x2bc: {  	v21 =	vadd.s32 $0x1, v62;
	v22 =	vmul.f32 v52, v39;
	v9 =	vsub.f32 v43, v9;
	v6 =	vld.idx.msk [tilespmem:v6+s12+$0x0], $0xffff  }
0x2bd: {  	v12 =	vsub.f32 v14, v40;
	v40 =	vmul.f32 v1, v39;
	[tilespmem:v41+s16+$0x0] =	vst.idx.msk $0xffff, v10;
	v19 =	vmul.u32 $0x3, v19  }
0x2be: {  	v10 =	vsel vm14, $0x1, v38;
	v41 =	vld.idx.msk [tilespmem:v0+s12+$0x0], $0xffff;
	v0 =	vadd.s32 $0x3, v62;
	[tilespmem:v42+s16+$0x0] =	vst.idx.msk $0xffff, v9;
	v9 =	vadd.s32 $0x2, v62  }
0x2bf: {  	v42 =	vmul.f32 v2, v39;
	v39 =	vadd.s32 $0x4, v62;
	[tilespmem:v58+s16+$0x0] =	vst.idx.msk $0xffff, v12;
	v58 =	vadd.s32 v19, v0  }
0x2c0: {  	v8 =	vadd.f32 v8, v22;
	v7 =	vadd.s32 v10, v7;
	v10 =	vadd.s32 v19, v39  }
0x2c1: {  	[tilespmem:v62+s16+$0x0] =	vst.idx.msk $0xffff, v5;
	v11 =	vadd.f32 v11, v40  }
0x2c2: {  	v61 =	vimm.s32 $0x2;
	v8 =	vsub.f32 v5, v8;
	v40 =	vsel vm1, $0x1, v38;
	[tilespmem:v21+s16+$0x0] =	vst.idx.msk $0xffff, v6  }
0x2c3: {  	v12 =	vadd.f32 v15, v42;
	v15 =	vsel vm0, $0x3, v61;
	v11 =	vsub.f32 v6, v11;
	[tilespmem:v9+s16+$0x0] =	vst.idx.msk $0xffff, v41  }
0x2c4: {  	v9 =	vadd.s32 v40, v15;
	[tilespmem:v58+s16+$0x0] =	vst.idx.msk $0xffff, v8  }
0x2c5: {  	v21 =	vsel vm2, $0x1, v38;
	v40 =	vmul.f32 v45, v37;
	[tilespmem:v10+s16+$0x0] =	vst.idx.msk $0xffff, v11;
	v10 =	vmul.f32 v53, v35  }
0x2c6: {  	v8 =	vsel vm5, $0x1, v38;
	v9 =	vadd.s32 v21, v9  }
0x2c7: {  	v42 =	vadd.s32 $0x5, v62;
	v8 =	vadd.s32 v8, v9;
	v9 =	vadd.f32 v40, v10;
	v40 =	vld [tilespmem:$0x1FD20]  }
0x2c8: {  	v19 =	vadd.s32 v19, v42;
	_ =	sdelay $0x1  }
0x2c9: {  	v12 =	vsub.f32 v41, v12  }
0x2ca: {  	v15 =	vsel vm13, $0xFFFFFFFF, v38;
	v58 =	vmul.f32 v51, v35;
	v38 =	vmul.f32 v48, v37  }
0x2cb: {  	v11 =	vmul.f32 v52, v36;
	v10 =	vmul.u32 $0x3, v40  }
0x2cc: {  	[tilespmem:v19+s16+$0x0] =	vst.idx.msk $0xffff, v12;
	v58 =	vadd.f32 v38, v58;
	v19 =	vmul.f32 v1, v36  }
0x2cd: {  	v38 =	vmul.f32 v49, v35;
	v35 =	vadd.s32 v10, v0  }
0x2ce: {  	v58 =	vadd.f32 v58, v19;
	v9 =	vadd.f32 v9, v11;
	v19 =	vadd.s32 v10, v39  }
0x2cf: {  	vm15 =	vle.f32 v46, v56  }
0x2d0: {  	v8 =	vadd.s32 v15, v8;
	v9 =	vsub.f32 v5, v9;
	v40 =	vmul.f32 v4, v37  }
0x2d1: {  	v15 =	vmul.f32 v2, v36;
	v36 =	vimm.s32 $0x0;
	v11 =	vsub.f32 v6, v58  }
0x2d2: {  	v46 =	vmul.f32 v49, v32;
	v22 =	vsel vm14, $0xFFFFFFFF, v36;
	v40 =	vadd.f32 v40, v38;
	[tilespmem:v35+s16+$0x0] =	vst.idx.msk $0xffff, v9  }
0x2d3: {  	v3 =	vmul.u32 $0x3, v3;
	v56 =	vmul.f32 v45, v34;
	v8 =	vadd.s32 v22, v8;
	[tilespmem:v19+s16+$0x0] =	vst.idx.msk $0xffff, v11;
	v19 =	vld [tilespmem:$0x1FD30]  }
0x2d4: {  	v58 =	vmul.f32 v51, v32;
	v12 =	vadd.f32 v40, v15;
	v15 =	vmul.f32 v53, v32  }
0x2d5: {  	v37 =	vmul.f32 v48, v34;
	v10 =	vadd.s32 v10, v42;
	v38 =	vmul.f32 v52, v33  }
0x2d6: {  	v40 =	vmul.f32 v1, v33;
	v32 =	vmul.f32 v48, v31;
	v15 =	vadd.f32 v56, v15  }
0x2d7: {  	v56 =	vmul.f32 v4, v34;
	v12 =	vsub.f32 v41, v12;
	v34 =	vmul.f32 v52, v28  }
0x2d8: {  	v9 =	vadd.f32 v37, v58;
	v15 =	vadd.f32 v15, v38;
	v19 =	vmul.u32 $0x3, v19  }
0x2d9: {  	v58 =	vmul.f32 v2, v33;
	v21 =	vadd.f32 v56, v46;
	v56 =	vmul.f32 v45, v31  }
0x2da: {  	v9 =	vadd.f32 v9, v40;
	v40 =	vsub.f32 v5, v15;
	v11 =	vadd.s32 v19, v0  }
0x2db: {  	v37 =	vadd.s32 v19, v39;
	v15 =	vadd.s32 v19, v42;
	v19 =	vmul.f32 v53, v30  }
0x2dc: {  	v35 =	vmul.f32 v1, v28;
	v38 =	vsel vm15, $0x1, v36;
	[tilespmem:v10+s16+$0x0] =	vst.idx.msk $0xffff, v12;
	v46 =	vadd.f32 v21, v58  }
0x2dd: {  	v7 =	vadd.s32 v38, v7;
	v58 =	vmul.f32 v51, v30;
	v19 =	vadd.f32 v56, v19  }
0x2de: {  	v9 =	vsub.f32 v6, v9;
	v10 =	vsub.f32 v41, v46;
	v46 =	vadd.s32 v3, v0  }
0x2df: {  	v56 =	vmul.f32 v52, v25;
	v38 =	vadd.f32 v19, v34;
	v19 =	vmul.f32 v45, v29  }
0x2e0: {  	v34 =	vmul.f32 v53, v23;
	[tilespmem:v11+s16+$0x0] =	vst.idx.msk $0xffff, v40;
	v11 =	vadd.f32 v32, v58  }
0x2e1: {  	v33 =	vsel vm15, $0xFFFFFFFF, v36;
	v58 =	vmul.f32 v48, v29;
	v32 =	vmul.f32 v1, v25;
	[tilespmem:v37+s16+$0x0] =	vst.idx.msk $0xffff, v9  }
0x2e2: {  	v9 =	vadd.s32 v33, v20;
	v20 =	vmul.f32 v49, v30;
	v37 =	vmul.f32 v4, v31  }
0x2e3: {  	v30 =	vmul.f32 v4, v29;
	v31 =	vadd.s32 v3, v39;
	v33 =	vmul.f32 v2, v25  }
0x2e4: {  	[tilespmem:v15+s16+$0x0] =	vst.idx.msk $0xffff, v10;
	v11 =	vadd.f32 v11, v35;
	v15 =	vmul.f32 v53, v27  }
0x2e5: {  	v10 =	vsub.f32 v5, v38;
	v35 =	vmul.f32 v45, v24;
	v38 =	vmul.f32 v48, v24  }
0x2e6: {  	v24 =	vmul.f32 v4, v24;
	v40 =	vadd.f32 v37, v20;
	v20 =	vmul.f32 v2, v28  }
0x2e7: {  	v3 =	vadd.s32 v3, v42;
	v37 =	vmul.f32 v51, v23;
	v23 =	vmul.f32 v49, v23  }
0x2e8: {  	v9 =	vmul.u32 $0x3, v9;
	v15 =	vadd.f32 v19, v15;
	v19 =	vmul.f32 v51, v27;
	[tilespmem:v46+s16+$0x0] =	vst.idx.msk $0xffff, v10  }
0x2e9: {  	v11 =	vsub.f32 v6, v11;
	v21 =	vadd.f32 v35, v34;
	v46 =	vmul.f32 v1, v26  }
0x2ea: {  	v12 =	vadd.f32 v40, v20;
	v20 =	vmul.f32 v49, v27;
	v40 =	vmul.f32 v52, v26  }
0x2eb: {  	v23 =	vadd.f32 v24, v23;
	v26 =	vmul.f32 v2, v26;
	v15 =	vadd.f32 v15, v56  }
0x2ec: {  	v8 =	vmul.u32 $0x3, v8;
	v19 =	vadd.f32 v58, v19;
	[tilespmem:v31+s16+$0x0] =	vst.idx.msk $0xffff, v11;
	v11 =	vadd.f32 v38, v37  }
0x2ed: {  	v29 =	vadd.s32 v9, v39;
	v27 =	vld [tilespmem:$0x1FD40];
	v20 =	vadd.f32 v30, v20;
	v12 =	vsub.f32 v41, v12  }
0x2ee: {  	v56 =	vadd.s32 v8, v0;
	v38 =	vld [tilespmem:$0x1FD60];
	v21 =	vadd.f32 v21, v40;
	v22 =	vadd.f32 v23, v26  }
0x2ef: {  	v58 =	vadd.s32 v8, v39;
	v19 =	vadd.f32 v19, v32;
	v11 =	vadd.f32 v11, v46  }
0x2f0: {  	v8 =	vadd.s32 v8, v42;
	v37 =	vsub.f32 v5, v15;
	v20 =	vadd.f32 v20, v33;
	v33 =	vld [tilespmem:$0x1FD50]  }
0x2f1: {  	v7 =	vmul.u32 $0x3, v7;
	[tilespmem:v3+s16+$0x0] =	vst.idx.msk $0xffff, v12;
	v21 =	vsub.f32 v5, v21;
	v22 =	vsub.f32 v41, v22  }
0x2f2: {  	v32 =	vmul.f32 v53, v27;
	v15 =	vsub.f32 v6, v19;
	v46 =	vmul.f32 v51, v27  }
0x2f3: {  	v30 =	vmul.f32 v49, v27;
	v11 =	vsub.f32 v6, v11;
	v40 =	vmul.f32 v52, v38  }
0x2f4: {  	v10 =	vadd.s32 $0x3E, v55;
	[tilespmem:v56+s16+$0x0] =	vst.idx.msk $0xffff, v37;
	v20 =	vsub.f32 v41, v20;
	v31 =	vmul.f32 v2, v38  }
0x2f5: {  	v35 =	vadd.s32 $0x3F, v55;
	[tilespmem:v58+s16+$0x0] =	vst.idx.msk $0xffff, v15;
	v58 =	vadd.s32 v9, v0;
	v34 =	vmul.f32 v45, v33  }
0x2f6: {  	[tilespmem:v8+s16+$0x0] =	vst.idx.msk $0xffff, v20;
	v56 =	vmul.f32 v48, v33;
	v20 =	vmul.f32 v4, v33  }
0x2f7: {  	v9 =	vadd.s32 v9, v42;
	v0 =	vadd.s32 v7, v0;
	v19 =	vadd.f32 v34, v32  }
0x2f8: {  	v12 =	vadd.f32 v56, v46;
	v8 =	vadd.f32 v20, v30;
	v20 =	vmul.f32 v1, v38  }
0x2f9: {  	v10 =	vld.idx.msk [tilespmem:v10+s12+$0x0], $0xffff;
	v15 =	vadd.s32 $0x40, v55;
	v32 =	vadd.s32 v7, v39;
	v19 =	vadd.f32 v19, v40  }
0x2fa: {  	v3 =	vld.idx.msk [tilespmem:v35+s12+$0x0], $0xffff;
	v7 =	vadd.s32 v7, v42;
	[tilespmem:v58+s16+$0x0] =	vst.idx.msk $0xffff, v21;
	v12 =	vadd.f32 v12, v20  }
0x2fb: {  	[tilespmem:v29+s16+$0x0] =	vst.idx.msk $0xffff, v11;
	v8 =	vadd.f32 v8, v31;
	v33 =	vsub.f32 v5, v19;
	v19 =	vadd.s32 $0x3E, v18  }
0x2fc: {  	v35 =	vadd.s32 $0x3F, v18;
	[tilespmem:v9+s16+$0x0] =	vst.idx.msk $0xffff, v22;
	v34 =	vsub.f32 v6, v12  }
0x2fd: {  	v37 =	vadd.s32 $0x40, v18;
	v40 =	vld [tilespmem:$0x1FD70];
	v8 =	vsub.f32 v41, v8;
	[tilespmem:v0+s16+$0x0] =	vst.idx.msk $0xffff, v33  }
0x2fe: {  	v15 =	vld.idx.msk [tilespmem:v15+s12+$0x0], $0xffff;
	[tilespmem:v32+s16+$0x0] =	vst.idx.msk $0xffff, v34  }
0x2ff: {  	[tilespmem:v7+s16+$0x0] =	vst.idx.msk $0xffff, v8  }
0x300: {  	v38 =	vmul.f32 v10, v59;
	v39 =	vmul.f32 v3, v54;
	v9 =	vld.idx.msk [tilespmem:v19+s12+$0x0], $0xffff  }
0x301: {  	v54 =	vadd.s32 $0x18, v57;
	v59 =	vadd.s32 $0x18, v62;
	v18 =	vmul.f32 v3, v60;
	v12 =	vld.idx.msk [tilespmem:v35+s12+$0x0], $0xffff  }
0x302: {  	v3 =	vmul.f32 v3, v16;
	v16 =	vadd.s32 $0x1A, v57;
	v11 =	vmul.f32 v10, v40;
	v0 =	vld.idx.msk [tilespmem:v37+s12+$0x0], $0xffff  }
0x303: {  	v60 =	vadd.s32 $0x19, v62;
	v42 =	vmul.f32 v15, v47;
	v10 =	vmul.f32 v10, v44  }
0x304: {  	v17 =	vmul.f32 v15, v17;
	v7 =	vadd.f32 v39, v38;
	v11 =	vadd.f32 v18, v11  }
0x305: {  	v46 =	vmul.f32 v15, v50;
	v15 =	vadd.s32 $0x19, v57;
	v3 =	vadd.f32 v3, v10  }
0x306: {  	v7 =	vadd.f32 v42, v7;
	v44 =	vadd.f32 v17, v11;
	v50 =	vmul.f32 v9, v53  }
0x307: {  	v3 =	vadd.f32 v46, v3;
	v53 =	vmul.f32 v12, v45;
	v55 =	vmul.f32 v0, v52  }
0x308: {  	v7 =	vsub.f32 v13, v7;
	v17 =	vmul.f32 v9, v51;
	v18 =	vmul.f32 v12, v48  }
0x309: {  	v9 =	vmul.f32 v9, v49;
	v4 =	vmul.f32 v12, v4;
	v11 =	vadd.f32 v53, v50  }
0x30a: {  	v8 =	vsub.f32 v43, v44;
	v1 =	vmul.f32 v0, v1;
	v58 =	vadd.f32 v18, v17  }
0x30b: {  	s20 =	sadd.s32 $0x2, s20;
	v0 =	vmul.f32 v0, v2;
	v4 =	vadd.f32 v4, v9;
	v11 =	vadd.f32 v55, v11  }
0x30c: {  	p0 =	slt.u32 s20, $0x6;
	v62 =	vadd.s32 $0x1A, v62;
	v3 =	vsub.f32 v14, v3;
	[tilespmem:v54+s16+$0x0] =	vst.idx.msk $0xffff, v7;
	v1 =	vadd.f32 v1, v58  }
.Ltmp1:
0x30d: {  	[tilespmem:v15+s16+$0x0] =	vst.idx.msk $0xffff, v8;
	v0 =	vadd.f32 v0, v4;
	v5 =	vsub.f32 v5, v11;
	(pc) =	sbr.rel @p0 .LBB2_4-.Ltmp1, $4  }
0x30e: {  	[tilespmem:v16+s16+$0x0] =	vst.idx.msk $0xffff, v3;
	v1 =	vsub.f32 v6, v1  }
0x30f: {  	v0 =	vsub.f32 v41, v0;
	[tilespmem:v59+s16+$0x0] =	vst.idx.msk $0xffff, v5  }
0x310: {  	v47 =	vimm.s32 $0x1;
	v57 =	vimm.s32 $0x6;
	[tilespmem:v60+s16+$0x0] =	vst.idx.msk $0xffff, v1  }
0x311: {  	s21 =	sadd.s32 $0x20, s21;
	v19 =	vimm.s32 $0x4;
	v51 =	vlaneseq.u32;
	v17 =	vimm.s32 $0x5;
	[tilespmem:v62+s16+$0x0] =	vst.idx.msk $0xffff, v0  }
0x312: {  	[hbm4b:s7+s2] =	stream.linear.scatter [tilespmem:s16], [sflag:$0x4], $0xD80, $0x38;
	[tilespmem:$0x6000] =	vst v63  }
0x313: {  	_ = 	snop  }
0x314: {  	[tilespmem:s12], [sflag:$0x2] =	stream.linear.gather [hbm4b:s8+s2], $0x2280, $0x38;
	[tilespmem:$0x6000] =	vst v63  }
0x315: {  	_ =	swait.ge [sflag:s13], $0x2280  }
0x316: {  	[sflag:s13] =	ssyncset.done $0x0  }
0x317: {  	[sflag:s13] =	ssyncadd.s32 $0xFFFFDD80  }
0x318: {  	_ =	swait.ge [sflag:s17], $0xD80  }
0x319: {  	[sflag:s17] =	ssyncset.done $0x0  }
0x31a: {  	s20 =	simm.s32 $0xFFFFFFFE;
	s21 =	simm.s32 $0x10;
	[sflag:s17] =	ssyncadd.s32 $0xFFFFF280  }
.LBB2_6:
0x31b: {  	s22 =	sadd.s32 $0xFFFFFFF0, s21  }
0x31c: {  	v49 =	vor.u32 s22, v51  }
0x31d: {  	v55 =	vmul.u32 $0x45, v49;
	_ =	sdelay $0x1  }
0x31e: {  	v0 =	vadd.s32 $0xD, v55  }
0x31f: {  	v1 =	vadd.s32 $0xE, v55  }
0x320: {  	v2 =	vadd.s32 $0xF, v55  }
0x321: {  	v3 =	vadd.s32 $0x14, v55  }
0x322: {  	v4 =	vadd.s32 $0x15, v55  }
0x323: {  	v25 =	vadd.s32 $0x16, v55;
	v33 =	vld.idx.msk [tilespmem:v0+s2+$0x0], $0xffff  }
0x324: {  	v26 =	vadd.s32 $0x1B, v55;
	v34 =	vld.idx.msk [tilespmem:v1+s2+$0x0], $0xffff  }
0x325: {  	v37 =	vadd.s32 $0x1C, v55;
	v32 =	vld.idx.msk [tilespmem:v2+s2+$0x0], $0xffff  }
0x326: {  	v38 =	vadd.s32 $0x1D, v55;
	v29 =	vld.idx.msk [tilespmem:v3+s2+$0x0], $0xffff  }
0x327: {  	v39 =	vadd.s32 $0x22, v55;
	v30 =	vld.idx.msk [tilespmem:v4+s2+$0x0], $0xffff  }
0x328: {  	v40 =	vadd.s32 $0x23, v55;
	v31 =	vld.idx.msk [tilespmem:v25+s2+$0x0], $0xffff  }
0x329: {  	v41 =	vadd.s32 $0x24, v55;
	v18 =	vld.idx.msk [tilespmem:v26+s2+$0x0], $0xffff  }
0x32a: {  	v9 =	vadd.s32 $0x30, v55;
	v28 =	vld.idx.msk [tilespmem:v37+s2+$0x0], $0xffff  }
0x32b: {  	v43 =	vadd.s32 $0x31, v55;
	v6 =	vld.idx.msk [tilespmem:v38+s2+$0x0], $0xffff  }
0x32c: {  	v44 =	vadd.s32 $0x37, v55;
	v4 =	vld.idx.msk [tilespmem:v39+s2+$0x0], $0xffff  }
0x32d: {  	v45 =	vadd.s32 $0x38, v55;
	v5 =	vld.idx.msk [tilespmem:v40+s2+$0x0], $0xffff  }
0x32e: {  	v7 =	vadd.s32 $0x29, v55;
	v2 =	vld.idx.msk [tilespmem:v41+s2+$0x0], $0xffff  }
0x32f: {  	v42 =	vadd.s32 $0x2A, v55;
	v23 =	vld.idx.msk [tilespmem:v9+s2+$0x0], $0xffff  }
0x330: {  	v48 =	vadd.s32 $0x39, v55;
	v24 =	vld.idx.msk [tilespmem:v43+s2+$0x0], $0xffff;
	v10 =	vmul.f32 v33, v33;
	v11 =	vmul.f32 v34, v34  }
0x331: {  	v8 =	vadd.s32 $0x2B, v55;
	v20 =	vld.idx.msk [tilespmem:v44+s2+$0x0], $0xffff;
	v50 =	vmul.f32 v32, v32;
	v12 =	vmul.f32 v29, v29  }
0x332: {  	v46 =	vadd.s32 $0x32, v55;
	v21 =	vld.idx.msk [tilespmem:v45+s2+$0x0], $0xffff;
	v52 =	vmul.f32 v30, v30;
	v13 =	vmul.f32 v31, v31  }
0x333: {  	v0 =	vld.idx.msk [tilespmem:v7+s2+$0x0], $0xffff;
	v60 =	vmul.f32 v18, v18;
	v62 =	vmul.f32 v28, v28  }
0x334: {  	v27 =	vld.idx.msk [tilespmem:v42+s2+$0x0], $0xffff;
	v35 =	vmul.f32 v6, v6;
	v37 =	vmul.f32 v4, v4  }
0x335: {  	v45 =	vld.idx.msk [tilespmem:v48+s2+$0x0], $0xffff;
	v39 =	vmul.f32 v5, v5;
	v40 =	vmul.f32 v2, v2  }
0x336: {  	v22 =	vimm.s32 $0x0;
	v26 =	vld.idx.msk [tilespmem:v8+s2+$0x0], $0xffff;
	v43 =	vmul.f32 v23, v23;
	v14 =	vmul.f32 v24, v24  }
0x337: {  	v25 =	vld.idx.msk [tilespmem:v46+s2+$0x0], $0xffff;
	v44 =	vmul.f32 v20, v20;
	v15 =	vmul.f32 v21, v21;
	v10 =	vadd.f32 v11, v10  }
0x338: {  	v41 =	vmul.f32 v0, v0;
	v1 =	vadd.f32 v52, v12;
	v38 =	vadd.f32 v62, v60  }
0x339: {  	v42 =	vmul.f32 v27, v27;
	v8 =	vadd.f32 v14, v43;
	v12 =	vadd.f32 v15, v44  }
0x33a: {  	v15 =	vmul.f32 v45, v45;
	v53 =	vadd.f32 v50, v10;
	v13 =	vadd.f32 v13, v1  }
0x33b: {  	v46 =	vmul.f32 v26, v26;
	v10 =	vadd.f32 v39, v37;
	v1 =	vadd.f32 v42, v41  }
0x33c: {  	v48 =	vmul.f32 v25, v25;
	v3 =	vadd.f32 v35, v38;
	v9 =	vadd.f32 v15, v12  }
0x33d: {  	v44 =	vadd.s32 $0x3, v55;
	v10 =	vadd.f32 v40, v10;
	v11 =	vadd.f32 v46, v1  }
0x33e: {  	v1 =	vadd.f32 v48, v8;
	vm0 =	vle.f32 v53, v13;
	vm9 =	vle.f32 v53, v3  }
0x33f: {  	vm12 =	vle.f32 v53, v9;
	vm13 =	vle.f32 v13, v3;
	vm5 =	vle.f32 v13, v9  }
0x340: {  	v50 =	vsel vm0, $0x6, v17;
	v54 =	vsel vm0, $0x5, v57;
	v56 =	vsel vm9, $0xFFFFFFFF, v36  }
0x341: {  	v15 =	vsel vm9, $0x5, v19;
	v62 =	vsel vm12, $0xFFFFFFFF, v36;
	v46 =	vsel vm13, $0xFFFFFFFF, v36  }
0x342: {  	v35 =	vsel vm13, $0x1, v36;
	vm9 =	vle.f32 v3, v9;
	vm10 =	vle.f32 v53, v10  }
0x343: {  	v12 =	vadd.s32 v56, v54;
	vm1 =	vle.f32 v53, v11;
	vm11 =	vle.f32 v53, v1  }
0x344: {  	vm14 =	vle.f32 v13, v10;
	vm15 =	vle.f32 v13, v11;
	vm4 =	vle.f32 v13, v1  }
0x345: {  	v8 =	vadd.s32 v46, v50;
	v13 =	vsel vm5, $0xFFFFFFFF, v22;
	vm6 =	vle.f32 v3, v10  }
0x346: {  	vm7 =	vle.f32 v3, v11;
	vm8 =	vle.f32 v3, v1;
	v15 =	vadd.s32 v35, v15  }
0x347: {  	vm13 =	vle.f32 v11, v1;
	v58 =	vsel vm10, $0xFFFFFFFF, v36;
	v16 =	vsel vm10, $0x4, v63  }
0x348: {  	v59 =	vsel vm1, $0xFFFFFFFF, v36;
	v17 =	vsel vm1, $0x3, v61;
	v60 =	vsel vm11, $0xFFFFFFFF, v36  }
0x349: {  	v19 =	vsel vm11, $0x2, v47;
	v63 =	vsel vm12, $0x1, v36;
	v47 =	vsel vm14, $0xFFFFFFFF, v22  }
0x34a: {  	v37 =	vsel vm14, $0x1, v22;
	v38 =	vsel vm15, $0xFFFFFFFF, v22;
	v39 =	vsel vm15, $0x1, v22  }
0x34b: {  	v40 =	vsel vm4, $0xFFFFFFFF, v22;
	v41 =	vsel vm4, $0x1, v22;
	v50 =	vsel vm6, $0xFFFFFFFF, v22  }
0x34c: {  	v7 =	vld.idx.msk [tilespmem:v44+s2+$0x0], $0xffff;
	v52 =	vsel vm6, $0x1, v22;
	v36 =	vsel vm7, $0x1, v22;
	v56 =	vsel vm8, $0x1, v22  }
0x34d: {  	vm10 =	vle.f32 v10, v11;
	vm11 =	vle.f32 v10, v1;
	vm12 =	vle.f32 v10, v9  }
0x34e: {  	vm14 =	vle.f32 v11, v9;
	vm15 =	vle.f32 v1, v9;
	v12 =	vadd.s32 v58, v12  }
0x34f: {  	v48 =	vadd.s32 v41, v19;
	v8 =	vadd.s32 v47, v8;
	v19 =	vsel vm5, $0x1, v22  }
0x350: {  	v44 =	vsel vm10, $0x1, v22;
	v12 =	vadd.s32 v59, v12;
	v8 =	vadd.s32 v38, v8  }
0x351: {  	v14 =	vadd.s32 v19, v63;
	v61 =	vadd.s32 v60, v12;
	v58 =	vmul.f32 $6.366197460e-01, v7  }
0x352: {  	v19 =	vsel vm7, $0xFFFFFFFF, v22;
	v60 =	vadd.s32 v50, v15;
	v53 =	vadd.s32 v62, v61  }
0x353: {  	v3 =	vadd.s32 v19, v60;
	v19 =	vadd.s32 $0x4, v55;
	v61 =	vadd.f32 $1.258291200e+07, v58  }
0x354: {  	v46 =	vsel vm11, $0xFFFFFFFF, v22;
	v47 =	vsel vm11, $0x1, v22;
	v8 =	vadd.s32 v40, v8  }
0x355: {  	v59 =	vsel vm8, $0xFFFFFFFF, v22;
	v43 =	vadd.s32 v13, v8;
	v8 =	vadd.f32 $-1.258291200e+07, v61  }
0x356: {  	v54 =	vadd.s32 v37, v16;
	v15 =	vsel vm9, $0xFFFFFFFF, v22;
	v3 =	vadd.s32 v59, v3  }
0x357: {  	v12 =	vadd.s32 v56, v48;
	v48 =	vadd.s32 v15, v3;
	v15 =	vmul.f32 $1.570800780e+00, v8  }
0x358: {  	v16 =	vsel vm12, $0x1, v22;
	v63 =	vsel vm10, $0xFFFFFFFF, v22;
	v50 =	vadd.s32 $0x5, v55;
	v19 =	vld.idx.msk [tilespmem:v19+s2+$0x0], $0xffff  }
0x359: {  	v10 =	vadd.s32 v52, v54;
	v7 =	vsub.f32 v7, v15;
	v15 =	vmul.f32 $4.454454940e-06, v8  }
0x35a: {  	v56 =	vsel vm12, $0xFFFFFFFF, v22;
	v62 =	vsel vm9, $0x1, v22;
	v12 =	vadd.s32 v47, v12  }
0x35b: {  	v14 =	vadd.s32 v62, v14;
	v59 =	vsel vm13, $0xFFFFFFFF, v22;
	v13 =	vadd.f32 v15, v7  }
0x35c: {  	v62 =	vsel vm14, $0x1, v22;
	v14 =	vadd.s32 v16, v14;
	v3 =	vadd.s32 v63, v10  }
0x35d: {  	v16 =	vsel vm13, $0x1, v22;
	v15 =	vld.idx.msk [tilespmem:v50+s2+$0x0], $0xffff;
	v60 =	vmul.f32 $6.366197460e-01, v19;
	v58 =	vmul.f32 v13, v13  }
0x35e: {  	v63 =	vadd.s32 v39, v17;
	v3 =	vadd.s32 v46, v3;
	v38 =	vadd.s32 v16, v12  }
0x35f: {  	v16 =	vsel vm14, $0xFFFFFFFF, v22;
	v7 =	vadd.f32 $1.258291200e+07, v60;
	v61 =	vmul.f32 $2.443315680e-05, v58  }
0x360: {  	v12 =	vadd.s32 v62, v14;
	v36 =	vadd.s32 v36, v63;
	v17 =	vmul.f32 $1.951529560e-04, v58  }
0x361: {  	v8 =	vtrunc.f32 v8;
	v37 =	vadd.f32 $-1.258291200e+07, v7;
	v11 =	vadd.f32 $-1.388731650e-03, v61  }
0x362: {  	v8 =	vcvt.f32.s32 v8;
	v39 =	vmul.f32 $6.366197460e-01, v15;
	v17 =	vsub.f32 $8.332161230e-03, v17  }
0x363: {  	v52 =	vadd.s32 v56, v3;
	v40 =	vmul.f32 $1.570800780e+00, v37;
	v11 =	vmul.f32 v11, v58  }
0x364: {  	v7 =	vadd.s32 v44, v36;
	v42 =	vadd.f32 $1.258291200e+07, v39;
	v44 =	vmul.f32 v17, v58  }
0x365: {  	v17 =	vsub.f32 v19, v40;
	v19 =	vmul.f32 $4.454454940e-06, v37;
	v41 =	vadd.f32 $4.166664560e-02, v11  }
0x366: {  	v46 =	vmul.f32 v58, v13;
	v3 =	vadd.s32 v59, v7;
	v11 =	vadd.f32 $-1.258291200e+07, v42  }
0x367: {  	v59 =	vand.u32 $0x2, v8;
	v17 =	vadd.f32 v19, v17;
	v7 =	vmul.f32 v41, v58  }
0x368: {  	vm7 =	veq.s32 v59, $0x0;
	v37 =	vtrunc.f32 v37;
	v47 =	vmul.f32 $1.570800780e+00, v11  }
0x369: {  	v14 =	vadd.f32 $-1.666665520e-01, v44;
	v54 =	vmul.f32 v17, v17;
	v19 =	vadd.f32 $-5.000000000e-01, v7  }
0x36a: {  	v7 =	vadd.s32 v16, v3;
	v15 =	vsub.f32 v15, v47;
	v16 =	vmul.f32 $4.454454940e-06, v11  }
0x36b: {  	v44 =	vand.u32 $0x1, v8;
	v8 =	vadd.s32 $0x1, v8;
	v41 =	vmul.f32 $2.443315680e-05, v54  }
0x36c: {  	vm6 =	veq.s32 v44, $0x0;
	v50 =	vmul.f32 v14, v46;
	v46 =	vadd.f32 v16, v15  }
0x36d: {  	v8 =	vand.u32 $0x2, v8;
	v56 =	vmul.f32 $1.951529560e-04, v54;
	v3 =	vadd.f32 $-1.388731650e-03, v41  }
0x36e: {  	vm8 =	veq.s32 v8, $0x0;
	v10 =	vmul.f32 v19, v58;
	v19 =	vmul.f32 v46, v46  }
0x36f: {  	v40 =	vadd.f32 v50, v13;
	v63 =	vmul.f32 v54, v17;
	v3 =	vmul.f32 v3, v54  }
0x370: {  	v15 =	vsel vm15, $0x1, v22;
	v58 =	vsub.f32 $8.332161230e-03, v56;
	v61 =	vmul.f32 $2.443315680e-05, v19  }
0x371: {  	v41 =	vcvt.f32.s32 v37;
	v42 =	vadd.f32 $1.000000000e+00, v10;
	v3 =	vadd.f32 $4.166664560e-02, v3  }
0x372: {  	v56 =	vtrunc.f32 v11;
	v9 =	vmul.f32 v58, v54;
	v62 =	vadd.f32 $-1.388731650e-03, v61  }
0x373: {  	v50 =	vand.u32 $0x1, v41;
	v16 =	vsel vm6, v40, v42;
	v3 =	vmul.f32 v3, v54  }
0x374: {  	v1 =	vsel vm6, v42, v40;
	v40 =	vmul.f32 $1.951529560e-04, v19;
	v10 =	vmul.f32 v62, v19  }
0x375: {  	vm2 =	veq.s32 v50, $0x0;
	v9 =	vadd.f32 $-1.666665520e-01, v9;
	v3 =	vadd.f32 $-5.000000000e-01, v3  }
0x376: {  	v58 =	vmul.f32 v19, v46;
	v36 =	vsub.f32 $8.332161230e-03, v40;
	v10 =	vadd.f32 $4.166664560e-02, v10  }
0x377: {  	v60 =	vsub.f32 $0.0e+00, v16;
	v9 =	vmul.f32 v9, v63;
	v3 =	vmul.f32 v3, v54  }
0x378: {  	v61 =	vand.u32 $0x2, v41;
	v54 =	vmul.f32 v36, v19;
	v10 =	vmul.f32 v10, v19  }
0x379: {  	v16 =	vsel vm7, v16, v60;
	v60 =	vcvt.f32.s32 v56;
	v47 =	vadd.f32 v9, v17  }
0x37a: {  	vm9 =	veq.s32 v61, $0x0;
	v14 =	vadd.f32 $-1.666665520e-01, v54;
	v10 =	vadd.f32 $-5.000000000e-01, v10  }
0x37b: {  	v17 =	vsub.f32 $0.0e+00, v1;
	v63 =	vand.u32 $0x1, v60;
	v35 =	vand.u32 $0x2, v60  }
0x37c: {  	v3 =	vadd.f32 $1.000000000e+00, v3;
	v11 =	vmul.f32 v14, v58;
	v10 =	vmul.f32 v10, v19  }
0x37d: {  	vm10 =	veq.s32 v63, $0x0;
	vm11 =	veq.s32 v35, $0x0;
	v1 =	vsel vm8, v1, v17  }
0x37e: {  	v59 =	vsel vm2, v47, v3;
	v11 =	vadd.f32 v11, v46;
	v10 =	vadd.f32 $1.000000000e+00, v10  }
0x37f: {  	v3 =	vsel vm2, v3, v47;
	v14 =	vadd.s32 $0x1, v41;
	v62 =	vsub.f32 $0.0e+00, v59  }
0x380: {  	v8 =	vand.u32 $0x2, v14;
	v19 =	vadd.s32 $0x1, v60;
	v13 =	vsel vm10, v11, v10  }
0x381: {  	v39 =	vsub.f32 $0.0e+00, v3;
	v10 =	vsel vm10, v10, v11;
	v36 =	vsub.f32 $0.0e+00, v13  }
0x382: {  	v37 =	vand.u32 $0x2, v19;
	vm3 =	veq.s32 v8, $0x0;
	v19 =	vsub.f32 $0.0e+00, v10  }
0x383: {  	v44 =	vsel vm9, v59, v62;
	vm12 =	veq.s32 v37, $0x0;
	v14 =	vsel vm11, v13, v36  }
0x384: {  	v40 =	vsel vm12, v10, v19;
	v19 =	vsel vm3, v3, v39;
	v41 =	vmul.f32 v14, v44  }
0x385: {  	v3 =	vadd.s32 v15, v12;
	v17 =	vmul.f32 v40, v44;
	v46 =	vmul.f32 v40, v16  }
0x386: {  	v42 =	vsub.f32 $0.0e+00, v19;
	v15 =	vmul.f32 v40, v1;
	v59 =	vmul.f32 v19, v1  }
0x387: {  	v47 =	vmul.f32 v41, v1;
	v50 =	vmul.f32 v41, v16  }
0x388: {  	v62 =	vmul.f32 v42, v16;
	v56 =	vmul.f32 v17, v1  }
0x389: {  	v1 =	vmul.f32 v14, v1;
	v60 =	vsub.f32 v15, v50;
	v15 =	vmul.f32 v14, v16  }
0x38a: {  	v16 =	vmul.f32 v17, v16;
	v63 =	vmul.f32 v62, v33  }
0x38b: {  	v54 =	vadd.f32 v47, v46;
	v47 =	vmul.f32 v40, v19;
	v40 =	vmul.f32 v59, v29  }
0x38c: {  	v58 =	vsub.f32 $0.0e+00, v14;
	v46 =	vmul.f32 v62, v29;
	v29 =	vmul.f32 v44, v29  }
0x38d: {  	v50 =	vsub.f32 v15, v56;
	v15 =	vmul.f32 v59, v33;
	v61 =	vmul.f32 v54, v34  }
0x38e: {  	v17 =	vadd.f32 v16, v1;
	v12 =	vmul.f32 v60, v34;
	v16 =	vmul.f32 v58, v19  }
0x38f: {  	v19 =	vmul.f32 v44, v33;
	v41 =	vmul.f32 v54, v30  }
0x390: {  	v56 =	vmul.f32 v60, v30;
	v36 =	vmul.f32 v60, v28  }
0x391: {  	v13 =	vmul.f32 v50, v32;
	v14 =	vmul.f32 v17, v32  }
0x392: {  	v1 =	vadd.f32 v12, v63;
	v39 =	vmul.f32 v16, v34;
	v32 =	vmul.f32 v47, v32  }
0x393: {  	v35 =	vadd.f32 v61, v15;
	v42 =	vmul.f32 v50, v31;
	v61 =	vmul.f32 v16, v30  }
0x394: {  	v63 =	vmul.f32 v47, v31;
	v8 =	vadd.f32 v56, v46;
	v1 =	vadd.f32 v1, v14  }
0x395: {  	v12 =	vmul.f32 v59, v18;
	v46 =	vmul.f32 v60, v5;
	v19 =	vadd.f32 v39, v19  }
0x396: {  	v37 =	vadd.f32 v35, v13;
	v13 =	vmul.f32 v54, v28;
	[tilespmem:$0x1F890] =	vst v1;
	v1 =	vadd.f32 v41, v40  }
0x397: {  	v14 =	vmul.f32 v62, v18;
	v58 =	vadd.f32 v19, v32;
	v19 =	vmul.f32 v17, v31  }
0x398: {  	[tilespmem:$0x1F880] =	vst v37;
	v37 =	vadd.f32 v13, v12;
	v40 =	vmul.f32 v17, v6;
	v1 =	vadd.f32 v1, v42  }
0x399: {  	v39 =	vadd.f32 v36, v14;
	v41 =	vmul.f32 v44, v18;
	v18 =	vmul.f32 v16, v28  }
0x39a: {  	v12 =	vmul.f32 v60, v27;
	v13 =	vor.u32 s21, v51;
	[tilespmem:$0x1F8B0] =	vst v1;
	v1 =	vadd.f32 v61, v29  }
0x39b: {  	v14 =	vmul.f32 v50, v26;
	v8 =	vadd.f32 v8, v19;
	v19 =	vmul.f32 v50, v6  }
0x39c: {  	v32 =	vmul.f32 v17, v26;
	[tilespmem:$0x1F8A0] =	vst v58;
	v42 =	vmul.f32 v59, v4;
	v1 =	vadd.f32 v1, v63  }
0x39d: {  	v6 =	vmul.f32 v47, v6;
	v58 =	vmul.f32 v17, v2;
	[tilespmem:$0x1F8C0] =	vst v8;
	v8 =	vadd.f32 v37, v19  }
0x39e: {  	v19 =	vmul.f32 v54, v5;
	v5 =	vmul.f32 v16, v5;
	[tilespmem:$0x1F8D0] =	vst v1;
	v1 =	vadd.f32 v39, v40  }
0x39f: {  	v61 =	vmul.f32 v59, v0;
	[tilespmem:$0x1F8E0] =	vst v8;
	v8 =	vadd.f32 v18, v41;
	v18 =	vmul.f32 v50, v2  }
0x3a0: {  	v63 =	vmul.f32 v54, v27;
	v2 =	vmul.f32 v47, v2;
	[tilespmem:$0x1F8F0] =	vst v1;
	v1 =	vadd.f32 v19, v42  }
0x3a1: {  	v6 =	vadd.f32 v8, v6;
	v19 =	vmul.f32 v62, v4;
	v4 =	vmul.f32 v44, v4  }
0x3a2: {  	v40 =	vmul.f32 v50, v45;
	v1 =	vadd.f32 v1, v18;
	v18 =	vmul.u32 $0x45, v13  }
0x3a3: {  	v56 =	vadd.f32 v46, v19;
	v4 =	vadd.f32 v5, v4;
	v19 =	vmul.f32 v62, v0  }
0x3a4: {  	v5 =	vadd.f32 v63, v61;
	v0 =	vmul.f32 v44, v0;
	v34 =	vadd.s32 $0xD, v18  }
0x3a5: {  	v46 =	vmul.f32 v16, v27;
	v63 =	vmul.f32 v50, v25;
	v37 =	vadd.s32 $0xE, v18  }
0x3a6: {  	[tilespmem:$0x1FA30] =	vst v13;
	v13 =	vmul.f32 v60, v24;
	v19 =	vadd.f32 v12, v19;
	v51 =	vadd.s32 $0xF, v18  }
0x3a7: {  	[tilespmem:$0x1F940] =	vst v1;
	v1 =	vadd.f32 v56, v58;
	v33 =	vadd.f32 v4, v2;
	v61 =	vadd.s32 $0x15, v18  }
0x3a8: {  	v35 =	vadd.f32 v5, v14;
	v56 =	vmul.f32 v59, v23;
	v11 =	vadd.s32 $0x16, v18  }
0x3a9: {  	v58 =	vmul.f32 v54, v24;
	v0 =	vadd.f32 v46, v0;
	v14 =	vadd.s32 $0x1B, v18;
	v41 =	vld.idx.msk [tilespmem:v34+s2+$0x0], $0xffff  }
0x3aa: {  	v4 =	vmul.f32 v47, v26;
	v12 =	vmul.f32 v62, v23;
	v46 =	vadd.s32 $0x1C, v18;
	v42 =	vld.idx.msk [tilespmem:v37+s2+$0x0], $0xffff  }
0x3ab: {  	v23 =	vmul.f32 v44, v23;
	v36 =	vadd.f32 v19, v32;
	v19 =	vadd.s32 $0x14, v18;
	v39 =	vld.idx.msk [tilespmem:v51+s2+$0x0], $0xffff  }
0x3ac: {  	[tilespmem:$0x1F910] =	vst v6;
	v24 =	vmul.f32 v16, v24;
	v6 =	vadd.f32 v58, v56;
	v58 =	vadd.s32 $0x22, v18;
	v37 =	vld.idx.msk [tilespmem:v61+s2+$0x0], $0xffff  }
0x3ad: {  	v26 =	vmul.f32 v62, v20;
	v27 =	vadd.f32 v13, v12;
	v13 =	vadd.s32 $0x24, v18;
	[tilespmem:$0x1F990] =	vst v36;
	v36 =	vld.idx.msk [tilespmem:v11+s2+$0x0], $0xffff  }
0x3ae: {  	v23 =	vadd.f32 v24, v23;
	v56 =	vmul.f32 v47, v25;
	v24 =	vadd.s32 $0x29, v18;
	v32 =	vld.idx.msk [tilespmem:v14+s2+$0x0], $0xffff  }
0x3af: {  	v51 =	vmul.f32 v17, v25;
	v61 =	vadd.f32 v6, v63;
	v63 =	vadd.s32 $0x23, v18;
	v34 =	vld.idx.msk [tilespmem:v46+s2+$0x0], $0xffff  }
0x3b0: {  	[tilespmem:$0x1F980] =	vst v35;
	v0 =	vadd.f32 v0, v4;
	v12 =	vadd.f32 v23, v56;
	v56 =	vadd.s32 $0x30, v18;
	v35 =	vld.idx.msk [tilespmem:v19+s2+$0x0], $0xffff  }
0x3b1: {  	v19 =	vadd.s32 $0x1D, v18;
	v11 =	vadd.f32 v27, v51;
	v27 =	vmul.f32 v60, v21;
	v30 =	vld.idx.msk [tilespmem:v58+s2+$0x0], $0xffff  }
0x3b2: {  	[tilespmem:$0x1F950] =	vst v1;
	v23 =	vmul.f32 v54, v21;
	v14 =	vmul.f32 v59, v20;
	v46 =	vadd.s32 $0x2B, v18;
	v28 =	vld.idx.msk [tilespmem:v13+s2+$0x0], $0xffff  }
0x3b3: {  	[tilespmem:$0x1F960] =	vst v33;
	v51 =	vmul.f32 v17, v45;
	v58 =	vadd.s32 $0x31, v18;
	v6 =	vadd.f32 v27, v26;
	v27 =	vld.idx.msk [tilespmem:v24+s2+$0x0], $0xffff  }
0x3b4: {  	[tilespmem:$0x1F9A0] =	vst v0;
	v20 =	vmul.f32 v44, v20;
	v2 =	vadd.f32 v23, v14;
	v31 =	vld.idx.msk [tilespmem:v63+s2+$0x0], $0xffff;
	v63 =	vadd.s32 $0x37, v18  }
0x3b5: {  	[tilespmem:$0x1F9D0] =	vst v61;
	v21 =	vmul.f32 v16, v21;
	v23 =	vld.idx.msk [tilespmem:v56+s2+$0x0], $0xffff;
	v61 =	vadd.f32 v6, v51;
	v6 =	vadd.s32 $0x38, v18  }
0x3b6: {  	[tilespmem:$0x1F9F0] =	vst v12;
	v13 =	vmul.f32 v47, v45;
	v45 =	vadd.s32 $0x39, v18;
	v33 =	vld.idx.msk [tilespmem:v19+s2+$0x0], $0xffff;
	v19 =	vadd.s32 $0x2A, v18  }
0x3b7: {  	v12 =	vadd.f32 v21, v20;
	v14 =	vmul.f32 v41, v41;
	v25 =	vld.idx.msk [tilespmem:v46+s2+$0x0], $0xffff;
	v0 =	vmul.f32 v39, v39  }
0x3b8: {  	v2 =	vadd.f32 v2, v40;
	v51 =	vmul.f32 v37, v37;
	v40 =	vmul.f32 v35, v35;
	v24 =	vld.idx.msk [tilespmem:v58+s2+$0x0], $0xffff  }
0x3b9: {  	v20 =	vadd.s32 $0x32, v18;
	v56 =	vmul.f32 v36, v36;
	v4 =	vadd.f32 v12, v13;
	[tilespmem:$0x1FA20] =	vst v61;
	v12 =	vld.idx.msk [tilespmem:v63+s2+$0x0], $0xffff  }
0x3ba: {  	v61 =	vmul.f32 v32, v32;
	v1 =	vadd.f32 v51, v40;
	v63 =	vmul.f32 v34, v34;
	v21 =	vld.idx.msk [tilespmem:v6+s2+$0x0], $0xffff  }
0x3bb: {  	v10 =	vimm.s32 $0x1;
	[tilespmem:$0x1FA00] =	vst v2;
	v40 =	vmul.f32 v30, v30;
	v29 =	vld.idx.msk [tilespmem:v19+s2+$0x0], $0xffff;
	v19 =	vmul.f32 v42, v42  }
0x3bc: {  	v8 =	vadd.f32 v56, v1;
	v56 =	vld.idx.msk [tilespmem:v45+s2+$0x0], $0xffff;
	v2 =	vadd.f32 v63, v61;
	v46 =	vmul.f32 v33, v33  }
0x3bd: {  	v61 =	vmul.f32 v27, v27;
	v58 =	vadd.f32 v19, v14;
	v19 =	vmul.f32 v31, v31  }
0x3be: {  	v26 =	vld.idx.msk [tilespmem:v20+s2+$0x0], $0xffff;
	v9 =	vadd.f32 v46, v2;
	v2 =	vmul.f32 v23, v23;
	v14 =	vmul.u32 $0x3, v48  }
0x3bf: {  	[tilespmem:$0x1FAD0] =	vst v12;
	v12 =	vmul.f32 v12, v12;
	v0 =	vadd.f32 v0, v58;
	v58 =	vmul.f32 v28, v28  }
0x3c0: {  	v51 =	vadd.f32 v19, v40;
	v19 =	vmul.f32 v24, v24;
	v20 =	vmul.f32 v21, v21  }
0x3c1: {  	v40 =	vmul.f32 v25, v25;
	v45 =	vmul.f32 v56, v56;
	vm6 =	vle.f32 v8, v9  }
0x3c2: {  	v63 =	vmul.f32 v29, v29;
	v13 =	vadd.f32 v58, v51;
	v19 =	vadd.f32 v19, v2  }
0x3c3: {  	v51 =	vmul.f32 v26, v26;
	v6 =	vadd.f32 v20, v12;
	v20 =	vsel vm15, $0xFFFFFFFF, v22  }
0x3c4: {  	vm13 =	vle.f32 v0, v8;
	vm14 =	vle.f32 v0, v9;
	v5 =	vadd.f32 v63, v61  }
0x3c5: {  	v58 =	vadd.s32 v20, v38;
	v57 =	vsel vm13, $0x5, v57;
	v61 =	vsel vm14, $0xFFFFFFFF, v22  }
0x3c6: {  	[tilespmem:$0x1FAF0] =	vst v56;
	v46 =	vadd.f32 v51, v19;
	v56 =	vadd.f32 v45, v6;
	vm3 =	vle.f32 v0, v13  }
0x3c7: {  	v19 =	vmul.u32 $0x3, v43;
	v6 =	vadd.s32 $0x3, v18;
	v15 =	vadd.f32 v40, v5  }
0x3c8: {  	v5 =	vadd.s32 v61, v57;
	v63 =	vsel vm3, $0xFFFFFFFF, v22;
	v57 =	vmul.u32 $0x1B, v49  }
0x3c9: {  	v61 =	vmul.u32 $0x3, v52;
	v5 =	vadd.s32 v63, v5;
	vm4 =	vle.f32 v0, v46  }
0x3ca: {  	vm5 =	vle.f32 v0, v56;
	vm7 =	vle.f32 v8, v46;
	vm8 =	vle.f32 v8, v56  }
0x3cb: {  	vm15 =	vle.f32 v9, v46;
	vm9 =	vle.f32 v9, v56;
	vm0 =	vle.f32 v0, v15  }
0x3cc: {  	v2 =	vsel vm4, $0xFFFFFFFF, v22;
	v43 =	vadd.s32 $0x3, v57;
	v49 =	vadd.s32 $0x4, v57  }
0x3cd: {  	[tilespmem:$0x1F9E0] =	vst v11;
	v40 =	vadd.s32 $0x5, v57;
	vm1 =	vle.f32 v8, v15;
	vm2 =	vle.f32 v9, v15  }
0x3ce: {  	[tilespmem:$0x1FA60] =	vst v4;
	v1 =	vsel vm0, $0xFFFFFFFF, v22;
	v45 =	vadd.s32 v19, v43;
	v48 =	vadd.s32 v19, v49  }
0x3cf: {  	[tilespmem:$0x1FAE0] =	vst v21;
	v52 =	vadd.s32 v19, v40;
	v11 =	vadd.s32 v14, v43;
	v12 =	vadd.s32 v14, v49  }
0x3d0: {  	v0 =	vadd.s32 v14, v40;
	v14 =	vmul.u32 $0x3, v7;
	v51 =	vadd.s32 v61, v43;
	[tilespmem:$0x1F900] =	vst v11  }
0x3d1: {  	v5 =	vadd.s32 v1, v5;
	[tilespmem:$0x1F920] =	vst v12;
	v7 =	vld.idx.msk [tilespmem:v6+s2+$0x0], $0xffff;
	v6 =	vmul.u32 $0x3, v58;
	v1 =	vmul.u32 $0x3, v3  }
0x3d2: {  	[tilespmem:$0x1F930] =	vst v0;
	v3 =	vsel vm15, $0xFFFFFFFF, v22;
	v63 =	vadd.s32 v2, v5;
	v11 =	vadd.s32 v14, v49  }
0x3d3: {  	v5 =	vmul.u32 $0x3, v53;
	v53 =	vadd.s32 v61, v40;
	v0 =	vadd.s32 v14, v40;
	[tilespmem:$0x1F9B0] =	vst v11  }
0x3d4: {  	v58 =	vadd.s32 v14, v43;
	[tilespmem:$0x1F9C0] =	vst v0;
	v12 =	vadd.s32 v6, v43;
	v14 =	vadd.s32 v6, v49  }
0x3d5: {  	v4 =	vadd.s32 v6, v40;
	v6 =	vadd.s32 v1, v49;
	v11 =	vsel vm5, $0xFFFFFFFF, v22;
	[tilespmem:$0x1FA10] =	vst v12  }
0x3d6: {  	v20 =	vadd.s32 v5, v43;
	v21 =	vadd.s32 v5, v49;
	v38 =	vadd.s32 v5, v40;
	[tilespmem:$0x1FA40] =	vst v14  }
0x3d7: {  	v5 =	vadd.s32 v61, v49;
	[tilespmem:$0x1FA50] =	vst v4;
	v14 =	vadd.s32 $0x4, v18;
	v0 =	vadd.s32 v11, v63  }
0x3d8: {  	[tilespmem:$0x1FA80] =	vst v6;
	v6 =	vsel vm4, $0x2, v10;
	v10 =	vsel vm6, $0xFFFFFFFF, v22;
	v12 =	vmul.f32 $6.366197460e-01, v7  }
0x3d9: {  	v11 =	vsel vm7, $0x1, v22;
	vm4 =	vle.f32 v8, v13;
	[tilespmem:$0x1F970] =	vst v5;
	v5 =	vadd.s32 v1, v43  }
0x3da: {  	v1 =	vadd.s32 v1, v40;
	[tilespmem:$0x1FA70] =	vst v5;
	v5 =	vimm.s32 $0x5;
	v4 =	vadd.f32 $1.258291200e+07, v12  }
0x3db: {  	v40 =	vadd.s32 v11, v6;
	v11 =	vsel vm8, $0x1, v22;
	[tilespmem:$0x1FAA0] =	vst v1;
	v1 =	vsel vm13, $0x6, v5  }
0x3dc: {  	v1 =	vadd.s32 v10, v1;
	v12 =	vsel vm4, $0xFFFFFFFF, v22;
	v43 =	vld.idx.msk [tilespmem:v14+s2+$0x0], $0xffff;
	v5 =	vadd.f32 $-1.258291200e+07, v4  }
0x3dd: {  	v1 =	vadd.s32 v12, v1;
	v14 =	vsel vm5, $0x1, v22;
	v4 =	vsel vm1, $0xFFFFFFFF, v22  }
0x3de: {  	[tilespmem:$0x1FA90] =	vst v0;
	v12 =	vsel vm7, $0xFFFFFFFF, v22;
	v1 =	vadd.s32 v4, v1;
	v0 =	vmul.f32 $1.570800780e+00, v5  }
0x3df: {  	v63 =	vimm.s32 $0x4;
	v8 =	vadd.s32 v11, v14;
	v1 =	vadd.s32 v12, v1  }
0x3e0: {  	v14 =	vmul.f32 $4.454454940e-06, v5;
	v12 =	vsel vm15, $0x1, v22;
	v0 =	vsub.f32 v7, v0  }
0x3e1: {  	v6 =	vadd.s32 v12, v40;
	v40 =	vadd.s32 $0x5, v18;
	v11 =	vmul.f32 $6.366197460e-01, v43  }
0x3e2: {  	v10 =	vsel vm8, $0xFFFFFFFF, v22;
	vm7 =	vle.f32 v13, v46;
	v4 =	vadd.f32 v14, v0  }
0x3e3: {  	v1 =	vadd.s32 v10, v1;
	v10 =	vsel vm14, $0x5, v63;
	v14 =	vadd.f32 $1.258291200e+07, v11  }
0x3e4: {  	v11 =	vsel vm6, $0x1, v22;
	vm6 =	vle.f32 v9, v13;
	v0 =	vmul.f32 v4, v4  }
0x3e5: {  	v49 =	vadd.s32 v11, v10;
	v12 =	vsel vm6, $0xFFFFFFFF, v22;
	v7 =	vadd.f32 $-1.258291200e+07, v14  }
0x3e6: {  	vm5 =	vle.f32 v13, v15;
	v49 =	vadd.s32 v12, v49;
	v40 =	vld.idx.msk [tilespmem:v40+s2+$0x0], $0xffff;
	v10 =	vmul.f32 $2.443315680e-05, v0  }
0x3e7: {  	v12 =	vsel vm2, $0xFFFFFFFF, v22;
	v14 =	vmul.f32 $1.951529560e-04, v0;
	v11 =	vmul.f32 $1.570800780e+00, v7  }
0x3e8: {  	v5 =	vtrunc.f32 v5;
	v49 =	vadd.s32 v12, v49;
	v2 =	vadd.f32 $-1.388731650e-03, v10  }
0x3e9: {  	[tilespmem:$0x1FAB0] =	vst v1;
	v1 =	vsub.f32 $8.332161230e-03, v14;
	v43 =	vsub.f32 v43, v11;
	v14 =	vmul.f32 $4.454454940e-06, v7  }
0x3ea: {  	v9 =	vadd.s32 v3, v49;
	v10 =	vsel vm9, $0xFFFFFFFF, v22;
	v2 =	vmul.f32 v2, v0  }
0x3eb: {  	v1 =	vmul.f32 v1, v0;
	v43 =	vadd.f32 v14, v43;
	v14 =	vmul.f32 $6.366197460e-01, v40  }
0x3ec: {  	v11 =	vsel vm9, $0x1, v22;
	v49 =	vadd.s32 v10, v9;
	v2 =	vadd.f32 $4.166664560e-02, v2  }
0x3ed: {  	v3 =	vadd.f32 $-1.666665520e-01, v1;
	v1 =	vadd.f32 $1.258291200e+07, v14;
	v9 =	vmul.f32 v43, v43  }
0x3ee: {  	v12 =	vmul.f32 v0, v4;
	v61 =	vadd.s32 v11, v8;
	v2 =	vmul.f32 v2, v0  }
0x3ef: {  	v10 =	vsel vm7, $0x1, v22;
	v63 =	vadd.f32 $-1.258291200e+07, v1;
	v11 =	vmul.f32 $2.443315680e-05, v9  }
0x3f0: {  	v19 =	vadd.s32 v10, v6;
	v3 =	vmul.f32 v3, v12;
	v2 =	vadd.f32 $-5.000000000e-01, v2  }
0x3f1: {  	v12 =	vadd.f32 $-1.388731650e-03, v11;
	v14 =	vmul.f32 $1.570800780e+00, v63;
	v11 =	vmul.f32 $1.951529560e-04, v9  }
0x3f2: {  	v3 =	vadd.f32 v3, v4;
	v0 =	vmul.f32 v2, v0;
	v2 =	vcvt.f32.s32 v5  }
0x3f3: {  	v5 =	vsub.f32 v40, v14;
	v4 =	vmul.f32 v12, v9;
	v6 =	vsub.f32 $8.332161230e-03, v11  }
0x3f4: {  	v12 =	vmul.f32 $4.454454940e-06, v63;
	v0 =	vadd.f32 $1.000000000e+00, v0;
	v10 =	vand.u32 $0x1, v2  }
0x3f5: {  	v14 =	vadd.f32 $4.166664560e-02, v4;
	v11 =	vand.u32 $0x2, v2;
	vm10 =	veq.s32 v10, $0x0  }
0x3f6: {  	v2 =	vadd.s32 $0x1, v2;
	v10 =	vadd.f32 v12, v5;
	v40 =	vsel vm10, v3, v0  }
0x3f7: {  	v12 =	vmul.f32 v6, v9;
	v6 =	vmul.f32 v14, v9;
	v14 =	vsub.f32 $0.0e+00, v40  }
0x3f8: {  	vm11 =	veq.s32 v11, $0x0;
	v8 =	vsel vm10, v0, v3;
	v0 =	vmul.f32 v10, v10  }
0x3f9: {  	v11 =	vmul.f32 v9, v43;
	v40 =	vsel vm11, v40, v14;
	v14 =	vadd.f32 $-5.000000000e-01, v6  }
0x3fa: {  	[tilespmem:$0x1FAC0] =	vst v49;
	v3 =	vtrunc.f32 v7;
	v5 =	vadd.f32 $-1.666665520e-01, v12;
	v49 =	vmul.f32 $2.443315680e-05, v0  }
0x3fb: {  	v12 =	vand.u32 $0x2, v2;
	v2 =	vmul.f32 v14, v9;
	v9 =	vadd.s32 $0x1, v55  }
0x3fc: {  	v1 =	vmul.f32 v5, v11;
	v5 =	vadd.f32 $-1.388731650e-03, v49;
	v49 =	vadd.s32 $0x2, v55  }
0x3fd: {  	vm12 =	veq.s32 v12, $0x0;
	v12 =	vcvt.f32.s32 v3;
	v14 =	vmul.f32 $1.951529560e-04, v0  }
0x3fe: {  	vm15 =	vle.f32 v13, v56;
	v13 =	vld [tilespmem:$0x1F880];
	v11 =	vsub.f32 $0.0e+00, v8;
	v3 =	vadd.f32 v1, v43  }
0x3ff: {  	v4 =	vand.u32 $0x1, v12;
	v2 =	vadd.f32 $1.000000000e+00, v2;
	v6 =	vsub.f32 $8.332161230e-03, v14;
	v14 =	vld.idx.msk [tilespmem:v55+s2+$0x0], $0xffff  }
0x400: {  	v7 =	vadd.s32 $0x1, v57;
	v11 =	vsel vm12, v8, v11;
	vm13 =	veq.s32 v4, $0x0;
	v43 =	vld.idx.msk [tilespmem:v9+s2+$0x0], $0xffff  }
0x401: {  	v8 =	vadd.s32 $0x2, v57;
	v5 =	vmul.f32 v5, v0;
	v1 =	vsel vm13, v3, v2;
	v9 =	vld.idx.msk [tilespmem:v49+s2+$0x0], $0xffff  }
0x402: {  	v49 =	vand.u32 $0x2, v12;
	v4 =	vsub.f32 $0.0e+00, v1  }
0x403: {  	v5 =	vadd.f32 $4.166664560e-02, v5;
	vm14 =	veq.s32 v49, $0x0  }
0x404: {  	v49 =	vsel vm14, v1, v4;
	[tilespmem:v57+s14+$0x0] =	vst.idx.msk $0xffff, v14  }
0x405: {  	v1 =	vmul.f32 v5, v0;
	v5 =	vsub.f32 v14, v13;
	v13 =	vld [tilespmem:$0x1F890];
	[tilespmem:v7+s14+$0x0] =	vst.idx.msk $0xffff, v43  }
0x406: {  	v6 =	vmul.f32 v6, v0;
	[tilespmem:v8+s14+$0x0] =	vst.idx.msk $0xffff, v9;
	v8 =	vld [tilespmem:$0x1F8A0];
	_ =	sdelay $0x1  }
0x407: {  	v2 =	vsel vm13, v2, v3;
	v3 =	vadd.f32 $-1.666665520e-01, v6;
	v4 =	vmul.f32 v0, v10  }
0x408: {  	v1 =	vadd.f32 $-5.000000000e-01, v1  }
0x409: {  	v3 =	vmul.f32 v3, v4;
	v4 =	vsub.f32 v43, v13  }
0x40a: {  	v0 =	vmul.f32 v1, v0;
	[tilespmem:v20+s14+$0x0] =	vst.idx.msk $0xffff, v5;
	v1 =	vsub.f32 v9, v8  }
0x40b: {  	[tilespmem:v21+s14+$0x0] =	vst.idx.msk $0xffff, v4;
	v8 =	vld [tilespmem:$0x1F8B0]  }
0x40c: {  	[tilespmem:v38+s14+$0x0] =	vst.idx.msk $0xffff, v1;
	v38 =	vld [tilespmem:$0x1F8C0]  }
0x40d: {  	v21 =	vadd.f32 v3, v10;
	v10 =	vld [tilespmem:$0x1F8D0];
	_ =	sdelay $0x2  }
0x40e: {  	v4 =	vsub.f32 v14, v8  }
0x40f: {  	v6 =	vtrunc.f32 v63;
	v3 =	vsub.f32 v43, v38  }
0x410: {  	v6 =	vcvt.f32.s32 v6;
	v5 =	vsub.f32 v9, v10;
	[tilespmem:v45+s14+$0x0] =	vst.idx.msk $0xffff, v4  }
0x411: {  	v63 =	vimm.s32 $0x3;
	v13 =	vsel vm15, $0x1, v22;
	[tilespmem:v48+s14+$0x0] =	vst.idx.msk $0xffff, v3  }
0x412: {  	v7 =	vadd.s32 v13, v61;
	v13 =	vand.u32 $0x1, v6;
	v0 =	vadd.f32 $1.000000000e+00, v0;
	[tilespmem:v52+s14+$0x0] =	vst.idx.msk $0xffff, v5;
	v52 =	vld [tilespmem:$0x1F900]  }
0x413: {  	vm9 =	veq.s32 v13, $0x0;
	v8 =	vsel vm4, $0x1, v22;
	v45 =	vsel vm3, $0x4, v63;
	v38 =	vld [tilespmem:$0x1F8E0]  }
0x414: {  	v4 =	vadd.s32 v8, v45;
	v8 =	vsel vm9, v21, v0  }
0x415: {  	v13 =	vand.u32 $0x2, v6;
	v0 =	vsel vm9, v0, v21;
	v21 =	vsub.f32 $0.0e+00, v8  }
0x416: {  	vm10 =	veq.s32 v13, $0x0  }
0x417: {  	v5 =	vsel vm10, v8, v21;
	v21 =	vld [tilespmem:$0x1F920]  }
0x418: {  	v48 =	vld [tilespmem:$0x1F8F0];
	v1 =	vsub.f32 v14, v38;
	_ =	sdelay $0x1  }
0x419: {  	[tilespmem:v52+s14+$0x0] =	vst.idx.msk $0xffff, v1;
	v52 =	vld [tilespmem:$0x1F930]  }
0x41a: {  	v10 =	vld [tilespmem:$0x1F910];
	v45 =	vsel vm6, $0x1, v22  }
0x41b: {  	v13 =	vsel vm5, $0xFFFFFFFF, v22;
	v4 =	vadd.s32 v45, v4  }
0x41c: {  	v38 =	vadd.s32 v13, v4;
	v4 =	vld [tilespmem:$0x1F940];
	v3 =	vsub.f32 v43, v48  }
0x41d: {  	v8 =	vsel vm7, $0xFFFFFFFF, v22  }
0x41e: {  	[tilespmem:v21+s14+$0x0] =	vst.idx.msk $0xffff, v3;
	v3 =	vadd.s32 v8, v38;
	v38 =	vld [tilespmem:$0x1F970]  }
0x41f: {  	v1 =	vsub.f32 v9, v10;
	v10 =	vld [tilespmem:$0x1F950]  }
0x420: {  	v6 =	vadd.s32 $0x1, v6  }
0x421: {  	v45 =	vand.u32 $0x2, v6;
	[tilespmem:v52+s14+$0x0] =	vst.idx.msk $0xffff, v1;
	v1 =	vsub.f32 v14, v4  }
0x422: {  	vm11 =	veq.s32 v45, $0x0;
	v45 =	vld [tilespmem:$0x1F980];
	v21 =	vadd.s32 $0x1, v12  }
0x423: {  	v13 =	vld [tilespmem:$0x1F960];
	v6 =	vand.u32 $0x2, v21;
	[tilespmem:v51+s14+$0x0] =	vst.idx.msk $0xffff, v1;
	v51 =	vsub.f32 $0.0e+00, v2  }
0x424: {  	v21 =	vld [tilespmem:$0x1F990];
	vm12 =	veq.s32 v6, $0x0;
	v4 =	vsub.f32 v43, v10  }
0x425: {  	v2 =	vsel vm12, v2, v51;
	v51 =	vld [tilespmem:$0x1F9B0]  }
0x426: {  	v48 =	vsub.f32 $0.0e+00, v0;
	[tilespmem:v38+s14+$0x0] =	vst.idx.msk $0xffff, v4;
	v38 =	vld [tilespmem:$0x1F9A0];
	_ =	sdelay $0x1  }
0x427: {  	v0 =	vsel vm11, v0, v48;
	v8 =	vmul.f32 v5, v49;
	v1 =	vsub.f32 v9, v13  }
0x428: {  	v52 =	vmul.f32 v0, v40;
	v4 =	vsub.f32 v14, v45  }
0x429: {  	[tilespmem:v53+s14+$0x0] =	vst.idx.msk $0xffff, v1;
	v53 =	vmul.f32 v8, v11;
	v1 =	vsub.f32 v43, v21  }
0x42a: {  	v20 =	vld [tilespmem:$0x1F9C0];
	[tilespmem:v58+s14+$0x0] =	vst.idx.msk $0xffff, v4;
	v58 =	vmul.f32 v0, v49;
	v6 =	vsub.f32 v9, v38;
	v38 =	vsub.f32 $0.0e+00, v2  }
0x42b: {  	v8 =	vmul.f32 v8, v40;
	v45 =	vadd.f32 v53, v52;
	v53 =	vmul.f32 v5, v40  }
0x42c: {  	v4 =	vmul.f32 v58, v40;
	[tilespmem:v51+s14+$0x0] =	vst.idx.msk $0xffff, v1;
	v51 =	vmul.f32 v38, v40;
	v40 =	vld [tilespmem:$0x1F9D0];
	_ =	sdelay $0x2  }
0x42d: {  	v10 =	vmul.f32 v58, v11;
	v58 =	vmul.f32 v5, v11  }
0x42e: {  	vm13 =	vle.f32 v15, v46;
	v13 =	vld [tilespmem:$0x1FA10]  }
0x42f: {  	v52 =	vsel vm13, $0x1, v22;
	v1 =	vadd.f32 v4, v58;
	v4 =	vsub.f32 v14, v40;
	v40 =	vld [tilespmem:$0x1FA40]  }
0x430: {  	[tilespmem:v20+s14+$0x0] =	vst.idx.msk $0xffff, v6;
	v20 =	vadd.s32 v52, v19;
	v52 =	vsub.f32 v53, v10;
	v53 =	vld [tilespmem:$0x1F9E0];
	_ =	sdelay $0x4  }
0x431: {  	v6 =	vsub.f32 v43, v53  }
0x432: {  	v58 =	vld [tilespmem:$0x1F9F0];
	[tilespmem:v13+s14+$0x0] =	vst.idx.msk $0xffff, v4  }
0x433: {  	[tilespmem:v40+s14+$0x0] =	vst.idx.msk $0xffff, v6;
	v40 =	vld [tilespmem:$0x1FA50]  }
0x434: {  	v48 =	vsel vm15, $0xFFFFFFFF, v22;
	v21 =	vld [tilespmem:$0x1FA20]  }
0x435: {  	v3 =	vadd.s32 v48, v3;
	v48 =	vmul.f32 v0, v11;
	_ =	sdelay $0x1  }
0x436: {  	v48 =	vsub.f32 v48, v8;
	v53 =	vmul.f32 v2, v11  }
0x437: {  	v12 =	vld [tilespmem:$0x1FA00];
	v8 =	vsub.f32 v9, v58;
	v4 =	vsub.f32 $0.0e+00, v5  }
0x438: {  	v11 =	vsub.f32 v43, v21;
	v21 =	vmul.f32 v45, v42;
	v58 =	vmul.f32 v53, v41  }
0x439: {  	v5 =	vmul.f32 v51, v41;
	v4 =	vmul.f32 v4, v2  }
0x43a: {  	[tilespmem:v40+s14+$0x0] =	vst.idx.msk $0xffff, v8;
	v8 =	vadd.f32 v21, v58;
	v58 =	vmul.f32 v48, v42  }
0x43b: {  	v19 =	vmul.f32 v4, v42;
	v42 =	vld [tilespmem:$0x1FA70]  }
0x43c: {  	v10 =	vsub.f32 v14, v12;
	v12 =	vadd.f32 v58, v5;
	v58 =	vld [tilespmem:$0x1FA80];
	_ =	sdelay $0x3  }
0x43d: {  	vm14 =	vle.f32 v15, v56;
	v15 =	vmul.f32 v49, v41  }
0x43e: {  	v38 =	vld [tilespmem:$0x1FA30]  }
0x43f: {  	v15 =	vadd.f32 v19, v15;
	v19 =	vld [tilespmem:$0x1FA90]  }
0x440: {  	v2 =	vmul.f32 v0, v2;
	v0 =	vadd.s32 $0x2, v18;
	v40 =	vld [tilespmem:$0x1FA60];
	[tilespmem:v42+s14+$0x0] =	vst.idx.msk $0xffff, v10  }
0x441: {  	[tilespmem:v58+s14+$0x0] =	vst.idx.msk $0xffff, v11;
	v58 =	vld [tilespmem:$0x1FAA0]  }
0x442: {  	v6 =	vadd.s32 $0x1, v18;
	_ =	sdelay $0x1  }
0x443: {  	v38 =	vmul.u32 $0x1B, v38  }
0x444: {  	v41 =	vld.idx.msk [tilespmem:v0+s2+$0x0], $0xffff;
	v13 =	vsub.f32 v9, v40;
	v40 =	vmul.f32 v52, v39  }
0x445: {  	v0 =	vadd.s32 $0x3, v38;
	v19 =	vmul.u32 $0x3, v19;
	v5 =	vld.idx.msk [tilespmem:v18+s2+$0x0], $0xffff  }
0x446: {  	v6 =	vld.idx.msk [tilespmem:v6+s2+$0x0], $0xffff;
	v21 =	vadd.s32 $0x1, v38;
	v8 =	vadd.f32 v8, v40;
	v10 =	vsel vm14, $0x1, v22  }
0x447: {  	v42 =	vmul.f32 v1, v39;
	v7 =	vadd.s32 v10, v7;
	v11 =	vadd.s32 $0x2, v38  }
0x448: {  	[tilespmem:v58+s14+$0x0] =	vst.idx.msk $0xffff, v13;
	v13 =	vmul.f32 v2, v39;
	v58 =	vadd.s32 v19, v0;
	v39 =	vadd.s32 $0x4, v38  }
0x449: {  	v12 =	vadd.f32 v12, v42;
	v42 =	vadd.s32 $0x5, v38;
	v10 =	vadd.s32 v19, v39  }
0x44a: {  	[tilespmem:v38+s14+$0x0] =	vst.idx.msk $0xffff, v5;
	v19 =	vadd.s32 v19, v42  }
0x44b: {  	[tilespmem:v21+s14+$0x0] =	vst.idx.msk $0xffff, v6;
	v8 =	vsub.f32 v5, v8;
	v13 =	vadd.f32 v15, v13  }
0x44c: {  	v12 =	vsub.f32 v6, v12;
	[tilespmem:v11+s14+$0x0] =	vst.idx.msk $0xffff, v41  }
0x44d: {  	v13 =	vsub.f32 v41, v13;
	[tilespmem:v58+s14+$0x0] =	vst.idx.msk $0xffff, v8  }
0x44e: {  	[tilespmem:v10+s14+$0x0] =	vst.idx.msk $0xffff, v12  }
0x44f: {  	v61 =	vimm.s32 $0x2;
	[tilespmem:v19+s14+$0x0] =	vst.idx.msk $0xffff, v13;
	v13 =	vld [tilespmem:$0x1FAB0]  }
0x450: {  	v11 =	vsel vm1, $0x1, v22;
	v15 =	vsel vm0, $0x3, v61  }
0x451: {  	v40 =	vsel vm2, $0x1, v22;
	v11 =	vadd.s32 v11, v15  }
0x452: {  	v21 =	vmul.f32 v51, v35;
	v11 =	vadd.s32 v40, v11;
	v58 =	vmul.f32 v48, v37  }
0x453: {  	v8 =	vsel vm5, $0x1, v22;
	v10 =	vmul.f32 v53, v35;
	v12 =	vmul.f32 v45, v37  }
0x454: {  	v8 =	vadd.s32 v8, v11;
	v58 =	vadd.f32 v58, v21;
	v11 =	vmul.u32 $0x3, v13  }
0x455: {  	v19 =	vmul.f32 v1, v36;
	v10 =	vadd.f32 v12, v10;
	v12 =	vmul.f32 v52, v36  }
0x456: {  	vm15 =	vle.f32 v46, v56;
	v40 =	vmul.f32 v4, v37;
	v37 =	vadd.s32 v11, v0  }
0x457: {  	v58 =	vadd.f32 v58, v19;
	v10 =	vadd.f32 v10, v12;
	v19 =	vadd.s32 v11, v39  }
0x458: {  	v3 =	vmul.u32 $0x3, v3;
	v15 =	vsel vm13, $0xFFFFFFFF, v22;
	v21 =	vmul.f32 v49, v35  }
0x459: {  	v56 =	vmul.f32 v45, v34;
	v8 =	vadd.s32 v15, v8;
	v10 =	vsub.f32 v5, v10  }
0x45a: {  	v15 =	vmul.f32 v2, v36;
	v40 =	vadd.f32 v40, v21;
	v12 =	vsub.f32 v6, v58  }
0x45b: {  	v46 =	vmul.f32 v52, v33;
	v35 =	vsel vm14, $0xFFFFFFFF, v22;
	v22 =	vmul.f32 v4, v34;
	[tilespmem:v37+s14+$0x0] =	vst.idx.msk $0xffff, v10  }
0x45c: {  	v36 =	vimm.s32 $0x0;
	v13 =	vadd.f32 v40, v15;
	v15 =	vmul.f32 v53, v32;
	[tilespmem:v19+s14+$0x0] =	vst.idx.msk $0xffff, v12;
	v19 =	vld [tilespmem:$0x1FAC0]  }
0x45d: {  	v58 =	vmul.f32 v51, v32;
	v40 =	vmul.f32 v48, v34;
	v11 =	vadd.s32 v11, v42  }
0x45e: {  	v8 =	vadd.s32 v35, v8;
	v35 =	vmul.f32 v45, v31;
	v15 =	vadd.f32 v56, v15  }
0x45f: {  	v56 =	vmul.f32 v1, v33;
	v13 =	vsub.f32 v41, v13;
	v10 =	vadd.f32 v40, v58  }
0x460: {  	v15 =	vadd.f32 v15, v46;
	v58 =	vmul.f32 v49, v32;
	v40 =	vmul.f32 v2, v33  }
0x461: {  	v32 =	vmul.f32 v45, v24;
	v10 =	vadd.f32 v10, v56;
	v19 =	vmul.u32 $0x3, v19  }
0x462: {  	v21 =	vadd.f32 v22, v58;
	[tilespmem:v11+s14+$0x0] =	vst.idx.msk $0xffff, v13;
	v56 =	vsel vm15, $0x1, v36;
	v58 =	vsub.f32 v5, v15  }
0x463: {  	v22 =	vmul.f32 v4, v31;
	v7 =	vadd.s32 v56, v7;
	v37 =	vadd.s32 v19, v0  }
0x464: {  	v46 =	vadd.s32 v19, v39;
	v15 =	vadd.s32 v19, v42;
	v19 =	vmul.f32 v53, v30  }
0x465: {  	v34 =	vadd.f32 v21, v40;
	v40 =	vmul.f32 v48, v31;
	v31 =	vmul.f32 v53, v23  }
0x466: {  	v56 =	vmul.f32 v52, v28;
	v10 =	vsub.f32 v6, v10;
	v19 =	vadd.f32 v35, v19  }
0x467: {  	v11 =	vsub.f32 v41, v34;
	v21 =	vadd.f32 v32, v31;
	v35 =	vadd.s32 v3, v0  }
0x468: {  	v33 =	vadd.f32 v19, v56;
	v19 =	vmul.f32 v45, v29;
	[tilespmem:v37+s14+$0x0] =	vst.idx.msk $0xffff, v58  }
0x469: {  	v56 =	vadd.s32 v3, v39;
	v3 =	vadd.s32 v3, v42;
	[tilespmem:v46+s14+$0x0] =	vst.idx.msk $0xffff, v10;
	v46 =	vsel vm15, $0xFFFFFFFF, v36  }
0x46a: {  	v37 =	vmul.f32 v51, v30;
	v58 =	vmul.f32 v1, v28;
	v10 =	vadd.s32 v46, v20  }
0x46b: {  	v20 =	vmul.f32 v49, v30;
	[tilespmem:v15+s14+$0x0] =	vst.idx.msk $0xffff, v11;
	v15 =	vmul.f32 v53, v27  }
0x46c: {  	v12 =	vadd.f32 v40, v37;
	v37 =	vmul.f32 v52, v25;
	v40 =	vmul.f32 v48, v29  }
0x46d: {  	v46 =	vmul.f32 v4, v29;
	v11 =	vsub.f32 v5, v33;
	v30 =	vmul.f32 v2, v25  }
0x46e: {  	v33 =	vmul.f32 v51, v23;
	v23 =	vmul.f32 v49, v23;
	v12 =	vadd.f32 v12, v58  }
0x46f: {  	v34 =	vadd.f32 v22, v20;
	v20 =	vmul.f32 v2, v28;
	v15 =	vadd.f32 v19, v15  }
0x470: {  	v8 =	vmul.u32 $0x3, v8;
	v19 =	vmul.f32 v51, v27;
	v58 =	vmul.f32 v1, v25;
	[tilespmem:v35+s14+$0x0] =	vst.idx.msk $0xffff, v11  }
0x471: {  	v35 =	vmul.f32 v52, v26;
	v13 =	vadd.f32 v34, v20;
	v20 =	vmul.f32 v49, v27  }
0x472: {  	v15 =	vadd.f32 v15, v37;
	v19 =	vadd.f32 v40, v19;
	v34 =	vmul.f32 v48, v24  }
0x473: {  	v22 =	vld [tilespmem:$0x1FAD0];
	v12 =	vsub.f32 v6, v12;
	v24 =	vmul.f32 v4, v24;
	v37 =	vmul.f32 v1, v26  }
0x474: {  	v40 =	vadd.s32 v8, v0;
	v21 =	vadd.f32 v21, v35;
	v20 =	vadd.f32 v46, v20  }
0x475: {  	v26 =	vmul.f32 v2, v26;
	v13 =	vsub.f32 v41, v13;
	v19 =	vadd.f32 v19, v58  }
0x476: {  	v7 =	vmul.u32 $0x3, v7;
	[tilespmem:v56+s14+$0x0] =	vst.idx.msk $0xffff, v12;
	v12 =	vadd.f32 v34, v33;
	v23 =	vadd.f32 v24, v23  }
0x477: {  	v46 =	vadd.s32 v8, v39;
	v58 =	vld [tilespmem:$0x1FAE0];
	v33 =	vsub.f32 v5, v15;
	v8 =	vadd.s32 v8, v42  }
0x478: {  	v21 =	vsub.f32 v5, v21;
	v56 =	vmul.f32 v53, v22;
	v20 =	vadd.f32 v20, v30  }
0x479: {  	v32 =	vadd.s32 $0x3F, v55;
	v12 =	vadd.f32 v12, v37;
	v23 =	vadd.f32 v23, v26;
	[tilespmem:v3+s14+$0x0] =	vst.idx.msk $0xffff, v13  }
0x47a: {  	v34 =	vld [tilespmem:$0x1FAF0];
	v15 =	vsub.f32 v6, v19;
	v37 =	vmul.f32 v51, v22;
	v20 =	vsub.f32 v41, v20  }
0x47b: {  	v10 =	vmul.u32 $0x3, v10;
	[tilespmem:v40+s14+$0x0] =	vst.idx.msk $0xffff, v33;
	v12 =	vsub.f32 v6, v12;
	v23 =	vsub.f32 v41, v23  }
0x47c: {  	v11 =	vadd.s32 $0x3E, v55;
	v31 =	vmul.f32 v45, v58;
	v40 =	vmul.f32 v48, v58;
	[tilespmem:v46+s14+$0x0] =	vst.idx.msk $0xffff, v15  }
0x47d: {  	v15 =	vadd.s32 $0x40, v55;
	v46 =	vadd.s32 v10, v0;
	v55 =	vadd.s32 v10, v39;
	[tilespmem:v8+s14+$0x0] =	vst.idx.msk $0xffff, v20  }
0x47e: {  	v20 =	vmul.f32 v4, v58;
	v19 =	vadd.f32 v31, v56;
	v56 =	vmul.f32 v49, v22  }
0x47f: {  	v35 =	vmul.f32 v52, v34;
	v10 =	vadd.s32 v10, v42;
	v0 =	vadd.s32 v7, v0  }
0x480: {  	v13 =	vadd.f32 v40, v37;
	v8 =	vadd.f32 v20, v56;
	v20 =	vmul.f32 v1, v34  }
0x481: {  	v11 =	vld.idx.msk [tilespmem:v11+s2+$0x0], $0xffff;
	v58 =	vmul.f32 v2, v34;
	v22 =	vadd.s32 v7, v39;
	v19 =	vadd.f32 v19, v35  }
0x482: {  	v3 =	vld.idx.msk [tilespmem:v32+s2+$0x0], $0xffff;
	v7 =	vadd.s32 v7, v42;
	[tilespmem:v46+s14+$0x0] =	vst.idx.msk $0xffff, v21;
	v13 =	vadd.f32 v13, v20  }
0x483: {  	[tilespmem:v55+s14+$0x0] =	vst.idx.msk $0xffff, v12;
	v30 =	vsub.f32 v5, v19;
	v8 =	vadd.f32 v8, v58;
	v19 =	vadd.s32 $0x3E, v18  }
0x484: {  	v32 =	vadd.s32 $0x3F, v18;
	[tilespmem:v10+s14+$0x0] =	vst.idx.msk $0xffff, v23;
	v31 =	vsub.f32 v6, v13  }
0x485: {  	v33 =	vadd.s32 $0x40, v18;
	v8 =	vsub.f32 v41, v8;
	[tilespmem:v0+s14+$0x0] =	vst.idx.msk $0xffff, v30  }
0x486: {  	[tilespmem:v22+s14+$0x0] =	vst.idx.msk $0xffff, v31  }
0x487: {  	v37 =	vmul.f32 v11, v62;
	v15 =	vld.idx.msk [tilespmem:v15+s2+$0x0], $0xffff;
	[tilespmem:v7+s14+$0x0] =	vst.idx.msk $0xffff, v8  }
0x488: {  	v34 =	vmul.f32 v11, v59;
	v35 =	vmul.f32 v3, v54;
	v10 =	vld.idx.msk [tilespmem:v19+s2+$0x0], $0xffff  }
0x489: {  	v11 =	vmul.f32 v11, v44;
	v18 =	vmul.f32 v3, v60;
	v13 =	vld.idx.msk [tilespmem:v32+s2+$0x0], $0xffff  }
0x48a: {  	v54 =	vadd.s32 $0x18, v57;
	v59 =	vadd.s32 $0x18, v38;
	v3 =	vmul.f32 v3, v16;
	v0 =	vld.idx.msk [tilespmem:v33+s2+$0x0], $0xffff  }
0x48b: {  	v16 =	vadd.s32 $0x1A, v57;
	v60 =	vadd.s32 $0x19, v38;
	v12 =	vadd.f32 v18, v37  }
0x48c: {  	v3 =	vadd.f32 v3, v11;
	v17 =	vmul.f32 v15, v17;
	v42 =	vmul.f32 v15, v47  }
0x48d: {  	v39 =	vmul.f32 v15, v50;
	v15 =	vadd.s32 $0x19, v57;
	v7 =	vadd.f32 v35, v34  }
0x48e: {  	v40 =	vadd.f32 v17, v12;
	v3 =	vadd.f32 v42, v3;
	v50 =	vmul.f32 v10, v53  }
0x48f: {  	v7 =	vadd.f32 v39, v7;
	v53 =	vmul.f32 v13, v45;
	v55 =	vmul.f32 v0, v52  }
0x490: {  	v8 =	vsub.f32 v43, v40;
	v17 =	vmul.f32 v10, v51;
	v18 =	vmul.f32 v13, v48  }
0x491: {  	v10 =	vmul.f32 v10, v49;
	v4 =	vmul.f32 v13, v4;
	v12 =	vadd.f32 v53, v50  }
0x492: {  	v7 =	vsub.f32 v14, v7;
	v1 =	vmul.f32 v0, v1;
	v58 =	vadd.f32 v18, v17  }
0x493: {  	s20 =	sadd.s32 $0x2, s20;
	v0 =	vmul.f32 v0, v2;
	v4 =	vadd.f32 v4, v10;
	v12 =	vadd.f32 v55, v12  }
0x494: {  	p0 =	slt.u32 s20, $0x6;
	v62 =	vadd.s32 $0x1A, v38;
	v3 =	vsub.f32 v9, v3;
	[tilespmem:v54+s14+$0x0] =	vst.idx.msk $0xffff, v7;
	v1 =	vadd.f32 v1, v58  }
.Ltmp2:
0x495: {  	[tilespmem:v15+s14+$0x0] =	vst.idx.msk $0xffff, v8;
	v0 =	vadd.f32 v0, v4;
	v5 =	vsub.f32 v5, v12;
	(pc) =	sbr.rel @p0 .LBB2_6-.Ltmp2, $4  }
0x496: {  	[tilespmem:v16+s14+$0x0] =	vst.idx.msk $0xffff, v3;
	v1 =	vsub.f32 v6, v1  }
0x497: {  	v0 =	vsub.f32 v41, v0;
	[tilespmem:v59+s14+$0x0] =	vst.idx.msk $0xffff, v5  }
0x498: {  	v47 =	vimm.s32 $0x1;
	v57 =	vimm.s32 $0x6;
	[tilespmem:v60+s14+$0x0] =	vst.idx.msk $0xffff, v1  }
0x499: {  	s21 =	sadd.s32 $0x20, s21;
	v19 =	vimm.s32 $0x4;
	v51 =	vlaneseq.u32;
	v17 =	vimm.s32 $0x5;
	[tilespmem:v62+s14+$0x0] =	vst.idx.msk $0xffff, v0  }
0x49a: {  	[hbm4b:s9+s2] =	stream.linear.scatter [tilespmem:s14], [sflag:$0x3], $0xD80, $0x38;
	[tilespmem:$0x6000] =	vst v63  }
0x49b: {  	_ =	swait.ge [sflag:s15], $0x2280  }
0x49c: {  	[sflag:s15] =	ssyncset.done $0x0  }
0x49d: {  	[sflag:s15] =	ssyncadd.s32 $0xFFFFDD80  }
0x49e: {  	_ =	swait.ge [sflag:s18], $0xD80  }
0x49f: {  	[sflag:s18] =	ssyncset.done $0x0  }
0x4a0: {  	s20 =	simm.s32 $0xFFFFFFFE;
	s21 =	simm.s32 $0x10;
	v16 =	vimm.s32 $0x4;
	[sflag:s18] =	ssyncadd.s32 $0xFFFFF280  }
.LBB2_8:
0x4a1: {  	s22 =	sadd.s32 $0xFFFFFFF0, s21  }
0x4a2: {  	v49 =	vor.u32 s22, v51  }
0x4a3: {  	v55 =	vmul.u32 $0x45, v49;
	_ =	sdelay $0x1  }
0x4a4: {  	v0 =	vadd.s32 $0xD, v55  }
0x4a5: {  	v1 =	vadd.s32 $0xE, v55  }
0x4a6: {  	v2 =	vadd.s32 $0xF, v55  }
0x4a7: {  	v3 =	vadd.s32 $0x14, v55  }
0x4a8: {  	v4 =	vadd.s32 $0x15, v55  }
0x4a9: {  	v26 =	vadd.s32 $0x16, v55;
	v33 =	vld.idx.msk [tilespmem:v0+s12+$0x0], $0xffff  }
0x4aa: {  	v37 =	vadd.s32 $0x1B, v55;
	v34 =	vld.idx.msk [tilespmem:v1+s12+$0x0], $0xffff  }
0x4ab: {  	v38 =	vadd.s32 $0x1C, v55;
	v32 =	vld.idx.msk [tilespmem:v2+s12+$0x0], $0xffff  }
0x4ac: {  	v39 =	vadd.s32 $0x1D, v55;
	v29 =	vld.idx.msk [tilespmem:v3+s12+$0x0], $0xffff  }
0x4ad: {  	v40 =	vadd.s32 $0x22, v55;
	v30 =	vld.idx.msk [tilespmem:v4+s12+$0x0], $0xffff  }
0x4ae: {  	v41 =	vadd.s32 $0x23, v55;
	v31 =	vld.idx.msk [tilespmem:v26+s12+$0x0], $0xffff  }
0x4af: {  	v42 =	vadd.s32 $0x24, v55;
	v18 =	vld.idx.msk [tilespmem:v37+s12+$0x0], $0xffff  }
0x4b0: {  	v9 =	vadd.s32 $0x30, v55;
	v28 =	vld.idx.msk [tilespmem:v38+s12+$0x0], $0xffff  }
0x4b1: {  	v44 =	vadd.s32 $0x31, v55;
	v6 =	vld.idx.msk [tilespmem:v39+s12+$0x0], $0xffff  }
0x4b2: {  	v45 =	vadd.s32 $0x37, v55;
	v4 =	vld.idx.msk [tilespmem:v40+s12+$0x0], $0xffff  }
0x4b3: {  	v46 =	vadd.s32 $0x38, v55;
	v5 =	vld.idx.msk [tilespmem:v41+s12+$0x0], $0xffff  }
0x4b4: {  	v7 =	vadd.s32 $0x29, v55;
	v2 =	vld.idx.msk [tilespmem:v42+s12+$0x0], $0xffff  }
0x4b5: {  	v43 =	vadd.s32 $0x2A, v55;
	v23 =	vld.idx.msk [tilespmem:v9+s12+$0x0], $0xffff  }
0x4b6: {  	v48 =	vadd.s32 $0x39, v55;
	v24 =	vld.idx.msk [tilespmem:v44+s12+$0x0], $0xffff;
	v10 =	vmul.f32 v33, v33;
	v11 =	vmul.f32 v34, v34  }
0x4b7: {  	v8 =	vadd.s32 $0x2B, v55;
	v20 =	vld.idx.msk [tilespmem:v45+s12+$0x0], $0xffff;
	v50 =	vmul.f32 v32, v32;
	v12 =	vmul.f32 v29, v29  }
0x4b8: {  	v47 =	vadd.s32 $0x32, v55;
	v21 =	vld.idx.msk [tilespmem:v46+s12+$0x0], $0xffff;
	v52 =	vmul.f32 v30, v30;
	v13 =	vmul.f32 v31, v31  }
0x4b9: {  	v0 =	vld.idx.msk [tilespmem:v7+s12+$0x0], $0xffff;
	v62 =	vmul.f32 v18, v18;
	v35 =	vmul.f32 v28, v28  }
0x4ba: {  	v27 =	vld.idx.msk [tilespmem:v43+s12+$0x0], $0xffff;
	v37 =	vmul.f32 v6, v6;
	v38 =	vmul.f32 v4, v4  }
0x4bb: {  	v19 =	vimm.s32 $0x1;
	v45 =	vld.idx.msk [tilespmem:v48+s12+$0x0], $0xffff;
	v40 =	vmul.f32 v5, v5;
	v41 =	vmul.f32 v2, v2  }
0x4bc: {  	v22 =	vimm.s32 $0x0;
	v26 =	vld.idx.msk [tilespmem:v8+s12+$0x0], $0xffff;
	v44 =	vmul.f32 v23, v23;
	v14 =	vmul.f32 v24, v24  }
0x4bd: {  	v25 =	vld.idx.msk [tilespmem:v47+s12+$0x0], $0xffff;
	v46 =	vmul.f32 v20, v20;
	v15 =	vmul.f32 v21, v21;
	v10 =	vadd.f32 v11, v10  }
0x4be: {  	v42 =	vmul.f32 v0, v0;
	v1 =	vadd.f32 v52, v12;
	v39 =	vadd.f32 v35, v62  }
0x4bf: {  	v43 =	vmul.f32 v27, v27;
	v8 =	vadd.f32 v14, v44;
	v12 =	vadd.f32 v15, v46  }
0x4c0: {  	v15 =	vmul.f32 v45, v45;
	v53 =	vadd.f32 v50, v10;
	v13 =	vadd.f32 v13, v1  }
0x4c1: {  	v47 =	vmul.f32 v26, v26;
	v10 =	vadd.f32 v40, v38;
	v1 =	vadd.f32 v43, v42  }
0x4c2: {  	v48 =	vmul.f32 v25, v25;
	v3 =	vadd.f32 v37, v39;
	v9 =	vadd.f32 v15, v12  }
0x4c3: {  	v44 =	vadd.s32 $0x3, v55;
	v10 =	vadd.f32 v41, v10;
	v11 =	vadd.f32 v47, v1  }
0x4c4: {  	v1 =	vadd.f32 v48, v8;
	vm0 =	vle.f32 v53, v13;
	vm9 =	vle.f32 v53, v3  }
0x4c5: {  	vm12 =	vle.f32 v53, v9;
	vm13 =	vle.f32 v13, v3;
	vm5 =	vle.f32 v13, v9  }
0x4c6: {  	v50 =	vsel vm0, $0x6, v17;
	v54 =	vsel vm0, $0x5, v57;
	v56 =	vsel vm9, $0xFFFFFFFF, v36  }
0x4c7: {  	v15 =	vsel vm9, $0x5, v16;
	v62 =	vsel vm12, $0xFFFFFFFF, v36;
	v46 =	vsel vm13, $0xFFFFFFFF, v36  }
0x4c8: {  	v35 =	vsel vm13, $0x1, v36;
	vm9 =	vle.f32 v3, v9;
	vm10 =	vle.f32 v53, v10  }
0x4c9: {  	v12 =	vadd.s32 v56, v54;
	vm1 =	vle.f32 v53, v11;
	vm11 =	vle.f32 v53, v1  }
0x4ca: {  	vm14 =	vle.f32 v13, v10;
	vm15 =	vle.f32 v13, v11;
	vm4 =	vle.f32 v13, v1  }
0x4cb: {  	v8 =	vadd.s32 v46, v50;
	v13 =	vsel vm5, $0xFFFFFFFF, v22;
	vm6 =	vle.f32 v3, v10  }
0x4cc: {  	vm7 =	vle.f32 v3, v11;
	vm8 =	vle.f32 v3, v1;
	v15 =	vadd.s32 v35, v15  }
0x4cd: {  	vm13 =	vle.f32 v11, v1;
	v58 =	vsel vm10, $0xFFFFFFFF, v36;
	v16 =	vsel vm10, $0x4, v63  }
0x4ce: {  	v59 =	vsel vm1, $0xFFFFFFFF, v36;
	v17 =	vsel vm1, $0x3, v61;
	v60 =	vsel vm11, $0xFFFFFFFF, v36  }
0x4cf: {  	v19 =	vsel vm11, $0x2, v19;
	v63 =	vsel vm12, $0x1, v36;
	v47 =	vsel vm14, $0xFFFFFFFF, v22  }
0x4d0: {  	v37 =	vsel vm14, $0x1, v22;
	v38 =	vsel vm15, $0xFFFFFFFF, v22;
	v39 =	vsel vm15, $0x1, v22  }
0x4d1: {  	v40 =	vsel vm4, $0xFFFFFFFF, v22;
	v41 =	vsel vm4, $0x1, v22;
	v50 =	vsel vm6, $0xFFFFFFFF, v22  }
0x4d2: {  	v7 =	vld.idx.msk [tilespmem:v44+s12+$0x0], $0xffff;
	v52 =	vsel vm6, $0x1, v22;
	v36 =	vsel vm7, $0x1, v22;
	v56 =	vsel vm8, $0x1, v22  }
0x4d3: {  	vm10 =	vle.f32 v10, v11;
	vm11 =	vle.f32 v10, v1;
	vm12 =	vle.f32 v10, v9  }
0x4d4: {  	vm14 =	vle.f32 v11, v9;
	vm15 =	vle.f32 v1, v9;
	v12 =	vadd.s32 v58, v12  }
0x4d5: {  	v48 =	vadd.s32 v41, v19;
	v8 =	vadd.s32 v47, v8;
	v19 =	vsel vm5, $0x1, v22  }
0x4d6: {  	v44 =	vsel vm10, $0x1, v22;
	v12 =	vadd.s32 v59, v12;
	v8 =	vadd.s32 v38, v8  }
0x4d7: {  	v14 =	vadd.s32 v19, v63;
	v61 =	vadd.s32 v60, v12;
	v58 =	vmul.f32 $6.366197460e-01, v7  }
0x4d8: {  	v19 =	vsel vm7, $0xFFFFFFFF, v22;
	v60 =	vadd.s32 v50, v15;
	v53 =	vadd.s32 v62, v61  }
0x4d9: {  	v3 =	vadd.s32 v19, v60;
	v19 =	vadd.s32 $0x4, v55;
	v61 =	vadd.f32 $1.258291200e+07, v58  }
0x4da: {  	v46 =	vsel vm11, $0xFFFFFFFF, v22;
	v47 =	vsel vm11, $0x1, v22;
	v8 =	vadd.s32 v40, v8  }
0x4db: {  	v59 =	vsel vm8, $0xFFFFFFFF, v22;
	v43 =	vadd.s32 v13, v8;
	v8 =	vadd.f32 $-1.258291200e+07, v61  }
0x4dc: {  	v54 =	vadd.s32 v37, v16;
	v15 =	vsel vm9, $0xFFFFFFFF, v22;
	v3 =	vadd.s32 v59, v3  }
0x4dd: {  	v12 =	vadd.s32 v56, v48;
	v48 =	vadd.s32 v15, v3;
	v15 =	vmul.f32 $1.570800780e+00, v8  }
0x4de: {  	v16 =	vsel vm12, $0x1, v22;
	v63 =	vsel vm10, $0xFFFFFFFF, v22;
	v50 =	vadd.s32 $0x5, v55;
	v19 =	vld.idx.msk [tilespmem:v19+s12+$0x0], $0xffff  }
0x4df: {  	v10 =	vadd.s32 v52, v54;
	v7 =	vsub.f32 v7, v15;
	v15 =	vmul.f32 $4.454454940e-06, v8  }
0x4e0: {  	v56 =	vsel vm12, $0xFFFFFFFF, v22;
	v62 =	vsel vm9, $0x1, v22;
	v12 =	vadd.s32 v47, v12  }
0x4e1: {  	v14 =	vadd.s32 v62, v14;
	v59 =	vsel vm13, $0xFFFFFFFF, v22;
	v13 =	vadd.f32 v15, v7  }
0x4e2: {  	v62 =	vsel vm14, $0x1, v22;
	v14 =	vadd.s32 v16, v14;
	v3 =	vadd.s32 v63, v10  }
0x4e3: {  	v16 =	vsel vm13, $0x1, v22;
	v15 =	vld.idx.msk [tilespmem:v50+s12+$0x0], $0xffff;
	v60 =	vmul.f32 $6.366197460e-01, v19;
	v58 =	vmul.f32 v13, v13  }
0x4e4: {  	v63 =	vadd.s32 v39, v17;
	v3 =	vadd.s32 v46, v3;
	v38 =	vadd.s32 v16, v12  }
0x4e5: {  	v16 =	vsel vm14, $0xFFFFFFFF, v22;
	v7 =	vadd.f32 $1.258291200e+07, v60;
	v61 =	vmul.f32 $2.443315680e-05, v58  }
0x4e6: {  	v12 =	vadd.s32 v62, v14;
	v36 =	vadd.s32 v36, v63;
	v17 =	vmul.f32 $1.951529560e-04, v58  }
0x4e7: {  	v8 =	vtrunc.f32 v8;
	v37 =	vadd.f32 $-1.258291200e+07, v7;
	v11 =	vadd.f32 $-1.388731650e-03, v61  }
0x4e8: {  	v8 =	vcvt.f32.s32 v8;
	v39 =	vmul.f32 $6.366197460e-01, v15;
	v17 =	vsub.f32 $8.332161230e-03, v17  }
0x4e9: {  	v52 =	vadd.s32 v56, v3;
	v40 =	vmul.f32 $1.570800780e+00, v37;
	v11 =	vmul.f32 v11, v58  }
0x4ea: {  	v7 =	vadd.s32 v44, v36;
	v42 =	vadd.f32 $1.258291200e+07, v39;
	v44 =	vmul.f32 v17, v58  }
0x4eb: {  	v17 =	vsub.f32 v19, v40;
	v19 =	vmul.f32 $4.454454940e-06, v37;
	v41 =	vadd.f32 $4.166664560e-02, v11  }
0x4ec: {  	v46 =	vmul.f32 v58, v13;
	v3 =	vadd.s32 v59, v7;
	v11 =	vadd.f32 $-1.258291200e+07, v42  }
0x4ed: {  	v59 =	vand.u32 $0x2, v8;
	v17 =	vadd.f32 v19, v17;
	v7 =	vmul.f32 v41, v58  }
0x4ee: {  	vm7 =	veq.s32 v59, $0x0;
	v37 =	vtrunc.f32 v37;
	v47 =	vmul.f32 $1.570800780e+00, v11  }
0x4ef: {  	v14 =	vadd.f32 $-1.666665520e-01, v44;
	v54 =	vmul.f32 v17, v17;
	v19 =	vadd.f32 $-5.000000000e-01, v7  }
0x4f0: {  	v7 =	vadd.s32 v16, v3;
	v15 =	vsub.f32 v15, v47;
	v16 =	vmul.f32 $4.454454940e-06, v11  }
0x4f1: {  	v44 =	vand.u32 $0x1, v8;
	v8 =	vadd.s32 $0x1, v8;
	v41 =	vmul.f32 $2.443315680e-05, v54  }
0x4f2: {  	vm6 =	veq.s32 v44, $0x0;
	v50 =	vmul.f32 v14, v46;
	v46 =	vadd.f32 v16, v15  }
0x4f3: {  	v8 =	vand.u32 $0x2, v8;
	v56 =	vmul.f32 $1.951529560e-04, v54;
	v3 =	vadd.f32 $-1.388731650e-03, v41  }
0x4f4: {  	vm8 =	veq.s32 v8, $0x0;
	v10 =	vmul.f32 v19, v58;
	v19 =	vmul.f32 v46, v46  }
0x4f5: {  	v40 =	vadd.f32 v50, v13;
	v63 =	vmul.f32 v54, v17;
	v3 =	vmul.f32 v3, v54  }
0x4f6: {  	v15 =	vsel vm15, $0x1, v22;
	v58 =	vsub.f32 $8.332161230e-03, v56;
	v61 =	vmul.f32 $2.443315680e-05, v19  }
0x4f7: {  	v41 =	vcvt.f32.s32 v37;
	v42 =	vadd.f32 $1.000000000e+00, v10;
	v3 =	vadd.f32 $4.166664560e-02, v3  }
0x4f8: {  	v56 =	vtrunc.f32 v11;
	v9 =	vmul.f32 v58, v54;
	v62 =	vadd.f32 $-1.388731650e-03, v61  }
0x4f9: {  	v50 =	vand.u32 $0x1, v41;
	v16 =	vsel vm6, v40, v42;
	v3 =	vmul.f32 v3, v54  }
0x4fa: {  	v1 =	vsel vm6, v42, v40;
	v40 =	vmul.f32 $1.951529560e-04, v19;
	v10 =	vmul.f32 v62, v19  }
0x4fb: {  	vm2 =	veq.s32 v50, $0x0;
	v9 =	vadd.f32 $-1.666665520e-01, v9;
	v3 =	vadd.f32 $-5.000000000e-01, v3  }
0x4fc: {  	v58 =	vmul.f32 v19, v46;
	v36 =	vsub.f32 $8.332161230e-03, v40;
	v10 =	vadd.f32 $4.166664560e-02, v10  }
0x4fd: {  	v60 =	vsub.f32 $0.0e+00, v16;
	v9 =	vmul.f32 v9, v63;
	v3 =	vmul.f32 v3, v54  }
0x4fe: {  	v61 =	vand.u32 $0x2, v41;
	v54 =	vmul.f32 v36, v19;
	v10 =	vmul.f32 v10, v19  }
0x4ff: {  	v16 =	vsel vm7, v16, v60;
	v60 =	vcvt.f32.s32 v56;
	v47 =	vadd.f32 v9, v17  }
0x500: {  	vm9 =	veq.s32 v61, $0x0;
	v14 =	vadd.f32 $-1.666665520e-01, v54;
	v10 =	vadd.f32 $-5.000000000e-01, v10  }
0x501: {  	v17 =	vsub.f32 $0.0e+00, v1;
	v63 =	vand.u32 $0x1, v60;
	v35 =	vand.u32 $0x2, v60  }
0x502: {  	v3 =	vadd.f32 $1.000000000e+00, v3;
	v11 =	vmul.f32 v14, v58;
	v10 =	vmul.f32 v10, v19  }
0x503: {  	vm10 =	veq.s32 v63, $0x0;
	vm11 =	veq.s32 v35, $0x0;
	v1 =	vsel vm8, v1, v17  }
0x504: {  	v59 =	vsel vm2, v47, v3;
	v11 =	vadd.f32 v11, v46;
	v10 =	vadd.f32 $1.000000000e+00, v10  }
0x505: {  	v3 =	vsel vm2, v3, v47;
	v14 =	vadd.s32 $0x1, v41;
	v62 =	vsub.f32 $0.0e+00, v59  }
0x506: {  	v8 =	vand.u32 $0x2, v14;
	v19 =	vadd.s32 $0x1, v60;
	v13 =	vsel vm10, v11, v10  }
0x507: {  	v39 =	vsub.f32 $0.0e+00, v3;
	v10 =	vsel vm10, v10, v11;
	v36 =	vsub.f32 $0.0e+00, v13  }
0x508: {  	v37 =	vand.u32 $0x2, v19;
	vm3 =	veq.s32 v8, $0x0;
	v19 =	vsub.f32 $0.0e+00, v10  }
0x509: {  	v44 =	vsel vm9, v59, v62;
	vm12 =	veq.s32 v37, $0x0;
	v14 =	vsel vm11, v13, v36  }
0x50a: {  	v40 =	vsel vm12, v10, v19;
	v19 =	vsel vm3, v3, v39;
	v41 =	vmul.f32 v14, v44  }
0x50b: {  	v3 =	vadd.s32 v15, v12;
	v17 =	vmul.f32 v40, v44;
	v46 =	vmul.f32 v40, v16  }
0x50c: {  	v42 =	vsub.f32 $0.0e+00, v19;
	v15 =	vmul.f32 v40, v1;
	v59 =	vmul.f32 v19, v1  }
0x50d: {  	v47 =	vmul.f32 v41, v1;
	v50 =	vmul.f32 v41, v16  }
0x50e: {  	v62 =	vmul.f32 v42, v16;
	v63 =	vmul.f32 v17, v1  }
0x50f: {  	v1 =	vmul.f32 v14, v1;
	v60 =	vsub.f32 v15, v50;
	v15 =	vmul.f32 v14, v16  }
0x510: {  	v16 =	vmul.f32 v17, v16;
	v11 =	vmul.f32 v62, v33  }
0x511: {  	v54 =	vadd.f32 v47, v46;
	v47 =	vmul.f32 v40, v19;
	v40 =	vmul.f32 v59, v29  }
0x512: {  	v9 =	vsub.f32 $0.0e+00, v14;
	v46 =	vmul.f32 v62, v29;
	v29 =	vmul.f32 v44, v29  }
0x513: {  	v50 =	vsub.f32 v15, v63;
	v15 =	vmul.f32 v59, v33;
	v10 =	vmul.f32 v54, v34  }
0x514: {  	v17 =	vadd.f32 v16, v1;
	v12 =	vmul.f32 v60, v34;
	v16 =	vmul.f32 v9, v19  }
0x515: {  	v19 =	vmul.f32 v44, v33;
	v41 =	vmul.f32 v54, v30  }
0x516: {  	v56 =	vmul.f32 v60, v30;
	v63 =	vmul.f32 v47, v31  }
0x517: {  	v36 =	vmul.f32 v60, v28;
	v13 =	vmul.f32 v50, v32  }
0x518: {  	v1 =	vadd.f32 v12, v11;
	v14 =	vmul.f32 v17, v32;
	v39 =	vmul.f32 v16, v34  }
0x519: {  	v35 =	vadd.f32 v10, v15;
	v32 =	vmul.f32 v47, v32;
	v42 =	vmul.f32 v50, v31  }
0x51a: {  	v61 =	vmul.f32 v16, v30;
	v8 =	vadd.f32 v56, v46;
	v1 =	vadd.f32 v1, v14  }
0x51b: {  	v12 =	vmul.f32 v59, v18;
	v46 =	vmul.f32 v60, v5;
	v19 =	vadd.f32 v39, v19  }
0x51c: {  	v37 =	vadd.f32 v35, v13;
	v13 =	vmul.f32 v54, v28;
	[tilespmem:$0x1F610] =	vst v1;
	v1 =	vadd.f32 v41, v40  }
0x51d: {  	v14 =	vmul.f32 v62, v18;
	v58 =	vadd.f32 v19, v32;
	v19 =	vmul.f32 v17, v31  }
0x51e: {  	[tilespmem:$0x1F600] =	vst v37;
	v37 =	vadd.f32 v13, v12;
	v40 =	vmul.f32 v17, v6;
	v1 =	vadd.f32 v1, v42  }
0x51f: {  	v39 =	vadd.f32 v36, v14;
	v41 =	vmul.f32 v44, v18;
	v18 =	vmul.f32 v16, v28  }
0x520: {  	v12 =	vmul.f32 v60, v27;
	v13 =	vor.u32 s21, v51;
	[tilespmem:$0x1F630] =	vst v1;
	v1 =	vadd.f32 v61, v29  }
0x521: {  	v14 =	vmul.f32 v50, v26;
	v8 =	vadd.f32 v8, v19;
	v19 =	vmul.f32 v50, v6  }
0x522: {  	v32 =	vmul.f32 v17, v26;
	[tilespmem:$0x1F620] =	vst v58;
	v42 =	vmul.f32 v59, v4;
	v1 =	vadd.f32 v1, v63  }
0x523: {  	v6 =	vmul.f32 v47, v6;
	v58 =	vmul.f32 v17, v2;
	[tilespmem:$0x1F640] =	vst v8;
	v8 =	vadd.f32 v37, v19  }
0x524: {  	v19 =	vmul.f32 v54, v5;
	v5 =	vmul.f32 v16, v5;
	[tilespmem:$0x1F650] =	vst v1;
	v1 =	vadd.f32 v39, v40  }
0x525: {  	v61 =	vmul.f32 v59, v0;
	[tilespmem:$0x1F660] =	vst v8;
	v8 =	vadd.f32 v18, v41;
	v18 =	vmul.f32 v50, v2  }
0x526: {  	v63 =	vmul.f32 v54, v27;
	[tilespmem:$0x1F670] =	vst v1;
	v1 =	vadd.f32 v19, v42;
	v19 =	vmul.f32 v62, v4  }
0x527: {  	v2 =	vmul.f32 v47, v2;
	v6 =	vadd.f32 v8, v6;
	v4 =	vmul.f32 v44, v4  }
0x528: {  	v1 =	vadd.f32 v1, v18;
	v56 =	vadd.f32 v46, v19;
	v18 =	vmul.u32 $0x45, v13  }
0x529: {  	v4 =	vadd.f32 v5, v4;
	v19 =	vmul.f32 v62, v0;
	v5 =	vadd.f32 v63, v61  }
0x52a: {  	v0 =	vmul.f32 v44, v0;
	v46 =	vmul.f32 v16, v27;
	v34 =	vadd.s32 $0xD, v18  }
0x52b: {  	[tilespmem:$0x1F7B0] =	vst v13;
	v63 =	vmul.f32 v50, v25;
	v13 =	vmul.f32 v60, v24;
	v37 =	vadd.s32 $0xE, v18  }
0x52c: {  	[tilespmem:$0x1F6C0] =	vst v1;
	v19 =	vadd.f32 v12, v19;
	v1 =	vadd.f32 v56, v58;
	v51 =	vadd.s32 $0xF, v18  }
0x52d: {  	v33 =	vadd.f32 v4, v2;
	v35 =	vadd.f32 v5, v14;
	v61 =	vadd.s32 $0x15, v18  }
0x52e: {  	v56 =	vmul.f32 v59, v23;
	v58 =	vmul.f32 v54, v24;
	v11 =	vadd.s32 $0x16, v18  }
0x52f: {  	v0 =	vadd.f32 v46, v0;
	v4 =	vmul.f32 v47, v26;
	v14 =	vadd.s32 $0x1B, v18;
	v41 =	vld.idx.msk [tilespmem:v34+s12+$0x0], $0xffff  }
0x530: {  	v12 =	vmul.f32 v62, v23;
	v23 =	vmul.f32 v44, v23;
	v46 =	vadd.s32 $0x1C, v18;
	v42 =	vld.idx.msk [tilespmem:v37+s12+$0x0], $0xffff  }
0x531: {  	v24 =	vmul.f32 v16, v24;
	v36 =	vadd.f32 v19, v32;
	v19 =	vadd.s32 $0x14, v18;
	v39 =	vld.idx.msk [tilespmem:v51+s12+$0x0], $0xffff  }
0x532: {  	[tilespmem:$0x1F690] =	vst v6;
	v6 =	vadd.f32 v58, v56;
	v27 =	vadd.f32 v13, v12;
	v58 =	vadd.s32 $0x22, v18;
	v37 =	vld.idx.msk [tilespmem:v61+s12+$0x0], $0xffff  }
0x533: {  	v26 =	vadd.s32 $0x29, v18;
	v23 =	vadd.f32 v24, v23;
	v56 =	vmul.f32 v47, v25;
	[tilespmem:$0x1F710] =	vst v36;
	v36 =	vld.idx.msk [tilespmem:v11+s12+$0x0], $0xffff  }
0x534: {  	v24 =	vmul.f32 v54, v21;
	v61 =	vadd.f32 v6, v63;
	v63 =	vadd.s32 $0x23, v18;
	v32 =	vld.idx.msk [tilespmem:v14+s12+$0x0], $0xffff  }
0x535: {  	v13 =	vadd.f32 v23, v56;
	v23 =	vmul.f32 v59, v20;
	v14 =	vadd.s32 $0x24, v18;
	v34 =	vld.idx.msk [tilespmem:v46+s12+$0x0], $0xffff  }
0x536: {  	[tilespmem:$0x1F700] =	vst v35;
	v51 =	vmul.f32 v17, v25;
	v35 =	vld.idx.msk [tilespmem:v19+s12+$0x0], $0xffff;
	v19 =	vadd.s32 $0x1D, v18  }
0x537: {  	v40 =	vmul.f32 v62, v20;
	v56 =	vadd.s32 $0x2B, v18;
	v2 =	vadd.f32 v24, v23;
	v30 =	vld.idx.msk [tilespmem:v58+s12+$0x0], $0xffff  }
0x538: {  	[tilespmem:$0x1F750] =	vst v61;
	v12 =	vadd.f32 v27, v51;
	v51 =	vmul.f32 v50, v45;
	v61 =	vadd.s32 $0x30, v18;
	v27 =	vld.idx.msk [tilespmem:v26+s12+$0x0], $0xffff  }
0x539: {  	[tilespmem:$0x1F6D0] =	vst v1;
	v20 =	vmul.f32 v44, v20;
	v46 =	vmul.f32 v60, v21;
	v31 =	vld.idx.msk [tilespmem:v63+s12+$0x0], $0xffff;
	v63 =	vadd.s32 $0x31, v18  }
0x53a: {  	[tilespmem:$0x1F6E0] =	vst v33;
	v21 =	vmul.f32 v16, v21;
	v2 =	vadd.f32 v2, v51;
	v28 =	vld.idx.msk [tilespmem:v14+s12+$0x0], $0xffff;
	v14 =	vadd.s32 $0x38, v18  }
0x53b: {  	v0 =	vadd.f32 v0, v4;
	v6 =	vadd.f32 v46, v40;
	[tilespmem:$0x1F760] =	vst v12;
	v33 =	vld.idx.msk [tilespmem:v19+s12+$0x0], $0xffff;
	v19 =	vadd.s32 $0x2A, v18  }
0x53c: {  	v58 =	vmul.f32 v17, v45;
	v12 =	vadd.f32 v21, v20;
	v25 =	vld.idx.msk [tilespmem:v56+s12+$0x0], $0xffff;
	[tilespmem:$0x1F780] =	vst v2;
	v2 =	vadd.s32 $0x37, v18  }
0x53d: {  	[tilespmem:$0x1F720] =	vst v0;
	v20 =	vadd.s32 $0x32, v18;
	v23 =	vld.idx.msk [tilespmem:v61+s12+$0x0], $0xffff;
	v56 =	vmul.f32 v35, v35;
	v61 =	vmul.f32 v37, v37  }
0x53e: {  	[tilespmem:$0x1F770] =	vst v13;
	v13 =	vmul.f32 v47, v45;
	v11 =	vadd.f32 v6, v58;
	v24 =	vld.idx.msk [tilespmem:v63+s12+$0x0], $0xffff  }
0x53f: {  	v51 =	vmul.f32 v41, v41;
	v0 =	vmul.f32 v39, v39;
	v1 =	vadd.f32 v61, v56;
	v56 =	vld.idx.msk [tilespmem:v14+s12+$0x0], $0xffff  }
0x540: {  	v58 =	vadd.s32 $0x39, v18;
	v46 =	vmul.f32 v32, v32;
	v29 =	vld.idx.msk [tilespmem:v19+s12+$0x0], $0xffff;
	v19 =	vmul.f32 v42, v42  }
0x541: {  	v10 =	vmul.u32 $0x3, v52;
	[tilespmem:$0x1F7A0] =	vst v11;
	v4 =	vadd.f32 v12, v13;
	v61 =	vmul.f32 v27, v27;
	v11 =	vld.idx.msk [tilespmem:v2+s12+$0x0], $0xffff  }
0x542: {  	v26 =	vld.idx.msk [tilespmem:v20+s12+$0x0], $0xffff;
	v63 =	vmul.f32 v36, v36;
	v40 =	vadd.f32 v19, v51;
	v51 =	vmul.f32 v34, v34  }
0x543: {  	[tilespmem:$0x1F7E0] =	vst v4;
	v4 =	vmul.u32 $0x3, v53;
	v14 =	vmul.f32 v30, v30;
	v19 =	vmul.f32 v31, v31  }
0x544: {  	v21 =	vmul.f32 v33, v33;
	v0 =	vadd.f32 v0, v40;
	v2 =	vadd.f32 v51, v46  }
0x545: {  	v40 =	vadd.f32 v19, v14;
	v46 =	vld.idx.msk [tilespmem:v58+s12+$0x0], $0xffff;
	v58 =	vmul.f32 v28, v28;
	v19 =	vmul.f32 v24, v24  }
0x546: {  	v8 =	vadd.f32 v63, v1;
	[tilespmem:$0x1F850] =	vst v11;
	v11 =	vmul.f32 v11, v11;
	v14 =	vmul.f32 v56, v56  }
0x547: {  	[tilespmem:$0x1F860] =	vst v56;
	v51 =	vmul.f32 v26, v26;
	v56 =	vsel vm15, $0xFFFFFFFF, v22;
	v63 =	vmul.f32 v29, v29  }
0x548: {  	v9 =	vadd.f32 v21, v2;
	v13 =	vadd.f32 v58, v40;
	v2 =	vmul.f32 v23, v23  }
0x549: {  	v40 =	vmul.f32 v25, v25;
	v6 =	vadd.f32 v14, v11;
	v58 =	vadd.s32 v56, v38  }
0x54a: {  	vm13 =	vle.f32 v0, v8;
	v14 =	vmul.u32 $0x3, v7;
	v5 =	vadd.f32 v63, v61  }
0x54b: {  	v57 =	vsel vm13, $0x5, v57;
	v19 =	vadd.f32 v19, v2;
	vm14 =	vle.f32 v0, v9  }
0x54c: {  	vm3 =	vle.f32 v0, v13;
	vm6 =	vle.f32 v8, v9;
	v45 =	vmul.f32 v46, v46  }
0x54d: {  	v15 =	vadd.f32 v40, v5;
	v61 =	vsel vm14, $0xFFFFFFFF, v22;
	v63 =	vsel vm3, $0xFFFFFFFF, v22  }
0x54e: {  	[tilespmem:$0x1F870] =	vst v46;
	v46 =	vadd.f32 v51, v19;
	v5 =	vadd.s32 v61, v57;
	v57 =	vmul.u32 $0x1B, v49  }
0x54f: {  	v19 =	vmul.u32 $0x3, v43;
	v56 =	vadd.f32 v45, v6;
	vm0 =	vle.f32 v0, v15  }
0x550: {  	v5 =	vadd.s32 v63, v5;
	v6 =	vmul.u32 $0x3, v48;
	vm1 =	vle.f32 v8, v15  }
0x551: {  	vm2 =	vle.f32 v9, v15;
	vm4 =	vle.f32 v0, v46;
	v1 =	vsel vm0, $0xFFFFFFFF, v22  }
0x552: {  	v43 =	vadd.s32 $0x3, v57;
	v49 =	vadd.s32 $0x4, v57;
	v40 =	vadd.s32 $0x5, v57  }
0x553: {  	vm7 =	vle.f32 v8, v46;
	v5 =	vadd.s32 v1, v5;
	v2 =	vsel vm4, $0xFFFFFFFF, v22  }
0x554: {  	v11 =	vadd.s32 v6, v43;
	v63 =	vadd.s32 v2, v5;
	v5 =	vadd.s32 $0x3, v18  }
0x555: {  	vm15 =	vle.f32 v9, v46;
	vm5 =	vle.f32 v0, v56;
	v12 =	vadd.s32 v6, v49;
	[tilespmem:$0x1F680] =	vst v11  }
0x556: {  	v20 =	vadd.s32 v4, v43;
	v21 =	vadd.s32 v4, v49;
	v0 =	vadd.s32 v6, v40;
	[tilespmem:$0x1F6A0] =	vst v12  }
0x557: {  	v38 =	vadd.s32 v4, v40;
	v51 =	vadd.s32 v10, v43;
	v6 =	vadd.s32 v10, v49;
	[tilespmem:$0x1F6B0] =	vst v0  }
0x558: {  	v53 =	vadd.s32 v10, v40;
	v10 =	vmul.u32 $0x3, v58;
	[tilespmem:$0x1F6F0] =	vst v6;
	v11 =	vadd.s32 v14, v49  }
0x559: {  	v45 =	vadd.s32 v19, v43;
	v1 =	vmul.u32 $0x3, v3;
	v0 =	vadd.s32 v14, v40;
	[tilespmem:$0x1F730] =	vst v11;
	v7 =	vld.idx.msk [tilespmem:v5+s12+$0x0], $0xffff  }
0x55a: {  	v58 =	vadd.s32 v14, v43;
	[tilespmem:$0x1F740] =	vst v0;
	v12 =	vadd.s32 v10, v43;
	v14 =	vadd.s32 v10, v49  }
0x55b: {  	v4 =	vadd.s32 v10, v40;
	v10 =	vsel vm5, $0xFFFFFFFF, v22;
	[tilespmem:$0x1F790] =	vst v12;
	v12 =	vadd.s32 $0x4, v18  }
0x55c: {  	v48 =	vadd.s32 v19, v49;
	v6 =	vadd.s32 v1, v49;
	[tilespmem:$0x1F7D0] =	vst v4;
	v0 =	vadd.s32 v10, v63  }
0x55d: {  	[tilespmem:$0x1F800] =	vst v6;
	v4 =	vimm.s32 $0x5;
	v10 =	vsel vm6, $0xFFFFFFFF, v22;
	v5 =	vadd.s32 v1, v43  }
0x55e: {  	v1 =	vadd.s32 v1, v40;
	[tilespmem:$0x1F7F0] =	vst v5;
	v5 =	vimm.s32 $0x1;
	v11 =	vmul.f32 $6.366197460e-01, v7  }
0x55f: {  	[tilespmem:$0x1F820] =	vst v1;
	v1 =	vsel vm13, $0x6, v4;
	v6 =	vsel vm4, $0x2, v5;
	vm4 =	vle.f32 v8, v13  }
0x560: {  	[tilespmem:$0x1F7C0] =	vst v14;
	v1 =	vadd.s32 v10, v1;
	v43 =	vld.idx.msk [tilespmem:v12+s12+$0x0], $0xffff;
	v12 =	vsel vm4, $0xFFFFFFFF, v22;
	v14 =	vadd.f32 $1.258291200e+07, v11  }
0x561: {  	v52 =	vadd.s32 v19, v40;
	v4 =	vsel vm1, $0xFFFFFFFF, v22;
	v1 =	vadd.s32 v12, v1  }
0x562: {  	v12 =	vsel vm7, $0xFFFFFFFF, v22;
	v1 =	vadd.s32 v4, v1;
	v5 =	vadd.f32 $-1.258291200e+07, v14  }
0x563: {  	vm8 =	vle.f32 v8, v56;
	v3 =	vsel vm15, $0xFFFFFFFF, v22;
	v1 =	vadd.s32 v12, v1  }
0x564: {  	[tilespmem:$0x1F810] =	vst v0;
	v12 =	vsel vm15, $0x1, v22;
	v11 =	vsel vm7, $0x1, v22;
	v0 =	vmul.f32 $1.570800780e+00, v5  }
0x565: {  	v40 =	vadd.s32 v11, v6;
	v11 =	vsel vm8, $0x1, v22;
	v14 =	vsel vm5, $0x1, v22  }
0x566: {  	v8 =	vadd.s32 v11, v14;
	v14 =	vmul.f32 $4.454454940e-06, v5;
	v0 =	vsub.f32 v7, v0  }
0x567: {  	v6 =	vadd.s32 v12, v40;
	v40 =	vadd.s32 $0x5, v18;
	v11 =	vmul.f32 $6.366197460e-01, v43  }
0x568: {  	v63 =	vimm.s32 $0x4;
	v10 =	vsel vm8, $0xFFFFFFFF, v22;
	v4 =	vadd.f32 v14, v0  }
0x569: {  	v1 =	vadd.s32 v10, v1;
	v10 =	vsel vm14, $0x5, v63;
	v14 =	vadd.f32 $1.258291200e+07, v11  }
0x56a: {  	v11 =	vsel vm6, $0x1, v22;
	vm6 =	vle.f32 v9, v13;
	v0 =	vmul.f32 v4, v4  }
0x56b: {  	v49 =	vadd.s32 v11, v10;
	v12 =	vsel vm6, $0xFFFFFFFF, v22;
	v7 =	vadd.f32 $-1.258291200e+07, v14  }
0x56c: {  	vm9 =	vle.f32 v9, v56;
	v40 =	vld.idx.msk [tilespmem:v40+s12+$0x0], $0xffff;
	v49 =	vadd.s32 v12, v49;
	v10 =	vmul.f32 $2.443315680e-05, v0  }
0x56d: {  	v12 =	vsel vm2, $0xFFFFFFFF, v22;
	v14 =	vmul.f32 $1.951529560e-04, v0;
	v11 =	vmul.f32 $1.570800780e+00, v7  }
0x56e: {  	vm7 =	vle.f32 v13, v46;
	v49 =	vadd.s32 v12, v49;
	v2 =	vadd.f32 $-1.388731650e-03, v10  }
0x56f: {  	[tilespmem:$0x1F830] =	vst v1;
	v1 =	vsub.f32 $8.332161230e-03, v14;
	v43 =	vsub.f32 v43, v11;
	v14 =	vmul.f32 $4.454454940e-06, v7  }
0x570: {  	v9 =	vadd.s32 v3, v49;
	v10 =	vsel vm9, $0xFFFFFFFF, v22;
	v2 =	vmul.f32 v2, v0  }
0x571: {  	v1 =	vmul.f32 v1, v0;
	v43 =	vadd.f32 v14, v43;
	v14 =	vmul.f32 $6.366197460e-01, v40  }
0x572: {  	v5 =	vtrunc.f32 v5;
	v49 =	vadd.s32 v10, v9;
	v2 =	vadd.f32 $4.166664560e-02, v2  }
0x573: {  	v3 =	vadd.f32 $-1.666665520e-01, v1;
	v1 =	vadd.f32 $1.258291200e+07, v14;
	v9 =	vmul.f32 v43, v43  }
0x574: {  	v12 =	vmul.f32 v0, v4;
	v11 =	vsel vm9, $0x1, v22;
	v2 =	vmul.f32 v2, v0  }
0x575: {  	v61 =	vadd.s32 v11, v8;
	v63 =	vadd.f32 $-1.258291200e+07, v1;
	v11 =	vmul.f32 $2.443315680e-05, v9  }
0x576: {  	v10 =	vsel vm7, $0x1, v22;
	v3 =	vmul.f32 v3, v12;
	v2 =	vadd.f32 $-5.000000000e-01, v2  }
0x577: {  	v19 =	vadd.s32 v10, v6;
	v12 =	vadd.f32 $-1.388731650e-03, v11;
	v14 =	vmul.f32 $1.570800780e+00, v63  }
0x578: {  	v3 =	vadd.f32 v3, v4;
	v11 =	vmul.f32 $1.951529560e-04, v9;
	v0 =	vmul.f32 v2, v0  }
0x579: {  	v2 =	vcvt.f32.s32 v5;
	v5 =	vsub.f32 v40, v14;
	v4 =	vmul.f32 v12, v9  }
0x57a: {  	v6 =	vsub.f32 $8.332161230e-03, v11;
	v12 =	vmul.f32 $4.454454940e-06, v63;
	v0 =	vadd.f32 $1.000000000e+00, v0  }
0x57b: {  	v10 =	vand.u32 $0x1, v2;
	v14 =	vadd.f32 $4.166664560e-02, v4;
	v11 =	vand.u32 $0x2, v2  }
0x57c: {  	v2 =	vadd.s32 $0x1, v2;
	vm10 =	veq.s32 v10, $0x0;
	vm11 =	veq.s32 v11, $0x0  }
0x57d: {  	v10 =	vadd.f32 v12, v5;
	v12 =	vmul.f32 v6, v9;
	v40 =	vsel vm10, v3, v0  }
0x57e: {  	v11 =	vmul.f32 v9, v43;
	v6 =	vmul.f32 v14, v9;
	v14 =	vsub.f32 $0.0e+00, v40  }
0x57f: {  	v8 =	vsel vm10, v0, v3;
	v5 =	vadd.f32 $-1.666665520e-01, v12;
	v0 =	vmul.f32 v10, v10  }
0x580: {  	v12 =	vand.u32 $0x2, v2;
	v40 =	vsel vm11, v40, v14;
	v14 =	vadd.f32 $-5.000000000e-01, v6  }
0x581: {  	[tilespmem:$0x1F840] =	vst v49;
	v3 =	vtrunc.f32 v7;
	vm12 =	veq.s32 v12, $0x0;
	v49 =	vmul.f32 $2.443315680e-05, v0  }
0x582: {  	v12 =	vcvt.f32.s32 v3;
	v2 =	vmul.f32 v14, v9;
	v9 =	vadd.s32 $0x1, v55  }
0x583: {  	v1 =	vmul.f32 v5, v11;
	v5 =	vadd.f32 $-1.388731650e-03, v49;
	v49 =	vadd.s32 $0x2, v55  }
0x584: {  	vm15 =	vle.f32 v13, v56;
	vm5 =	vle.f32 v13, v15;
	v14 =	vmul.f32 $1.951529560e-04, v0  }
0x585: {  	v13 =	vld [tilespmem:$0x1F600];
	v4 =	vand.u32 $0x1, v12;
	v3 =	vadd.f32 v1, v43;
	v2 =	vadd.f32 $1.000000000e+00, v2  }
0x586: {  	vm13 =	veq.s32 v4, $0x0;
	v6 =	vsub.f32 $8.332161230e-03, v14;
	v14 =	vld.idx.msk [tilespmem:v55+s12+$0x0], $0xffff  }
0x587: {  	v7 =	vadd.s32 $0x1, v57;
	v5 =	vmul.f32 v5, v0;
	v1 =	vsel vm13, v3, v2;
	v43 =	vld.idx.msk [tilespmem:v9+s12+$0x0], $0xffff  }
0x588: {  	v11 =	vsub.f32 $0.0e+00, v8;
	v9 =	vld.idx.msk [tilespmem:v49+s12+$0x0], $0xffff;
	v49 =	vand.u32 $0x2, v12;
	v4 =	vsub.f32 $0.0e+00, v1  }
0x589: {  	v5 =	vadd.f32 $4.166664560e-02, v5;
	vm14 =	veq.s32 v49, $0x0  }
0x58a: {  	v11 =	vsel vm12, v8, v11;
	v49 =	vsel vm14, v1, v4  }
0x58b: {  	v8 =	vadd.s32 $0x2, v57;
	v1 =	vmul.f32 v5, v0;
	[tilespmem:v57+s16+$0x0] =	vst.idx.msk $0xffff, v14;
	v5 =	vsub.f32 v14, v13;
	v13 =	vld [tilespmem:$0x1F610]  }
0x58c: {  	v6 =	vmul.f32 v6, v0;
	[tilespmem:v7+s16+$0x0] =	vst.idx.msk $0xffff, v43;
	v7 =	vld [tilespmem:$0x1F620];
	_ =	sdelay $0x1  }
0x58d: {  	v2 =	vsel vm13, v2, v3;
	v3 =	vadd.f32 $-1.666665520e-01, v6;
	v4 =	vmul.f32 v0, v10  }
0x58e: {  	v1 =	vadd.f32 $-5.000000000e-01, v1  }
0x58f: {  	v3 =	vmul.f32 v3, v4;
	[tilespmem:v8+s16+$0x0] =	vst.idx.msk $0xffff, v9;
	v4 =	vsub.f32 v43, v13  }
0x590: {  	v0 =	vmul.f32 v1, v0;
	[tilespmem:v20+s16+$0x0] =	vst.idx.msk $0xffff, v5;
	v1 =	vsub.f32 v9, v7  }
0x591: {  	v13 =	vld [tilespmem:$0x1F630];
	[tilespmem:v21+s16+$0x0] =	vst.idx.msk $0xffff, v4  }
0x592: {  	[tilespmem:v38+s16+$0x0] =	vst.idx.msk $0xffff, v1;
	v38 =	vld [tilespmem:$0x1F640]  }
0x593: {  	v21 =	vadd.f32 v3, v10;
	v10 =	vld [tilespmem:$0x1F650];
	_ =	sdelay $0x2  }
0x594: {  	v4 =	vsub.f32 v14, v13  }
0x595: {  	v6 =	vtrunc.f32 v63;
	v3 =	vsub.f32 v43, v38  }
0x596: {  	v6 =	vcvt.f32.s32 v6;
	[tilespmem:v45+s16+$0x0] =	vst.idx.msk $0xffff, v4;
	v5 =	vsub.f32 v9, v10  }
0x597: {  	[tilespmem:v48+s16+$0x0] =	vst.idx.msk $0xffff, v3  }
0x598: {  	v20 =	vand.u32 $0x1, v6;
	v0 =	vadd.f32 $1.000000000e+00, v0;
	[tilespmem:v52+s16+$0x0] =	vst.idx.msk $0xffff, v5;
	v52 =	vld [tilespmem:$0x1F680]  }
0x599: {  	vm9 =	veq.s32 v20, $0x0;
	v38 =	vld [tilespmem:$0x1F660]  }
0x59a: {  	v13 =	vsel vm9, v21, v0  }
0x59b: {  	v20 =	vand.u32 $0x2, v6;
	v0 =	vsel vm9, v0, v21;
	v21 =	vsub.f32 $0.0e+00, v13  }
0x59c: {  	vm10 =	veq.s32 v20, $0x0  }
0x59d: {  	v5 =	vsel vm10, v13, v21;
	v21 =	vld [tilespmem:$0x1F6A0]  }
0x59e: {  	v48 =	vld [tilespmem:$0x1F670];
	v1 =	vsub.f32 v14, v38;
	_ =	sdelay $0x1  }
0x59f: {  	v63 =	vimm.s32 $0x3;
	v8 =	vsel vm15, $0x1, v22;
	[tilespmem:v52+s16+$0x0] =	vst.idx.msk $0xffff, v1;
	v52 =	vld [tilespmem:$0x1F6B0]  }
0x5a0: {  	v7 =	vadd.s32 v8, v61;
	v8 =	vsel vm4, $0x1, v22;
	v45 =	vsel vm3, $0x4, v63;
	v13 =	vld [tilespmem:$0x1F690]  }
0x5a1: {  	v4 =	vadd.s32 v8, v45;
	v45 =	vsel vm6, $0x1, v22  }
0x5a2: {  	v20 =	vsel vm5, $0xFFFFFFFF, v22;
	v8 =	vld [tilespmem:$0x1F6C0];
	v4 =	vadd.s32 v45, v4;
	v3 =	vsub.f32 v43, v48  }
0x5a3: {  	v10 =	vsel vm7, $0xFFFFFFFF, v22;
	v38 =	vadd.s32 v20, v4  }
0x5a4: {  	[tilespmem:v21+s16+$0x0] =	vst.idx.msk $0xffff, v3;
	v3 =	vadd.s32 v10, v38;
	v38 =	vld [tilespmem:$0x1F6F0]  }
0x5a5: {  	v1 =	vsub.f32 v9, v13;
	v13 =	vld [tilespmem:$0x1F6D0]  }
0x5a6: {  	v6 =	vadd.s32 $0x1, v6  }
0x5a7: {  	v45 =	vand.u32 $0x2, v6;
	[tilespmem:v52+s16+$0x0] =	vst.idx.msk $0xffff, v1;
	v1 =	vsub.f32 v14, v8  }
0x5a8: {  	vm11 =	veq.s32 v45, $0x0;
	v45 =	vld [tilespmem:$0x1F700];
	v21 =	vadd.s32 $0x1, v12  }
0x5a9: {  	v20 =	vld [tilespmem:$0x1F6E0];
	v6 =	vand.u32 $0x2, v21;
	[tilespmem:v51+s16+$0x0] =	vst.idx.msk $0xffff, v1;
	v51 =	vsub.f32 $0.0e+00, v2  }
0x5aa: {  	v21 =	vld [tilespmem:$0x1F710];
	vm12 =	veq.s32 v6, $0x0;
	v4 =	vsub.f32 v43, v13  }
0x5ab: {  	v2 =	vsel vm12, v2, v51;
	v51 =	vld [tilespmem:$0x1F730]  }
0x5ac: {  	v48 =	vsub.f32 $0.0e+00, v0;
	[tilespmem:v38+s16+$0x0] =	vst.idx.msk $0xffff, v4;
	v38 =	vld [tilespmem:$0x1F720];
	_ =	sdelay $0x1  }
0x5ad: {  	v0 =	vsel vm11, v0, v48;
	v8 =	vmul.f32 v5, v49;
	v1 =	vsub.f32 v9, v20  }
0x5ae: {  	v52 =	vmul.f32 v0, v40;
	v20 =	vmul.f32 v0, v49;
	v4 =	vsub.f32 v14, v45  }
0x5af: {  	[tilespmem:v53+s16+$0x0] =	vst.idx.msk $0xffff, v1;
	v53 =	vmul.f32 v8, v11;
	v1 =	vsub.f32 v43, v21  }
0x5b0: {  	v8 =	vmul.f32 v8, v40;
	v6 =	vsub.f32 v9, v38;
	v38 =	vsub.f32 $0.0e+00, v2  }
0x5b1: {  	[tilespmem:v58+s16+$0x0] =	vst.idx.msk $0xffff, v4;
	v4 =	vmul.f32 v20, v40;
	v45 =	vadd.f32 v53, v52  }
0x5b2: {  	v53 =	vmul.f32 v5, v40;
	[tilespmem:v51+s16+$0x0] =	vst.idx.msk $0xffff, v1;
	v51 =	vmul.f32 v38, v40;
	v40 =	vld [tilespmem:$0x1F750];
	_ =	sdelay $0x2  }
0x5b3: {  	v21 =	vmul.f32 v5, v11;
	v58 =	vld [tilespmem:$0x1F740]  }
0x5b4: {  	vm13 =	vle.f32 v15, v46;
	v13 =	vld [tilespmem:$0x1F790];
	v10 =	vmul.f32 v20, v11  }
0x5b5: {  	v52 =	vsel vm13, $0x1, v22;
	v1 =	vadd.f32 v4, v21;
	v4 =	vsub.f32 v14, v40;
	v40 =	vld [tilespmem:$0x1F7C0]  }
0x5b6: {  	v20 =	vadd.s32 v52, v19;
	v52 =	vsub.f32 v53, v10;
	v53 =	vld [tilespmem:$0x1F760];
	_ =	sdelay $0x4  }
0x5b7: {  	[tilespmem:v58+s16+$0x0] =	vst.idx.msk $0xffff, v6;
	v6 =	vsub.f32 v43, v53  }
0x5b8: {  	v21 =	vld [tilespmem:$0x1F7A0];
	[tilespmem:v13+s16+$0x0] =	vst.idx.msk $0xffff, v4  }
0x5b9: {  	[tilespmem:v40+s16+$0x0] =	vst.idx.msk $0xffff, v6;
	v40 =	vld [tilespmem:$0x1F7D0]  }
0x5ba: {  	v48 =	vsel vm15, $0xFFFFFFFF, v22;
	v58 =	vld [tilespmem:$0x1F770]  }
0x5bb: {  	v3 =	vadd.s32 v48, v3;
	v48 =	vmul.f32 v0, v11;
	_ =	sdelay $0x1  }
0x5bc: {  	v48 =	vsub.f32 v48, v8;
	v53 =	vmul.f32 v2, v11  }
0x5bd: {  	v12 =	vld [tilespmem:$0x1F780];
	v11 =	vsub.f32 v43, v21;
	v4 =	vsub.f32 $0.0e+00, v5  }
0x5be: {  	v21 =	vmul.f32 v45, v42;
	v8 =	vsub.f32 v9, v58;
	v58 =	vmul.f32 v53, v41  }
0x5bf: {  	v5 =	vmul.f32 v51, v41;
	v4 =	vmul.f32 v4, v2  }
0x5c0: {  	[tilespmem:v40+s16+$0x0] =	vst.idx.msk $0xffff, v8;
	v8 =	vadd.f32 v21, v58;
	v58 =	vmul.f32 v48, v42  }
0x5c1: {  	v19 =	vmul.f32 v4, v42;
	v42 =	vld [tilespmem:$0x1F7F0]  }
0x5c2: {  	v10 =	vsub.f32 v14, v12;
	v12 =	vadd.f32 v58, v5;
	v58 =	vld [tilespmem:$0x1F800];
	_ =	sdelay $0x3  }
0x5c3: {  	vm14 =	vle.f32 v15, v56;
	v15 =	vmul.f32 v49, v41  }
0x5c4: {  	v38 =	vld [tilespmem:$0x1F7B0]  }
0x5c5: {  	v15 =	vadd.f32 v19, v15;
	v19 =	vld [tilespmem:$0x1F810]  }
0x5c6: {  	v2 =	vmul.f32 v0, v2;
	v0 =	vadd.s32 $0x2, v18;
	v40 =	vld [tilespmem:$0x1F7E0];
	[tilespmem:v42+s16+$0x0] =	vst.idx.msk $0xffff, v10  }
0x5c7: {  	[tilespmem:v58+s16+$0x0] =	vst.idx.msk $0xffff, v11;
	v58 =	vld [tilespmem:$0x1F820]  }
0x5c8: {  	v6 =	vadd.s32 $0x1, v18;
	_ =	sdelay $0x1  }
0x5c9: {  	v38 =	vmul.u32 $0x1B, v38  }
0x5ca: {  	v41 =	vld.idx.msk [tilespmem:v0+s12+$0x0], $0xffff;
	v13 =	vsub.f32 v9, v40;
	v40 =	vmul.f32 v52, v39  }
0x5cb: {  	v0 =	vadd.s32 $0x3, v38;
	v19 =	vmul.u32 $0x3, v19;
	v5 =	vld.idx.msk [tilespmem:v18+s12+$0x0], $0xffff  }
0x5cc: {  	v6 =	vld.idx.msk [tilespmem:v6+s12+$0x0], $0xffff;
	v21 =	vadd.s32 $0x1, v38;
	v8 =	vadd.f32 v8, v40;
	v10 =	vsel vm14, $0x1, v22  }
0x5cd: {  	v42 =	vmul.f32 v1, v39;
	v7 =	vadd.s32 v10, v7;
	v11 =	vadd.s32 $0x2, v38  }
0x5ce: {  	[tilespmem:v58+s16+$0x0] =	vst.idx.msk $0xffff, v13;
	v13 =	vmul.f32 v2, v39;
	v58 =	vadd.s32 v19, v0;
	v39 =	vadd.s32 $0x4, v38  }
0x5cf: {  	v12 =	vadd.f32 v12, v42;
	v42 =	vadd.s32 $0x5, v38;
	v10 =	vadd.s32 v19, v39  }
0x5d0: {  	[tilespmem:v38+s16+$0x0] =	vst.idx.msk $0xffff, v5;
	v19 =	vadd.s32 v19, v42  }
0x5d1: {  	[tilespmem:v21+s16+$0x0] =	vst.idx.msk $0xffff, v6;
	v8 =	vsub.f32 v5, v8;
	v13 =	vadd.f32 v15, v13  }
0x5d2: {  	v12 =	vsub.f32 v6, v12;
	[tilespmem:v11+s16+$0x0] =	vst.idx.msk $0xffff, v41  }
0x5d3: {  	v13 =	vsub.f32 v41, v13;
	[tilespmem:v58+s16+$0x0] =	vst.idx.msk $0xffff, v8  }
0x5d4: {  	[tilespmem:v10+s16+$0x0] =	vst.idx.msk $0xffff, v12  }
0x5d5: {  	v61 =	vimm.s32 $0x2;
	[tilespmem:v19+s16+$0x0] =	vst.idx.msk $0xffff, v13;
	v13 =	vld [tilespmem:$0x1F830]  }
0x5d6: {  	v11 =	vsel vm1, $0x1, v22;
	v15 =	vsel vm0, $0x3, v61  }
0x5d7: {  	v40 =	vsel vm2, $0x1, v22;
	v11 =	vadd.s32 v11, v15  }
0x5d8: {  	v21 =	vmul.f32 v51, v35;
	v11 =	vadd.s32 v40, v11;
	v58 =	vmul.f32 v48, v37  }
0x5d9: {  	v8 =	vsel vm5, $0x1, v22;
	v10 =	vmul.f32 v53, v35;
	v12 =	vmul.f32 v45, v37  }
0x5da: {  	v8 =	vadd.s32 v8, v11;
	v58 =	vadd.f32 v58, v21;
	v11 =	vmul.u32 $0x3, v13  }
0x5db: {  	v19 =	vmul.f32 v1, v36;
	v10 =	vadd.f32 v12, v10;
	v12 =	vmul.f32 v52, v36  }
0x5dc: {  	v40 =	vmul.f32 v4, v37;
	v37 =	vadd.s32 v11, v0  }
0x5dd: {  	v58 =	vadd.f32 v58, v19;
	v10 =	vadd.f32 v10, v12;
	v19 =	vadd.s32 v11, v39  }
0x5de: {  	vm15 =	vle.f32 v46, v56;
	v56 =	vmul.f32 v48, v34  }
0x5df: {  	v15 =	vsel vm13, $0xFFFFFFFF, v22;
	v21 =	vmul.f32 v49, v35;
	v10 =	vsub.f32 v5, v10  }
0x5e0: {  	v46 =	vmul.f32 v51, v32;
	v8 =	vadd.s32 v15, v8;
	v12 =	vsub.f32 v6, v58  }
0x5e1: {  	v15 =	vmul.f32 v2, v36;
	v35 =	vadd.f32 v40, v21;
	[tilespmem:v37+s16+$0x0] =	vst.idx.msk $0xffff, v10  }
0x5e2: {  	v36 =	vimm.s32 $0x0;
	v40 =	vmul.f32 v45, v34;
	v58 =	vmul.f32 v52, v33;
	[tilespmem:v19+s16+$0x0] =	vst.idx.msk $0xffff, v12;
	v19 =	vld [tilespmem:$0x1F840]  }
0x5e3: {  	v13 =	vadd.f32 v35, v15;
	v15 =	vmul.f32 v53, v32;
	v35 =	vsel vm14, $0xFFFFFFFF, v22  }
0x5e4: {  	v22 =	vmul.f32 v2, v33;
	v8 =	vadd.s32 v35, v8;
	v35 =	vmul.f32 v52, v28  }
0x5e5: {  	v11 =	vadd.s32 v11, v42;
	v15 =	vadd.f32 v40, v15;
	v40 =	vmul.f32 v1, v33  }
0x5e6: {  	v10 =	vadd.f32 v56, v46;
	v46 =	vmul.f32 v49, v32;
	v56 =	vmul.f32 v4, v34  }
0x5e7: {  	v13 =	vsub.f32 v41, v13;
	v15 =	vadd.f32 v15, v58;
	v19 =	vmul.u32 $0x3, v19  }
0x5e8: {  	v37 =	vsel vm15, $0x1, v36;
	v10 =	vadd.f32 v10, v40;
	v21 =	vadd.f32 v56, v46  }
0x5e9: {  	v40 =	vsub.f32 v5, v15;
	v56 =	vmul.f32 v45, v31;
	v58 =	vadd.s32 v19, v0  }
0x5ea: {  	v33 =	vadd.s32 v19, v39;
	v15 =	vadd.s32 v19, v42;
	v19 =	vmul.f32 v53, v30  }
0x5eb: {  	v32 =	vmul.f32 v48, v31;
	v7 =	vadd.s32 v37, v7;
	v46 =	vadd.f32 v21, v22  }
0x5ec: {  	v37 =	vmul.f32 v1, v28;
	[tilespmem:v11+s16+$0x0] =	vst.idx.msk $0xffff, v13;
	v19 =	vadd.f32 v56, v19  }
0x5ed: {  	v10 =	vsub.f32 v6, v10;
	v11 =	vsub.f32 v41, v46;
	v46 =	vmul.f32 v4, v31  }
0x5ee: {  	v31 =	vmul.f32 v53, v23;
	v56 =	vadd.f32 v19, v35;
	v19 =	vmul.f32 v45, v29  }
0x5ef: {  	v3 =	vmul.u32 $0x3, v3;
	v35 =	vmul.f32 v52, v25;
	[tilespmem:v58+s16+$0x0] =	vst.idx.msk $0xffff, v40;
	v58 =	vmul.f32 v51, v30  }
0x5f0: {  	v34 =	vsel vm15, $0xFFFFFFFF, v36;
	v40 =	vmul.f32 v49, v30;
	v30 =	vmul.f32 v2, v25;
	[tilespmem:v33+s16+$0x0] =	vst.idx.msk $0xffff, v10  }
0x5f1: {  	v10 =	vadd.s32 v34, v20;
	v33 =	vmul.f32 v2, v28;
	v34 =	vadd.s32 v3, v0  }
0x5f2: {  	v8 =	vmul.u32 $0x3, v8;
	v12 =	vadd.f32 v32, v58;
	[tilespmem:v15+s16+$0x0] =	vst.idx.msk $0xffff, v11;
	v15 =	vmul.f32 v53, v27  }
0x5f3: {  	v58 =	vadd.f32 v46, v40;
	v40 =	vmul.f32 v49, v27;
	v46 =	vmul.f32 v4, v29  }
0x5f4: {  	v11 =	vsub.f32 v5, v56;
	v56 =	vadd.s32 v3, v39;
	v3 =	vadd.s32 v3, v42  }
0x5f5: {  	v32 =	vmul.f32 v45, v24;
	v12 =	vadd.f32 v12, v37;
	v15 =	vadd.f32 v19, v15  }
0x5f6: {  	v19 =	vmul.f32 v51, v27;
	v37 =	vmul.f32 v48, v29;
	v13 =	vadd.f32 v58, v33  }
0x5f7: {  	v20 =	vadd.f32 v46, v40;
	v58 =	vmul.f32 v1, v25;
	v33 =	vmul.f32 v51, v23  }
0x5f8: {  	v21 =	vadd.f32 v32, v31;
	v23 =	vmul.f32 v49, v23;
	v40 =	vadd.s32 v8, v0  }
0x5f9: {  	v46 =	vadd.s32 v8, v39;
	v8 =	vadd.s32 v8, v42;
	v15 =	vadd.f32 v15, v35  }
0x5fa: {  	v7 =	vmul.u32 $0x3, v7;
	v22 =	vld [tilespmem:$0x1F850];
	v19 =	vadd.f32 v37, v19;
	[tilespmem:v34+s16+$0x0] =	vst.idx.msk $0xffff, v11;
	v12 =	vsub.f32 v6, v12  }
0x5fb: {  	v13 =	vsub.f32 v41, v13;
	v34 =	vmul.f32 v48, v24;
	v24 =	vmul.f32 v4, v24  }
0x5fc: {  	v20 =	vadd.f32 v20, v30;
	v35 =	vmul.f32 v52, v26;
	v37 =	vmul.f32 v1, v26  }
0x5fd: {  	v10 =	vmul.u32 $0x3, v10;
	v19 =	vadd.f32 v19, v58;
	[tilespmem:v56+s16+$0x0] =	vst.idx.msk $0xffff, v12;
	v12 =	vadd.f32 v34, v33  }
0x5fe: {  	v26 =	vmul.f32 v2, v26;
	v23 =	vadd.f32 v24, v23;
	v21 =	vadd.f32 v21, v35  }
0x5ff: {  	v56 =	vmul.f32 v53, v22;
	v58 =	vld [tilespmem:$0x1F860];
	v32 =	vsub.f32 v5, v15;
	v35 =	vmul.f32 v51, v22  }
0x600: {  	v11 =	vadd.s32 $0x3E, v55;
	v33 =	vld [tilespmem:$0x1F870];
	v20 =	vsub.f32 v41, v20;
	[tilespmem:v3+s16+$0x0] =	vst.idx.msk $0xffff, v13;
	v12 =	vadd.f32 v12, v37  }
0x601: {  	v3 =	vadd.s32 $0x3F, v55;
	v23 =	vadd.f32 v23, v26;
	v15 =	vsub.f32 v6, v19;
	[tilespmem:v40+s16+$0x0] =	vst.idx.msk $0xffff, v32  }
0x602: {  	v40 =	vadd.s32 v10, v0;
	v21 =	vsub.f32 v5, v21;
	v0 =	vadd.s32 v7, v0  }
0x603: {  	[tilespmem:v46+s16+$0x0] =	vst.idx.msk $0xffff, v15;
	v15 =	vadd.s32 $0x40, v55;
	v46 =	vadd.s32 v10, v39;
	v55 =	vmul.f32 v49, v22  }
0x604: {  	v12 =	vsub.f32 v6, v12;
	v10 =	vadd.s32 v10, v42;
	v31 =	vmul.f32 v45, v58  }
0x605: {  	v23 =	vsub.f32 v41, v23;
	v34 =	vmul.f32 v52, v33;
	v37 =	vmul.f32 v48, v58  }
0x606: {  	[tilespmem:v8+s16+$0x0] =	vst.idx.msk $0xffff, v20;
	v19 =	vadd.f32 v31, v56;
	v56 =	vmul.f32 v4, v58  }
0x607: {  	v30 =	vmul.f32 v2, v33;
	v13 =	vadd.f32 v37, v35;
	v58 =	vmul.f32 v1, v33  }
0x608: {  	v31 =	vadd.s32 v7, v39;
	v19 =	vadd.f32 v19, v34;
	v8 =	vadd.f32 v56, v55  }
0x609: {  	v11 =	vld.idx.msk [tilespmem:v11+s12+$0x0], $0xffff;
	[tilespmem:v40+s16+$0x0] =	vst.idx.msk $0xffff, v21;
	v7 =	vadd.s32 v7, v42;
	v13 =	vadd.f32 v13, v58  }
0x60a: {  	[tilespmem:v46+s16+$0x0] =	vst.idx.msk $0xffff, v12;
	v32 =	vsub.f32 v5, v19;
	v8 =	vadd.f32 v8, v30;
	v19 =	vadd.s32 $0x3E, v18  }
0x60b: {  	v3 =	vld.idx.msk [tilespmem:v3+s12+$0x0], $0xffff;
	v34 =	vadd.s32 $0x3F, v18;
	[tilespmem:v10+s16+$0x0] =	vst.idx.msk $0xffff, v23;
	v33 =	vsub.f32 v6, v13  }
0x60c: {  	v35 =	vadd.s32 $0x40, v18;
	v8 =	vsub.f32 v41, v8;
	[tilespmem:v0+s16+$0x0] =	vst.idx.msk $0xffff, v32  }
0x60d: {  	[tilespmem:v31+s16+$0x0] =	vst.idx.msk $0xffff, v33  }
0x60e: {  	v15 =	vld.idx.msk [tilespmem:v15+s12+$0x0], $0xffff;
	[tilespmem:v7+s16+$0x0] =	vst.idx.msk $0xffff, v8  }
0x60f: {  	v37 =	vmul.f32 v11, v59;
	v40 =	vmul.f32 v11, v62;
	v10 =	vld.idx.msk [tilespmem:v19+s12+$0x0], $0xffff  }
0x610: {  	v11 =	vmul.f32 v11, v44;
	v59 =	vadd.s32 $0x18, v38;
	v18 =	vmul.f32 v3, v60;
	v13 =	vld.idx.msk [tilespmem:v34+s12+$0x0], $0xffff  }
0x611: {  	v39 =	vmul.f32 v3, v54;
	v3 =	vmul.f32 v3, v16;
	v54 =	vadd.s32 $0x18, v57;
	v0 =	vld.idx.msk [tilespmem:v35+s12+$0x0], $0xffff  }
0x612: {  	v16 =	vadd.s32 $0x1A, v57;
	v60 =	vadd.s32 $0x19, v38;
	v12 =	vadd.f32 v18, v40  }
0x613: {  	v3 =	vadd.f32 v3, v11;
	v17 =	vmul.f32 v15, v17;
	v47 =	vmul.f32 v15, v47  }
0x614: {  	v42 =	vmul.f32 v15, v50;
	v15 =	vadd.s32 $0x19, v57;
	v7 =	vadd.f32 v39, v37  }
0x615: {  	v46 =	vadd.f32 v17, v12;
	v3 =	vadd.f32 v47, v3;
	v50 =	vmul.f32 v10, v53  }
0x616: {  	v7 =	vadd.f32 v42, v7;
	v53 =	vmul.f32 v13, v45;
	v55 =	vmul.f32 v0, v52  }
0x617: {  	v8 =	vsub.f32 v43, v46;
	v17 =	vmul.f32 v10, v51;
	v18 =	vmul.f32 v13, v48  }
0x618: {  	v10 =	vmul.f32 v10, v49;
	v4 =	vmul.f32 v13, v4;
	v12 =	vadd.f32 v53, v50  }
0x619: {  	v7 =	vsub.f32 v14, v7;
	v1 =	vmul.f32 v0, v1;
	v58 =	vadd.f32 v18, v17  }
0x61a: {  	s20 =	sadd.s32 $0x2, s20;
	v0 =	vmul.f32 v0, v2;
	v4 =	vadd.f32 v4, v10;
	v12 =	vadd.f32 v55, v12  }
0x61b: {  	p0 =	slt.u32 s20, $0x6;
	v62 =	vadd.s32 $0x1A, v38;
	v3 =	vsub.f32 v9, v3;
	[tilespmem:v54+s16+$0x0] =	vst.idx.msk $0xffff, v7;
	v1 =	vadd.f32 v1, v58  }
.Ltmp3:
0x61c: {  	[tilespmem:v15+s16+$0x0] =	vst.idx.msk $0xffff, v8;
	v0 =	vadd.f32 v0, v4;
	v5 =	vsub.f32 v5, v12;
	(pc) =	sbr.rel @p0 .LBB2_8-.Ltmp3, $4  }
0x61d: {  	[tilespmem:v16+s16+$0x0] =	vst.idx.msk $0xffff, v3;
	v1 =	vsub.f32 v6, v1  }
0x61e: {  	v0 =	vsub.f32 v41, v0;
	[tilespmem:v59+s16+$0x0] =	vst.idx.msk $0xffff, v5  }
0x61f: {  	v57 =	vimm.s32 $0x6;
	[tilespmem:v60+s16+$0x0] =	vst.idx.msk $0xffff, v1  }
0x620: {  	s21 =	sadd.s32 $0x20, s21;
	v51 =	vlaneseq.u32;
	v17 =	vimm.s32 $0x5;
	v16 =	vimm.s32 $0x4;
	[tilespmem:v62+s16+$0x0] =	vst.idx.msk $0xffff, v0  }
0x621: {  	[hbm4b:s10+s2] =	stream.linear.scatter [tilespmem:s16], [sflag:$0x4], $0xD80, $0x38;
	[tilespmem:$0x6000] =	vst v63  }
0x622: {  	s19 =	sadd.s32 $0x1, s19  }
0x623: {  	_ =	swait.ge [sflag:s17], $0xD80;
	p0 =	sne.s32 s19, s11  }
.Ltmp4:
0x624: {  	[sflag:s17] =	ssyncset.done $0x0;
	(pc) =	sbr.rel @p0 .LBB2_1-.Ltmp4, $4  }
0x625: {  	[sflag:s17] =	ssyncadd.s32 $0xFFFFF280  }
0x626: {  	_ =	swait.ge [sflag:s18], $0xD80  }
0x627: {  	[sflag:s18] =	ssyncset.done $0x0  }
0x628: {  	v50 =	vimm.s32 $0x5;
	[sflag:s18] =	ssyncadd.s32 $0xFFFFF280  }
0x629: {  	_ =	sfence.sel $0x180000  }
0x62a: {  	[bflag:$0x0] =	sbarrier.arrive $0xFFFF  }
0x62b: {  	p0 =	sne.s32 s0, $0x0;
	_ =	strace $0x90000047  }
0x62c: {  	s0 =	sadd.s32 @!p0 $0x100000, s1;
	[bflag:$0x2] =	sbarrier.arrive $0xFFFF  }
0x62d: {  	[sflag:s0] =	ssyncadd.tile.s32 @!p0 $0x1;
	_ =	shalt  }
.Lfunc_end2:
_tile_overlayer_lowered:
.L_overlay_start_2:
0x62e: {  	(tag) =	ssettag $0x2  }
0x62f: {  	s0 =	rddreg [dreg:$0x0];
	s2 =	stileid.u32  }
0x630: {  	s1 =	rddreg [dreg:$0x1];
	p0 =	sne.s32 s2, $0x0  }
0x631: {  	s3 =	rddreg [dreg:$0x2];
	[bflag:$0x3] =	sbarrier.arrive $0xFFFF;
	s2 =	simm.s32 @!p0 $0x1C05  }
0x632: {  	[timem:s3], [sflag:s2] =	dma.local @!p0 [hbm:s0], s1  }
0x633: {  	s0 =	simm.s32 @!p0 $0x5  }
0x634: {  	_ =	swait.ge @!p0 [sflag:s0], s1  }
0x635: {  	s1 =	ssub.s32 @!p0 $0x0, s1;
	[sflag:s0] =	ssyncset.done @!p0 $0x0  }
0x636: {  	[sflag:s0] =	ssyncadd.s32 @!p0 s1  }
0x637: {  	[bflag:$0x3] =	sbarrier.arrive $0xFFFF  }
0x638: {  	_ =	shalt  }

</sc_bundles>
